<compile_context>
chip_gen: v7x
topology: tpu7x:2x2x1
jax: 0.10.2.dev20260603
libtpu: 0.0.44.dev20260713+nightly
codegen_flags: <defaults>
</compile_context>

<pallas_src>
import jax
import jax.numpy as jnp
from jax import lax
from jax.experimental import pallas as pl
from jax.experimental.pallas import tpu as pltpu
from jax.experimental.pallas import tpu_sc as plsc

N = 10000
IN_DIM = 128
H_DIM = 128
Z_DIM = 64
NP = 10016
E = 320000
EA = E + N
CH = 128
NWORK = 32
CPT = 81
EP = NWORK * CPT * CH
RPT = NP // 16
NPH = 1264
RPTH = NPH // 16
NHP = 10016
RHPT = NHP // 16

_BLK = 1024


def _gelu(x):
    return 0.5 * x * (1.0 + jax.lax.erf(x * 0.7071067811865476))


def _tc1_body(x_ref, w1_ref, b1_ref, w2_ref, b2_ref, gw_ref, as_ref, ad_ref,
              h_ref, s_ref, d_ref):
    z = _gelu(jnp.dot(x_ref[...], w1_ref[...],
                      preferred_element_type=jnp.float32) + b1_ref[...])
    z = _gelu(jnp.dot(z, w2_ref[...],
                      preferred_element_type=jnp.float32) + b2_ref[...])
    h = jnp.dot(z, gw_ref[...], preferred_element_type=jnp.float32)
    h_ref[...] = h
    s_ref[...] = jnp.sum(h * as_ref[...], axis=1)
    d_ref[...] = jnp.sum(h * ad_ref[...], axis=1)


def _tc1(X, W1, b1, W2, b2, gW, a_s, a_d):
    grid = ((N + _BLK - 1) // _BLK,)
    return pl.pallas_call(
        _tc1_body,
        grid=grid,
        in_specs=[
            pl.BlockSpec((_BLK, IN_DIM), lambda i: (i, 0)),
            pl.BlockSpec((IN_DIM, H_DIM), lambda i: (0, 0)),
            pl.BlockSpec((H_DIM,), lambda i: (0,)),
            pl.BlockSpec((H_DIM, H_DIM), lambda i: (0, 0)),
            pl.BlockSpec((H_DIM,), lambda i: (0,)),
            pl.BlockSpec((H_DIM, Z_DIM), lambda i: (0, 0)),
            pl.BlockSpec((1, Z_DIM), lambda i: (0, 0)),
            pl.BlockSpec((1, Z_DIM), lambda i: (0, 0)),
        ],
        out_specs=[
            pl.BlockSpec((_BLK, Z_DIM), lambda i: (i, 0)),
            pl.BlockSpec((_BLK,), lambda i: (i,)),
            pl.BlockSpec((_BLK,), lambda i: (i,)),
        ],
        out_shape=[
            jax.ShapeDtypeStruct((NHP, Z_DIM), jnp.float32),
            jax.ShapeDtypeStruct((N,), jnp.float32),
            jax.ShapeDtypeStruct((N,), jnp.float32),
        ],
    )(X, W1, b1, W2, b2, gW, a_s.reshape(1, Z_DIM), a_d.reshape(1, Z_DIM))


def _sc_gat_body(pk_h, asrc_h, adst_h, hp_h,
                 out_h, den_h,
                 pk_v, srcr, dstr, dst2r, asrc_v, adst_v,
                 hbrows, frows, erows,
                 out_sp, den_sp, hp_sp, g_sem, s_sem):
    cid = lax.axis_index("c")
    sid = lax.axis_index("s")
    rowbase = sid * RPT

    pltpu.sync_copy(asrc_h, asrc_v)
    pltpu.sync_copy(adst_h, adst_v)
    pltpu.sync_copy(pk_h.at[cid * 16 + sid], pk_v)
    maxas = plsc.load_gather(asrc_v, [jnp.full((16,), NP - 1, jnp.int32)])
    pltpu.sync_copy(hp_h.at[pl.ds(sid * RHPT, RHPT)],
                    hp_sp.at[pl.ds(sid * RHPT, RHPT)])

    def zrow(r, carry):
        for b in range(2):
            for g in range(Z_DIM // 16):
                frows[b, r, pl.ds(g * 16, 16)] = jnp.zeros((16,), jnp.float32)
            erows[b, r, :] = jnp.zeros((16,), jnp.float32)
        return carry
    lax.fori_loop(0, CH, zrow, 0)

    def zcopy(k, carry):
        pltpu.sync_copy(frows.at[0].at[pl.ds(0, 128)],
                        out_sp.at[pl.ds(rowbase + k * 128, 128)])
        return carry
    lax.fori_loop(0, 4, zcopy, 0)
    pltpu.sync_copy(frows.at[0].at[pl.ds(0, 114)],
                    out_sp.at[pl.ds(rowbase + 512, 114)])
    rowbase_h = sid * RPTH
    pltpu.sync_copy(erows.at[0].at[pl.ds(0, RPTH)],
                    den_sp.at[pl.ds(rowbase_h, RPTH)])

    plsc.subcore_barrier()

    zero16 = jnp.zeros((16,), jnp.int32)
    lane = lax.iota(jnp.int32, 16)

    def decode(ck, b):
        def d_body(j, c2):
            sl = pl.ds(j * 16, 16)
            p = pk_v[ck, sl]
            d16 = lax.shift_right_logical(p, 14)
            srcr[b, sl] = p & 16383
            dstr[b, sl] = d16
            dst2r[b, sl] = lax.shift_right_logical(d16, 3)
            return c2
        lax.fori_loop(0, CH // 16, d_body, 0)

    def e_compute(b, er_ref):
        def e_body(i, c2):
            for k in range(2):
                j = 2 * i + k
                s16 = srcr[b, pl.ds(j * 16, 16)]
                d16 = dstr[b, pl.ds(j * 16, 16)]
                dg = plsc.load_gather(adst_v, [d16])
                a = plsc.load_gather(asrc_v, [s16]) + dg
                a = jnp.maximum(a, 0.2 * a)
                t = maxas + dg
                e16 = jnp.exp(a - jnp.maximum(t, 0.2 * t))
                p2 = (d16 & 7) * 2
                zf = jnp.zeros((16,), jnp.float32)
                row = j * 16 + lane
                for q in range(2, 16, 2):
                    plsc.store_scatter(er_ref, [row, (p2 + q) & 14], zf)
                plsc.store_scatter(er_ref, [row, p2], e16)
            return c2
        lax.fori_loop(0, CH // 32, e_body, 0)

    ceven = lax.iota(jnp.int32, 16) * 2
    codd = ceven + 1

    def f16_to_f32(v):
        em = v & 0x7FFF
        f = lax.shift_left(em, 13) + 0x38000000
        f = f | lax.shift_left(v & 0x8000, 16)
        return plsc.bitcast(f, jnp.float32)

    def mult(b, er_ref):
        def m_body(i, c2):
            ers = []
            unpacked = []
            for k in range(4):
                r = 4 * i + k
                ers.append(plsc.load_gather(
                    er_ref, [jnp.full((16,), r, jnp.int32), zero16]))
                for g in range(2):
                    unpacked.append(plsc.unpack(
                        hbrows[b, r, pl.ds(g * 32, 32)],
                        format=plsc.PackFormat.INTERLEAVED))
            for k in range(4):
                r = 4 * i + k
                fr_row = frows.at[b].at[r]
                for g in range(2):
                    ea, eb = unpacked[2 * k + g]
                    plsc.store_scatter(fr_row, [g * 32 + ceven],
                                       f16_to_f32(ea) * ers[k])
                    plsc.store_scatter(fr_row, [g * 32 + codd],
                                       f16_to_f32(eb) * ers[k])
            return c2
        lax.fori_loop(0, CH // 4, m_body, 0)

    def issue_gather(b):
        pltpu.async_copy(hp_sp.at[srcr.at[b]], hbrows.at[b], g_sem)

    def wait_gather(b):
        pltpu.make_async_copy(hp_sp.at[srcr.at[b]], hbrows.at[b],
                              g_sem).wait()

    def issue_scatter(b):
        pltpu.async_copy(frows.at[b], out_sp.at[dstr.at[b]], s_sem, add=True)
        pltpu.async_copy(erows.at[b], den_sp.at[dst2r.at[b]], s_sem,
                         add=True)

    def wait_scatter(b):
        pltpu.make_async_copy(frows.at[b], out_sp.at[dstr.at[b]],
                              s_sem).wait()
        pltpu.make_async_copy(erows.at[b], den_sp.at[dst2r.at[b]],
                              s_sem).wait()

    decode(0, 0)
    issue_gather(0)

    def chunk_body(ck, carry):
        b = ck & 1

        @pl.when(ck > 0)
        def _():
            wait_scatter(1 - b)

        @pl.when(ck + 1 < CPT)
        def _():
            decode(ck + 1, 1 - b)
            issue_gather(1 - b)
        e_compute(b, erows.at[b])
        wait_gather(b)
        mult(b, erows.at[b])
        issue_scatter(b)
        return carry
    lax.fori_loop(0, CPT, chunk_body, 0)
    wait_scatter((CPT - 1) & 1)

    plsc.subcore_barrier()
    pltpu.sync_copy(out_sp.at[pl.ds(rowbase, RPT)],
                    out_h.at[cid].at[pl.ds(rowbase, RPT)])
    pltpu.sync_copy(den_sp.at[pl.ds(rowbase_h, RPTH)],
                    den_h.at[cid].at[pl.ds(rowbase_h, RPTH)])


def _sc_gat(pk3d, asrc, adst, hp2):
    f = pl.kernel(
        _sc_gat_body,
        out_type=(jax.ShapeDtypeStruct((2, NP, Z_DIM), jnp.float32),
                  jax.ShapeDtypeStruct((2, NPH, 16), jnp.float32)),
        mesh=plsc.VectorSubcoreMesh(core_axis_name="c", subcore_axis_name="s"),
        compiler_params=pltpu.CompilerParams(needs_layout_passes=False,
                                             use_tc_tiling_on_sc=False),
        scratch_types=[
            pltpu.VMEM((CPT, CH), jnp.int32),
            pltpu.VMEM((2, CH), jnp.int32),
            pltpu.VMEM((2, CH), jnp.int32),
            pltpu.VMEM((2, CH), jnp.int32),
            pltpu.VMEM((NP,), jnp.float32),
            pltpu.VMEM((NP,), jnp.float32),
            pltpu.VMEM((2, CH, Z_DIM), jnp.int16),
            pltpu.VMEM((2, CH, Z_DIM), jnp.float32),
            pltpu.VMEM((2, CH, 16), jnp.float32),
            pltpu.VMEM_SHARED((NP, Z_DIM), jnp.float32),
            pltpu.VMEM_SHARED((NPH, 16), jnp.float32),
            pltpu.VMEM_SHARED((NHP, Z_DIM), jnp.int16),
            pltpu.SemaphoreType.DMA,
            pltpu.SemaphoreType.DMA,
        ],
    )
    return f(pk3d, asrc, adst, hp2)


def _tc2_body(out_ref, den_ref, b_ref, w_ref, as_ref, ad_ref,
              h_ref, s_ref, d_ref):
    agg = out_ref[0] + out_ref[1]
    den = den_ref[...]
    x = _gelu(agg / (den + 1e-16) + b_ref[...])
    h = jnp.dot(x, w_ref[...], preferred_element_type=jnp.float32)
    h_ref[...] = h
    s_ref[...] = jnp.sum(h * as_ref[...], axis=1)
    d_ref[...] = jnp.sum(h * ad_ref[...], axis=1)


def _tc2(out1, den1, b, W, a_s, a_d):
    grid = ((N + _BLK - 1) // _BLK,)
    return pl.pallas_call(
        _tc2_body,
        grid=grid,
        in_specs=[
            pl.BlockSpec((2, _BLK, Z_DIM), lambda i: (0, i, 0)),
            pl.BlockSpec((_BLK, 1), lambda i: (i, 0)),
            pl.BlockSpec((1, Z_DIM), lambda i: (0, 0)),
            pl.BlockSpec((Z_DIM, Z_DIM), lambda i: (0, 0)),
            pl.BlockSpec((1, Z_DIM), lambda i: (0, 0)),
            pl.BlockSpec((1, Z_DIM), lambda i: (0, 0)),
        ],
        out_specs=[
            pl.BlockSpec((_BLK, Z_DIM), lambda i: (i, 0)),
            pl.BlockSpec((_BLK,), lambda i: (i,)),
            pl.BlockSpec((_BLK,), lambda i: (i,)),
        ],
        out_shape=[
            jax.ShapeDtypeStruct((NHP, Z_DIM), jnp.float32),
            jax.ShapeDtypeStruct((N,), jnp.float32),
            jax.ShapeDtypeStruct((N,), jnp.float32),
        ],
    )(out1, den1, b.reshape(1, Z_DIM), W,
      a_s.reshape(1, Z_DIM), a_d.reshape(1, Z_DIM))


def _tc3_body(out_ref, den_ref, b_ref, gcw_ref, gcb_ref, genw_ref, genb_ref,
              decw_ref, decb_ref, x_ref, acc_ref):
    i = pl.program_id(0)
    agg = out_ref[0] + out_ref[1]
    den = den_ref[...]
    z = _gelu(agg / (den + 1e-16) + b_ref[...])
    z = jnp.dot(z, gcw_ref[...], preferred_element_type=jnp.float32) + gcb_ref[...]
    z = jnp.dot(z, genw_ref[...], preferred_element_type=jnp.float32) + genb_ref[...]
    xh = jnp.dot(z, decw_ref[...], preferred_element_type=jnp.float32) + decb_ref[...]
    d = xh - x_ref[...]
    rows = i * _BLK + lax.broadcasted_iota(jnp.int32, (_BLK, IN_DIM), 0)
    d = jnp.where(rows < N, d, 0.0)
    s = jnp.sum(d * d).reshape(1, 1)

    @pl.when(i == 0)
    def _():
        acc_ref[...] = jnp.zeros((1, 1), jnp.float32)
    acc_ref[...] += s


def _tc3(out2, den2, b, gcW, gcb, genW, genb, decW, decb, X):
    grid = ((N + _BLK - 1) // _BLK,)
    return pl.pallas_call(
        _tc3_body,
        grid=grid,
        in_specs=[
            pl.BlockSpec((2, _BLK, Z_DIM), lambda i: (0, i, 0)),
            pl.BlockSpec((_BLK, 1), lambda i: (i, 0)),
            pl.BlockSpec((1, Z_DIM), lambda i: (0, 0)),
            pl.BlockSpec((Z_DIM, Z_DIM), lambda i: (0, 0)),
            pl.BlockSpec((1, Z_DIM), lambda i: (0, 0)),
            pl.BlockSpec((Z_DIM, Z_DIM), lambda i: (0, 0)),
            pl.BlockSpec((1, Z_DIM), lambda i: (0, 0)),
            pl.BlockSpec((Z_DIM, IN_DIM), lambda i: (0, 0)),
            pl.BlockSpec((1, IN_DIM), lambda i: (0, 0)),
            pl.BlockSpec((_BLK, IN_DIM), lambda i: (i, 0)),
        ],
        out_specs=pl.BlockSpec((1, 1), lambda i: (0, 0)),
        out_shape=jax.ShapeDtypeStruct((1, 1), jnp.float32),
    )(out2, den2, b.reshape(1, Z_DIM), gcW, gcb.reshape(1, Z_DIM),
      genW, genb.reshape(1, Z_DIM), decW, decb.reshape(1, IN_DIM), X)


def _f16_bits(h):
    return lax.bitcast_convert_type(h.astype(jnp.float16), jnp.int16)


def _shift_and_pad(a_s, a_d):
    pad = NP - N
    asrc = jnp.pad(a_s, (0, pad)).at[NP - 1].set(jnp.max(a_s))
    return asrc, jnp.pad(a_d, (0, pad))




def _unpack_den(den):
    return (den[0] + den[1]).reshape(NPH * 8, 2)[:, 0:1]


def kernel(X, edge_index, edge_weight, fn_W1, fn_b1, fn_W2, fn_b2,
           gat1_W, gat1_as, gat1_ad, gat1_b,
           gat2_W, gat2_as, gat2_ad, gat2_b,
           gc_W, gc_b, gen_W, gen_b, dec_W, dec_b):
    loop = jnp.arange(N, dtype=jnp.int32)
    padi = jnp.full((EP - EA,), N, jnp.int32)
    src_all = jnp.concatenate([edge_index[0], loop, padi])
    dst_all = jnp.concatenate([edge_index[1], loop, padi])
    pk3d = (src_all | (dst_all << 14)).reshape(NWORK, CPT, CH)
    pad = NP - N

    h1, as1, ad1 = _tc1(X, fn_W1, fn_b1, fn_W2, fn_b2, gat1_W, gat1_as, gat1_ad)
    asrc1, adst1 = _shift_and_pad(as1, ad1)
    out1, den1 = _sc_gat(pk3d, asrc1, adst1, _f16_bits(h1))

    h2, as2, ad2 = _tc2(out1, _unpack_den(den1), gat1_b, gat2_W, gat2_as, gat2_ad)
    asrc2, adst2 = _shift_and_pad(as2, ad2)
    out2, den2 = _sc_gat(pk3d, asrc2, adst2, _f16_bits(h2))

    acc = _tc3(out2, _unpack_den(den2), gat2_b, gc_W, gc_b, gen_W, gen_b,
               dec_W, dec_b, X)
    return acc[0, 0] / float(N * IN_DIM)

# --- scband reference (transcript-rebuilt; emitter-appended) ---
"""Pipeline reference for scband-ablation-coh-agg-17841294148319 (READ-ONLY COPY).

The authoritative reference and input builder live on the scoring server;
editing this copy changes nothing except your own understanding.
"""

import jax, jax.numpy as jnp
import numpy as np

N = 10000
E = 320000
IN_DIM = 128
H_DIM = 128
Z_DIM = 64


def glorot(key, shape):
    lim = float(np.sqrt(6.0 / (shape[0] + shape[1])))
    return jax.random.uniform(key, shape, minval=-lim, maxval=lim, dtype=jnp.float32)


def setup_inputs(seed: int = 0):
    key = jax.random.key(seed)
    ks = jax.random.split(key, 24)
    inp = {}
    inp['X'] = jax.random.normal(ks[0], (N, IN_DIM), dtype=jnp.float32)
    inp['edge_index'] = jax.random.randint(ks[1], (2, E), 0, N, dtype=jnp.int32)
    inp['edge_weight'] = jax.random.uniform(ks[2], (E,), dtype=jnp.float32)
    # Encoder.fn MLP params
    inp['fn_W1'] = glorot(ks[3], (IN_DIM, H_DIM))
    inp['fn_b1'] = jnp.zeros((H_DIM,), dtype=jnp.float32)
    inp['fn_W2'] = glorot(ks[4], (H_DIM, H_DIM))
    inp['fn_b2'] = jnp.zeros((H_DIM,), dtype=jnp.float32)
    # GATConv 1 (h_dim -> z_dim, heads=1)
    inp['gat1_W'] = glorot(ks[5], (H_DIM, Z_DIM))
    inp['gat1_as'] = glorot(ks[6], (1, Z_DIM))[0]
    inp['gat1_ad'] = glorot(ks[7], (1, Z_DIM))[0]
    inp['gat1_b'] = jnp.zeros((Z_DIM,), dtype=jnp.float32)
    # GATConv 2 (z_dim -> z_dim, heads=1)
    inp['gat2_W'] = glorot(ks[8], (Z_DIM, Z_DIM))
    inp['gat2_as'] = glorot(ks[9], (1, Z_DIM))[0]
    inp['gat2_ad'] = glorot(ks[10], (1, Z_DIM))[0]
    inp['gat2_b'] = jnp.zeros((Z_DIM,), dtype=jnp.float32)
    # final Linear inside gc Sequential
    inp['gc_W'] = glorot(ks[11], (Z_DIM, Z_DIM))
    inp['gc_b'] = jnp.zeros((Z_DIM,), dtype=jnp.float32)
    # Encoder.gen
    inp['gen_W'] = glorot(ks[12], (Z_DIM, Z_DIM))
    inp['gen_b'] = jnp.zeros((Z_DIM,), dtype=jnp.float32)
    # Decoder
    inp['dec_W'] = glorot(ks[13], (Z_DIM, IN_DIM))
    inp['dec_b'] = jnp.zeros((IN_DIM,), dtype=jnp.float32)
    return inp


def gat_conv(x, edge_index, W, att_src, att_dst, bias, num_nodes):
    # PyG GATConv, heads=1, concat=True, add_self_loops=True, edge_attr=None
    loop = jnp.arange(num_nodes, dtype=edge_index.dtype)
    src = jnp.concatenate([edge_index[0], loop])
    dst = jnp.concatenate([edge_index[1], loop])
    h = x @ W  # [N, C]
    a_src = jnp.sum(h * att_src, axis=-1)  # [N]
    a_dst = jnp.sum(h * att_dst, axis=-1)  # [N]
    alpha = a_src[src] + a_dst[dst]
    alpha = jax.nn.leaky_relu(alpha, negative_slope=0.2)
    amax = jax.ops.segment_max(alpha, dst, num_segments=num_nodes)
    alpha = jnp.exp(alpha - amax[dst])
    denom = jax.ops.segment_sum(alpha, dst, num_segments=num_nodes)
    alpha = alpha / (denom[dst] + 1e-16)
    out = jax.ops.segment_sum(h[src] * alpha[:, None], dst, num_segments=num_nodes)
    return out + bias


def reference(X, edge_index, edge_weight, fn_W1, fn_b1, fn_W2, fn_b2,
              gat1_W, gat1_as, gat1_ad, gat1_b,
              gat2_W, gat2_as, gat2_ad, gat2_b,
              gc_W, gc_b, gen_W, gen_b, dec_W, dec_b):
    num_nodes = X.shape[0]
    # Encoder.fn MLP (torch uses float64; computed in float32 here)
    z = jax.nn.gelu(X @ fn_W1 + fn_b1, approximate=False)
    z = jax.nn.gelu(z @ fn_W2 + fn_b2, approximate=False)
    # gc: GAT -> GELU -> GAT -> GELU -> Linear
    z = gat_conv(z, edge_index, gat1_W, gat1_as, gat1_ad, gat1_b, num_nodes)
    z = jax.nn.gelu(z, approximate=False)
    z = gat_conv(z, edge_index, gat2_W, gat2_as, gat2_ad, gat2_b, num_nodes)
    z = jax.nn.gelu(z, approximate=False)
    z = z @ gc_W + gc_b
    # gen
    z = z @ gen_W + gen_b
    # decoder
    X_hat = z @ dec_W + dec_b
    # MSE loss (mean)
    return jnp.mean((X_hat - X) ** 2)

if __name__ == "__main__":
    import jax
    _d = setup_inputs()
    print(jax.jit(kernel)(*tuple(_d.values())))

</pallas_src>

<mosaic_0001>
#map = affine_map<(d0, d1) -> (0, 0, 0)>
#map1 = affine_map<(d0, d1) -> (0)>
#map2 = affine_map<(d0, d1) -> (0, 0)>
module attributes {stable_mosaic.version = 14 : i64} {
  func.func @_sc_gat_body(%arg0: i32, %arg1: i32, %arg2: memref<32x81x128xi32, #tpu.memory_space<hbm>>, %arg3: memref<10016xf32, #tpu.memory_space<hbm>>, %arg4: memref<10016xf32, #tpu.memory_space<hbm>>, %arg5: memref<10016x64xi16, #tpu.memory_space<hbm>>, %arg6: memref<2x10016x64xf32, #tpu.memory_space<hbm>>, %arg7: memref<2x1264x16xf32, #tpu.memory_space<hbm>>, %arg8: memref<81x128xi32, #tpu.memory_space<vmem>>, %arg9: memref<2x128xi32, #tpu.memory_space<vmem>>, %arg10: memref<2x128xi32, #tpu.memory_space<vmem>>, %arg11: memref<2x128xi32, #tpu.memory_space<vmem>>, %arg12: memref<10016xf32, #tpu.memory_space<vmem>>, %arg13: memref<10016xf32, #tpu.memory_space<vmem>>, %arg14: memref<2x128x64xi16, #tpu.memory_space<vmem>>, %arg15: memref<2x128x64xf32, #tpu.memory_space<vmem>>, %arg16: memref<2x128x16xf32, #tpu.memory_space<vmem>>, %arg17: memref<10016x64xf32, #tpu.memory_space<vmem_shared>>, %arg18: memref<1264x16xf32, #tpu.memory_space<vmem_shared>>, %arg19: memref<10016x64xi16, #tpu.memory_space<vmem_shared>>, %arg20: memref<!tpu.dma_semaphore, #tpu.memory_space<semaphore_mem>>, %arg21: memref<!tpu.dma_semaphore, #tpu.memory_space<semaphore_mem>>) attributes {dimension_semantics = [#tpu.dimension_semantics<core_parallel>, #tpu.dimension_semantics<subcore_parallel>], iteration_bounds = array<i64: 2, 16>, scalar_prefetch = 0 : i64, scratch_operands = 14 : i64, tpu.core_type = #tpu.core_type<sc_vector_subcore>, window_params = [{transform_indices = #map}, {transform_indices = #map1}, {transform_indices = #map1}, {transform_indices = #map2}, {transform_indices = #map}, {transform_indices = #map}]} {
    %mul3A = arith.constant 626 : i32
    %mul3A_0 = arith.muli %arg1, %mul3A : i32
    "tpu.region"() ({
      %run_scoped3A_80 = tpu.sem_alloc : memref<!tpu.dma_semaphore, #tpu.memory_space<semaphore_mem>>
      tpu.enqueue_dma source(%arg3 : memref<10016xf32, #tpu.memory_space<hbm>>) target(%arg12 : memref<10016xf32, #tpu.memory_space<vmem>>) target_semaphore(%run_scoped3A_80 : memref<!tpu.dma_semaphore, #tpu.memory_space<semaphore_mem>>)
      tpu.wait_dma2 semaphore(%run_scoped3A_80 : memref<!tpu.dma_semaphore, #tpu.memory_space<semaphore_mem>>) src(%arg3 : memref<10016xf32, #tpu.memory_space<hbm>>) dst(%arg12 : memref<10016xf32, #tpu.memory_space<vmem>>)
      tpu.yield
    }) : () -> ()
    "tpu.region"() ({
      %run_scoped3A_80 = tpu.sem_alloc : memref<!tpu.dma_semaphore, #tpu.memory_space<semaphore_mem>>
      tpu.enqueue_dma source(%arg4 : memref<10016xf32, #tpu.memory_space<hbm>>) target(%arg13 : memref<10016xf32, #tpu.memory_space<vmem>>) target_semaphore(%run_scoped3A_80 : memref<!tpu.dma_semaphore, #tpu.memory_space<semaphore_mem>>)
      tpu.wait_dma2 semaphore(%run_scoped3A_80 : memref<!tpu.dma_semaphore, #tpu.memory_space<semaphore_mem>>) src(%arg4 : memref<10016xf32, #tpu.memory_space<hbm>>) dst(%arg13 : memref<10016xf32, #tpu.memory_space<vmem>>)
      tpu.yield
    }) : () -> ()
    %mul3A_1 = arith.constant 16 : i32
    %mul3A_2 = arith.muli %arg0, %mul3A_1 : i32
    %add3A = arith.addi %mul3A_2, %arg1 : i32
    "tpu.region"() ({
      %run_scoped3A_80 = tpu.sem_alloc : memref<!tpu.dma_semaphore, #tpu.memory_space<semaphore_mem>>
      %dma_start3A_81 = arith.constant 0 : i32
      %dma_start3A_82 = arith.constant 0 : i32
      %dma_start3A_83 = tpu.memref_slice %arg2[%add3A, %dma_start3A_81, %dma_start3A_82] : memref<32x81x128xi32, #tpu.memory_space<hbm>> -> memref<1x81x128xi32, #tpu.memory_space<hbm>>
      %dma_start3A_84 = tpu.memref_squeeze %dma_start3A_83 : memref<1x81x128xi32, #tpu.memory_space<hbm>> -> memref<81x128xi32, #tpu.memory_space<hbm>>
      %dma_start3A_85 = arith.constant 0 : i32
      %dma_start3A_86 = arith.constant 0 : i32
      %dma_start3A_87 = tpu.memref_slice %arg2[%add3A, %dma_start3A_85, %dma_start3A_86] : memref<32x81x128xi32, #tpu.memory_space<hbm>> -> memref<1x81x128xi32, #tpu.memory_space<hbm>>
      %dma_start3A_88 = tpu.memref_squeeze %dma_start3A_87 : memref<1x81x128xi32, #tpu.memory_space<hbm>> -> memref<81x128xi32, #tpu.memory_space<hbm>>
      tpu.enqueue_dma source(%dma_start3A_88 : memref<81x128xi32, #tpu.memory_space<hbm>>) target(%arg8 : memref<81x128xi32, #tpu.memory_space<vmem>>) target_semaphore(%run_scoped3A_80 : memref<!tpu.dma_semaphore, #tpu.memory_space<semaphore_mem>>)
      %dma_wait3A_89 = arith.constant 0 : i32
      %dma_wait3A_90 = arith.constant 0 : i32
      %dma_wait3A_91 = tpu.memref_slice %arg2[%add3A, %dma_wait3A_89, %dma_wait3A_90] : memref<32x81x128xi32, #tpu.memory_space<hbm>> -> memref<1x81x128xi32, #tpu.memory_space<hbm>>
      %dma_wait3A_92 = tpu.memref_squeeze %dma_wait3A_91 : memref<1x81x128xi32, #tpu.memory_space<hbm>> -> memref<81x128xi32, #tpu.memory_space<hbm>>
      %dma_wait3A_93 = arith.constant 0 : i32
      %dma_wait3A_94 = arith.constant 0 : i32
      %dma_wait3A_95 = tpu.memref_slice %arg2[%add3A, %dma_wait3A_93, %dma_wait3A_94] : memref<32x81x128xi32, #tpu.memory_space<hbm>> -> memref<1x81x128xi32, #tpu.memory_space<hbm>>
      %dma_wait3A_96 = tpu.memref_squeeze %dma_wait3A_95 : memref<1x81x128xi32, #tpu.memory_space<hbm>> -> memref<81x128xi32, #tpu.memory_space<hbm>>
      tpu.wait_dma2 semaphore(%run_scoped3A_80 : memref<!tpu.dma_semaphore, #tpu.memory_space<semaphore_mem>>) src(%dma_wait3A_96 : memref<81x128xi32, #tpu.memory_space<hbm>>) dst(%arg8 : memref<81x128xi32, #tpu.memory_space<vmem>>)
      tpu.yield
    }) : () -> ()
    %broadcast_in_dim3A = arith.constant 10015 : i32
    %broadcast_in_dim3A_3 = vector.broadcast %broadcast_in_dim3A : i32 to vector<16xi32>
    %gather3A = tpu.vector_load_idx %arg12[%broadcast_in_dim3A_3] : memref<10016xf32, #tpu.memory_space<vmem>>[vector<16xi32>], vector<16xf32>,
    %mul3A_4 = arith.constant 626 : i32
    %mul3A_5 = arith.muli %arg1, %mul3A_4 : i32
    %mul3A_6 = arith.constant 626 : i32
    %mul3A_7 = arith.muli %arg1, %mul3A_6 : i32
    "tpu.region"() ({
      %run_scoped3A_80 = tpu.sem_alloc : memref<!tpu.dma_semaphore, #tpu.memory_space<semaphore_mem>>
      %dma_start3A_81 = arith.constant 0 : i32
      %dma_start3A_82 = tpu.memref_slice %arg19[%mul3A_7, %dma_start3A_81] : memref<10016x64xi16, #tpu.memory_space<vmem_shared>> -> memref<626x64xi16, #tpu.memory_space<vmem_shared>>
      %dma_start3A_83 = arith.constant 0 : i32
      %dma_start3A_84 = tpu.memref_slice %arg5[%mul3A_5, %dma_start3A_83] : memref<10016x64xi16, #tpu.memory_space<hbm>> -> memref<626x64xi16, #tpu.memory_space<hbm>>
      tpu.enqueue_dma source(%dma_start3A_84 : memref<626x64xi16, #tpu.memory_space<hbm>>) target(%dma_start3A_82 : memref<626x64xi16, #tpu.memory_space<vmem_shared>>) target_semaphore(%run_scoped3A_80 : memref<!tpu.dma_semaphore, #tpu.memory_space<semaphore_mem>>)
      %dma_wait3A_85 = arith.constant 0 : i32
      %dma_wait3A_86 = tpu.memref_slice %arg19[%mul3A_7, %dma_wait3A_85] : memref<10016x64xi16, #tpu.memory_space<vmem_shared>> -> memref<626x64xi16, #tpu.memory_space<vmem_shared>>
      %dma_wait3A_87 = arith.constant 0 : i32
      %dma_wait3A_88 = tpu.memref_slice %arg5[%mul3A_5, %dma_wait3A_87] : memref<10016x64xi16, #tpu.memory_space<hbm>> -> memref<626x64xi16, #tpu.memory_space<hbm>>
      tpu.wait_dma2 semaphore(%run_scoped3A_80 : memref<!tpu.dma_semaphore, #tpu.memory_space<semaphore_mem>>) src(%dma_wait3A_88 : memref<626x64xi16, #tpu.memory_space<hbm>>) dst(%dma_wait3A_86 : memref<626x64xi16, #tpu.memory_space<vmem_shared>>)
      tpu.yield
    }) : () -> ()
    %scan3A = arith.constant 0 : i32
    %scan3A_8 = arith.constant 0 : i32
    %scan3A_9 = arith.constant 128 : i32
    %scan3A_10 = arith.addi %scan3A_8, %scan3A_9 : i32
    %scan3A_11 = arith.constant 1 : i32
    scf.for %scan3A_80 = %scan3A_8 to %scan3A_10 step %scan3A_11  : i32 {
      %broadcast_in_dim3A_81 = arith.constant 0.000000e+00 : f32
      %broadcast_in_dim3A_82 = vector.broadcast %broadcast_in_dim3A_81 : f32 to vector<16xf32>
      %swap3A = arith.constant 0 : i32
      %swap3A_83 = arith.index_cast %swap3A : i32 to index
      %swap3A_84 = arith.index_cast %scan3A_80 : i32 to index
      %swap3A_85 = arith.constant 0 : index
      %swap3A_86 = tpu.vector_load %arg15[%swap3A_83, %swap3A_84, %swap3A_85] {strides = array<i32>} : memref<2x128x64xf32, #tpu.memory_space<vmem>>, vector<16xf32>,
      tpu.vector_store %arg15[%swap3A_83, %swap3A_84, %swap3A_85], %broadcast_in_dim3A_82 {strides = array<i32>} : memref<2x128x64xf32, #tpu.memory_space<vmem>>, vector<16xf32>,
      %broadcast_in_dim3A_87 = arith.constant 0.000000e+00 : f32
      %broadcast_in_dim3A_88 = vector.broadcast %broadcast_in_dim3A_87 : f32 to vector<16xf32>
      %swap3A_89 = arith.constant 0 : i32
      %swap3A_90 = arith.index_cast %swap3A_89 : i32 to index
      %swap3A_91 = arith.index_cast %scan3A_80 : i32 to index
      %swap3A_92 = arith.constant 16 : index
      %swap3A_93 = tpu.vector_load %arg15[%swap3A_90, %swap3A_91, %swap3A_92] {strides = array<i32>} : memref<2x128x64xf32, #tpu.memory_space<vmem>>, vector<16xf32>,
      tpu.vector_store %arg15[%swap3A_90, %swap3A_91, %swap3A_92], %broadcast_in_dim3A_88 {strides = array<i32>} : memref<2x128x64xf32, #tpu.memory_space<vmem>>, vector<16xf32>,
      %broadcast_in_dim3A_94 = arith.constant 0.000000e+00 : f32
      %broadcast_in_dim3A_95 = vector.broadcast %broadcast_in_dim3A_94 : f32 to vector<16xf32>
      %swap3A_96 = arith.constant 0 : i32
      %swap3A_97 = arith.index_cast %swap3A_96 : i32 to index
      %swap3A_98 = arith.index_cast %scan3A_80 : i32 to index
      %swap3A_99 = arith.constant 32 : index
      %swap3A_100 = tpu.vector_load %arg15[%swap3A_97, %swap3A_98, %swap3A_99] {strides = array<i32>} : memref<2x128x64xf32, #tpu.memory_space<vmem>>, vector<16xf32>,
      tpu.vector_store %arg15[%swap3A_97, %swap3A_98, %swap3A_99], %broadcast_in_dim3A_95 {strides = array<i32>} : memref<2x128x64xf32, #tpu.memory_space<vmem>>, vector<16xf32>,
      %broadcast_in_dim3A_101 = arith.constant 0.000000e+00 : f32
      %broadcast_in_dim3A_102 = vector.broadcast %broadcast_in_dim3A_101 : f32 to vector<16xf32>
      %swap3A_103 = arith.constant 0 : i32
      %swap3A_104 = arith.index_cast %swap3A_103 : i32 to index
      %swap3A_105 = arith.index_cast %scan3A_80 : i32 to index
      %swap3A_106 = arith.constant 48 : index
      %swap3A_107 = tpu.vector_load %arg15[%swap3A_104, %swap3A_105, %swap3A_106] {strides = array<i32>} : memref<2x128x64xf32, #tpu.memory_space<vmem>>, vector<16xf32>,
      tpu.vector_store %arg15[%swap3A_104, %swap3A_105, %swap3A_106], %broadcast_in_dim3A_102 {strides = array<i32>} : memref<2x128x64xf32, #tpu.memory_space<vmem>>, vector<16xf32>,
      %broadcast_in_dim3A_108 = arith.constant 0.000000e+00 : f32
      %broadcast_in_dim3A_109 = vector.broadcast %broadcast_in_dim3A_108 : f32 to vector<16xf32>
      %swap3A_110 = arith.constant 0 : i32
      %swap3A_111 = arith.index_cast %swap3A_110 : i32 to index
      %swap3A_112 = arith.index_cast %scan3A_80 : i32 to index
      %swap3A_113 = arith.constant 0 : index
      %swap3A_114 = tpu.vector_load %arg16[%swap3A_111, %swap3A_112, %swap3A_113] {strides = array<i32>} : memref<2x128x16xf32, #tpu.memory_space<vmem>>, vector<16xf32>,
      tpu.vector_store %arg16[%swap3A_111, %swap3A_112, %swap3A_113], %broadcast_in_dim3A_109 {strides = array<i32>} : memref<2x128x16xf32, #tpu.memory_space<vmem>>, vector<16xf32>,
      %broadcast_in_dim3A_115 = arith.constant 0.000000e+00 : f32
      %broadcast_in_dim3A_116 = vector.broadcast %broadcast_in_dim3A_115 : f32 to vector<16xf32>
      %swap3A_117 = arith.constant 1 : i32
      %swap3A_118 = arith.index_cast %swap3A_117 : i32 to index
      %swap3A_119 = arith.index_cast %scan3A_80 : i32 to index
      %swap3A_120 = arith.constant 0 : index
      %swap3A_121 = tpu.vector_load %arg15[%swap3A_118, %swap3A_119, %swap3A_120] {strides = array<i32>} : memref<2x128x64xf32, #tpu.memory_space<vmem>>, vector<16xf32>,
      tpu.vector_store %arg15[%swap3A_118, %swap3A_119, %swap3A_120], %broadcast_in_dim3A_116 {strides = array<i32>} : memref<2x128x64xf32, #tpu.memory_space<vmem>>, vector<16xf32>,
      %broadcast_in_dim3A_122 = arith.constant 0.000000e+00 : f32
      %broadcast_in_dim3A_123 = vector.broadcast %broadcast_in_dim3A_122 : f32 to vector<16xf32>
      %swap3A_124 = arith.constant 1 : i32
      %swap3A_125 = arith.index_cast %swap3A_124 : i32 to index
      %swap3A_126 = arith.index_cast %scan3A_80 : i32 to index
      %swap3A_127 = arith.constant 16 : index
      %swap3A_128 = tpu.vector_load %arg15[%swap3A_125, %swap3A_126, %swap3A_127] {strides = array<i32>} : memref<2x128x64xf32, #tpu.memory_space<vmem>>, vector<16xf32>,
      tpu.vector_store %arg15[%swap3A_125, %swap3A_126, %swap3A_127], %broadcast_in_dim3A_123 {strides = array<i32>} : memref<2x128x64xf32, #tpu.memory_space<vmem>>, vector<16xf32>,
      %broadcast_in_dim3A_129 = arith.constant 0.000000e+00 : f32
      %broadcast_in_dim3A_130 = vector.broadcast %broadcast_in_dim3A_129 : f32 to vector<16xf32>
      %swap3A_131 = arith.constant 1 : i32
      %swap3A_132 = arith.index_cast %swap3A_131 : i32 to index
      %swap3A_133 = arith.index_cast %scan3A_80 : i32 to index
      %swap3A_134 = arith.constant 32 : index
      %swap3A_135 = tpu.vector_load %arg15[%swap3A_132, %swap3A_133, %swap3A_134] {strides = array<i32>} : memref<2x128x64xf32, #tpu.memory_space<vmem>>, vector<16xf32>,
      tpu.vector_store %arg15[%swap3A_132, %swap3A_133, %swap3A_134], %broadcast_in_dim3A_130 {strides = array<i32>} : memref<2x128x64xf32, #tpu.memory_space<vmem>>, vector<16xf32>,
      %broadcast_in_dim3A_136 = arith.constant 0.000000e+00 : f32
      %broadcast_in_dim3A_137 = vector.broadcast %broadcast_in_dim3A_136 : f32 to vector<16xf32>
      %swap3A_138 = arith.constant 1 : i32
      %swap3A_139 = arith.index_cast %swap3A_138 : i32 to index
      %swap3A_140 = arith.index_cast %scan3A_80 : i32 to index
      %swap3A_141 = arith.constant 48 : index
      %swap3A_142 = tpu.vector_load %arg15[%swap3A_139, %swap3A_140, %swap3A_141] {strides = array<i32>} : memref<2x128x64xf32, #tpu.memory_space<vmem>>, vector<16xf32>,
      tpu.vector_store %arg15[%swap3A_139, %swap3A_140, %swap3A_141], %broadcast_in_dim3A_137 {strides = array<i32>} : memref<2x128x64xf32, #tpu.memory_space<vmem>>, vector<16xf32>,
      %broadcast_in_dim3A_143 = arith.constant 0.000000e+00 : f32
      %broadcast_in_dim3A_144 = vector.broadcast %broadcast_in_dim3A_143 : f32 to vector<16xf32>
      %swap3A_145 = arith.constant 1 : i32
      %swap3A_146 = arith.index_cast %swap3A_145 : i32 to index
      %swap3A_147 = arith.index_cast %scan3A_80 : i32 to index
      %swap3A_148 = arith.constant 0 : index
      %swap3A_149 = tpu.vector_load %arg16[%swap3A_146, %swap3A_147, %swap3A_148] {strides = array<i32>} : memref<2x128x16xf32, #tpu.memory_space<vmem>>, vector<16xf32>,
      tpu.vector_store %arg16[%swap3A_146, %swap3A_147, %swap3A_148], %broadcast_in_dim3A_144 {strides = array<i32>} : memref<2x128x16xf32, #tpu.memory_space<vmem>>, vector<16xf32>,
    }
    %scan3A_12 = arith.constant 128 : i32
    %scan3A_13 = arith.constant 0 : i32
    %scan3A_14 = arith.constant 0 : i32
    %scan3A_15 = arith.constant 4 : i32
    %scan3A_16 = arith.addi %scan3A_14, %scan3A_15 : i32
    %scan3A_17 = arith.constant 1 : i32
    scf.for %scan3A_80 = %scan3A_14 to %scan3A_16 step %scan3A_17  : i32 {
      %mul3A_81 = arith.constant 128 : i32
      %mul3A_82 = arith.muli %scan3A_80, %mul3A_81 : i32
      %add3A_83 = arith.addi %mul3A_0, %mul3A_82 : i32
      %run_scoped3A_84 = arith.constant 0 : i32
      "tpu.region"() ({
        %run_scoped3A_85 = tpu.sem_alloc : memref<!tpu.dma_semaphore, #tpu.memory_space<semaphore_mem>>
        %dma_start3A_86 = arith.constant 0 : i32
        %dma_start3A_87 = arith.constant 0 : i32
        %dma_start3A_88 = tpu.memref_slice %arg15[%run_scoped3A_84, %dma_start3A_86, %dma_start3A_87] : memref<2x128x64xf32, #tpu.memory_space<vmem>> -> memref<1x128x64xf32, #tpu.memory_space<vmem>>
        %dma_start3A_89 = tpu.memref_squeeze %dma_start3A_88 : memref<1x128x64xf32, #tpu.memory_space<vmem>> -> memref<128x64xf32, #tpu.memory_space<vmem>>
        %dma_start3A_90 = arith.constant 0 : i32
        %dma_start3A_91 = arith.constant 0 : i32
        %dma_start3A_92 = tpu.memref_slice %dma_start3A_89[%dma_start3A_90, %dma_start3A_91] : memref<128x64xf32, #tpu.memory_space<vmem>> -> memref<128x64xf32, #tpu.memory_space<vmem>>
        %dma_start3A_93 = arith.constant 0 : i32
        %dma_start3A_94 = tpu.memref_slice %arg17[%add3A_83, %dma_start3A_93] : memref<10016x64xf32, #tpu.memory_space<vmem_shared>> -> memref<128x64xf32, #tpu.memory_space<vmem_shared>>
        %dma_start3A_95 = arith.constant 0 : i32
        %dma_start3A_96 = tpu.memref_slice %arg17[%add3A_83, %dma_start3A_95] : memref<10016x64xf32, #tpu.memory_space<vmem_shared>> -> memref<128x64xf32, #tpu.memory_space<vmem_shared>>
        %dma_start3A_97 = arith.constant 0 : i32
        %dma_start3A_98 = arith.constant 0 : i32
        %dma_start3A_99 = tpu.memref_slice %arg15[%run_scoped3A_84, %dma_start3A_97, %dma_start3A_98] : memref<2x128x64xf32, #tpu.memory_space<vmem>> -> memref<1x128x64xf32, #tpu.memory_space<vmem>>
        %dma_start3A_100 = tpu.memref_squeeze %dma_start3A_99 : memref<1x128x64xf32, #tpu.memory_space<vmem>> -> memref<128x64xf32, #tpu.memory_space<vmem>>
        %dma_start3A_101 = arith.constant 0 : i32
        %dma_start3A_102 = arith.constant 0 : i32
        %dma_start3A_103 = tpu.memref_slice %dma_start3A_100[%dma_start3A_101, %dma_start3A_102] : memref<128x64xf32, #tpu.memory_space<vmem>> -> memref<128x64xf32, #tpu.memory_space<vmem>>
        tpu.enqueue_dma source(%dma_start3A_103 : memref<128x64xf32, #tpu.memory_space<vmem>>) target(%dma_start3A_96 : memref<128x64xf32, #tpu.memory_space<vmem_shared>>) target_semaphore(%run_scoped3A_85 : memref<!tpu.dma_semaphore, #tpu.memory_space<semaphore_mem>>)
        %dma_wait3A_104 = arith.constant 0 : i32
        %dma_wait3A_105 = arith.constant 0 : i32
        %dma_wait3A_106 = tpu.memref_slice %arg15[%run_scoped3A_84, %dma_wait3A_104, %dma_wait3A_105] : memref<2x128x64xf32, #tpu.memory_space<vmem>> -> memref<1x128x64xf32, #tpu.memory_space<vmem>>
        %dma_wait3A_107 = tpu.memref_squeeze %dma_wait3A_106 : memref<1x128x64xf32, #tpu.memory_space<vmem>> -> memref<128x64xf32, #tpu.memory_space<vmem>>
        %dma_wait3A_108 = arith.constant 0 : i32
        %dma_wait3A_109 = arith.constant 0 : i32
        %dma_wait3A_110 = tpu.memref_slice %dma_wait3A_107[%dma_wait3A_108, %dma_wait3A_109] : memref<128x64xf32, #tpu.memory_space<vmem>> -> memref<128x64xf32, #tpu.memory_space<vmem>>
        %dma_wait3A_111 = arith.constant 0 : i32
        %dma_wait3A_112 = tpu.memref_slice %arg17[%add3A_83, %dma_wait3A_111] : memref<10016x64xf32, #tpu.memory_space<vmem_shared>> -> memref<128x64xf32, #tpu.memory_space<vmem_shared>>
        %dma_wait3A_113 = arith.constant 0 : i32
        %dma_wait3A_114 = tpu.memref_slice %arg17[%add3A_83, %dma_wait3A_113] : memref<10016x64xf32, #tpu.memory_space<vmem_shared>> -> memref<128x64xf32, #tpu.memory_space<vmem_shared>>
        %dma_wait3A_115 = arith.constant 0 : i32
        %dma_wait3A_116 = arith.constant 0 : i32
        %dma_wait3A_117 = tpu.memref_slice %arg15[%run_scoped3A_84, %dma_wait3A_115, %dma_wait3A_116] : memref<2x128x64xf32, #tpu.memory_space<vmem>> -> memref<1x128x64xf32, #tpu.memory_space<vmem>>
        %dma_wait3A_118 = tpu.memref_squeeze %dma_wait3A_117 : memref<1x128x64xf32, #tpu.memory_space<vmem>> -> memref<128x64xf32, #tpu.memory_space<vmem>>
        %dma_wait3A_119 = arith.constant 0 : i32
        %dma_wait3A_120 = arith.constant 0 : i32
        %dma_wait3A_121 = tpu.memref_slice %dma_wait3A_118[%dma_wait3A_119, %dma_wait3A_120] : memref<128x64xf32, #tpu.memory_space<vmem>> -> memref<128x64xf32, #tpu.memory_space<vmem>>
        tpu.wait_dma2 semaphore(%run_scoped3A_85 : memref<!tpu.dma_semaphore, #tpu.memory_space<semaphore_mem>>) src(%dma_wait3A_121 : memref<128x64xf32, #tpu.memory_space<vmem>>) dst(%dma_wait3A_114 : memref<128x64xf32, #tpu.memory_space<vmem_shared>>)
        tpu.yield
      }) : () -> ()
    }
    %scan3A_18 = arith.constant 4 : i32
    %add3A_19 = arith.constant 512 : i32
    %add3A_20 = arith.addi %mul3A_0, %add3A_19 : i32
    %run_scoped3A = arith.constant 0 : i32
    "tpu.region"() ({
      %run_scoped3A_80 = tpu.sem_alloc : memref<!tpu.dma_semaphore, #tpu.memory_space<semaphore_mem>>
      %dma_start3A_81 = arith.constant 0 : i32
      %dma_start3A_82 = arith.constant 0 : i32
      %dma_start3A_83 = tpu.memref_slice %arg15[%run_scoped3A, %dma_start3A_81, %dma_start3A_82] : memref<2x128x64xf32, #tpu.memory_space<vmem>> -> memref<1x128x64xf32, #tpu.memory_space<vmem>>
      %dma_start3A_84 = tpu.memref_squeeze %dma_start3A_83 : memref<1x128x64xf32, #tpu.memory_space<vmem>> -> memref<128x64xf32, #tpu.memory_space<vmem>>
      %dma_start3A_85 = arith.constant 0 : i32
      %dma_start3A_86 = arith.constant 0 : i32
      %dma_start3A_87 = tpu.memref_slice %dma_start3A_84[%dma_start3A_85, %dma_start3A_86] : memref<128x64xf32, #tpu.memory_space<vmem>> -> memref<114x64xf32, #tpu.memory_space<vmem>>
      %dma_start3A_88 = arith.constant 0 : i32
      %dma_start3A_89 = tpu.memref_slice %arg17[%add3A_20, %dma_start3A_88] : memref<10016x64xf32, #tpu.memory_space<vmem_shared>> -> memref<114x64xf32, #tpu.memory_space<vmem_shared>>
      %dma_start3A_90 = arith.constant 0 : i32
      %dma_start3A_91 = tpu.memref_slice %arg17[%add3A_20, %dma_start3A_90] : memref<10016x64xf32, #tpu.memory_space<vmem_shared>> -> memref<114x64xf32, #tpu.memory_space<vmem_shared>>
      %dma_start3A_92 = arith.constant 0 : i32
      %dma_start3A_93 = arith.constant 0 : i32
      %dma_start3A_94 = tpu.memref_slice %arg15[%run_scoped3A, %dma_start3A_92, %dma_start3A_93] : memref<2x128x64xf32, #tpu.memory_space<vmem>> -> memref<1x128x64xf32, #tpu.memory_space<vmem>>
      %dma_start3A_95 = tpu.memref_squeeze %dma_start3A_94 : memref<1x128x64xf32, #tpu.memory_space<vmem>> -> memref<128x64xf32, #tpu.memory_space<vmem>>
      %dma_start3A_96 = arith.constant 0 : i32
      %dma_start3A_97 = arith.constant 0 : i32
      %dma_start3A_98 = tpu.memref_slice %dma_start3A_95[%dma_start3A_96, %dma_start3A_97] : memref<128x64xf32, #tpu.memory_space<vmem>> -> memref<114x64xf32, #tpu.memory_space<vmem>>
      tpu.enqueue_dma source(%dma_start3A_98 : memref<114x64xf32, #tpu.memory_space<vmem>>) target(%dma_start3A_91 : memref<114x64xf32, #tpu.memory_space<vmem_shared>>) target_semaphore(%run_scoped3A_80 : memref<!tpu.dma_semaphore, #tpu.memory_space<semaphore_mem>>)
      %dma_wait3A_99 = arith.constant 0 : i32
      %dma_wait3A_100 = arith.constant 0 : i32
      %dma_wait3A_101 = tpu.memref_slice %arg15[%run_scoped3A, %dma_wait3A_99, %dma_wait3A_100] : memref<2x128x64xf32, #tpu.memory_space<vmem>> -> memref<1x128x64xf32, #tpu.memory_space<vmem>>
      %dma_wait3A_102 = tpu.memref_squeeze %dma_wait3A_101 : memref<1x128x64xf32, #tpu.memory_space<vmem>> -> memref<128x64xf32, #tpu.memory_space<vmem>>
      %dma_wait3A_103 = arith.constant 0 : i32
      %dma_wait3A_104 = arith.constant 0 : i32
      %dma_wait3A_105 = tpu.memref_slice %dma_wait3A_102[%dma_wait3A_103, %dma_wait3A_104] : memref<128x64xf32, #tpu.memory_space<vmem>> -> memref<114x64xf32, #tpu.memory_space<vmem>>
      %dma_wait3A_106 = arith.constant 0 : i32
      %dma_wait3A_107 = tpu.memref_slice %arg17[%add3A_20, %dma_wait3A_106] : memref<10016x64xf32, #tpu.memory_space<vmem_shared>> -> memref<114x64xf32, #tpu.memory_space<vmem_shared>>
      %dma_wait3A_108 = arith.constant 0 : i32
      %dma_wait3A_109 = tpu.memref_slice %arg17[%add3A_20, %dma_wait3A_108] : memref<10016x64xf32, #tpu.memory_space<vmem_shared>> -> memref<114x64xf32, #tpu.memory_space<vmem_shared>>
      %dma_wait3A_110 = arith.constant 0 : i32
      %dma_wait3A_111 = arith.constant 0 : i32
      %dma_wait3A_112 = tpu.memref_slice %arg15[%run_scoped3A, %dma_wait3A_110, %dma_wait3A_111] : memref<2x128x64xf32, #tpu.memory_space<vmem>> -> memref<1x128x64xf32, #tpu.memory_space<vmem>>
      %dma_wait3A_113 = tpu.memref_squeeze %dma_wait3A_112 : memref<1x128x64xf32, #tpu.memory_space<vmem>> -> memref<128x64xf32, #tpu.memory_space<vmem>>
      %dma_wait3A_114 = arith.constant 0 : i32
      %dma_wait3A_115 = arith.constant 0 : i32
      %dma_wait3A_116 = tpu.memref_slice %dma_wait3A_113[%dma_wait3A_114, %dma_wait3A_115] : memref<128x64xf32, #tpu.memory_space<vmem>> -> memref<114x64xf32, #tpu.memory_space<vmem>>
      tpu.wait_dma2 semaphore(%run_scoped3A_80 : memref<!tpu.dma_semaphore, #tpu.memory_space<semaphore_mem>>) src(%dma_wait3A_116 : memref<114x64xf32, #tpu.memory_space<vmem>>) dst(%dma_wait3A_109 : memref<114x64xf32, #tpu.memory_space<vmem_shared>>)
      tpu.yield
    }) : () -> ()
    %mul3A_21 = arith.constant 79 : i32
    %mul3A_22 = arith.muli %arg1, %mul3A_21 : i32
    %run_scoped3A_23 = arith.constant 0 : i32
    "tpu.region"() ({
      %run_scoped3A_80 = tpu.sem_alloc : memref<!tpu.dma_semaphore, #tpu.memory_space<semaphore_mem>>
      %dma_start3A_81 = arith.constant 0 : i32
      %dma_start3A_82 = arith.constant 0 : i32
      %dma_start3A_83 = tpu.memref_slice %arg16[%run_scoped3A_23, %dma_start3A_81, %dma_start3A_82] : memref<2x128x16xf32, #tpu.memory_space<vmem>> -> memref<1x128x16xf32, #tpu.memory_space<vmem>>
      %dma_start3A_84 = tpu.memref_squeeze %dma_start3A_83 : memref<1x128x16xf32, #tpu.memory_space<vmem>> -> memref<128x16xf32, #tpu.memory_space<vmem>>
      %dma_start3A_85 = arith.constant 0 : i32
      %dma_start3A_86 = arith.constant 0 : i32
      %dma_start3A_87 = tpu.memref_slice %dma_start3A_84[%dma_start3A_85, %dma_start3A_86] : memref<128x16xf32, #tpu.memory_space<vmem>> -> memref<79x16xf32, #tpu.memory_space<vmem>>
      %dma_start3A_88 = arith.constant 0 : i32
      %dma_start3A_89 = tpu.memref_slice %arg18[%mul3A_22, %dma_start3A_88] : memref<1264x16xf32, #tpu.memory_space<vmem_shared>> -> memref<79x16xf32, #tpu.memory_space<vmem_shared>>
      %dma_start3A_90 = arith.constant 0 : i32
      %dma_start3A_91 = tpu.memref_slice %arg18[%mul3A_22, %dma_start3A_90] : memref<1264x16xf32, #tpu.memory_space<vmem_shared>> -> memref<79x16xf32, #tpu.memory_space<vmem_shared>>
      %dma_start3A_92 = arith.constant 0 : i32
      %dma_start3A_93 = arith.constant 0 : i32
      %dma_start3A_94 = tpu.memref_slice %arg16[%run_scoped3A_23, %dma_start3A_92, %dma_start3A_93] : memref<2x128x16xf32, #tpu.memory_space<vmem>> -> memref<1x128x16xf32, #tpu.memory_space<vmem>>
      %dma_start3A_95 = tpu.memref_squeeze %dma_start3A_94 : memref<1x128x16xf32, #tpu.memory_space<vmem>> -> memref<128x16xf32, #tpu.memory_space<vmem>>
      %dma_start3A_96 = arith.constant 0 : i32
      %dma_start3A_97 = arith.constant 0 : i32
      %dma_start3A_98 = tpu.memref_slice %dma_start3A_95[%dma_start3A_96, %dma_start3A_97] : memref<128x16xf32, #tpu.memory_space<vmem>> -> memref<79x16xf32, #tpu.memory_space<vmem>>
      tpu.enqueue_dma source(%dma_start3A_98 : memref<79x16xf32, #tpu.memory_space<vmem>>) target(%dma_start3A_91 : memref<79x16xf32, #tpu.memory_space<vmem_shared>>) target_semaphore(%run_scoped3A_80 : memref<!tpu.dma_semaphore, #tpu.memory_space<semaphore_mem>>)
      %dma_wait3A_99 = arith.constant 0 : i32
      %dma_wait3A_100 = arith.constant 0 : i32
      %dma_wait3A_101 = tpu.memref_slice %arg16[%run_scoped3A_23, %dma_wait3A_99, %dma_wait3A_100] : memref<2x128x16xf32, #tpu.memory_space<vmem>> -> memref<1x128x16xf32, #tpu.memory_space<vmem>>
      %dma_wait3A_102 = tpu.memref_squeeze %dma_wait3A_101 : memref<1x128x16xf32, #tpu.memory_space<vmem>> -> memref<128x16xf32, #tpu.memory_space<vmem>>
      %dma_wait3A_103 = arith.constant 0 : i32
      %dma_wait3A_104 = arith.constant 0 : i32
      %dma_wait3A_105 = tpu.memref_slice %dma_wait3A_102[%dma_wait3A_103, %dma_wait3A_104] : memref<128x16xf32, #tpu.memory_space<vmem>> -> memref<79x16xf32, #tpu.memory_space<vmem>>
      %dma_wait3A_106 = arith.constant 0 : i32
      %dma_wait3A_107 = tpu.memref_slice %arg18[%mul3A_22, %dma_wait3A_106] : memref<1264x16xf32, #tpu.memory_space<vmem_shared>> -> memref<79x16xf32, #tpu.memory_space<vmem_shared>>
      %dma_wait3A_108 = arith.constant 0 : i32
      %dma_wait3A_109 = tpu.memref_slice %arg18[%mul3A_22, %dma_wait3A_108] : memref<1264x16xf32, #tpu.memory_space<vmem_shared>> -> memref<79x16xf32, #tpu.memory_space<vmem_shared>>
      %dma_wait3A_110 = arith.constant 0 : i32
      %dma_wait3A_111 = arith.constant 0 : i32
      %dma_wait3A_112 = tpu.memref_slice %arg16[%run_scoped3A_23, %dma_wait3A_110, %dma_wait3A_111] : memref<2x128x16xf32, #tpu.memory_space<vmem>> -> memref<1x128x16xf32, #tpu.memory_space<vmem>>
      %dma_wait3A_113 = tpu.memref_squeeze %dma_wait3A_112 : memref<1x128x16xf32, #tpu.memory_space<vmem>> -> memref<128x16xf32, #tpu.memory_space<vmem>>
      %dma_wait3A_114 = arith.constant 0 : i32
      %dma_wait3A_115 = arith.constant 0 : i32
      %dma_wait3A_116 = tpu.memref_slice %dma_wait3A_113[%dma_wait3A_114, %dma_wait3A_115] : memref<128x16xf32, #tpu.memory_space<vmem>> -> memref<79x16xf32, #tpu.memory_space<vmem>>
      tpu.wait_dma2 semaphore(%run_scoped3A_80 : memref<!tpu.dma_semaphore, #tpu.memory_space<semaphore_mem>>) src(%dma_wait3A_116 : memref<79x16xf32, #tpu.memory_space<vmem>>) dst(%dma_wait3A_109 : memref<79x16xf32, #tpu.memory_space<vmem_shared>>)
      tpu.yield
    }) : () -> ()
    %barrier3A = arith.constant 0 : index
    tpu.barrier barrier_id(%barrier3A)
    %broadcast_in_dim3A_24 = arith.constant 0 : i32
    %broadcast_in_dim3A_25 = vector.broadcast %broadcast_in_dim3A_24 : i32 to vector<16xi32>
    %iota3A = tpu.iota {dimensions = array<i32: 0>} : vector<16xi32>
    %iota3A_26 = tpu.iota {dimensions = array<i32: 0>} : vector<16xi32>
    %mul3A_27 = arith.constant 2 : i32
    %mul3A_28 = vector.broadcast %mul3A_27 : i32 to vector<16xi32>
    %mul3A_29 = arith.muli %iota3A_26, %mul3A_28 : vector<16xi32>
    %add3A_30 = arith.constant 1 : i32
    %add3A_31 = vector.broadcast %add3A_30 : i32 to vector<16xi32>
    %add3A_32 = arith.addi %mul3A_29, %add3A_31 : vector<16xi32>
    %scan3A_33 = arith.constant 0 : i32
    %scan3A_34 = arith.constant 0 : i32
    %scan3A_35 = arith.constant 8 : i32
    %scan3A_36 = arith.addi %scan3A_34, %scan3A_35 : i32
    %scan3A_37 = arith.constant 1 : i32
    scf.for %scan3A_80 = %scan3A_34 to %scan3A_36 step %scan3A_37  : i32 {
      %mul3A_81 = arith.constant 16 : i32
      %mul3A_82 = arith.muli %scan3A_80, %mul3A_81 : i32
      %get3A = arith.constant 0 : i32
      %get3A_83 = arith.index_cast %get3A : i32 to index
      %get3A_84 = arith.index_cast %mul3A_82 : i32 to index
      %get3A_85 = tpu.vector_load %arg8[%get3A_83, %get3A_84] {strides = array<i32>} : memref<81x128xi32, #tpu.memory_space<vmem>>, vector<16xi32>,
      %shift_right_logical3A = arith.constant 14 : i32
      %shift_right_logical3A_86 = vector.broadcast %shift_right_logical3A : i32 to vector<16xi32>
      %shift_right_logical3A_87 = arith.shrui %get3A_85, %shift_right_logical3A_86 : vector<16xi32>
      %and3A = arith.constant 16383 : i32
      %and3A_88 = vector.broadcast %and3A : i32 to vector<16xi32>
      %and3A_89 = arith.andi %get3A_85, %and3A_88 : vector<16xi32>
      %swap3A = arith.constant 0 : i32
      %swap3A_90 = arith.index_cast %swap3A : i32 to index
      %swap3A_91 = arith.index_cast %mul3A_82 : i32 to index
      %swap3A_92 = tpu.vector_load %arg9[%swap3A_90, %swap3A_91] {strides = array<i32>} : memref<2x128xi32, #tpu.memory_space<vmem>>, vector<16xi32>,
      tpu.vector_store %arg9[%swap3A_90, %swap3A_91], %and3A_89 {strides = array<i32>} : memref<2x128xi32, #tpu.memory_space<vmem>>, vector<16xi32>,
      %swap3A_93 = arith.constant 0 : i32
      %swap3A_94 = arith.index_cast %swap3A_93 : i32 to index
      %swap3A_95 = arith.index_cast %mul3A_82 : i32 to index
      %swap3A_96 = tpu.vector_load %arg10[%swap3A_94, %swap3A_95] {strides = array<i32>} : memref<2x128xi32, #tpu.memory_space<vmem>>, vector<16xi32>,
      tpu.vector_store %arg10[%swap3A_94, %swap3A_95], %shift_right_logical3A_87 {strides = array<i32>} : memref<2x128xi32, #tpu.memory_space<vmem>>, vector<16xi32>,
      %shift_right_logical3A_97 = arith.constant 3 : i32
      %shift_right_logical3A_98 = vector.broadcast %shift_right_logical3A_97 : i32 to vector<16xi32>
      %shift_right_logical3A_99 = arith.shrui %shift_right_logical3A_87, %shift_right_logical3A_98 : vector<16xi32>
      %swap3A_100 = arith.constant 0 : i32
      %swap3A_101 = arith.index_cast %swap3A_100 : i32 to index
      %swap3A_102 = arith.index_cast %mul3A_82 : i32 to index
      %swap3A_103 = tpu.vector_load %arg11[%swap3A_101, %swap3A_102] {strides = array<i32>} : memref<2x128xi32, #tpu.memory_space<vmem>>, vector<16xi32>,
      tpu.vector_store %arg11[%swap3A_101, %swap3A_102], %shift_right_logical3A_99 {strides = array<i32>} : memref<2x128xi32, #tpu.memory_space<vmem>>, vector<16xi32>,
    }
    %scan3A_38 = arith.constant 8 : i32
    %dma_start3A = arith.constant 0 : i32
    %dma_start3A_39 = arith.constant 0 : i32
    %dma_start3A_40 = arith.constant 0 : i32
    %dma_start3A_41 = arith.constant 0 : i32
    %dma_start3A_42 = tpu.memref_slice %arg14[%dma_start3A_39, %dma_start3A_40, %dma_start3A_41] : memref<2x128x64xi16, #tpu.memory_space<vmem>> -> memref<1x128x64xi16, #tpu.memory_space<vmem>>
    %dma_start3A_43 = tpu.memref_squeeze %dma_start3A_42 : memref<1x128x64xi16, #tpu.memory_space<vmem>> -> memref<128x64xi16, #tpu.memory_space<vmem>>
    %dma_start3A_44 = arith.constant 0 : i32
    %dma_start3A_45 = tpu.memref_slice %arg9[%dma_start3A, %dma_start3A_44] : memref<2x128xi32, #tpu.memory_space<vmem>> -> memref<1x128xi32, #tpu.memory_space<vmem>>
    %dma_start3A_46 = tpu.memref_squeeze %dma_start3A_45 : memref<1x128xi32, #tpu.memory_space<vmem>> -> memref<128xi32, #tpu.memory_space<vmem>>
    %dma_start3A_47 = arith.constant 0 : i32
    %dma_start3A_48 = arith.constant 0 : i32
    %dma_start3A_49 = tpu.memref_slice %arg19[%dma_start3A_47, %dma_start3A_48] : memref<10016x64xi16, #tpu.memory_space<vmem_shared>> -> memref<10016x64xi16, #tpu.memory_space<vmem_shared>>
    tpu.enqueue_indirect_dma source(%dma_start3A_49 : memref<10016x64xi16, #tpu.memory_space<vmem_shared>>) target(%dma_start3A_43 : memref<128x64xi16, #tpu.memory_space<vmem>>) offsets(%dma_start3A_46 : memref<128xi32, #tpu.memory_space<vmem>>) semaphore(%arg20 : memref<!tpu.dma_semaphore, #tpu.memory_space<semaphore_mem>>)
    %scan3A_50 = arith.constant 0 : i32
    %scan3A_51 = arith.constant 0 : i32
    %scan3A_52 = arith.constant 81 : i32
    %scan3A_53 = arith.addi %scan3A_51, %scan3A_52 : i32
    %scan3A_54 = arith.constant 1 : i32
    scf.for %scan3A_80 = %scan3A_51 to %scan3A_53 step %scan3A_54  : i32 {
      %and3A = arith.constant 1 : i32
      %and3A_81 = arith.andi %scan3A_80, %and3A : i32
      %gt3A = arith.constant 0 : i32
      %gt3A_82 = arith.cmpi sgt, %scan3A_80, %gt3A : i32
      %convert_element_type3A = arith.extui %gt3A_82 : i1 to i32
      %cond3A = arith.constant 0 : i32
      %cond3A_83 = arith.cmpi ne, %convert_element_type3A, %cond3A : i32
      scf.if %cond3A_83 {
        %sub3A = arith.constant 1 : i32
        %sub3A_132 = arith.subi %sub3A, %and3A_81 : i32
        %dma_wait3A_133 = arith.constant 0 : i32
        %dma_wait3A_134 = arith.constant 0 : i32
        %dma_wait3A_135 = tpu.memref_slice %arg15[%sub3A_132, %dma_wait3A_133, %dma_wait3A_134] : memref<2x128x64xf32, #tpu.memory_space<vmem>> -> memref<1x128x64xf32, #tpu.memory_space<vmem>>
        %dma_wait3A_136 = tpu.memref_squeeze %dma_wait3A_135 : memref<1x128x64xf32, #tpu.memory_space<vmem>> -> memref<128x64xf32, #tpu.memory_space<vmem>>
        %dma_wait3A_137 = arith.constant 0 : i32
        %dma_wait3A_138 = tpu.memref_slice %arg10[%sub3A_132, %dma_wait3A_137] : memref<2x128xi32, #tpu.memory_space<vmem>> -> memref<1x128xi32, #tpu.memory_space<vmem>>
        %dma_wait3A_139 = tpu.memref_squeeze %dma_wait3A_138 : memref<1x128xi32, #tpu.memory_space<vmem>> -> memref<128xi32, #tpu.memory_space<vmem>>
        %dma_wait3A_140 = arith.constant 0 : i32
        %dma_wait3A_141 = arith.constant 0 : i32
        %dma_wait3A_142 = tpu.memref_slice %arg17[%dma_wait3A_140, %dma_wait3A_141] : memref<10016x64xf32, #tpu.memory_space<vmem_shared>> -> memref<10016x64xf32, #tpu.memory_space<vmem_shared>>
        tpu.wait_indirect_dma semaphore(%arg21 : memref<!tpu.dma_semaphore, #tpu.memory_space<semaphore_mem>>) src(%dma_wait3A_136 : memref<128x64xf32, #tpu.memory_space<vmem>>) dst(%dma_wait3A_142 : memref<10016x64xf32, #tpu.memory_space<vmem_shared>>)
        %dma_wait3A_143 = arith.constant 0 : i32
        %dma_wait3A_144 = arith.constant 0 : i32
        %dma_wait3A_145 = tpu.memref_slice %arg16[%sub3A_132, %dma_wait3A_143, %dma_wait3A_144] : memref<2x128x16xf32, #tpu.memory_space<vmem>> -> memref<1x128x16xf32, #tpu.memory_space<vmem>>
        %dma_wait3A_146 = tpu.memref_squeeze %dma_wait3A_145 : memref<1x128x16xf32, #tpu.memory_space<vmem>> -> memref<128x16xf32, #tpu.memory_space<vmem>>
        %dma_wait3A_147 = arith.constant 0 : i32
        %dma_wait3A_148 = tpu.memref_slice %arg11[%sub3A_132, %dma_wait3A_147] : memref<2x128xi32, #tpu.memory_space<vmem>> -> memref<1x128xi32, #tpu.memory_space<vmem>>
        %dma_wait3A_149 = tpu.memref_squeeze %dma_wait3A_148 : memref<1x128xi32, #tpu.memory_space<vmem>> -> memref<128xi32, #tpu.memory_space<vmem>>
        %dma_wait3A_150 = arith.constant 0 : i32
        %dma_wait3A_151 = arith.constant 0 : i32
        %dma_wait3A_152 = tpu.memref_slice %arg18[%dma_wait3A_150, %dma_wait3A_151] : memref<1264x16xf32, #tpu.memory_space<vmem_shared>> -> memref<1264x16xf32, #tpu.memory_space<vmem_shared>>
        tpu.wait_indirect_dma semaphore(%arg21 : memref<!tpu.dma_semaphore, #tpu.memory_space<semaphore_mem>>) src(%dma_wait3A_146 : memref<128x16xf32, #tpu.memory_space<vmem>>) dst(%dma_wait3A_152 : memref<1264x16xf32, #tpu.memory_space<vmem_shared>>)
      } else {
      }
      %add3A_84 = arith.constant 1 : i32
      %add3A_85 = arith.addi %scan3A_80, %add3A_84 : i32
      %lt3A = arith.constant 81 : i32
      %lt3A_86 = arith.cmpi slt, %add3A_85, %lt3A : i32
      %convert_element_type3A_87 = arith.extui %lt3A_86 : i1 to i32
      %cond3A_88 = arith.constant 0 : i32
      %cond3A_89 = arith.cmpi ne, %convert_element_type3A_87, %cond3A_88 : i32
      scf.if %cond3A_89 {
        %add3A_132 = arith.constant 1 : i32
        %add3A_133 = arith.addi %scan3A_80, %add3A_132 : i32
        %sub3A = arith.constant 1 : i32
        %sub3A_134 = arith.subi %sub3A, %and3A_81 : i32
        %scan3A_135 = arith.constant 0 : i32
        %scan3A_136 = arith.constant 0 : i32
        %scan3A_137 = arith.constant 8 : i32
        %scan3A_138 = arith.addi %scan3A_136, %scan3A_137 : i32
        %scan3A_139 = arith.constant 1 : i32
        scf.for %scan3A_153 = %scan3A_136 to %scan3A_138 step %scan3A_139  : i32 {
          %mul3A_154 = arith.constant 16 : i32
          %mul3A_155 = arith.muli %scan3A_153, %mul3A_154 : i32
          %get3A = arith.index_cast %add3A_133 : i32 to index
          %get3A_156 = arith.index_cast %mul3A_155 : i32 to index
          %get3A_157 = tpu.vector_load %arg8[%get3A, %get3A_156] {strides = array<i32>} : memref<81x128xi32, #tpu.memory_space<vmem>>, vector<16xi32>,
          %shift_right_logical3A = arith.constant 14 : i32
          %shift_right_logical3A_158 = vector.broadcast %shift_right_logical3A : i32 to vector<16xi32>
          %shift_right_logical3A_159 = arith.shrui %get3A_157, %shift_right_logical3A_158 : vector<16xi32>
          %and3A_160 = arith.constant 16383 : i32
          %and3A_161 = vector.broadcast %and3A_160 : i32 to vector<16xi32>
          %and3A_162 = arith.andi %get3A_157, %and3A_161 : vector<16xi32>
          %swap3A = arith.index_cast %sub3A_134 : i32 to index
          %swap3A_163 = arith.index_cast %mul3A_155 : i32 to index
          %swap3A_164 = tpu.vector_load %arg9[%swap3A, %swap3A_163] {strides = array<i32>} : memref<2x128xi32, #tpu.memory_space<vmem>>, vector<16xi32>,
          tpu.vector_store %arg9[%swap3A, %swap3A_163], %and3A_162 {strides = array<i32>} : memref<2x128xi32, #tpu.memory_space<vmem>>, vector<16xi32>,
          %swap3A_165 = arith.index_cast %sub3A_134 : i32 to index
          %swap3A_166 = arith.index_cast %mul3A_155 : i32 to index
          %swap3A_167 = tpu.vector_load %arg10[%swap3A_165, %swap3A_166] {strides = array<i32>} : memref<2x128xi32, #tpu.memory_space<vmem>>, vector<16xi32>,
          tpu.vector_store %arg10[%swap3A_165, %swap3A_166], %shift_right_logical3A_159 {strides = array<i32>} : memref<2x128xi32, #tpu.memory_space<vmem>>, vector<16xi32>,
          %shift_right_logical3A_168 = arith.constant 3 : i32
          %shift_right_logical3A_169 = vector.broadcast %shift_right_logical3A_168 : i32 to vector<16xi32>
          %shift_right_logical3A_170 = arith.shrui %shift_right_logical3A_159, %shift_right_logical3A_169 : vector<16xi32>
          %swap3A_171 = arith.index_cast %sub3A_134 : i32 to index
          %swap3A_172 = arith.index_cast %mul3A_155 : i32 to index
          %swap3A_173 = tpu.vector_load %arg11[%swap3A_171, %swap3A_172] {strides = array<i32>} : memref<2x128xi32, #tpu.memory_space<vmem>>, vector<16xi32>,
          tpu.vector_store %arg11[%swap3A_171, %swap3A_172], %shift_right_logical3A_170 {strides = array<i32>} : memref<2x128xi32, #tpu.memory_space<vmem>>, vector<16xi32>,
        }
        %scan3A_140 = arith.constant 8 : i32
        %sub3A_141 = arith.constant 1 : i32
        %sub3A_142 = arith.subi %sub3A_141, %and3A_81 : i32
        %dma_start3A_143 = arith.constant 0 : i32
        %dma_start3A_144 = arith.constant 0 : i32
        %dma_start3A_145 = tpu.memref_slice %arg14[%sub3A_142, %dma_start3A_143, %dma_start3A_144] : memref<2x128x64xi16, #tpu.memory_space<vmem>> -> memref<1x128x64xi16, #tpu.memory_space<vmem>>
        %dma_start3A_146 = tpu.memref_squeeze %dma_start3A_145 : memref<1x128x64xi16, #tpu.memory_space<vmem>> -> memref<128x64xi16, #tpu.memory_space<vmem>>
        %dma_start3A_147 = arith.constant 0 : i32
        %dma_start3A_148 = tpu.memref_slice %arg9[%sub3A_142, %dma_start3A_147] : memref<2x128xi32, #tpu.memory_space<vmem>> -> memref<1x128xi32, #tpu.memory_space<vmem>>
        %dma_start3A_149 = tpu.memref_squeeze %dma_start3A_148 : memref<1x128xi32, #tpu.memory_space<vmem>> -> memref<128xi32, #tpu.memory_space<vmem>>
        %dma_start3A_150 = arith.constant 0 : i32
        %dma_start3A_151 = arith.constant 0 : i32
        %dma_start3A_152 = tpu.memref_slice %arg19[%dma_start3A_150, %dma_start3A_151] : memref<10016x64xi16, #tpu.memory_space<vmem_shared>> -> memref<10016x64xi16, #tpu.memory_space<vmem_shared>>
        tpu.enqueue_indirect_dma source(%dma_start3A_152 : memref<10016x64xi16, #tpu.memory_space<vmem_shared>>) target(%dma_start3A_146 : memref<128x64xi16, #tpu.memory_space<vmem>>) offsets(%dma_start3A_149 : memref<128xi32, #tpu.memory_space<vmem>>) semaphore(%arg20 : memref<!tpu.dma_semaphore, #tpu.memory_space<semaphore_mem>>)
      } else {
      }
      %scan3A_90 = arith.constant 0 : i32
      %scan3A_91 = arith.constant 0 : i32
      %scan3A_92 = arith.constant 4 : i32
      %scan3A_93 = arith.addi %scan3A_91, %scan3A_92 : i32
      %scan3A_94 = arith.constant 1 : i32
      scf.for %scan3A_132 = %scan3A_91 to %scan3A_93 step %scan3A_94  : i32 {
        %mul3A_133 = arith.constant 2 : i32
        %mul3A_134 = arith.muli %mul3A_133, %scan3A_132 : i32
        %add3A_135 = arith.constant 0 : i32
        %add3A_136 = arith.addi %mul3A_134, %add3A_135 : i32
        %mul3A_137 = arith.constant 16 : i32
        %mul3A_138 = arith.muli %add3A_136, %mul3A_137 : i32
        %get3A = arith.index_cast %and3A_81 : i32 to index
        %get3A_139 = arith.index_cast %mul3A_138 : i32 to index
        %get3A_140 = tpu.vector_load %arg9[%get3A, %get3A_139] {strides = array<i32>} : memref<2x128xi32, #tpu.memory_space<vmem>>, vector<16xi32>,
        %mul3A_141 = arith.constant 16 : i32
        %mul3A_142 = arith.muli %add3A_136, %mul3A_141 : i32
        %get3A_143 = arith.index_cast %and3A_81 : i32 to index
        %get3A_144 = arith.index_cast %mul3A_142 : i32 to index
        %get3A_145 = tpu.vector_load %arg10[%get3A_143, %get3A_144] {strides = array<i32>} : memref<2x128xi32, #tpu.memory_space<vmem>>, vector<16xi32>,
        %gather3A_146 = tpu.vector_load_idx %arg13[%get3A_145] : memref<10016xf32, #tpu.memory_space<vmem>>[vector<16xi32>], vector<16xf32>,
        %gather3A_147 = tpu.vector_load_idx %arg12[%get3A_140] : memref<10016xf32, #tpu.memory_space<vmem>>[vector<16xi32>], vector<16xf32>,
        %add3A_148 = arith.addf %gather3A_147, %gather3A_146 : vector<16xf32>
        %mul3A_149 = arith.constant 2.000000e-01 : f32
        %mul3A_150 = vector.broadcast %mul3A_149 : f32 to vector<16xf32>
        %mul3A_151 = arith.mulf %mul3A_150, %add3A_148 : vector<16xf32>
        %max3A = arith.maximumf %add3A_148, %mul3A_151 : vector<16xf32>
        %add3A_152 = arith.addf %gather3A, %gather3A_146 : vector<16xf32>
        %mul3A_153 = arith.constant 2.000000e-01 : f32
        %mul3A_154 = vector.broadcast %mul3A_153 : f32 to vector<16xf32>
        %mul3A_155 = arith.mulf %mul3A_154, %add3A_152 : vector<16xf32>
        %max3A_156 = arith.maximumf %add3A_152, %mul3A_155 : vector<16xf32>
        %sub3A = arith.subf %max3A, %max3A_156 : vector<16xf32>
        %exp3A = math.exp %sub3A : vector<16xf32>
        %and3A_157 = arith.constant 7 : i32
        %and3A_158 = vector.broadcast %and3A_157 : i32 to vector<16xi32>
        %and3A_159 = arith.andi %get3A_145, %and3A_158 : vector<16xi32>
        %mul3A_160 = arith.constant 2 : i32
        %mul3A_161 = vector.broadcast %mul3A_160 : i32 to vector<16xi32>
        %mul3A_162 = arith.muli %and3A_159, %mul3A_161 : vector<16xi32>
        %broadcast_in_dim3A_163 = arith.constant 0.000000e+00 : f32
        %broadcast_in_dim3A_164 = vector.broadcast %broadcast_in_dim3A_163 : f32 to vector<16xf32>
        %mul3A_165 = arith.constant 16 : i32
        %mul3A_166 = arith.muli %add3A_136, %mul3A_165 : i32
        %add3A_167 = vector.broadcast %mul3A_166 : i32 to vector<16xi32>
        %add3A_168 = arith.addi %add3A_167, %iota3A : vector<16xi32>
        %add3A_169 = arith.constant 2 : i32
        %add3A_170 = vector.broadcast %add3A_169 : i32 to vector<16xi32>
        %add3A_171 = arith.addi %mul3A_162, %add3A_170 : vector<16xi32>
        %and3A_172 = arith.constant 14 : i32
        %and3A_173 = vector.broadcast %and3A_172 : i32 to vector<16xi32>
        %and3A_174 = arith.andi %add3A_171, %and3A_173 : vector<16xi32>
        %scatter3A = arith.constant 0 : i32
        %scatter3A_175 = arith.constant 0 : i32
        %scatter3A_176 = tpu.memref_slice %arg16[%and3A_81, %scatter3A, %scatter3A_175] : memref<2x128x16xf32, #tpu.memory_space<vmem>> -> memref<1x128x16xf32, #tpu.memory_space<vmem>>
        %scatter3A_177 = tpu.memref_squeeze %scatter3A_176 : memref<1x128x16xf32, #tpu.memory_space<vmem>> -> memref<128x16xf32, #tpu.memory_space<vmem>>
        tpu.vector_store_idx %scatter3A_177[%add3A_168, %and3A_174], %broadcast_in_dim3A_164 : memref<128x16xf32, #tpu.memory_space<vmem>>[vector<16xi32>, vector<16xi32>], vector<16xf32>,
        %add3A_178 = arith.constant 4 : i32
        %add3A_179 = vector.broadcast %add3A_178 : i32 to vector<16xi32>
        %add3A_180 = arith.addi %mul3A_162, %add3A_179 : vector<16xi32>
        %and3A_181 = arith.constant 14 : i32
        %and3A_182 = vector.broadcast %and3A_181 : i32 to vector<16xi32>
        %and3A_183 = arith.andi %add3A_180, %and3A_182 : vector<16xi32>
        %scatter3A_184 = arith.constant 0 : i32
        %scatter3A_185 = arith.constant 0 : i32
        %scatter3A_186 = tpu.memref_slice %arg16[%and3A_81, %scatter3A_184, %scatter3A_185] : memref<2x128x16xf32, #tpu.memory_space<vmem>> -> memref<1x128x16xf32, #tpu.memory_space<vmem>>
        %scatter3A_187 = tpu.memref_squeeze %scatter3A_186 : memref<1x128x16xf32, #tpu.memory_space<vmem>> -> memref<128x16xf32, #tpu.memory_space<vmem>>
        tpu.vector_store_idx %scatter3A_187[%add3A_168, %and3A_183], %broadcast_in_dim3A_164 : memref<128x16xf32, #tpu.memory_space<vmem>>[vector<16xi32>, vector<16xi32>], vector<16xf32>,
        %add3A_188 = arith.constant 6 : i32
        %add3A_189 = vector.broadcast %add3A_188 : i32 to vector<16xi32>
        %add3A_190 = arith.addi %mul3A_162, %add3A_189 : vector<16xi32>
        %and3A_191 = arith.constant 14 : i32
        %and3A_192 = vector.broadcast %and3A_191 : i32 to vector<16xi32>
        %and3A_193 = arith.andi %add3A_190, %and3A_192 : vector<16xi32>
        %scatter3A_194 = arith.constant 0 : i32
        %scatter3A_195 = arith.constant 0 : i32
        %scatter3A_196 = tpu.memref_slice %arg16[%and3A_81, %scatter3A_194, %scatter3A_195] : memref<2x128x16xf32, #tpu.memory_space<vmem>> -> memref<1x128x16xf32, #tpu.memory_space<vmem>>
        %scatter3A_197 = tpu.memref_squeeze %scatter3A_196 : memref<1x128x16xf32, #tpu.memory_space<vmem>> -> memref<128x16xf32, #tpu.memory_space<vmem>>
        tpu.vector_store_idx %scatter3A_197[%add3A_168, %and3A_193], %broadcast_in_dim3A_164 : memref<128x16xf32, #tpu.memory_space<vmem>>[vector<16xi32>, vector<16xi32>], vector<16xf32>,
        %add3A_198 = arith.constant 8 : i32
        %add3A_199 = vector.broadcast %add3A_198 : i32 to vector<16xi32>
        %add3A_200 = arith.addi %mul3A_162, %add3A_199 : vector<16xi32>
        %and3A_201 = arith.constant 14 : i32
        %and3A_202 = vector.broadcast %and3A_201 : i32 to vector<16xi32>
        %and3A_203 = arith.andi %add3A_200, %and3A_202 : vector<16xi32>
        %scatter3A_204 = arith.constant 0 : i32
        %scatter3A_205 = arith.constant 0 : i32
        %scatter3A_206 = tpu.memref_slice %arg16[%and3A_81, %scatter3A_204, %scatter3A_205] : memref<2x128x16xf32, #tpu.memory_space<vmem>> -> memref<1x128x16xf32, #tpu.memory_space<vmem>>
        %scatter3A_207 = tpu.memref_squeeze %scatter3A_206 : memref<1x128x16xf32, #tpu.memory_space<vmem>> -> memref<128x16xf32, #tpu.memory_space<vmem>>
        tpu.vector_store_idx %scatter3A_207[%add3A_168, %and3A_203], %broadcast_in_dim3A_164 : memref<128x16xf32, #tpu.memory_space<vmem>>[vector<16xi32>, vector<16xi32>], vector<16xf32>,
        %add3A_208 = arith.constant 10 : i32
        %add3A_209 = vector.broadcast %add3A_208 : i32 to vector<16xi32>
        %add3A_210 = arith.addi %mul3A_162, %add3A_209 : vector<16xi32>
        %and3A_211 = arith.constant 14 : i32
        %and3A_212 = vector.broadcast %and3A_211 : i32 to vector<16xi32>
        %and3A_213 = arith.andi %add3A_210, %and3A_212 : vector<16xi32>
        %scatter3A_214 = arith.constant 0 : i32
        %scatter3A_215 = arith.constant 0 : i32
        %scatter3A_216 = tpu.memref_slice %arg16[%and3A_81, %scatter3A_214, %scatter3A_215] : memref<2x128x16xf32, #tpu.memory_space<vmem>> -> memref<1x128x16xf32, #tpu.memory_space<vmem>>
        %scatter3A_217 = tpu.memref_squeeze %scatter3A_216 : memref<1x128x16xf32, #tpu.memory_space<vmem>> -> memref<128x16xf32, #tpu.memory_space<vmem>>
        tpu.vector_store_idx %scatter3A_217[%add3A_168, %and3A_213], %broadcast_in_dim3A_164 : memref<128x16xf32, #tpu.memory_space<vmem>>[vector<16xi32>, vector<16xi32>], vector<16xf32>,
        %add3A_218 = arith.constant 12 : i32
        %add3A_219 = vector.broadcast %add3A_218 : i32 to vector<16xi32>
        %add3A_220 = arith.addi %mul3A_162, %add3A_219 : vector<16xi32>
        %and3A_221 = arith.constant 14 : i32
        %and3A_222 = vector.broadcast %and3A_221 : i32 to vector<16xi32>
        %and3A_223 = arith.andi %add3A_220, %and3A_222 : vector<16xi32>
        %scatter3A_224 = arith.constant 0 : i32
        %scatter3A_225 = arith.constant 0 : i32
        %scatter3A_226 = tpu.memref_slice %arg16[%and3A_81, %scatter3A_224, %scatter3A_225] : memref<2x128x16xf32, #tpu.memory_space<vmem>> -> memref<1x128x16xf32, #tpu.memory_space<vmem>>
        %scatter3A_227 = tpu.memref_squeeze %scatter3A_226 : memref<1x128x16xf32, #tpu.memory_space<vmem>> -> memref<128x16xf32, #tpu.memory_space<vmem>>
        tpu.vector_store_idx %scatter3A_227[%add3A_168, %and3A_223], %broadcast_in_dim3A_164 : memref<128x16xf32, #tpu.memory_space<vmem>>[vector<16xi32>, vector<16xi32>], vector<16xf32>,
        %add3A_228 = arith.constant 14 : i32
        %add3A_229 = vector.broadcast %add3A_228 : i32 to vector<16xi32>
        %add3A_230 = arith.addi %mul3A_162, %add3A_229 : vector<16xi32>
        %and3A_231 = arith.constant 14 : i32
        %and3A_232 = vector.broadcast %and3A_231 : i32 to vector<16xi32>
        %and3A_233 = arith.andi %add3A_230, %and3A_232 : vector<16xi32>
        %scatter3A_234 = arith.constant 0 : i32
        %scatter3A_235 = arith.constant 0 : i32
        %scatter3A_236 = tpu.memref_slice %arg16[%and3A_81, %scatter3A_234, %scatter3A_235] : memref<2x128x16xf32, #tpu.memory_space<vmem>> -> memref<1x128x16xf32, #tpu.memory_space<vmem>>
        %scatter3A_237 = tpu.memref_squeeze %scatter3A_236 : memref<1x128x16xf32, #tpu.memory_space<vmem>> -> memref<128x16xf32, #tpu.memory_space<vmem>>
        tpu.vector_store_idx %scatter3A_237[%add3A_168, %and3A_233], %broadcast_in_dim3A_164 : memref<128x16xf32, #tpu.memory_space<vmem>>[vector<16xi32>, vector<16xi32>], vector<16xf32>,
        %scatter3A_238 = arith.constant 0 : i32
        %scatter3A_239 = arith.constant 0 : i32
        %scatter3A_240 = tpu.memref_slice %arg16[%and3A_81, %scatter3A_238, %scatter3A_239] : memref<2x128x16xf32, #tpu.memory_space<vmem>> -> memref<1x128x16xf32, #tpu.memory_space<vmem>>
        %scatter3A_241 = tpu.memref_squeeze %scatter3A_240 : memref<1x128x16xf32, #tpu.memory_space<vmem>> -> memref<128x16xf32, #tpu.memory_space<vmem>>
        tpu.vector_store_idx %scatter3A_241[%add3A_168, %mul3A_162], %exp3A : memref<128x16xf32, #tpu.memory_space<vmem>>[vector<16xi32>, vector<16xi32>], vector<16xf32>,
        %mul3A_242 = arith.constant 2 : i32
        %mul3A_243 = arith.muli %mul3A_242, %scan3A_132 : i32
        %add3A_244 = arith.constant 1 : i32
        %add3A_245 = arith.addi %mul3A_243, %add3A_244 : i32
        %mul3A_246 = arith.constant 16 : i32
        %mul3A_247 = arith.muli %add3A_245, %mul3A_246 : i32
        %get3A_248 = arith.index_cast %and3A_81 : i32 to index
        %get3A_249 = arith.index_cast %mul3A_247 : i32 to index
        %get3A_250 = tpu.vector_load %arg9[%get3A_248, %get3A_249] {strides = array<i32>} : memref<2x128xi32, #tpu.memory_space<vmem>>, vector<16xi32>,
        %mul3A_251 = arith.constant 16 : i32
        %mul3A_252 = arith.muli %add3A_245, %mul3A_251 : i32
        %get3A_253 = arith.index_cast %and3A_81 : i32 to index
        %get3A_254 = arith.index_cast %mul3A_252 : i32 to index
        %get3A_255 = tpu.vector_load %arg10[%get3A_253, %get3A_254] {strides = array<i32>} : memref<2x128xi32, #tpu.memory_space<vmem>>, vector<16xi32>,
        %gather3A_256 = tpu.vector_load_idx %arg13[%get3A_255] : memref<10016xf32, #tpu.memory_space<vmem>>[vector<16xi32>], vector<16xf32>,
        %gather3A_257 = tpu.vector_load_idx %arg12[%get3A_250] : memref<10016xf32, #tpu.memory_space<vmem>>[vector<16xi32>], vector<16xf32>,
        %add3A_258 = arith.addf %gather3A_257, %gather3A_256 : vector<16xf32>
        %mul3A_259 = arith.constant 2.000000e-01 : f32
        %mul3A_260 = vector.broadcast %mul3A_259 : f32 to vector<16xf32>
        %mul3A_261 = arith.mulf %mul3A_260, %add3A_258 : vector<16xf32>
        %max3A_262 = arith.maximumf %add3A_258, %mul3A_261 : vector<16xf32>
        %add3A_263 = arith.addf %gather3A, %gather3A_256 : vector<16xf32>
        %mul3A_264 = arith.constant 2.000000e-01 : f32
        %mul3A_265 = vector.broadcast %mul3A_264 : f32 to vector<16xf32>
        %mul3A_266 = arith.mulf %mul3A_265, %add3A_263 : vector<16xf32>
        %max3A_267 = arith.maximumf %add3A_263, %mul3A_266 : vector<16xf32>
        %sub3A_268 = arith.subf %max3A_262, %max3A_267 : vector<16xf32>
        %exp3A_269 = math.exp %sub3A_268 : vector<16xf32>
        %and3A_270 = arith.constant 7 : i32
        %and3A_271 = vector.broadcast %and3A_270 : i32 to vector<16xi32>
        %and3A_272 = arith.andi %get3A_255, %and3A_271 : vector<16xi32>
        %mul3A_273 = arith.constant 2 : i32
        %mul3A_274 = vector.broadcast %mul3A_273 : i32 to vector<16xi32>
        %mul3A_275 = arith.muli %and3A_272, %mul3A_274 : vector<16xi32>
        %broadcast_in_dim3A_276 = arith.constant 0.000000e+00 : f32
        %broadcast_in_dim3A_277 = vector.broadcast %broadcast_in_dim3A_276 : f32 to vector<16xf32>
        %mul3A_278 = arith.constant 16 : i32
        %mul3A_279 = arith.muli %add3A_245, %mul3A_278 : i32
        %add3A_280 = vector.broadcast %mul3A_279 : i32 to vector<16xi32>
        %add3A_281 = arith.addi %add3A_280, %iota3A : vector<16xi32>
        %add3A_282 = arith.constant 2 : i32
        %add3A_283 = vector.broadcast %add3A_282 : i32 to vector<16xi32>
        %add3A_284 = arith.addi %mul3A_275, %add3A_283 : vector<16xi32>
        %and3A_285 = arith.constant 14 : i32
        %and3A_286 = vector.broadcast %and3A_285 : i32 to vector<16xi32>
        %and3A_287 = arith.andi %add3A_284, %and3A_286 : vector<16xi32>
        %scatter3A_288 = arith.constant 0 : i32
        %scatter3A_289 = arith.constant 0 : i32
        %scatter3A_290 = tpu.memref_slice %arg16[%and3A_81, %scatter3A_288, %scatter3A_289] : memref<2x128x16xf32, #tpu.memory_space<vmem>> -> memref<1x128x16xf32, #tpu.memory_space<vmem>>
        %scatter3A_291 = tpu.memref_squeeze %scatter3A_290 : memref<1x128x16xf32, #tpu.memory_space<vmem>> -> memref<128x16xf32, #tpu.memory_space<vmem>>
        tpu.vector_store_idx %scatter3A_291[%add3A_281, %and3A_287], %broadcast_in_dim3A_277 : memref<128x16xf32, #tpu.memory_space<vmem>>[vector<16xi32>, vector<16xi32>], vector<16xf32>,
        %add3A_292 = arith.constant 4 : i32
        %add3A_293 = vector.broadcast %add3A_292 : i32 to vector<16xi32>
        %add3A_294 = arith.addi %mul3A_275, %add3A_293 : vector<16xi32>
        %and3A_295 = arith.constant 14 : i32
        %and3A_296 = vector.broadcast %and3A_295 : i32 to vector<16xi32>
        %and3A_297 = arith.andi %add3A_294, %and3A_296 : vector<16xi32>
        %scatter3A_298 = arith.constant 0 : i32
        %scatter3A_299 = arith.constant 0 : i32
        %scatter3A_300 = tpu.memref_slice %arg16[%and3A_81, %scatter3A_298, %scatter3A_299] : memref<2x128x16xf32, #tpu.memory_space<vmem>> -> memref<1x128x16xf32, #tpu.memory_space<vmem>>
        %scatter3A_301 = tpu.memref_squeeze %scatter3A_300 : memref<1x128x16xf32, #tpu.memory_space<vmem>> -> memref<128x16xf32, #tpu.memory_space<vmem>>
        tpu.vector_store_idx %scatter3A_301[%add3A_281, %and3A_297], %broadcast_in_dim3A_277 : memref<128x16xf32, #tpu.memory_space<vmem>>[vector<16xi32>, vector<16xi32>], vector<16xf32>,
        %add3A_302 = arith.constant 6 : i32
        %add3A_303 = vector.broadcast %add3A_302 : i32 to vector<16xi32>
        %add3A_304 = arith.addi %mul3A_275, %add3A_303 : vector<16xi32>
        %and3A_305 = arith.constant 14 : i32
        %and3A_306 = vector.broadcast %and3A_305 : i32 to vector<16xi32>
        %and3A_307 = arith.andi %add3A_304, %and3A_306 : vector<16xi32>
        %scatter3A_308 = arith.constant 0 : i32
        %scatter3A_309 = arith.constant 0 : i32
        %scatter3A_310 = tpu.memref_slice %arg16[%and3A_81, %scatter3A_308, %scatter3A_309] : memref<2x128x16xf32, #tpu.memory_space<vmem>> -> memref<1x128x16xf32, #tpu.memory_space<vmem>>
        %scatter3A_311 = tpu.memref_squeeze %scatter3A_310 : memref<1x128x16xf32, #tpu.memory_space<vmem>> -> memref<128x16xf32, #tpu.memory_space<vmem>>
        tpu.vector_store_idx %scatter3A_311[%add3A_281, %and3A_307], %broadcast_in_dim3A_277 : memref<128x16xf32, #tpu.memory_space<vmem>>[vector<16xi32>, vector<16xi32>], vector<16xf32>,
        %add3A_312 = arith.constant 8 : i32
        %add3A_313 = vector.broadcast %add3A_312 : i32 to vector<16xi32>
        %add3A_314 = arith.addi %mul3A_275, %add3A_313 : vector<16xi32>
        %and3A_315 = arith.constant 14 : i32
        %and3A_316 = vector.broadcast %and3A_315 : i32 to vector<16xi32>
        %and3A_317 = arith.andi %add3A_314, %and3A_316 : vector<16xi32>
        %scatter3A_318 = arith.constant 0 : i32
        %scatter3A_319 = arith.constant 0 : i32
        %scatter3A_320 = tpu.memref_slice %arg16[%and3A_81, %scatter3A_318, %scatter3A_319] : memref<2x128x16xf32, #tpu.memory_space<vmem>> -> memref<1x128x16xf32, #tpu.memory_space<vmem>>
        %scatter3A_321 = tpu.memref_squeeze %scatter3A_320 : memref<1x128x16xf32, #tpu.memory_space<vmem>> -> memref<128x16xf32, #tpu.memory_space<vmem>>
        tpu.vector_store_idx %scatter3A_321[%add3A_281, %and3A_317], %broadcast_in_dim3A_277 : memref<128x16xf32, #tpu.memory_space<vmem>>[vector<16xi32>, vector<16xi32>], vector<16xf32>,
        %add3A_322 = arith.constant 10 : i32
        %add3A_323 = vector.broadcast %add3A_322 : i32 to vector<16xi32>
        %add3A_324 = arith.addi %mul3A_275, %add3A_323 : vector<16xi32>
        %and3A_325 = arith.constant 14 : i32
        %and3A_326 = vector.broadcast %and3A_325 : i32 to vector<16xi32>
        %and3A_327 = arith.andi %add3A_324, %and3A_326 : vector<16xi32>
        %scatter3A_328 = arith.constant 0 : i32
        %scatter3A_329 = arith.constant 0 : i32
        %scatter3A_330 = tpu.memref_slice %arg16[%and3A_81, %scatter3A_328, %scatter3A_329] : memref<2x128x16xf32, #tpu.memory_space<vmem>> -> memref<1x128x16xf32, #tpu.memory_space<vmem>>
        %scatter3A_331 = tpu.memref_squeeze %scatter3A_330 : memref<1x128x16xf32, #tpu.memory_space<vmem>> -> memref<128x16xf32, #tpu.memory_space<vmem>>
        tpu.vector_store_idx %scatter3A_331[%add3A_281, %and3A_327], %broadcast_in_dim3A_277 : memref<128x16xf32, #tpu.memory_space<vmem>>[vector<16xi32>, vector<16xi32>], vector<16xf32>,
        %add3A_332 = arith.constant 12 : i32
        %add3A_333 = vector.broadcast %add3A_332 : i32 to vector<16xi32>
        %add3A_334 = arith.addi %mul3A_275, %add3A_333 : vector<16xi32>
        %and3A_335 = arith.constant 14 : i32
        %and3A_336 = vector.broadcast %and3A_335 : i32 to vector<16xi32>
        %and3A_337 = arith.andi %add3A_334, %and3A_336 : vector<16xi32>
        %scatter3A_338 = arith.constant 0 : i32
        %scatter3A_339 = arith.constant 0 : i32
        %scatter3A_340 = tpu.memref_slice %arg16[%and3A_81, %scatter3A_338, %scatter3A_339] : memref<2x128x16xf32, #tpu.memory_space<vmem>> -> memref<1x128x16xf32, #tpu.memory_space<vmem>>
        %scatter3A_341 = tpu.memref_squeeze %scatter3A_340 : memref<1x128x16xf32, #tpu.memory_space<vmem>> -> memref<128x16xf32, #tpu.memory_space<vmem>>
        tpu.vector_store_idx %scatter3A_341[%add3A_281, %and3A_337], %broadcast_in_dim3A_277 : memref<128x16xf32, #tpu.memory_space<vmem>>[vector<16xi32>, vector<16xi32>], vector<16xf32>,
        %add3A_342 = arith.constant 14 : i32
        %add3A_343 = vector.broadcast %add3A_342 : i32 to vector<16xi32>
        %add3A_344 = arith.addi %mul3A_275, %add3A_343 : vector<16xi32>
        %and3A_345 = arith.constant 14 : i32
        %and3A_346 = vector.broadcast %and3A_345 : i32 to vector<16xi32>
        %and3A_347 = arith.andi %add3A_344, %and3A_346 : vector<16xi32>
        %scatter3A_348 = arith.constant 0 : i32
        %scatter3A_349 = arith.constant 0 : i32
        %scatter3A_350 = tpu.memref_slice %arg16[%and3A_81, %scatter3A_348, %scatter3A_349] : memref<2x128x16xf32, #tpu.memory_space<vmem>> -> memref<1x128x16xf32, #tpu.memory_space<vmem>>
        %scatter3A_351 = tpu.memref_squeeze %scatter3A_350 : memref<1x128x16xf32, #tpu.memory_space<vmem>> -> memref<128x16xf32, #tpu.memory_space<vmem>>
        tpu.vector_store_idx %scatter3A_351[%add3A_281, %and3A_347], %broadcast_in_dim3A_277 : memref<128x16xf32, #tpu.memory_space<vmem>>[vector<16xi32>, vector<16xi32>], vector<16xf32>,
        %scatter3A_352 = arith.constant 0 : i32
        %scatter3A_353 = arith.constant 0 : i32
        %scatter3A_354 = tpu.memref_slice %arg16[%and3A_81, %scatter3A_352, %scatter3A_353] : memref<2x128x16xf32, #tpu.memory_space<vmem>> -> memref<1x128x16xf32, #tpu.memory_space<vmem>>
        %scatter3A_355 = tpu.memref_squeeze %scatter3A_354 : memref<1x128x16xf32, #tpu.memory_space<vmem>> -> memref<128x16xf32, #tpu.memory_space<vmem>>
        tpu.vector_store_idx %scatter3A_355[%add3A_281, %mul3A_275], %exp3A_269 : memref<128x16xf32, #tpu.memory_space<vmem>>[vector<16xi32>, vector<16xi32>], vector<16xf32>,
      }
      %scan3A_95 = arith.constant 4 : i32
      %dma_wait3A_96 = arith.constant 0 : i32
      %dma_wait3A_97 = arith.constant 0 : i32
      %dma_wait3A_98 = tpu.memref_slice %arg14[%and3A_81, %dma_wait3A_96, %dma_wait3A_97] : memref<2x128x64xi16, #tpu.memory_space<vmem>> -> memref<1x128x64xi16, #tpu.memory_space<vmem>>
      %dma_wait3A_99 = tpu.memref_squeeze %dma_wait3A_98 : memref<1x128x64xi16, #tpu.memory_space<vmem>> -> memref<128x64xi16, #tpu.memory_space<vmem>>
      %dma_wait3A_100 = arith.constant 0 : i32
      %dma_wait3A_101 = tpu.memref_slice %arg9[%and3A_81, %dma_wait3A_100] : memref<2x128xi32, #tpu.memory_space<vmem>> -> memref<1x128xi32, #tpu.memory_space<vmem>>
      %dma_wait3A_102 = tpu.memref_squeeze %dma_wait3A_101 : memref<1x128xi32, #tpu.memory_space<vmem>> -> memref<128xi32, #tpu.memory_space<vmem>>
      %dma_wait3A_103 = arith.constant 0 : i32
      %dma_wait3A_104 = arith.constant 0 : i32
      %dma_wait3A_105 = tpu.memref_slice %arg19[%dma_wait3A_103, %dma_wait3A_104] : memref<10016x64xi16, #tpu.memory_space<vmem_shared>> -> memref<10016x64xi16, #tpu.memory_space<vmem_shared>>
      tpu.wait_indirect_dma semaphore(%arg20 : memref<!tpu.dma_semaphore, #tpu.memory_space<semaphore_mem>>) src(%dma_wait3A_105 : memref<10016x64xi16, #tpu.memory_space<vmem_shared>>) dst(%dma_wait3A_99 : memref<128x64xi16, #tpu.memory_space<vmem>>)
      %scan3A_106 = arith.constant 0 : i32
      %scan3A_107 = arith.constant 0 : i32
      %scan3A_108 = arith.constant 32 : i32
      %scan3A_109 = arith.addi %scan3A_107, %scan3A_108 : i32
      %scan3A_110 = arith.constant 1 : i32
      scf.for %scan3A_132 = %scan3A_107 to %scan3A_109 step %scan3A_110  : i32 {
        %mul3A_133 = arith.constant 4 : i32
        %mul3A_134 = arith.muli %mul3A_133, %scan3A_132 : i32
        %add3A_135 = arith.constant 0 : i32
        %add3A_136 = arith.addi %mul3A_134, %add3A_135 : i32
        %broadcast_in_dim3A_137 = vector.broadcast %add3A_136 : i32 to vector<16xi32>
        %gather3A_138 = arith.constant 0 : i32
        %gather3A_139 = arith.constant 0 : i32
        %gather3A_140 = tpu.memref_slice %arg16[%and3A_81, %gather3A_138, %gather3A_139] : memref<2x128x16xf32, #tpu.memory_space<vmem>> -> memref<1x128x16xf32, #tpu.memory_space<vmem>>
        %gather3A_141 = tpu.memref_squeeze %gather3A_140 : memref<1x128x16xf32, #tpu.memory_space<vmem>> -> memref<128x16xf32, #tpu.memory_space<vmem>>
        %gather3A_142 = tpu.vector_load_idx %gather3A_141[%broadcast_in_dim3A_137, %broadcast_in_dim3A_25] : memref<128x16xf32, #tpu.memory_space<vmem>>[vector<16xi32>, vector<16xi32>], vector<16xf32>,
        %get3A = arith.index_cast %and3A_81 : i32 to index
        %get3A_143 = arith.index_cast %add3A_136 : i32 to index
        %get3A_144 = arith.constant 0 : index
        %get3A_145 = tpu.vector_load %arg14[%get3A, %get3A_143, %get3A_144] {strides = array<i32>} : memref<2x128x64xi16, #tpu.memory_space<vmem>>, vector<32xi16>,
        %unpack3A = tpu.unpack_subelements %get3A_145, 0 {pack_format = #tpu.pack_format<interleaved>} : vector<32xi16> -> vector<16xi32>
        %unpack3A_146 = tpu.unpack_subelements %get3A_145, 1 {pack_format = #tpu.pack_format<interleaved>} : vector<32xi16> -> vector<16xi32>
        %get3A_147 = arith.index_cast %and3A_81 : i32 to index
        %get3A_148 = arith.index_cast %add3A_136 : i32 to index
        %get3A_149 = arith.constant 32 : index
        %get3A_150 = tpu.vector_load %arg14[%get3A_147, %get3A_148, %get3A_149] {strides = array<i32>} : memref<2x128x64xi16, #tpu.memory_space<vmem>>, vector<32xi16>,
        %unpack3A_151 = tpu.unpack_subelements %get3A_150, 0 {pack_format = #tpu.pack_format<interleaved>} : vector<32xi16> -> vector<16xi32>
        %unpack3A_152 = tpu.unpack_subelements %get3A_150, 1 {pack_format = #tpu.pack_format<interleaved>} : vector<32xi16> -> vector<16xi32>
        %mul3A_153 = arith.constant 4 : i32
        %mul3A_154 = arith.muli %mul3A_153, %scan3A_132 : i32
        %add3A_155 = arith.constant 1 : i32
        %add3A_156 = arith.addi %mul3A_154, %add3A_155 : i32
        %broadcast_in_dim3A_157 = vector.broadcast %add3A_156 : i32 to vector<16xi32>
        %gather3A_158 = arith.constant 0 : i32
        %gather3A_159 = arith.constant 0 : i32
        %gather3A_160 = tpu.memref_slice %arg16[%and3A_81, %gather3A_158, %gather3A_159] : memref<2x128x16xf32, #tpu.memory_space<vmem>> -> memref<1x128x16xf32, #tpu.memory_space<vmem>>
        %gather3A_161 = tpu.memref_squeeze %gather3A_160 : memref<1x128x16xf32, #tpu.memory_space<vmem>> -> memref<128x16xf32, #tpu.memory_space<vmem>>
        %gather3A_162 = tpu.vector_load_idx %gather3A_161[%broadcast_in_dim3A_157, %broadcast_in_dim3A_25] : memref<128x16xf32, #tpu.memory_space<vmem>>[vector<16xi32>, vector<16xi32>], vector<16xf32>,
        %get3A_163 = arith.index_cast %and3A_81 : i32 to index
        %get3A_164 = arith.index_cast %add3A_156 : i32 to index
        %get3A_165 = arith.constant 0 : index
        %get3A_166 = tpu.vector_load %arg14[%get3A_163, %get3A_164, %get3A_165] {strides = array<i32>} : memref<2x128x64xi16, #tpu.memory_space<vmem>>, vector<32xi16>,
        %unpack3A_167 = tpu.unpack_subelements %get3A_166, 0 {pack_format = #tpu.pack_format<interleaved>} : vector<32xi16> -> vector<16xi32>
        %unpack3A_168 = tpu.unpack_subelements %get3A_166, 1 {pack_format = #tpu.pack_format<interleaved>} : vector<32xi16> -> vector<16xi32>
        %get3A_169 = arith.index_cast %and3A_81 : i32 to index
        %get3A_170 = arith.index_cast %add3A_156 : i32 to index
        %get3A_171 = arith.constant 32 : index
        %get3A_172 = tpu.vector_load %arg14[%get3A_169, %get3A_170, %get3A_171] {strides = array<i32>} : memref<2x128x64xi16, #tpu.memory_space<vmem>>, vector<32xi16>,
        %unpack3A_173 = tpu.unpack_subelements %get3A_172, 0 {pack_format = #tpu.pack_format<interleaved>} : vector<32xi16> -> vector<16xi32>
        %unpack3A_174 = tpu.unpack_subelements %get3A_172, 1 {pack_format = #tpu.pack_format<interleaved>} : vector<32xi16> -> vector<16xi32>
        %mul3A_175 = arith.constant 4 : i32
        %mul3A_176 = arith.muli %mul3A_175, %scan3A_132 : i32
        %add3A_177 = arith.constant 2 : i32
        %add3A_178 = arith.addi %mul3A_176, %add3A_177 : i32
        %broadcast_in_dim3A_179 = vector.broadcast %add3A_178 : i32 to vector<16xi32>
        %gather3A_180 = arith.constant 0 : i32
        %gather3A_181 = arith.constant 0 : i32
        %gather3A_182 = tpu.memref_slice %arg16[%and3A_81, %gather3A_180, %gather3A_181] : memref<2x128x16xf32, #tpu.memory_space<vmem>> -> memref<1x128x16xf32, #tpu.memory_space<vmem>>
        %gather3A_183 = tpu.memref_squeeze %gather3A_182 : memref<1x128x16xf32, #tpu.memory_space<vmem>> -> memref<128x16xf32, #tpu.memory_space<vmem>>
        %gather3A_184 = tpu.vector_load_idx %gather3A_183[%broadcast_in_dim3A_179, %broadcast_in_dim3A_25] : memref<128x16xf32, #tpu.memory_space<vmem>>[vector<16xi32>, vector<16xi32>], vector<16xf32>,
        %get3A_185 = arith.index_cast %and3A_81 : i32 to index
        %get3A_186 = arith.index_cast %add3A_178 : i32 to index
        %get3A_187 = arith.constant 0 : index
        %get3A_188 = tpu.vector_load %arg14[%get3A_185, %get3A_186, %get3A_187] {strides = array<i32>} : memref<2x128x64xi16, #tpu.memory_space<vmem>>, vector<32xi16>,
        %unpack3A_189 = tpu.unpack_subelements %get3A_188, 0 {pack_format = #tpu.pack_format<interleaved>} : vector<32xi16> -> vector<16xi32>
        %unpack3A_190 = tpu.unpack_subelements %get3A_188, 1 {pack_format = #tpu.pack_format<interleaved>} : vector<32xi16> -> vector<16xi32>
        %get3A_191 = arith.index_cast %and3A_81 : i32 to index
        %get3A_192 = arith.index_cast %add3A_178 : i32 to index
        %get3A_193 = arith.constant 32 : index
        %get3A_194 = tpu.vector_load %arg14[%get3A_191, %get3A_192, %get3A_193] {strides = array<i32>} : memref<2x128x64xi16, #tpu.memory_space<vmem>>, vector<32xi16>,
        %unpack3A_195 = tpu.unpack_subelements %get3A_194, 0 {pack_format = #tpu.pack_format<interleaved>} : vector<32xi16> -> vector<16xi32>
        %unpack3A_196 = tpu.unpack_subelements %get3A_194, 1 {pack_format = #tpu.pack_format<interleaved>} : vector<32xi16> -> vector<16xi32>
        %mul3A_197 = arith.constant 4 : i32
        %mul3A_198 = arith.muli %mul3A_197, %scan3A_132 : i32
        %add3A_199 = arith.constant 3 : i32
        %add3A_200 = arith.addi %mul3A_198, %add3A_199 : i32
        %broadcast_in_dim3A_201 = vector.broadcast %add3A_200 : i32 to vector<16xi32>
        %gather3A_202 = arith.constant 0 : i32
        %gather3A_203 = arith.constant 0 : i32
        %gather3A_204 = tpu.memref_slice %arg16[%and3A_81, %gather3A_202, %gather3A_203] : memref<2x128x16xf32, #tpu.memory_space<vmem>> -> memref<1x128x16xf32, #tpu.memory_space<vmem>>
        %gather3A_205 = tpu.memref_squeeze %gather3A_204 : memref<1x128x16xf32, #tpu.memory_space<vmem>> -> memref<128x16xf32, #tpu.memory_space<vmem>>
        %gather3A_206 = tpu.vector_load_idx %gather3A_205[%broadcast_in_dim3A_201, %broadcast_in_dim3A_25] : memref<128x16xf32, #tpu.memory_space<vmem>>[vector<16xi32>, vector<16xi32>], vector<16xf32>,
        %get3A_207 = arith.index_cast %and3A_81 : i32 to index
        %get3A_208 = arith.index_cast %add3A_200 : i32 to index
        %get3A_209 = arith.constant 0 : index
        %get3A_210 = tpu.vector_load %arg14[%get3A_207, %get3A_208, %get3A_209] {strides = array<i32>} : memref<2x128x64xi16, #tpu.memory_space<vmem>>, vector<32xi16>,
        %unpack3A_211 = tpu.unpack_subelements %get3A_210, 0 {pack_format = #tpu.pack_format<interleaved>} : vector<32xi16> -> vector<16xi32>
        %unpack3A_212 = tpu.unpack_subelements %get3A_210, 1 {pack_format = #tpu.pack_format<interleaved>} : vector<32xi16> -> vector<16xi32>
        %get3A_213 = arith.index_cast %and3A_81 : i32 to index
        %get3A_214 = arith.index_cast %add3A_200 : i32 to index
        %get3A_215 = arith.constant 32 : index
        %get3A_216 = tpu.vector_load %arg14[%get3A_213, %get3A_214, %get3A_215] {strides = array<i32>} : memref<2x128x64xi16, #tpu.memory_space<vmem>>, vector<32xi16>,
        %unpack3A_217 = tpu.unpack_subelements %get3A_216, 0 {pack_format = #tpu.pack_format<interleaved>} : vector<32xi16> -> vector<16xi32>
        %unpack3A_218 = tpu.unpack_subelements %get3A_216, 1 {pack_format = #tpu.pack_format<interleaved>} : vector<32xi16> -> vector<16xi32>
        %mul3A_219 = arith.constant 4 : i32
        %mul3A_220 = arith.muli %mul3A_219, %scan3A_132 : i32
        %add3A_221 = arith.constant 0 : i32
        %add3A_222 = arith.addi %mul3A_220, %add3A_221 : i32
        %add3A_223 = arith.constant 0 : i32
        %add3A_224 = vector.broadcast %add3A_223 : i32 to vector<16xi32>
        %add3A_225 = arith.addi %add3A_224, %mul3A_29 : vector<16xi32>
        %and3A_226 = arith.constant 32767 : i32
        %and3A_227 = vector.broadcast %and3A_226 : i32 to vector<16xi32>
        %and3A_228 = arith.andi %unpack3A, %and3A_227 : vector<16xi32>
        %shift_left3A = arith.constant 13 : i32
        %shift_left3A_229 = vector.broadcast %shift_left3A : i32 to vector<16xi32>
        %shift_left3A_230 = arith.shli %and3A_228, %shift_left3A_229 : vector<16xi32>
        %add3A_231 = arith.constant 939524096 : i32
        %add3A_232 = vector.broadcast %add3A_231 : i32 to vector<16xi32>
        %add3A_233 = arith.addi %shift_left3A_230, %add3A_232 : vector<16xi32>
        %and3A_234 = arith.constant 32768 : i32
        %and3A_235 = vector.broadcast %and3A_234 : i32 to vector<16xi32>
        %and3A_236 = arith.andi %unpack3A, %and3A_235 : vector<16xi32>
        %shift_left3A_237 = arith.constant 16 : i32
        %shift_left3A_238 = vector.broadcast %shift_left3A_237 : i32 to vector<16xi32>
        %shift_left3A_239 = arith.shli %and3A_236, %shift_left3A_238 : vector<16xi32>
        %or3A = arith.ori %add3A_233, %shift_left3A_239 : vector<16xi32>
        %bitcast3A = vector.bitcast %or3A : vector<16xi32> to vector<16xf32>
        %mul3A_240 = arith.mulf %bitcast3A, %gather3A_142 : vector<16xf32>
        %scatter3A = arith.constant 0 : i32
        %scatter3A_241 = arith.constant 0 : i32
        %scatter3A_242 = tpu.memref_slice %arg15[%and3A_81, %scatter3A, %scatter3A_241] : memref<2x128x64xf32, #tpu.memory_space<vmem>> -> memref<1x128x64xf32, #tpu.memory_space<vmem>>
        %scatter3A_243 = tpu.memref_squeeze %scatter3A_242 : memref<1x128x64xf32, #tpu.memory_space<vmem>> -> memref<128x64xf32, #tpu.memory_space<vmem>>
        %scatter3A_244 = arith.constant 0 : i32
        %scatter3A_245 = tpu.memref_slice %scatter3A_243[%add3A_222, %scatter3A_244] : memref<128x64xf32, #tpu.memory_space<vmem>> -> memref<1x64xf32, #tpu.memory_space<vmem>>
        %scatter3A_246 = tpu.memref_squeeze %scatter3A_245 : memref<1x64xf32, #tpu.memory_space<vmem>> -> memref<64xf32, #tpu.memory_space<vmem>>
        tpu.vector_store_idx %scatter3A_246[%add3A_225], %mul3A_240 : memref<64xf32, #tpu.memory_space<vmem>>[vector<16xi32>], vector<16xf32>,
        %add3A_247 = arith.constant 0 : i32
        %add3A_248 = vector.broadcast %add3A_247 : i32 to vector<16xi32>
        %add3A_249 = arith.addi %add3A_248, %add3A_32 : vector<16xi32>
        %and3A_250 = arith.constant 32767 : i32
        %and3A_251 = vector.broadcast %and3A_250 : i32 to vector<16xi32>
        %and3A_252 = arith.andi %unpack3A_146, %and3A_251 : vector<16xi32>
        %shift_left3A_253 = arith.constant 13 : i32
        %shift_left3A_254 = vector.broadcast %shift_left3A_253 : i32 to vector<16xi32>
        %shift_left3A_255 = arith.shli %and3A_252, %shift_left3A_254 : vector<16xi32>
        %add3A_256 = arith.constant 939524096 : i32
        %add3A_257 = vector.broadcast %add3A_256 : i32 to vector<16xi32>
        %add3A_258 = arith.addi %shift_left3A_255, %add3A_257 : vector<16xi32>
        %and3A_259 = arith.constant 32768 : i32
        %and3A_260 = vector.broadcast %and3A_259 : i32 to vector<16xi32>
        %and3A_261 = arith.andi %unpack3A_146, %and3A_260 : vector<16xi32>
        %shift_left3A_262 = arith.constant 16 : i32
        %shift_left3A_263 = vector.broadcast %shift_left3A_262 : i32 to vector<16xi32>
        %shift_left3A_264 = arith.shli %and3A_261, %shift_left3A_263 : vector<16xi32>
        %or3A_265 = arith.ori %add3A_258, %shift_left3A_264 : vector<16xi32>
        %bitcast3A_266 = vector.bitcast %or3A_265 : vector<16xi32> to vector<16xf32>
        %mul3A_267 = arith.mulf %bitcast3A_266, %gather3A_142 : vector<16xf32>
        %scatter3A_268 = arith.constant 0 : i32
        %scatter3A_269 = arith.constant 0 : i32
        %scatter3A_270 = tpu.memref_slice %arg15[%and3A_81, %scatter3A_268, %scatter3A_269] : memref<2x128x64xf32, #tpu.memory_space<vmem>> -> memref<1x128x64xf32, #tpu.memory_space<vmem>>
        %scatter3A_271 = tpu.memref_squeeze %scatter3A_270 : memref<1x128x64xf32, #tpu.memory_space<vmem>> -> memref<128x64xf32, #tpu.memory_space<vmem>>
        %scatter3A_272 = arith.constant 0 : i32
        %scatter3A_273 = tpu.memref_slice %scatter3A_271[%add3A_222, %scatter3A_272] : memref<128x64xf32, #tpu.memory_space<vmem>> -> memref<1x64xf32, #tpu.memory_space<vmem>>
        %scatter3A_274 = tpu.memref_squeeze %scatter3A_273 : memref<1x64xf32, #tpu.memory_space<vmem>> -> memref<64xf32, #tpu.memory_space<vmem>>
        tpu.vector_store_idx %scatter3A_274[%add3A_249], %mul3A_267 : memref<64xf32, #tpu.memory_space<vmem>>[vector<16xi32>], vector<16xf32>,
        %add3A_275 = arith.constant 32 : i32
        %add3A_276 = vector.broadcast %add3A_275 : i32 to vector<16xi32>
        %add3A_277 = arith.addi %add3A_276, %mul3A_29 : vector<16xi32>
        %and3A_278 = arith.constant 32767 : i32
        %and3A_279 = vector.broadcast %and3A_278 : i32 to vector<16xi32>
        %and3A_280 = arith.andi %unpack3A_151, %and3A_279 : vector<16xi32>
        %shift_left3A_281 = arith.constant 13 : i32
        %shift_left3A_282 = vector.broadcast %shift_left3A_281 : i32 to vector<16xi32>
        %shift_left3A_283 = arith.shli %and3A_280, %shift_left3A_282 : vector<16xi32>
        %add3A_284 = arith.constant 939524096 : i32
        %add3A_285 = vector.broadcast %add3A_284 : i32 to vector<16xi32>
        %add3A_286 = arith.addi %shift_left3A_283, %add3A_285 : vector<16xi32>
        %and3A_287 = arith.constant 32768 : i32
        %and3A_288 = vector.broadcast %and3A_287 : i32 to vector<16xi32>
        %and3A_289 = arith.andi %unpack3A_151, %and3A_288 : vector<16xi32>
        %shift_left3A_290 = arith.constant 16 : i32
        %shift_left3A_291 = vector.broadcast %shift_left3A_290 : i32 to vector<16xi32>
        %shift_left3A_292 = arith.shli %and3A_289, %shift_left3A_291 : vector<16xi32>
        %or3A_293 = arith.ori %add3A_286, %shift_left3A_292 : vector<16xi32>
        %bitcast3A_294 = vector.bitcast %or3A_293 : vector<16xi32> to vector<16xf32>
        %mul3A_295 = arith.mulf %bitcast3A_294, %gather3A_142 : vector<16xf32>
        %scatter3A_296 = arith.constant 0 : i32
        %scatter3A_297 = arith.constant 0 : i32
        %scatter3A_298 = tpu.memref_slice %arg15[%and3A_81, %scatter3A_296, %scatter3A_297] : memref<2x128x64xf32, #tpu.memory_space<vmem>> -> memref<1x128x64xf32, #tpu.memory_space<vmem>>
        %scatter3A_299 = tpu.memref_squeeze %scatter3A_298 : memref<1x128x64xf32, #tpu.memory_space<vmem>> -> memref<128x64xf32, #tpu.memory_space<vmem>>
        %scatter3A_300 = arith.constant 0 : i32
        %scatter3A_301 = tpu.memref_slice %scatter3A_299[%add3A_222, %scatter3A_300] : memref<128x64xf32, #tpu.memory_space<vmem>> -> memref<1x64xf32, #tpu.memory_space<vmem>>
        %scatter3A_302 = tpu.memref_squeeze %scatter3A_301 : memref<1x64xf32, #tpu.memory_space<vmem>> -> memref<64xf32, #tpu.memory_space<vmem>>
        tpu.vector_store_idx %scatter3A_302[%add3A_277], %mul3A_295 : memref<64xf32, #tpu.memory_space<vmem>>[vector<16xi32>], vector<16xf32>,
        %add3A_303 = arith.constant 32 : i32
        %add3A_304 = vector.broadcast %add3A_303 : i32 to vector<16xi32>
        %add3A_305 = arith.addi %add3A_304, %add3A_32 : vector<16xi32>
        %and3A_306 = arith.constant 32767 : i32
        %and3A_307 = vector.broadcast %and3A_306 : i32 to vector<16xi32>
        %and3A_308 = arith.andi %unpack3A_152, %and3A_307 : vector<16xi32>
        %shift_left3A_309 = arith.constant 13 : i32
        %shift_left3A_310 = vector.broadcast %shift_left3A_309 : i32 to vector<16xi32>
        %shift_left3A_311 = arith.shli %and3A_308, %shift_left3A_310 : vector<16xi32>
        %add3A_312 = arith.constant 939524096 : i32
        %add3A_313 = vector.broadcast %add3A_312 : i32 to vector<16xi32>
        %add3A_314 = arith.addi %shift_left3A_311, %add3A_313 : vector<16xi32>
        %and3A_315 = arith.constant 32768 : i32
        %and3A_316 = vector.broadcast %and3A_315 : i32 to vector<16xi32>
        %and3A_317 = arith.andi %unpack3A_152, %and3A_316 : vector<16xi32>
        %shift_left3A_318 = arith.constant 16 : i32
        %shift_left3A_319 = vector.broadcast %shift_left3A_318 : i32 to vector<16xi32>
        %shift_left3A_320 = arith.shli %and3A_317, %shift_left3A_319 : vector<16xi32>
        %or3A_321 = arith.ori %add3A_314, %shift_left3A_320 : vector<16xi32>
        %bitcast3A_322 = vector.bitcast %or3A_321 : vector<16xi32> to vector<16xf32>
        %mul3A_323 = arith.mulf %bitcast3A_322, %gather3A_142 : vector<16xf32>
        %scatter3A_324 = arith.constant 0 : i32
        %scatter3A_325 = arith.constant 0 : i32
        %scatter3A_326 = tpu.memref_slice %arg15[%and3A_81, %scatter3A_324, %scatter3A_325] : memref<2x128x64xf32, #tpu.memory_space<vmem>> -> memref<1x128x64xf32, #tpu.memory_space<vmem>>
        %scatter3A_327 = tpu.memref_squeeze %scatter3A_326 : memref<1x128x64xf32, #tpu.memory_space<vmem>> -> memref<128x64xf32, #tpu.memory_space<vmem>>
        %scatter3A_328 = arith.constant 0 : i32
        %scatter3A_329 = tpu.memref_slice %scatter3A_327[%add3A_222, %scatter3A_328] : memref<128x64xf32, #tpu.memory_space<vmem>> -> memref<1x64xf32, #tpu.memory_space<vmem>>
        %scatter3A_330 = tpu.memref_squeeze %scatter3A_329 : memref<1x64xf32, #tpu.memory_space<vmem>> -> memref<64xf32, #tpu.memory_space<vmem>>
        tpu.vector_store_idx %scatter3A_330[%add3A_305], %mul3A_323 : memref<64xf32, #tpu.memory_space<vmem>>[vector<16xi32>], vector<16xf32>,
        %mul3A_331 = arith.constant 4 : i32
        %mul3A_332 = arith.muli %mul3A_331, %scan3A_132 : i32
        %add3A_333 = arith.constant 1 : i32
        %add3A_334 = arith.addi %mul3A_332, %add3A_333 : i32
        %add3A_335 = arith.constant 0 : i32
        %add3A_336 = vector.broadcast %add3A_335 : i32 to vector<16xi32>
        %add3A_337 = arith.addi %add3A_336, %mul3A_29 : vector<16xi32>
        %and3A_338 = arith.constant 32767 : i32
        %and3A_339 = vector.broadcast %and3A_338 : i32 to vector<16xi32>
        %and3A_340 = arith.andi %unpack3A_167, %and3A_339 : vector<16xi32>
        %shift_left3A_341 = arith.constant 13 : i32
        %shift_left3A_342 = vector.broadcast %shift_left3A_341 : i32 to vector<16xi32>
        %shift_left3A_343 = arith.shli %and3A_340, %shift_left3A_342 : vector<16xi32>
        %add3A_344 = arith.constant 939524096 : i32
        %add3A_345 = vector.broadcast %add3A_344 : i32 to vector<16xi32>
        %add3A_346 = arith.addi %shift_left3A_343, %add3A_345 : vector<16xi32>
        %and3A_347 = arith.constant 32768 : i32
        %and3A_348 = vector.broadcast %and3A_347 : i32 to vector<16xi32>
        %and3A_349 = arith.andi %unpack3A_167, %and3A_348 : vector<16xi32>
        %shift_left3A_350 = arith.constant 16 : i32
        %shift_left3A_351 = vector.broadcast %shift_left3A_350 : i32 to vector<16xi32>
        %shift_left3A_352 = arith.shli %and3A_349, %shift_left3A_351 : vector<16xi32>
        %or3A_353 = arith.ori %add3A_346, %shift_left3A_352 : vector<16xi32>
        %bitcast3A_354 = vector.bitcast %or3A_353 : vector<16xi32> to vector<16xf32>
        %mul3A_355 = arith.mulf %bitcast3A_354, %gather3A_162 : vector<16xf32>
        %scatter3A_356 = arith.constant 0 : i32
        %scatter3A_357 = arith.constant 0 : i32
        %scatter3A_358 = tpu.memref_slice %arg15[%and3A_81, %scatter3A_356, %scatter3A_357] : memref<2x128x64xf32, #tpu.memory_space<vmem>> -> memref<1x128x64xf32, #tpu.memory_space<vmem>>
        %scatter3A_359 = tpu.memref_squeeze %scatter3A_358 : memref<1x128x64xf32, #tpu.memory_space<vmem>> -> memref<128x64xf32, #tpu.memory_space<vmem>>
        %scatter3A_360 = arith.constant 0 : i32
        %scatter3A_361 = tpu.memref_slice %scatter3A_359[%add3A_334, %scatter3A_360] : memref<128x64xf32, #tpu.memory_space<vmem>> -> memref<1x64xf32, #tpu.memory_space<vmem>>
        %scatter3A_362 = tpu.memref_squeeze %scatter3A_361 : memref<1x64xf32, #tpu.memory_space<vmem>> -> memref<64xf32, #tpu.memory_space<vmem>>
        tpu.vector_store_idx %scatter3A_362[%add3A_337], %mul3A_355 : memref<64xf32, #tpu.memory_space<vmem>>[vector<16xi32>], vector<16xf32>,
        %add3A_363 = arith.constant 0 : i32
        %add3A_364 = vector.broadcast %add3A_363 : i32 to vector<16xi32>
        %add3A_365 = arith.addi %add3A_364, %add3A_32 : vector<16xi32>
        %and3A_366 = arith.constant 32767 : i32
        %and3A_367 = vector.broadcast %and3A_366 : i32 to vector<16xi32>
        %and3A_368 = arith.andi %unpack3A_168, %and3A_367 : vector<16xi32>
        %shift_left3A_369 = arith.constant 13 : i32
        %shift_left3A_370 = vector.broadcast %shift_left3A_369 : i32 to vector<16xi32>
        %shift_left3A_371 = arith.shli %and3A_368, %shift_left3A_370 : vector<16xi32>
        %add3A_372 = arith.constant 939524096 : i32
        %add3A_373 = vector.broadcast %add3A_372 : i32 to vector<16xi32>
        %add3A_374 = arith.addi %shift_left3A_371, %add3A_373 : vector<16xi32>
        %and3A_375 = arith.constant 32768 : i32
        %and3A_376 = vector.broadcast %and3A_375 : i32 to vector<16xi32>
        %and3A_377 = arith.andi %unpack3A_168, %and3A_376 : vector<16xi32>
        %shift_left3A_378 = arith.constant 16 : i32
        %shift_left3A_379 = vector.broadcast %shift_left3A_378 : i32 to vector<16xi32>
        %shift_left3A_380 = arith.shli %and3A_377, %shift_left3A_379 : vector<16xi32>
        %or3A_381 = arith.ori %add3A_374, %shift_left3A_380 : vector<16xi32>
        %bitcast3A_382 = vector.bitcast %or3A_381 : vector<16xi32> to vector<16xf32>
        %mul3A_383 = arith.mulf %bitcast3A_382, %gather3A_162 : vector<16xf32>
        %scatter3A_384 = arith.constant 0 : i32
        %scatter3A_385 = arith.constant 0 : i32
        %scatter3A_386 = tpu.memref_slice %arg15[%and3A_81, %scatter3A_384, %scatter3A_385] : memref<2x128x64xf32, #tpu.memory_space<vmem>> -> memref<1x128x64xf32, #tpu.memory_space<vmem>>
        %scatter3A_387 = tpu.memref_squeeze %scatter3A_386 : memref<1x128x64xf32, #tpu.memory_space<vmem>> -> memref<128x64xf32, #tpu.memory_space<vmem>>
        %scatter3A_388 = arith.constant 0 : i32
        %scatter3A_389 = tpu.memref_slice %scatter3A_387[%add3A_334, %scatter3A_388] : memref<128x64xf32, #tpu.memory_space<vmem>> -> memref<1x64xf32, #tpu.memory_space<vmem>>
        %scatter3A_390 = tpu.memref_squeeze %scatter3A_389 : memref<1x64xf32, #tpu.memory_space<vmem>> -> memref<64xf32, #tpu.memory_space<vmem>>
        tpu.vector_store_idx %scatter3A_390[%add3A_365], %mul3A_383 : memref<64xf32, #tpu.memory_space<vmem>>[vector<16xi32>], vector<16xf32>,
        %add3A_391 = arith.constant 32 : i32
        %add3A_392 = vector.broadcast %add3A_391 : i32 to vector<16xi32>
        %add3A_393 = arith.addi %add3A_392, %mul3A_29 : vector<16xi32>
        %and3A_394 = arith.constant 32767 : i32
        %and3A_395 = vector.broadcast %and3A_394 : i32 to vector<16xi32>
        %and3A_396 = arith.andi %unpack3A_173, %and3A_395 : vector<16xi32>
        %shift_left3A_397 = arith.constant 13 : i32
        %shift_left3A_398 = vector.broadcast %shift_left3A_397 : i32 to vector<16xi32>
        %shift_left3A_399 = arith.shli %and3A_396, %shift_left3A_398 : vector<16xi32>
        %add3A_400 = arith.constant 939524096 : i32
        %add3A_401 = vector.broadcast %add3A_400 : i32 to vector<16xi32>
        %add3A_402 = arith.addi %shift_left3A_399, %add3A_401 : vector<16xi32>
        %and3A_403 = arith.constant 32768 : i32
        %and3A_404 = vector.broadcast %and3A_403 : i32 to vector<16xi32>
        %and3A_405 = arith.andi %unpack3A_173, %and3A_404 : vector<16xi32>
        %shift_left3A_406 = arith.constant 16 : i32
        %shift_left3A_407 = vector.broadcast %shift_left3A_406 : i32 to vector<16xi32>
        %shift_left3A_408 = arith.shli %and3A_405, %shift_left3A_407 : vector<16xi32>
        %or3A_409 = arith.ori %add3A_402, %shift_left3A_408 : vector<16xi32>
        %bitcast3A_410 = vector.bitcast %or3A_409 : vector<16xi32> to vector<16xf32>
        %mul3A_411 = arith.mulf %bitcast3A_410, %gather3A_162 : vector<16xf32>
        %scatter3A_412 = arith.constant 0 : i32
        %scatter3A_413 = arith.constant 0 : i32
        %scatter3A_414 = tpu.memref_slice %arg15[%and3A_81, %scatter3A_412, %scatter3A_413] : memref<2x128x64xf32, #tpu.memory_space<vmem>> -> memref<1x128x64xf32, #tpu.memory_space<vmem>>
        %scatter3A_415 = tpu.memref_squeeze %scatter3A_414 : memref<1x128x64xf32, #tpu.memory_space<vmem>> -> memref<128x64xf32, #tpu.memory_space<vmem>>
        %scatter3A_416 = arith.constant 0 : i32
        %scatter3A_417 = tpu.memref_slice %scatter3A_415[%add3A_334, %scatter3A_416] : memref<128x64xf32, #tpu.memory_space<vmem>> -> memref<1x64xf32, #tpu.memory_space<vmem>>
        %scatter3A_418 = tpu.memref_squeeze %scatter3A_417 : memref<1x64xf32, #tpu.memory_space<vmem>> -> memref<64xf32, #tpu.memory_space<vmem>>
        tpu.vector_store_idx %scatter3A_418[%add3A_393], %mul3A_411 : memref<64xf32, #tpu.memory_space<vmem>>[vector<16xi32>], vector<16xf32>,
        %add3A_419 = arith.constant 32 : i32
        %add3A_420 = vector.broadcast %add3A_419 : i32 to vector<16xi32>
        %add3A_421 = arith.addi %add3A_420, %add3A_32 : vector<16xi32>
        %and3A_422 = arith.constant 32767 : i32
        %and3A_423 = vector.broadcast %and3A_422 : i32 to vector<16xi32>
        %and3A_424 = arith.andi %unpack3A_174, %and3A_423 : vector<16xi32>
        %shift_left3A_425 = arith.constant 13 : i32
        %shift_left3A_426 = vector.broadcast %shift_left3A_425 : i32 to vector<16xi32>
        %shift_left3A_427 = arith.shli %and3A_424, %shift_left3A_426 : vector<16xi32>
        %add3A_428 = arith.constant 939524096 : i32
        %add3A_429 = vector.broadcast %add3A_428 : i32 to vector<16xi32>
        %add3A_430 = arith.addi %shift_left3A_427, %add3A_429 : vector<16xi32>
        %and3A_431 = arith.constant 32768 : i32
        %and3A_432 = vector.broadcast %and3A_431 : i32 to vector<16xi32>
        %and3A_433 = arith.andi %unpack3A_174, %and3A_432 : vector<16xi32>
        %shift_left3A_434 = arith.constant 16 : i32
        %shift_left3A_435 = vector.broadcast %shift_left3A_434 : i32 to vector<16xi32>
        %shift_left3A_436 = arith.shli %and3A_433, %shift_left3A_435 : vector<16xi32>
        %or3A_437 = arith.ori %add3A_430, %shift_left3A_436 : vector<16xi32>
        %bitcast3A_438 = vector.bitcast %or3A_437 : vector<16xi32> to vector<16xf32>
        %mul3A_439 = arith.mulf %bitcast3A_438, %gather3A_162 : vector<16xf32>
        %scatter3A_440 = arith.constant 0 : i32
        %scatter3A_441 = arith.constant 0 : i32
        %scatter3A_442 = tpu.memref_slice %arg15[%and3A_81, %scatter3A_440, %scatter3A_441] : memref<2x128x64xf32, #tpu.memory_space<vmem>> -> memref<1x128x64xf32, #tpu.memory_space<vmem>>
        %scatter3A_443 = tpu.memref_squeeze %scatter3A_442 : memref<1x128x64xf32, #tpu.memory_space<vmem>> -> memref<128x64xf32, #tpu.memory_space<vmem>>
        %scatter3A_444 = arith.constant 0 : i32
        %scatter3A_445 = tpu.memref_slice %scatter3A_443[%add3A_334, %scatter3A_444] : memref<128x64xf32, #tpu.memory_space<vmem>> -> memref<1x64xf32, #tpu.memory_space<vmem>>
        %scatter3A_446 = tpu.memref_squeeze %scatter3A_445 : memref<1x64xf32, #tpu.memory_space<vmem>> -> memref<64xf32, #tpu.memory_space<vmem>>
        tpu.vector_store_idx %scatter3A_446[%add3A_421], %mul3A_439 : memref<64xf32, #tpu.memory_space<vmem>>[vector<16xi32>], vector<16xf32>,
        %mul3A_447 = arith.constant 4 : i32
        %mul3A_448 = arith.muli %mul3A_447, %scan3A_132 : i32
        %add3A_449 = arith.constant 2 : i32
        %add3A_450 = arith.addi %mul3A_448, %add3A_449 : i32
        %add3A_451 = arith.constant 0 : i32
        %add3A_452 = vector.broadcast %add3A_451 : i32 to vector<16xi32>
        %add3A_453 = arith.addi %add3A_452, %mul3A_29 : vector<16xi32>
        %and3A_454 = arith.constant 32767 : i32
        %and3A_455 = vector.broadcast %and3A_454 : i32 to vector<16xi32>
        %and3A_456 = arith.andi %unpack3A_189, %and3A_455 : vector<16xi32>
        %shift_left3A_457 = arith.constant 13 : i32
        %shift_left3A_458 = vector.broadcast %shift_left3A_457 : i32 to vector<16xi32>
        %shift_left3A_459 = arith.shli %and3A_456, %shift_left3A_458 : vector<16xi32>
        %add3A_460 = arith.constant 939524096 : i32
        %add3A_461 = vector.broadcast %add3A_460 : i32 to vector<16xi32>
        %add3A_462 = arith.addi %shift_left3A_459, %add3A_461 : vector<16xi32>
        %and3A_463 = arith.constant 32768 : i32
        %and3A_464 = vector.broadcast %and3A_463 : i32 to vector<16xi32>
        %and3A_465 = arith.andi %unpack3A_189, %and3A_464 : vector<16xi32>
        %shift_left3A_466 = arith.constant 16 : i32
        %shift_left3A_467 = vector.broadcast %shift_left3A_466 : i32 to vector<16xi32>
        %shift_left3A_468 = arith.shli %and3A_465, %shift_left3A_467 : vector<16xi32>
        %or3A_469 = arith.ori %add3A_462, %shift_left3A_468 : vector<16xi32>
        %bitcast3A_470 = vector.bitcast %or3A_469 : vector<16xi32> to vector<16xf32>
        %mul3A_471 = arith.mulf %bitcast3A_470, %gather3A_184 : vector<16xf32>
        %scatter3A_472 = arith.constant 0 : i32
        %scatter3A_473 = arith.constant 0 : i32
        %scatter3A_474 = tpu.memref_slice %arg15[%and3A_81, %scatter3A_472, %scatter3A_473] : memref<2x128x64xf32, #tpu.memory_space<vmem>> -> memref<1x128x64xf32, #tpu.memory_space<vmem>>
        %scatter3A_475 = tpu.memref_squeeze %scatter3A_474 : memref<1x128x64xf32, #tpu.memory_space<vmem>> -> memref<128x64xf32, #tpu.memory_space<vmem>>
        %scatter3A_476 = arith.constant 0 : i32
        %scatter3A_477 = tpu.memref_slice %scatter3A_475[%add3A_450, %scatter3A_476] : memref<128x64xf32, #tpu.memory_space<vmem>> -> memref<1x64xf32, #tpu.memory_space<vmem>>
        %scatter3A_478 = tpu.memref_squeeze %scatter3A_477 : memref<1x64xf32, #tpu.memory_space<vmem>> -> memref<64xf32, #tpu.memory_space<vmem>>
        tpu.vector_store_idx %scatter3A_478[%add3A_453], %mul3A_471 : memref<64xf32, #tpu.memory_space<vmem>>[vector<16xi32>], vector<16xf32>,
        %add3A_479 = arith.constant 0 : i32
        %add3A_480 = vector.broadcast %add3A_479 : i32 to vector<16xi32>
        %add3A_481 = arith.addi %add3A_480, %add3A_32 : vector<16xi32>
        %and3A_482 = arith.constant 32767 : i32
        %and3A_483 = vector.broadcast %and3A_482 : i32 to vector<16xi32>
        %and3A_484 = arith.andi %unpack3A_190, %and3A_483 : vector<16xi32>
        %shift_left3A_485 = arith.constant 13 : i32
        %shift_left3A_486 = vector.broadcast %shift_left3A_485 : i32 to vector<16xi32>
        %shift_left3A_487 = arith.shli %and3A_484, %shift_left3A_486 : vector<16xi32>
        %add3A_488 = arith.constant 939524096 : i32
        %add3A_489 = vector.broadcast %add3A_488 : i32 to vector<16xi32>
        %add3A_490 = arith.addi %shift_left3A_487, %add3A_489 : vector<16xi32>
        %and3A_491 = arith.constant 32768 : i32
        %and3A_492 = vector.broadcast %and3A_491 : i32 to vector<16xi32>
        %and3A_493 = arith.andi %unpack3A_190, %and3A_492 : vector<16xi32>
        %shift_left3A_494 = arith.constant 16 : i32
        %shift_left3A_495 = vector.broadcast %shift_left3A_494 : i32 to vector<16xi32>
        %shift_left3A_496 = arith.shli %and3A_493, %shift_left3A_495 : vector<16xi32>
        %or3A_497 = arith.ori %add3A_490, %shift_left3A_496 : vector<16xi32>
        %bitcast3A_498 = vector.bitcast %or3A_497 : vector<16xi32> to vector<16xf32>
        %mul3A_499 = arith.mulf %bitcast3A_498, %gather3A_184 : vector<16xf32>
        %scatter3A_500 = arith.constant 0 : i32
        %scatter3A_501 = arith.constant 0 : i32
        %scatter3A_502 = tpu.memref_slice %arg15[%and3A_81, %scatter3A_500, %scatter3A_501] : memref<2x128x64xf32, #tpu.memory_space<vmem>> -> memref<1x128x64xf32, #tpu.memory_space<vmem>>
        %scatter3A_503 = tpu.memref_squeeze %scatter3A_502 : memref<1x128x64xf32, #tpu.memory_space<vmem>> -> memref<128x64xf32, #tpu.memory_space<vmem>>
        %scatter3A_504 = arith.constant 0 : i32
        %scatter3A_505 = tpu.memref_slice %scatter3A_503[%add3A_450, %scatter3A_504] : memref<128x64xf32, #tpu.memory_space<vmem>> -> memref<1x64xf32, #tpu.memory_space<vmem>>
        %scatter3A_506 = tpu.memref_squeeze %scatter3A_505 : memref<1x64xf32, #tpu.memory_space<vmem>> -> memref<64xf32, #tpu.memory_space<vmem>>
        tpu.vector_store_idx %scatter3A_506[%add3A_481], %mul3A_499 : memref<64xf32, #tpu.memory_space<vmem>>[vector<16xi32>], vector<16xf32>,
        %add3A_507 = arith.constant 32 : i32
        %add3A_508 = vector.broadcast %add3A_507 : i32 to vector<16xi32>
        %add3A_509 = arith.addi %add3A_508, %mul3A_29 : vector<16xi32>
        %and3A_510 = arith.constant 32767 : i32
        %and3A_511 = vector.broadcast %and3A_510 : i32 to vector<16xi32>
        %and3A_512 = arith.andi %unpack3A_195, %and3A_511 : vector<16xi32>
        %shift_left3A_513 = arith.constant 13 : i32
        %shift_left3A_514 = vector.broadcast %shift_left3A_513 : i32 to vector<16xi32>
        %shift_left3A_515 = arith.shli %and3A_512, %shift_left3A_514 : vector<16xi32>
        %add3A_516 = arith.constant 939524096 : i32
        %add3A_517 = vector.broadcast %add3A_516 : i32 to vector<16xi32>
        %add3A_518 = arith.addi %shift_left3A_515, %add3A_517 : vector<16xi32>
        %and3A_519 = arith.constant 32768 : i32
        %and3A_520 = vector.broadcast %and3A_519 : i32 to vector<16xi32>
        %and3A_521 = arith.andi %unpack3A_195, %and3A_520 : vector<16xi32>
        %shift_left3A_522 = arith.constant 16 : i32
        %shift_left3A_523 = vector.broadcast %shift_left3A_522 : i32 to vector<16xi32>
        %shift_left3A_524 = arith.shli %and3A_521, %shift_left3A_523 : vector<16xi32>
        %or3A_525 = arith.ori %add3A_518, %shift_left3A_524 : vector<16xi32>
        %bitcast3A_526 = vector.bitcast %or3A_525 : vector<16xi32> to vector<16xf32>
        %mul3A_527 = arith.mulf %bitcast3A_526, %gather3A_184 : vector<16xf32>
        %scatter3A_528 = arith.constant 0 : i32
        %scatter3A_529 = arith.constant 0 : i32
        %scatter3A_530 = tpu.memref_slice %arg15[%and3A_81, %scatter3A_528, %scatter3A_529] : memref<2x128x64xf32, #tpu.memory_space<vmem>> -> memref<1x128x64xf32, #tpu.memory_space<vmem>>
        %scatter3A_531 = tpu.memref_squeeze %scatter3A_530 : memref<1x128x64xf32, #tpu.memory_space<vmem>> -> memref<128x64xf32, #tpu.memory_space<vmem>>
        %scatter3A_532 = arith.constant 0 : i32
        %scatter3A_533 = tpu.memref_slice %scatter3A_531[%add3A_450, %scatter3A_532] : memref<128x64xf32, #tpu.memory_space<vmem>> -> memref<1x64xf32, #tpu.memory_space<vmem>>
        %scatter3A_534 = tpu.memref_squeeze %scatter3A_533 : memref<1x64xf32, #tpu.memory_space<vmem>> -> memref<64xf32, #tpu.memory_space<vmem>>
        tpu.vector_store_idx %scatter3A_534[%add3A_509], %mul3A_527 : memref<64xf32, #tpu.memory_space<vmem>>[vector<16xi32>], vector<16xf32>,
        %add3A_535 = arith.constant 32 : i32
        %add3A_536 = vector.broadcast %add3A_535 : i32 to vector<16xi32>
        %add3A_537 = arith.addi %add3A_536, %add3A_32 : vector<16xi32>
        %and3A_538 = arith.constant 32767 : i32
        %and3A_539 = vector.broadcast %and3A_538 : i32 to vector<16xi32>
        %and3A_540 = arith.andi %unpack3A_196, %and3A_539 : vector<16xi32>
        %shift_left3A_541 = arith.constant 13 : i32
        %shift_left3A_542 = vector.broadcast %shift_left3A_541 : i32 to vector<16xi32>
        %shift_left3A_543 = arith.shli %and3A_540, %shift_left3A_542 : vector<16xi32>
        %add3A_544 = arith.constant 939524096 : i32
        %add3A_545 = vector.broadcast %add3A_544 : i32 to vector<16xi32>
        %add3A_546 = arith.addi %shift_left3A_543, %add3A_545 : vector<16xi32>
        %and3A_547 = arith.constant 32768 : i32
        %and3A_548 = vector.broadcast %and3A_547 : i32 to vector<16xi32>
        %and3A_549 = arith.andi %unpack3A_196, %and3A_548 : vector<16xi32>
        %shift_left3A_550 = arith.constant 16 : i32
        %shift_left3A_551 = vector.broadcast %shift_left3A_550 : i32 to vector<16xi32>
        %shift_left3A_552 = arith.shli %and3A_549, %shift_left3A_551 : vector<16xi32>
        %or3A_553 = arith.ori %add3A_546, %shift_left3A_552 : vector<16xi32>
        %bitcast3A_554 = vector.bitcast %or3A_553 : vector<16xi32> to vector<16xf32>
        %mul3A_555 = arith.mulf %bitcast3A_554, %gather3A_184 : vector<16xf32>
        %scatter3A_556 = arith.constant 0 : i32
        %scatter3A_557 = arith.constant 0 : i32
        %scatter3A_558 = tpu.memref_slice %arg15[%and3A_81, %scatter3A_556, %scatter3A_557] : memref<2x128x64xf32, #tpu.memory_space<vmem>> -> memref<1x128x64xf32, #tpu.memory_space<vmem>>
        %scatter3A_559 = tpu.memref_squeeze %scatter3A_558 : memref<1x128x64xf32, #tpu.memory_space<vmem>> -> memref<128x64xf32, #tpu.memory_space<vmem>>
        %scatter3A_560 = arith.constant 0 : i32
        %scatter3A_561 = tpu.memref_slice %scatter3A_559[%add3A_450, %scatter3A_560] : memref<128x64xf32, #tpu.memory_space<vmem>> -> memref<1x64xf32, #tpu.memory_space<vmem>>
        %scatter3A_562 = tpu.memref_squeeze %scatter3A_561 : memref<1x64xf32, #tpu.memory_space<vmem>> -> memref<64xf32, #tpu.memory_space<vmem>>
        tpu.vector_store_idx %scatter3A_562[%add3A_537], %mul3A_555 : memref<64xf32, #tpu.memory_space<vmem>>[vector<16xi32>], vector<16xf32>,
        %mul3A_563 = arith.constant 4 : i32
        %mul3A_564 = arith.muli %mul3A_563, %scan3A_132 : i32
        %add3A_565 = arith.constant 3 : i32
        %add3A_566 = arith.addi %mul3A_564, %add3A_565 : i32
        %add3A_567 = arith.constant 0 : i32
        %add3A_568 = vector.broadcast %add3A_567 : i32 to vector<16xi32>
        %add3A_569 = arith.addi %add3A_568, %mul3A_29 : vector<16xi32>
        %and3A_570 = arith.constant 32767 : i32
        %and3A_571 = vector.broadcast %and3A_570 : i32 to vector<16xi32>
        %and3A_572 = arith.andi %unpack3A_211, %and3A_571 : vector<16xi32>
        %shift_left3A_573 = arith.constant 13 : i32
        %shift_left3A_574 = vector.broadcast %shift_left3A_573 : i32 to vector<16xi32>
        %shift_left3A_575 = arith.shli %and3A_572, %shift_left3A_574 : vector<16xi32>
        %add3A_576 = arith.constant 939524096 : i32
        %add3A_577 = vector.broadcast %add3A_576 : i32 to vector<16xi32>
        %add3A_578 = arith.addi %shift_left3A_575, %add3A_577 : vector<16xi32>
        %and3A_579 = arith.constant 32768 : i32
        %and3A_580 = vector.broadcast %and3A_579 : i32 to vector<16xi32>
        %and3A_581 = arith.andi %unpack3A_211, %and3A_580 : vector<16xi32>
        %shift_left3A_582 = arith.constant 16 : i32
        %shift_left3A_583 = vector.broadcast %shift_left3A_582 : i32 to vector<16xi32>
        %shift_left3A_584 = arith.shli %and3A_581, %shift_left3A_583 : vector<16xi32>
        %or3A_585 = arith.ori %add3A_578, %shift_left3A_584 : vector<16xi32>
        %bitcast3A_586 = vector.bitcast %or3A_585 : vector<16xi32> to vector<16xf32>
        %mul3A_587 = arith.mulf %bitcast3A_586, %gather3A_206 : vector<16xf32>
        %scatter3A_588 = arith.constant 0 : i32
        %scatter3A_589 = arith.constant 0 : i32
        %scatter3A_590 = tpu.memref_slice %arg15[%and3A_81, %scatter3A_588, %scatter3A_589] : memref<2x128x64xf32, #tpu.memory_space<vmem>> -> memref<1x128x64xf32, #tpu.memory_space<vmem>>
        %scatter3A_591 = tpu.memref_squeeze %scatter3A_590 : memref<1x128x64xf32, #tpu.memory_space<vmem>> -> memref<128x64xf32, #tpu.memory_space<vmem>>
        %scatter3A_592 = arith.constant 0 : i32
        %scatter3A_593 = tpu.memref_slice %scatter3A_591[%add3A_566, %scatter3A_592] : memref<128x64xf32, #tpu.memory_space<vmem>> -> memref<1x64xf32, #tpu.memory_space<vmem>>
        %scatter3A_594 = tpu.memref_squeeze %scatter3A_593 : memref<1x64xf32, #tpu.memory_space<vmem>> -> memref<64xf32, #tpu.memory_space<vmem>>
        tpu.vector_store_idx %scatter3A_594[%add3A_569], %mul3A_587 : memref<64xf32, #tpu.memory_space<vmem>>[vector<16xi32>], vector<16xf32>,
        %add3A_595 = arith.constant 0 : i32
        %add3A_596 = vector.broadcast %add3A_595 : i32 to vector<16xi32>
        %add3A_597 = arith.addi %add3A_596, %add3A_32 : vector<16xi32>
        %and3A_598 = arith.constant 32767 : i32
        %and3A_599 = vector.broadcast %and3A_598 : i32 to vector<16xi32>
        %and3A_600 = arith.andi %unpack3A_212, %and3A_599 : vector<16xi32>
        %shift_left3A_601 = arith.constant 13 : i32
        %shift_left3A_602 = vector.broadcast %shift_left3A_601 : i32 to vector<16xi32>
        %shift_left3A_603 = arith.shli %and3A_600, %shift_left3A_602 : vector<16xi32>
        %add3A_604 = arith.constant 939524096 : i32
        %add3A_605 = vector.broadcast %add3A_604 : i32 to vector<16xi32>
        %add3A_606 = arith.addi %shift_left3A_603, %add3A_605 : vector<16xi32>
        %and3A_607 = arith.constant 32768 : i32
        %and3A_608 = vector.broadcast %and3A_607 : i32 to vector<16xi32>
        %and3A_609 = arith.andi %unpack3A_212, %and3A_608 : vector<16xi32>
        %shift_left3A_610 = arith.constant 16 : i32
        %shift_left3A_611 = vector.broadcast %shift_left3A_610 : i32 to vector<16xi32>
        %shift_left3A_612 = arith.shli %and3A_609, %shift_left3A_611 : vector<16xi32>
        %or3A_613 = arith.ori %add3A_606, %shift_left3A_612 : vector<16xi32>
        %bitcast3A_614 = vector.bitcast %or3A_613 : vector<16xi32> to vector<16xf32>
        %mul3A_615 = arith.mulf %bitcast3A_614, %gather3A_206 : vector<16xf32>
        %scatter3A_616 = arith.constant 0 : i32
        %scatter3A_617 = arith.constant 0 : i32
        %scatter3A_618 = tpu.memref_slice %arg15[%and3A_81, %scatter3A_616, %scatter3A_617] : memref<2x128x64xf32, #tpu.memory_space<vmem>> -> memref<1x128x64xf32, #tpu.memory_space<vmem>>
        %scatter3A_619 = tpu.memref_squeeze %scatter3A_618 : memref<1x128x64xf32, #tpu.memory_space<vmem>> -> memref<128x64xf32, #tpu.memory_space<vmem>>
        %scatter3A_620 = arith.constant 0 : i32
        %scatter3A_621 = tpu.memref_slice %scatter3A_619[%add3A_566, %scatter3A_620] : memref<128x64xf32, #tpu.memory_space<vmem>> -> memref<1x64xf32, #tpu.memory_space<vmem>>
        %scatter3A_622 = tpu.memref_squeeze %scatter3A_621 : memref<1x64xf32, #tpu.memory_space<vmem>> -> memref<64xf32, #tpu.memory_space<vmem>>
        tpu.vector_store_idx %scatter3A_622[%add3A_597], %mul3A_615 : memref<64xf32, #tpu.memory_space<vmem>>[vector<16xi32>], vector<16xf32>,
        %add3A_623 = arith.constant 32 : i32
        %add3A_624 = vector.broadcast %add3A_623 : i32 to vector<16xi32>
        %add3A_625 = arith.addi %add3A_624, %mul3A_29 : vector<16xi32>
        %and3A_626 = arith.constant 32767 : i32
        %and3A_627 = vector.broadcast %and3A_626 : i32 to vector<16xi32>
        %and3A_628 = arith.andi %unpack3A_217, %and3A_627 : vector<16xi32>
        %shift_left3A_629 = arith.constant 13 : i32
        %shift_left3A_630 = vector.broadcast %shift_left3A_629 : i32 to vector<16xi32>
        %shift_left3A_631 = arith.shli %and3A_628, %shift_left3A_630 : vector<16xi32>
        %add3A_632 = arith.constant 939524096 : i32
        %add3A_633 = vector.broadcast %add3A_632 : i32 to vector<16xi32>
        %add3A_634 = arith.addi %shift_left3A_631, %add3A_633 : vector<16xi32>
        %and3A_635 = arith.constant 32768 : i32
        %and3A_636 = vector.broadcast %and3A_635 : i32 to vector<16xi32>
        %and3A_637 = arith.andi %unpack3A_217, %and3A_636 : vector<16xi32>
        %shift_left3A_638 = arith.constant 16 : i32
        %shift_left3A_639 = vector.broadcast %shift_left3A_638 : i32 to vector<16xi32>
        %shift_left3A_640 = arith.shli %and3A_637, %shift_left3A_639 : vector<16xi32>
        %or3A_641 = arith.ori %add3A_634, %shift_left3A_640 : vector<16xi32>
        %bitcast3A_642 = vector.bitcast %or3A_641 : vector<16xi32> to vector<16xf32>
        %mul3A_643 = arith.mulf %bitcast3A_642, %gather3A_206 : vector<16xf32>
        %scatter3A_644 = arith.constant 0 : i32
        %scatter3A_645 = arith.constant 0 : i32
        %scatter3A_646 = tpu.memref_slice %arg15[%and3A_81, %scatter3A_644, %scatter3A_645] : memref<2x128x64xf32, #tpu.memory_space<vmem>> -> memref<1x128x64xf32, #tpu.memory_space<vmem>>
        %scatter3A_647 = tpu.memref_squeeze %scatter3A_646 : memref<1x128x64xf32, #tpu.memory_space<vmem>> -> memref<128x64xf32, #tpu.memory_space<vmem>>
        %scatter3A_648 = arith.constant 0 : i32
        %scatter3A_649 = tpu.memref_slice %scatter3A_647[%add3A_566, %scatter3A_648] : memref<128x64xf32, #tpu.memory_space<vmem>> -> memref<1x64xf32, #tpu.memory_space<vmem>>
        %scatter3A_650 = tpu.memref_squeeze %scatter3A_649 : memref<1x64xf32, #tpu.memory_space<vmem>> -> memref<64xf32, #tpu.memory_space<vmem>>
        tpu.vector_store_idx %scatter3A_650[%add3A_625], %mul3A_643 : memref<64xf32, #tpu.memory_space<vmem>>[vector<16xi32>], vector<16xf32>,
        %add3A_651 = arith.constant 32 : i32
        %add3A_652 = vector.broadcast %add3A_651 : i32 to vector<16xi32>
        %add3A_653 = arith.addi %add3A_652, %add3A_32 : vector<16xi32>
        %and3A_654 = arith.constant 32767 : i32
        %and3A_655 = vector.broadcast %and3A_654 : i32 to vector<16xi32>
        %and3A_656 = arith.andi %unpack3A_218, %and3A_655 : vector<16xi32>
        %shift_left3A_657 = arith.constant 13 : i32
        %shift_left3A_658 = vector.broadcast %shift_left3A_657 : i32 to vector<16xi32>
        %shift_left3A_659 = arith.shli %and3A_656, %shift_left3A_658 : vector<16xi32>
        %add3A_660 = arith.constant 939524096 : i32
        %add3A_661 = vector.broadcast %add3A_660 : i32 to vector<16xi32>
        %add3A_662 = arith.addi %shift_left3A_659, %add3A_661 : vector<16xi32>
        %and3A_663 = arith.constant 32768 : i32
        %and3A_664 = vector.broadcast %and3A_663 : i32 to vector<16xi32>
        %and3A_665 = arith.andi %unpack3A_218, %and3A_664 : vector<16xi32>
        %shift_left3A_666 = arith.constant 16 : i32
        %shift_left3A_667 = vector.broadcast %shift_left3A_666 : i32 to vector<16xi32>
        %shift_left3A_668 = arith.shli %and3A_665, %shift_left3A_667 : vector<16xi32>
        %or3A_669 = arith.ori %add3A_662, %shift_left3A_668 : vector<16xi32>
        %bitcast3A_670 = vector.bitcast %or3A_669 : vector<16xi32> to vector<16xf32>
        %mul3A_671 = arith.mulf %bitcast3A_670, %gather3A_206 : vector<16xf32>
        %scatter3A_672 = arith.constant 0 : i32
        %scatter3A_673 = arith.constant 0 : i32
        %scatter3A_674 = tpu.memref_slice %arg15[%and3A_81, %scatter3A_672, %scatter3A_673] : memref<2x128x64xf32, #tpu.memory_space<vmem>> -> memref<1x128x64xf32, #tpu.memory_space<vmem>>
        %scatter3A_675 = tpu.memref_squeeze %scatter3A_674 : memref<1x128x64xf32, #tpu.memory_space<vmem>> -> memref<128x64xf32, #tpu.memory_space<vmem>>
        %scatter3A_676 = arith.constant 0 : i32
        %scatter3A_677 = tpu.memref_slice %scatter3A_675[%add3A_566, %scatter3A_676] : memref<128x64xf32, #tpu.memory_space<vmem>> -> memref<1x64xf32, #tpu.memory_space<vmem>>
        %scatter3A_678 = tpu.memref_squeeze %scatter3A_677 : memref<1x64xf32, #tpu.memory_space<vmem>> -> memref<64xf32, #tpu.memory_space<vmem>>
        tpu.vector_store_idx %scatter3A_678[%add3A_653], %mul3A_671 : memref<64xf32, #tpu.memory_space<vmem>>[vector<16xi32>], vector<16xf32>,
      }
      %scan3A_111 = arith.constant 32 : i32
      %dma_start3A_112 = arith.constant 0 : i32
      %dma_start3A_113 = arith.constant 0 : i32
      %dma_start3A_114 = tpu.memref_slice %arg15[%and3A_81, %dma_start3A_112, %dma_start3A_113] : memref<2x128x64xf32, #tpu.memory_space<vmem>> -> memref<1x128x64xf32, #tpu.memory_space<vmem>>
      %dma_start3A_115 = tpu.memref_squeeze %dma_start3A_114 : memref<1x128x64xf32, #tpu.memory_space<vmem>> -> memref<128x64xf32, #tpu.memory_space<vmem>>
      %dma_start3A_116 = arith.constant 0 : i32
      %dma_start3A_117 = tpu.memref_slice %arg10[%and3A_81, %dma_start3A_116] : memref<2x128xi32, #tpu.memory_space<vmem>> -> memref<1x128xi32, #tpu.memory_space<vmem>>
      %dma_start3A_118 = tpu.memref_squeeze %dma_start3A_117 : memref<1x128xi32, #tpu.memory_space<vmem>> -> memref<128xi32, #tpu.memory_space<vmem>>
      %dma_start3A_119 = arith.constant 0 : i32
      %dma_start3A_120 = arith.constant 0 : i32
      %dma_start3A_121 = tpu.memref_slice %arg17[%dma_start3A_119, %dma_start3A_120] : memref<10016x64xf32, #tpu.memory_space<vmem_shared>> -> memref<10016x64xf32, #tpu.memory_space<vmem_shared>>
      tpu.enqueue_indirect_dma source(%dma_start3A_115 : memref<128x64xf32, #tpu.memory_space<vmem>>) target(%dma_start3A_121 : memref<10016x64xf32, #tpu.memory_space<vmem_shared>>) offsets(%dma_start3A_118 : memref<128xi32, #tpu.memory_space<vmem>>) semaphore(%arg21 : memref<!tpu.dma_semaphore, #tpu.memory_space<semaphore_mem>>) {add = true}
      %dma_start3A_122 = arith.constant 0 : i32
      %dma_start3A_123 = arith.constant 0 : i32
      %dma_start3A_124 = tpu.memref_slice %arg16[%and3A_81, %dma_start3A_122, %dma_start3A_123] : memref<2x128x16xf32, #tpu.memory_space<vmem>> -> memref<1x128x16xf32, #tpu.memory_space<vmem>>
      %dma_start3A_125 = tpu.memref_squeeze %dma_start3A_124 : memref<1x128x16xf32, #tpu.memory_space<vmem>> -> memref<128x16xf32, #tpu.memory_space<vmem>>
      %dma_start3A_126 = arith.constant 0 : i32
      %dma_start3A_127 = tpu.memref_slice %arg11[%and3A_81, %dma_start3A_126] : memref<2x128xi32, #tpu.memory_space<vmem>> -> memref<1x128xi32, #tpu.memory_space<vmem>>
      %dma_start3A_128 = tpu.memref_squeeze %dma_start3A_127 : memref<1x128xi32, #tpu.memory_space<vmem>> -> memref<128xi32, #tpu.memory_space<vmem>>
      %dma_start3A_129 = arith.constant 0 : i32
      %dma_start3A_130 = arith.constant 0 : i32
      %dma_start3A_131 = tpu.memref_slice %arg18[%dma_start3A_129, %dma_start3A_130] : memref<1264x16xf32, #tpu.memory_space<vmem_shared>> -> memref<1264x16xf32, #tpu.memory_space<vmem_shared>>
      tpu.enqueue_indirect_dma source(%dma_start3A_125 : memref<128x16xf32, #tpu.memory_space<vmem>>) target(%dma_start3A_131 : memref<1264x16xf32, #tpu.memory_space<vmem_shared>>) offsets(%dma_start3A_128 : memref<128xi32, #tpu.memory_space<vmem>>) semaphore(%arg21 : memref<!tpu.dma_semaphore, #tpu.memory_space<semaphore_mem>>) {add = true}
    }
    %scan3A_55 = arith.constant 81 : i32
    %dma_wait3A = arith.constant 0 : i32
    %dma_wait3A_56 = arith.constant 0 : i32
    %dma_wait3A_57 = arith.constant 0 : i32
    %dma_wait3A_58 = arith.constant 0 : i32
    %dma_wait3A_59 = tpu.memref_slice %arg15[%dma_wait3A, %dma_wait3A_57, %dma_wait3A_58] : memref<2x128x64xf32, #tpu.memory_space<vmem>> -> memref<1x128x64xf32, #tpu.memory_space<vmem>>
    %dma_wait3A_60 = tpu.memref_squeeze %dma_wait3A_59 : memref<1x128x64xf32, #tpu.memory_space<vmem>> -> memref<128x64xf32, #tpu.memory_space<vmem>>
    %dma_wait3A_61 = arith.constant 0 : i32
    %dma_wait3A_62 = tpu.memref_slice %arg10[%dma_wait3A_56, %dma_wait3A_61] : memref<2x128xi32, #tpu.memory_space<vmem>> -> memref<1x128xi32, #tpu.memory_space<vmem>>
    %dma_wait3A_63 = tpu.memref_squeeze %dma_wait3A_62 : memref<1x128xi32, #tpu.memory_space<vmem>> -> memref<128xi32, #tpu.memory_space<vmem>>
    %dma_wait3A_64 = arith.constant 0 : i32
    %dma_wait3A_65 = arith.constant 0 : i32
    %dma_wait3A_66 = tpu.memref_slice %arg17[%dma_wait3A_64, %dma_wait3A_65] : memref<10016x64xf32, #tpu.memory_space<vmem_shared>> -> memref<10016x64xf32, #tpu.memory_space<vmem_shared>>
    tpu.wait_indirect_dma semaphore(%arg21 : memref<!tpu.dma_semaphore, #tpu.memory_space<semaphore_mem>>) src(%dma_wait3A_60 : memref<128x64xf32, #tpu.memory_space<vmem>>) dst(%dma_wait3A_66 : memref<10016x64xf32, #tpu.memory_space<vmem_shared>>)
    %dma_wait3A_67 = arith.constant 0 : i32
    %dma_wait3A_68 = arith.constant 0 : i32
    %dma_wait3A_69 = arith.constant 0 : i32
    %dma_wait3A_70 = arith.constant 0 : i32
    %dma_wait3A_71 = tpu.memref_slice %arg16[%dma_wait3A_67, %dma_wait3A_69, %dma_wait3A_70] : memref<2x128x16xf32, #tpu.memory_space<vmem>> -> memref<1x128x16xf32, #tpu.memory_space<vmem>>
    %dma_wait3A_72 = tpu.memref_squeeze %dma_wait3A_71 : memref<1x128x16xf32, #tpu.memory_space<vmem>> -> memref<128x16xf32, #tpu.memory_space<vmem>>
    %dma_wait3A_73 = arith.constant 0 : i32
    %dma_wait3A_74 = tpu.memref_slice %arg11[%dma_wait3A_68, %dma_wait3A_73] : memref<2x128xi32, #tpu.memory_space<vmem>> -> memref<1x128xi32, #tpu.memory_space<vmem>>
    %dma_wait3A_75 = tpu.memref_squeeze %dma_wait3A_74 : memref<1x128xi32, #tpu.memory_space<vmem>> -> memref<128xi32, #tpu.memory_space<vmem>>
    %dma_wait3A_76 = arith.constant 0 : i32
    %dma_wait3A_77 = arith.constant 0 : i32
    %dma_wait3A_78 = tpu.memref_slice %arg18[%dma_wait3A_76, %dma_wait3A_77] : memref<1264x16xf32, #tpu.memory_space<vmem_shared>> -> memref<1264x16xf32, #tpu.memory_space<vmem_shared>>
    tpu.wait_indirect_dma semaphore(%arg21 : memref<!tpu.dma_semaphore, #tpu.memory_space<semaphore_mem>>) src(%dma_wait3A_72 : memref<128x16xf32, #tpu.memory_space<vmem>>) dst(%dma_wait3A_78 : memref<1264x16xf32, #tpu.memory_space<vmem_shared>>)
    %barrier3A_79 = arith.constant 0 : index
    tpu.barrier barrier_id(%barrier3A_79)
    "tpu.region"() ({
      %run_scoped3A_80 = tpu.sem_alloc : memref<!tpu.dma_semaphore, #tpu.memory_space<semaphore_mem>>
      %dma_start3A_81 = arith.constant 0 : i32
      %dma_start3A_82 = arith.constant 0 : i32
      %dma_start3A_83 = tpu.memref_slice %arg6[%arg0, %dma_start3A_81, %dma_start3A_82] : memref<2x10016x64xf32, #tpu.memory_space<hbm>> -> memref<1x10016x64xf32, #tpu.memory_space<hbm>>
      %dma_start3A_84 = tpu.memref_squeeze %dma_start3A_83 : memref<1x10016x64xf32, #tpu.memory_space<hbm>> -> memref<10016x64xf32, #tpu.memory_space<hbm>>
      %dma_start3A_85 = arith.constant 0 : i32
      %dma_start3A_86 = tpu.memref_slice %dma_start3A_84[%mul3A_0, %dma_start3A_85] : memref<10016x64xf32, #tpu.memory_space<hbm>> -> memref<626x64xf32, #tpu.memory_space<hbm>>
      %dma_start3A_87 = arith.constant 0 : i32
      %dma_start3A_88 = tpu.memref_slice %arg17[%mul3A_0, %dma_start3A_87] : memref<10016x64xf32, #tpu.memory_space<vmem_shared>> -> memref<626x64xf32, #tpu.memory_space<vmem_shared>>
      tpu.enqueue_dma source(%dma_start3A_88 : memref<626x64xf32, #tpu.memory_space<vmem_shared>>) target(%dma_start3A_86 : memref<626x64xf32, #tpu.memory_space<hbm>>) target_semaphore(%run_scoped3A_80 : memref<!tpu.dma_semaphore, #tpu.memory_space<semaphore_mem>>)
      %dma_wait3A_89 = arith.constant 0 : i32
      %dma_wait3A_90 = arith.constant 0 : i32
      %dma_wait3A_91 = tpu.memref_slice %arg6[%arg0, %dma_wait3A_89, %dma_wait3A_90] : memref<2x10016x64xf32, #tpu.memory_space<hbm>> -> memref<1x10016x64xf32, #tpu.memory_space<hbm>>
      %dma_wait3A_92 = tpu.memref_squeeze %dma_wait3A_91 : memref<1x10016x64xf32, #tpu.memory_space<hbm>> -> memref<10016x64xf32, #tpu.memory_space<hbm>>
      %dma_wait3A_93 = arith.constant 0 : i32
      %dma_wait3A_94 = tpu.memref_slice %dma_wait3A_92[%mul3A_0, %dma_wait3A_93] : memref<10016x64xf32, #tpu.memory_space<hbm>> -> memref<626x64xf32, #tpu.memory_space<hbm>>
      %dma_wait3A_95 = arith.constant 0 : i32
      %dma_wait3A_96 = tpu.memref_slice %arg17[%mul3A_0, %dma_wait3A_95] : memref<10016x64xf32, #tpu.memory_space<vmem_shared>> -> memref<626x64xf32, #tpu.memory_space<vmem_shared>>
      tpu.wait_dma2 semaphore(%run_scoped3A_80 : memref<!tpu.dma_semaphore, #tpu.memory_space<semaphore_mem>>) src(%dma_wait3A_96 : memref<626x64xf32, #tpu.memory_space<vmem_shared>>) dst(%dma_wait3A_94 : memref<626x64xf32, #tpu.memory_space<hbm>>)
      tpu.yield
    }) : () -> ()
    "tpu.region"() ({
      %run_scoped3A_80 = tpu.sem_alloc : memref<!tpu.dma_semaphore, #tpu.memory_space<semaphore_mem>>
      %dma_start3A_81 = arith.constant 0 : i32
      %dma_start3A_82 = arith.constant 0 : i32
      %dma_start3A_83 = tpu.memref_slice %arg7[%arg0, %dma_start3A_81, %dma_start3A_82] : memref<2x1264x16xf32, #tpu.memory_space<hbm>> -> memref<1x1264x16xf32, #tpu.memory_space<hbm>>
      %dma_start3A_84 = tpu.memref_squeeze %dma_start3A_83 : memref<1x1264x16xf32, #tpu.memory_space<hbm>> -> memref<1264x16xf32, #tpu.memory_space<hbm>>
      %dma_start3A_85 = arith.constant 0 : i32
      %dma_start3A_86 = tpu.memref_slice %dma_start3A_84[%mul3A_22, %dma_start3A_85] : memref<1264x16xf32, #tpu.memory_space<hbm>> -> memref<79x16xf32, #tpu.memory_space<hbm>>
      %dma_start3A_87 = arith.constant 0 : i32
      %dma_start3A_88 = tpu.memref_slice %arg18[%mul3A_22, %dma_start3A_87] : memref<1264x16xf32, #tpu.memory_space<vmem_shared>> -> memref<79x16xf32, #tpu.memory_space<vmem_shared>>
      tpu.enqueue_dma source(%dma_start3A_88 : memref<79x16xf32, #tpu.memory_space<vmem_shared>>) target(%dma_start3A_86 : memref<79x16xf32, #tpu.memory_space<hbm>>) target_semaphore(%run_scoped3A_80 : memref<!tpu.dma_semaphore, #tpu.memory_space<semaphore_mem>>)
      %dma_wait3A_89 = arith.constant 0 : i32
      %dma_wait3A_90 = arith.constant 0 : i32
      %dma_wait3A_91 = tpu.memref_slice %arg7[%arg0, %dma_wait3A_89, %dma_wait3A_90] : memref<2x1264x16xf32, #tpu.memory_space<hbm>> -> memref<1x1264x16xf32, #tpu.memory_space<hbm>>
      %dma_wait3A_92 = tpu.memref_squeeze %dma_wait3A_91 : memref<1x1264x16xf32, #tpu.memory_space<hbm>> -> memref<1264x16xf32, #tpu.memory_space<hbm>>
      %dma_wait3A_93 = arith.constant 0 : i32
      %dma_wait3A_94 = tpu.memref_slice %dma_wait3A_92[%mul3A_22, %dma_wait3A_93] : memref<1264x16xf32, #tpu.memory_space<hbm>> -> memref<79x16xf32, #tpu.memory_space<hbm>>
      %dma_wait3A_95 = arith.constant 0 : i32
      %dma_wait3A_96 = tpu.memref_slice %arg18[%mul3A_22, %dma_wait3A_95] : memref<1264x16xf32, #tpu.memory_space<vmem_shared>> -> memref<79x16xf32, #tpu.memory_space<vmem_shared>>
      tpu.wait_dma2 semaphore(%run_scoped3A_80 : memref<!tpu.dma_semaphore, #tpu.memory_space<semaphore_mem>>) src(%dma_wait3A_96 : memref<79x16xf32, #tpu.memory_space<vmem_shared>>) dst(%dma_wait3A_94 : memref<79x16xf32, #tpu.memory_space<hbm>>)
      tpu.yield
    }) : () -> ()
    return
  }
}

#map = affine_map<(d0, d1) -> (0, 0, 0)>
#map1 = affine_map<(d0, d1) -> (0)>
#map2 = affine_map<(d0, d1) -> (0, 0)>
module attributes {stable_mosaic.version = 14 : i64} {
  func.func @_sc_gat_body(%arg0: i32, %arg1: i32, %arg2: memref<32x81x128xi32, #tpu.memory_space<hbm>>, %arg3: memref<10016xf32, #tpu.memory_space<hbm>>, %arg4: memref<10016xf32, #tpu.memory_space<hbm>>, %arg5: memref<10016x64xi16, #tpu.memory_space<hbm>>, %arg6: memref<2x10016x64xf32, #tpu.memory_space<hbm>>, %arg7: memref<2x1264x16xf32, #tpu.memory_space<hbm>>, %arg8: memref<81x128xi32, #tpu.memory_space<vmem>>, %arg9: memref<2x128xi32, #tpu.memory_space<vmem>>, %arg10: memref<2x128xi32, #tpu.memory_space<vmem>>, %arg11: memref<2x128xi32, #tpu.memory_space<vmem>>, %arg12: memref<10016xf32, #tpu.memory_space<vmem>>, %arg13: memref<10016xf32, #tpu.memory_space<vmem>>, %arg14: memref<2x128x64xi16, #tpu.memory_space<vmem>>, %arg15: memref<2x128x64xf32, #tpu.memory_space<vmem>>, %arg16: memref<2x128x16xf32, #tpu.memory_space<vmem>>, %arg17: memref<10016x64xf32, #tpu.memory_space<vmem_shared>>, %arg18: memref<1264x16xf32, #tpu.memory_space<vmem_shared>>, %arg19: memref<10016x64xi16, #tpu.memory_space<vmem_shared>>, %arg20: memref<!tpu.dma_semaphore, #tpu.memory_space<semaphore_mem>>, %arg21: memref<!tpu.dma_semaphore, #tpu.memory_space<semaphore_mem>>) attributes {dimension_semantics = [#tpu.dimension_semantics<core_parallel>, #tpu.dimension_semantics<subcore_parallel>], iteration_bounds = array<i64: 2, 16>, scalar_prefetch = 0 : i64, scratch_operands = 14 : i64, tpu.core_type = #tpu.core_type<sc_vector_subcore>, window_params = [{transform_indices = #map}, {transform_indices = #map1}, {transform_indices = #map1}, {transform_indices = #map2}, {transform_indices = #map}, {transform_indices = #map}]} {
    %mul3A = arith.constant 626 : i32
    %mul3A_0 = arith.muli %arg1, %mul3A : i32
    "tpu.region"() ({
      %run_scoped3A_80 = tpu.sem_alloc : memref<!tpu.dma_semaphore, #tpu.memory_space<semaphore_mem>>
      tpu.enqueue_dma source(%arg3 : memref<10016xf32, #tpu.memory_space<hbm>>) target(%arg12 : memref<10016xf32, #tpu.memory_space<vmem>>) target_semaphore(%run_scoped3A_80 : memref<!tpu.dma_semaphore, #tpu.memory_space<semaphore_mem>>)
      tpu.wait_dma2 semaphore(%run_scoped3A_80 : memref<!tpu.dma_semaphore, #tpu.memory_space<semaphore_mem>>) src(%arg3 : memref<10016xf32, #tpu.memory_space<hbm>>) dst(%arg12 : memref<10016xf32, #tpu.memory_space<vmem>>)
      tpu.yield
    }) : () -> ()
    "tpu.region"() ({
      %run_scoped3A_80 = tpu.sem_alloc : memref<!tpu.dma_semaphore, #tpu.memory_space<semaphore_mem>>
      tpu.enqueue_dma source(%arg4 : memref<10016xf32, #tpu.memory_space<hbm>>) target(%arg13 : memref<10016xf32, #tpu.memory_space<vmem>>) target_semaphore(%run_scoped3A_80 : memref<!tpu.dma_semaphore, #tpu.memory_space<semaphore_mem>>)
      tpu.wait_dma2 semaphore(%run_scoped3A_80 : memref<!tpu.dma_semaphore, #tpu.memory_space<semaphore_mem>>) src(%arg4 : memref<10016xf32, #tpu.memory_space<hbm>>) dst(%arg13 : memref<10016xf32, #tpu.memory_space<vmem>>)
      tpu.yield
    }) : () -> ()
    %mul3A_1 = arith.constant 16 : i32
    %mul3A_2 = arith.muli %arg0, %mul3A_1 : i32
    %add3A = arith.addi %mul3A_2, %arg1 : i32
    "tpu.region"() ({
      %run_scoped3A_80 = tpu.sem_alloc : memref<!tpu.dma_semaphore, #tpu.memory_space<semaphore_mem>>
      %dma_start3A_81 = arith.constant 0 : i32
      %dma_start3A_82 = arith.constant 0 : i32
      %dma_start3A_83 = tpu.memref_slice %arg2[%add3A, %dma_start3A_81, %dma_start3A_82] : memref<32x81x128xi32, #tpu.memory_space<hbm>> -> memref<1x81x128xi32, #tpu.memory_space<hbm>>
      %dma_start3A_84 = tpu.memref_squeeze %dma_start3A_83 : memref<1x81x128xi32, #tpu.memory_space<hbm>> -> memref<81x128xi32, #tpu.memory_space<hbm>>
      %dma_start3A_85 = arith.constant 0 : i32
      %dma_start3A_86 = arith.constant 0 : i32
      %dma_start3A_87 = tpu.memref_slice %arg2[%add3A, %dma_start3A_85, %dma_start3A_86] : memref<32x81x128xi32, #tpu.memory_space<hbm>> -> memref<1x81x128xi32, #tpu.memory_space<hbm>>
      %dma_start3A_88 = tpu.memref_squeeze %dma_start3A_87 : memref<1x81x128xi32, #tpu.memory_space<hbm>> -> memref<81x128xi32, #tpu.memory_space<hbm>>
      tpu.enqueue_dma source(%dma_start3A_88 : memref<81x128xi32, #tpu.memory_space<hbm>>) target(%arg8 : memref<81x128xi32, #tpu.memory_space<vmem>>) target_semaphore(%run_scoped3A_80 : memref<!tpu.dma_semaphore, #tpu.memory_space<semaphore_mem>>)
      %dma_wait3A_89 = arith.constant 0 : i32
      %dma_wait3A_90 = arith.constant 0 : i32
      %dma_wait3A_91 = tpu.memref_slice %arg2[%add3A, %dma_wait3A_89, %dma_wait3A_90] : memref<32x81x128xi32, #tpu.memory_space<hbm>> -> memref<1x81x128xi32, #tpu.memory_space<hbm>>
      %dma_wait3A_92 = tpu.memref_squeeze %dma_wait3A_91 : memref<1x81x128xi32, #tpu.memory_space<hbm>> -> memref<81x128xi32, #tpu.memory_space<hbm>>
      %dma_wait3A_93 = arith.constant 0 : i32
      %dma_wait3A_94 = arith.constant 0 : i32
      %dma_wait3A_95 = tpu.memref_slice %arg2[%add3A, %dma_wait3A_93, %dma_wait3A_94] : memref<32x81x128xi32, #tpu.memory_space<hbm>> -> memref<1x81x128xi32, #tpu.memory_space<hbm>>
      %dma_wait3A_96 = tpu.memref_squeeze %dma_wait3A_95 : memref<1x81x128xi32, #tpu.memory_space<hbm>> -> memref<81x128xi32, #tpu.memory_space<hbm>>
      tpu.wait_dma2 semaphore(%run_scoped3A_80 : memref<!tpu.dma_semaphore, #tpu.memory_space<semaphore_mem>>) src(%dma_wait3A_96 : memref<81x128xi32, #tpu.memory_space<hbm>>) dst(%arg8 : memref<81x128xi32, #tpu.memory_space<vmem>>)
      tpu.yield
    }) : () -> ()
    %broadcast_in_dim3A = arith.constant 10015 : i32
    %broadcast_in_dim3A_3 = vector.broadcast %broadcast_in_dim3A : i32 to vector<16xi32>
    %gather3A = tpu.vector_load_idx %arg12[%broadcast_in_dim3A_3] : memref<10016xf32, #tpu.memory_space<vmem>>[vector<16xi32>], vector<16xf32>,
    %mul3A_4 = arith.constant 626 : i32
    %mul3A_5 = arith.muli %arg1, %mul3A_4 : i32
    %mul3A_6 = arith.constant 626 : i32
    %mul3A_7 = arith.muli %arg1, %mul3A_6 : i32
    "tpu.region"() ({
      %run_scoped3A_80 = tpu.sem_alloc : memref<!tpu.dma_semaphore, #tpu.memory_space<semaphore_mem>>
      %dma_start3A_81 = arith.constant 0 : i32
      %dma_start3A_82 = tpu.memref_slice %arg19[%mul3A_7, %dma_start3A_81] : memref<10016x64xi16, #tpu.memory_space<vmem_shared>> -> memref<626x64xi16, #tpu.memory_space<vmem_shared>>
      %dma_start3A_83 = arith.constant 0 : i32
      %dma_start3A_84 = tpu.memref_slice %arg5[%mul3A_5, %dma_start3A_83] : memref<10016x64xi16, #tpu.memory_space<hbm>> -> memref<626x64xi16, #tpu.memory_space<hbm>>
      tpu.enqueue_dma source(%dma_start3A_84 : memref<626x64xi16, #tpu.memory_space<hbm>>) target(%dma_start3A_82 : memref<626x64xi16, #tpu.memory_space<vmem_shared>>) target_semaphore(%run_scoped3A_80 : memref<!tpu.dma_semaphore, #tpu.memory_space<semaphore_mem>>)
      %dma_wait3A_85 = arith.constant 0 : i32
      %dma_wait3A_86 = tpu.memref_slice %arg19[%mul3A_7, %dma_wait3A_85] : memref<10016x64xi16, #tpu.memory_space<vmem_shared>> -> memref<626x64xi16, #tpu.memory_space<vmem_shared>>
      %dma_wait3A_87 = arith.constant 0 : i32
      %dma_wait3A_88 = tpu.memref_slice %arg5[%mul3A_5, %dma_wait3A_87] : memref<10016x64xi16, #tpu.memory_space<hbm>> -> memref<626x64xi16, #tpu.memory_space<hbm>>
      tpu.wait_dma2 semaphore(%run_scoped3A_80 : memref<!tpu.dma_semaphore, #tpu.memory_space<semaphore_mem>>) src(%dma_wait3A_88 : memref<626x64xi16, #tpu.memory_space<hbm>>) dst(%dma_wait3A_86 : memref<626x64xi16, #tpu.memory_space<vmem_shared>>)
      tpu.yield
    }) : () -> ()
    %scan3A = arith.constant 0 : i32
    %scan3A_8 = arith.constant 0 : i32
    %scan3A_9 = arith.constant 128 : i32
    %scan3A_10 = arith.addi %scan3A_8, %scan3A_9 : i32
    %scan3A_11 = arith.constant 1 : i32
    scf.for %scan3A_80 = %scan3A_8 to %scan3A_10 step %scan3A_11  : i32 {
      %broadcast_in_dim3A_81 = arith.constant 0.000000e+00 : f32
      %broadcast_in_dim3A_82 = vector.broadcast %broadcast_in_dim3A_81 : f32 to vector<16xf32>
      %swap3A = arith.constant 0 : i32
      %swap3A_83 = arith.index_cast %swap3A : i32 to index
      %swap3A_84 = arith.index_cast %scan3A_80 : i32 to index
      %swap3A_85 = arith.constant 0 : index
      %swap3A_86 = tpu.vector_load %arg15[%swap3A_83, %swap3A_84, %swap3A_85] {strides = array<i32>} : memref<2x128x64xf32, #tpu.memory_space<vmem>>, vector<16xf32>,
      tpu.vector_store %arg15[%swap3A_83, %swap3A_84, %swap3A_85], %broadcast_in_dim3A_82 {strides = array<i32>} : memref<2x128x64xf32, #tpu.memory_space<vmem>>, vector<16xf32>,
      %broadcast_in_dim3A_87 = arith.constant 0.000000e+00 : f32
      %broadcast_in_dim3A_88 = vector.broadcast %broadcast_in_dim3A_87 : f32 to vector<16xf32>
      %swap3A_89 = arith.constant 0 : i32
      %swap3A_90 = arith.index_cast %swap3A_89 : i32 to index
      %swap3A_91 = arith.index_cast %scan3A_80 : i32 to index
      %swap3A_92 = arith.constant 16 : index
      %swap3A_93 = tpu.vector_load %arg15[%swap3A_90, %swap3A_91, %swap3A_92] {strides = array<i32>} : memref<2x128x64xf32, #tpu.memory_space<vmem>>, vector<16xf32>,
      tpu.vector_store %arg15[%swap3A_90, %swap3A_91, %swap3A_92], %broadcast_in_dim3A_88 {strides = array<i32>} : memref<2x128x64xf32, #tpu.memory_space<vmem>>, vector<16xf32>,
      %broadcast_in_dim3A_94 = arith.constant 0.000000e+00 : f32
      %broadcast_in_dim3A_95 = vector.broadcast %broadcast_in_dim3A_94 : f32 to vector<16xf32>
      %swap3A_96 = arith.constant 0 : i32
      %swap3A_97 = arith.index_cast %swap3A_96 : i32 to index
      %swap3A_98 = arith.index_cast %scan3A_80 : i32 to index
      %swap3A_99 = arith.constant 32 : index
      %swap3A_100 = tpu.vector_load %arg15[%swap3A_97, %swap3A_98, %swap3A_99] {strides = array<i32>} : memref<2x128x64xf32, #tpu.memory_space<vmem>>, vector<16xf32>,
      tpu.vector_store %arg15[%swap3A_97, %swap3A_98, %swap3A_99], %broadcast_in_dim3A_95 {strides = array<i32>} : memref<2x128x64xf32, #tpu.memory_space<vmem>>, vector<16xf32>,
      %broadcast_in_dim3A_101 = arith.constant 0.000000e+00 : f32
      %broadcast_in_dim3A_102 = vector.broadcast %broadcast_in_dim3A_101 : f32 to vector<16xf32>
      %swap3A_103 = arith.constant 0 : i32
      %swap3A_104 = arith.index_cast %swap3A_103 : i32 to index
      %swap3A_105 = arith.index_cast %scan3A_80 : i32 to index
      %swap3A_106 = arith.constant 48 : index
      %swap3A_107 = tpu.vector_load %arg15[%swap3A_104, %swap3A_105, %swap3A_106] {strides = array<i32>} : memref<2x128x64xf32, #tpu.memory_space<vmem>>, vector<16xf32>,
      tpu.vector_store %arg15[%swap3A_104, %swap3A_105, %swap3A_106], %broadcast_in_dim3A_102 {strides = array<i32>} : memref<2x128x64xf32, #tpu.memory_space<vmem>>, vector<16xf32>,
      %broadcast_in_dim3A_108 = arith.constant 0.000000e+00 : f32
      %broadcast_in_dim3A_109 = vector.broadcast %broadcast_in_dim3A_108 : f32 to vector<16xf32>
      %swap3A_110 = arith.constant 0 : i32
      %swap3A_111 = arith.index_cast %swap3A_110 : i32 to index
      %swap3A_112 = arith.index_cast %scan3A_80 : i32 to index
      %swap3A_113 = arith.constant 0 : index
      %swap3A_114 = tpu.vector_load %arg16[%swap3A_111, %swap3A_112, %swap3A_113] {strides = array<i32>} : memref<2x128x16xf32, #tpu.memory_space<vmem>>, vector<16xf32>,
      tpu.vector_store %arg16[%swap3A_111, %swap3A_112, %swap3A_113], %broadcast_in_dim3A_109 {strides = array<i32>} : memref<2x128x16xf32, #tpu.memory_space<vmem>>, vector<16xf32>,
      %broadcast_in_dim3A_115 = arith.constant 0.000000e+00 : f32
      %broadcast_in_dim3A_116 = vector.broadcast %broadcast_in_dim3A_115 : f32 to vector<16xf32>
      %swap3A_117 = arith.constant 1 : i32
      %swap3A_118 = arith.index_cast %swap3A_117 : i32 to index
      %swap3A_119 = arith.index_cast %scan3A_80 : i32 to index
      %swap3A_120 = arith.constant 0 : index
      %swap3A_121 = tpu.vector_load %arg15[%swap3A_118, %swap3A_119, %swap3A_120] {strides = array<i32>} : memref<2x128x64xf32, #tpu.memory_space<vmem>>, vector<16xf32>,
      tpu.vector_store %arg15[%swap3A_118, %swap3A_119, %swap3A_120], %broadcast_in_dim3A_116 {strides = array<i32>} : memref<2x128x64xf32, #tpu.memory_space<vmem>>, vector<16xf32>,
      %broadcast_in_dim3A_122 = arith.constant 0.000000e+00 : f32
      %broadcast_in_dim3A_123 = vector.broadcast %broadcast_in_dim3A_122 : f32 to vector<16xf32>
      %swap3A_124 = arith.constant 1 : i32
      %swap3A_125 = arith.index_cast %swap3A_124 : i32 to index
      %swap3A_126 = arith.index_cast %scan3A_80 : i32 to index
      %swap3A_127 = arith.constant 16 : index
      %swap3A_128 = tpu.vector_load %arg15[%swap3A_125, %swap3A_126, %swap3A_127] {strides = array<i32>} : memref<2x128x64xf32, #tpu.memory_space<vmem>>, vector<16xf32>,
      tpu.vector_store %arg15[%swap3A_125, %swap3A_126, %swap3A_127], %broadcast_in_dim3A_123 {strides = array<i32>} : memref<2x128x64xf32, #tpu.memory_space<vmem>>, vector<16xf32>,
      %broadcast_in_dim3A_129 = arith.constant 0.000000e+00 : f32
      %broadcast_in_dim3A_130 = vector.broadcast %broadcast_in_dim3A_129 : f32 to vector<16xf32>
      %swap3A_131 = arith.constant 1 : i32
      %swap3A_132 = arith.index_cast %swap3A_131 : i32 to index
      %swap3A_133 = arith.index_cast %scan3A_80 : i32 to index
      %swap3A_134 = arith.constant 32 : index
      %swap3A_135 = tpu.vector_load %arg15[%swap3A_132, %swap3A_133, %swap3A_134] {strides = array<i32>} : memref<2x128x64xf32, #tpu.memory_space<vmem>>, vector<16xf32>,
      tpu.vector_store %arg15[%swap3A_132, %swap3A_133, %swap3A_134], %broadcast_in_dim3A_130 {strides = array<i32>} : memref<2x128x64xf32, #tpu.memory_space<vmem>>, vector<16xf32>,
      %broadcast_in_dim3A_136 = arith.constant 0.000000e+00 : f32
      %broadcast_in_dim3A_137 = vector.broadcast %broadcast_in_dim3A_136 : f32 to vector<16xf32>
      %swap3A_138 = arith.constant 1 : i32
      %swap3A_139 = arith.index_cast %swap3A_138 : i32 to index
      %swap3A_140 = arith.index_cast %scan3A_80 : i32 to index
      %swap3A_141 = arith.constant 48 : index
      %swap3A_142 = tpu.vector_load %arg15[%swap3A_139, %swap3A_140, %swap3A_141] {strides = array<i32>} : memref<2x128x64xf32, #tpu.memory_space<vmem>>, vector<16xf32>,
      tpu.vector_store %arg15[%swap3A_139, %swap3A_140, %swap3A_141], %broadcast_in_dim3A_137 {strides = array<i32>} : memref<2x128x64xf32, #tpu.memory_space<vmem>>, vector<16xf32>,
      %broadcast_in_dim3A_143 = arith.constant 0.000000e+00 : f32
      %broadcast_in_dim3A_144 = vector.broadcast %broadcast_in_dim3A_143 : f32 to vector<16xf32>
      %swap3A_145 = arith.constant 1 : i32
      %swap3A_146 = arith.index_cast %swap3A_145 : i32 to index
      %swap3A_147 = arith.index_cast %scan3A_80 : i32 to index
      %swap3A_148 = arith.constant 0 : index
      %swap3A_149 = tpu.vector_load %arg16[%swap3A_146, %swap3A_147, %swap3A_148] {strides = array<i32>} : memref<2x128x16xf32, #tpu.memory_space<vmem>>, vector<16xf32>,
      tpu.vector_store %arg16[%swap3A_146, %swap3A_147, %swap3A_148], %broadcast_in_dim3A_144 {strides = array<i32>} : memref<2x128x16xf32, #tpu.memory_space<vmem>>, vector<16xf32>,
    }
    %scan3A_12 = arith.constant 128 : i32
    %scan3A_13 = arith.constant 0 : i32
    %scan3A_14 = arith.constant 0 : i32
    %scan3A_15 = arith.constant 4 : i32
    %scan3A_16 = arith.addi %scan3A_14, %scan3A_15 : i32
    %scan3A_17 = arith.constant 1 : i32
    scf.for %scan3A_80 = %scan3A_14 to %scan3A_16 step %scan3A_17  : i32 {
      %mul3A_81 = arith.constant 128 : i32
      %mul3A_82 = arith.muli %scan3A_80, %mul3A_81 : i32
      %add3A_83 = arith.addi %mul3A_0, %mul3A_82 : i32
      %run_scoped3A_84 = arith.constant 0 : i32
      "tpu.region"() ({
        %run_scoped3A_85 = tpu.sem_alloc : memref<!tpu.dma_semaphore, #tpu.memory_space<semaphore_mem>>
        %dma_start3A_86 = arith.constant 0 : i32
        %dma_start3A_87 = arith.constant 0 : i32
        %dma_start3A_88 = tpu.memref_slice %arg15[%run_scoped3A_84, %dma_start3A_86, %dma_start3A_87] : memref<2x128x64xf32, #tpu.memory_space<vmem>> -> memref<1x128x64xf32, #tpu.memory_space<vmem>>
        %dma_start3A_89 = tpu.memref_squeeze %dma_start3A_88 : memref<1x128x64xf32, #tpu.memory_space<vmem>> -> memref<128x64xf32, #tpu.memory_space<vmem>>
        %dma_start3A_90 = arith.constant 0 : i32
        %dma_start3A_91 = arith.constant 0 : i32
        %dma_start3A_92 = tpu.memref_slice %dma_start3A_89[%dma_start3A_90, %dma_start3A_91] : memref<128x64xf32, #tpu.memory_space<vmem>> -> memref<128x64xf32, #tpu.memory_space<vmem>>
        %dma_start3A_93 = arith.constant 0 : i32
        %dma_start3A_94 = tpu.memref_slice %arg17[%add3A_83, %dma_start3A_93] : memref<10016x64xf32, #tpu.memory_space<vmem_shared>> -> memref<128x64xf32, #tpu.memory_space<vmem_shared>>
        %dma_start3A_95 = arith.constant 0 : i32
        %dma_start3A_96 = tpu.memref_slice %arg17[%add3A_83, %dma_start3A_95] : memref<10016x64xf32, #tpu.memory_space<vmem_shared>> -> memref<128x64xf32, #tpu.memory_space<vmem_shared>>
        %dma_start3A_97 = arith.constant 0 : i32
        %dma_start3A_98 = arith.constant 0 : i32
        %dma_start3A_99 = tpu.memref_slice %arg15[%run_scoped3A_84, %dma_start3A_97, %dma_start3A_98] : memref<2x128x64xf32, #tpu.memory_space<vmem>> -> memref<1x128x64xf32, #tpu.memory_space<vmem>>
        %dma_start3A_100 = tpu.memref_squeeze %dma_start3A_99 : memref<1x128x64xf32, #tpu.memory_space<vmem>> -> memref<128x64xf32, #tpu.memory_space<vmem>>
        %dma_start3A_101 = arith.constant 0 : i32
        %dma_start3A_102 = arith.constant 0 : i32
        %dma_start3A_103 = tpu.memref_slice %dma_start3A_100[%dma_start3A_101, %dma_start3A_102] : memref<128x64xf32, #tpu.memory_space<vmem>> -> memref<128x64xf32, #tpu.memory_space<vmem>>
        tpu.enqueue_dma source(%dma_start3A_103 : memref<128x64xf32, #tpu.memory_space<vmem>>) target(%dma_start3A_96 : memref<128x64xf32, #tpu.memory_space<vmem_shared>>) target_semaphore(%run_scoped3A_85 : memref<!tpu.dma_semaphore, #tpu.memory_space<semaphore_mem>>)
        %dma_wait3A_104 = arith.constant 0 : i32
        %dma_wait3A_105 = arith.constant 0 : i32
        %dma_wait3A_106 = tpu.memref_slice %arg15[%run_scoped3A_84, %dma_wait3A_104, %dma_wait3A_105] : memref<2x128x64xf32, #tpu.memory_space<vmem>> -> memref<1x128x64xf32, #tpu.memory_space<vmem>>
        %dma_wait3A_107 = tpu.memref_squeeze %dma_wait3A_106 : memref<1x128x64xf32, #tpu.memory_space<vmem>> -> memref<128x64xf32, #tpu.memory_space<vmem>>
        %dma_wait3A_108 = arith.constant 0 : i32
        %dma_wait3A_109 = arith.constant 0 : i32
        %dma_wait3A_110 = tpu.memref_slice %dma_wait3A_107[%dma_wait3A_108, %dma_wait3A_109] : memref<128x64xf32, #tpu.memory_space<vmem>> -> memref<128x64xf32, #tpu.memory_space<vmem>>
        %dma_wait3A_111 = arith.constant 0 : i32
        %dma_wait3A_112 = tpu.memref_slice %arg17[%add3A_83, %dma_wait3A_111] : memref<10016x64xf32, #tpu.memory_space<vmem_shared>> -> memref<128x64xf32, #tpu.memory_space<vmem_shared>>
        %dma_wait3A_113 = arith.constant 0 : i32
        %dma_wait3A_114 = tpu.memref_slice %arg17[%add3A_83, %dma_wait3A_113] : memref<10016x64xf32, #tpu.memory_space<vmem_shared>> -> memref<128x64xf32, #tpu.memory_space<vmem_shared>>
        %dma_wait3A_115 = arith.constant 0 : i32
        %dma_wait3A_116 = arith.constant 0 : i32
        %dma_wait3A_117 = tpu.memref_slice %arg15[%run_scoped3A_84, %dma_wait3A_115, %dma_wait3A_116] : memref<2x128x64xf32, #tpu.memory_space<vmem>> -> memref<1x128x64xf32, #tpu.memory_space<vmem>>
        %dma_wait3A_118 = tpu.memref_squeeze %dma_wait3A_117 : memref<1x128x64xf32, #tpu.memory_space<vmem>> -> memref<128x64xf32, #tpu.memory_space<vmem>>
        %dma_wait3A_119 = arith.constant 0 : i32
        %dma_wait3A_120 = arith.constant 0 : i32
        %dma_wait3A_121 = tpu.memref_slice %dma_wait3A_118[%dma_wait3A_119, %dma_wait3A_120] : memref<128x64xf32, #tpu.memory_space<vmem>> -> memref<128x64xf32, #tpu.memory_space<vmem>>
        tpu.wait_dma2 semaphore(%run_scoped3A_85 : memref<!tpu.dma_semaphore, #tpu.memory_space<semaphore_mem>>) src(%dma_wait3A_121 : memref<128x64xf32, #tpu.memory_space<vmem>>) dst(%dma_wait3A_114 : memref<128x64xf32, #tpu.memory_space<vmem_shared>>)
        tpu.yield
      }) : () -> ()
    }
    %scan3A_18 = arith.constant 4 : i32
    %add3A_19 = arith.constant 512 : i32
    %add3A_20 = arith.addi %mul3A_0, %add3A_19 : i32
    %run_scoped3A = arith.constant 0 : i32
    "tpu.region"() ({
      %run_scoped3A_80 = tpu.sem_alloc : memref<!tpu.dma_semaphore, #tpu.memory_space<semaphore_mem>>
      %dma_start3A_81 = arith.constant 0 : i32
      %dma_start3A_82 = arith.constant 0 : i32
      %dma_start3A_83 = tpu.memref_slice %arg15[%run_scoped3A, %dma_start3A_81, %dma_start3A_82] : memref<2x128x64xf32, #tpu.memory_space<vmem>> -> memref<1x128x64xf32, #tpu.memory_space<vmem>>
      %dma_start3A_84 = tpu.memref_squeeze %dma_start3A_83 : memref<1x128x64xf32, #tpu.memory_space<vmem>> -> memref<128x64xf32, #tpu.memory_space<vmem>>
      %dma_start3A_85 = arith.constant 0 : i32
      %dma_start3A_86 = arith.constant 0 : i32
      %dma_start3A_87 = tpu.memref_slice %dma_start3A_84[%dma_start3A_85, %dma_start3A_86] : memref<128x64xf32, #tpu.memory_space<vmem>> -> memref<114x64xf32, #tpu.memory_space<vmem>>
      %dma_start3A_88 = arith.constant 0 : i32
      %dma_start3A_89 = tpu.memref_slice %arg17[%add3A_20, %dma_start3A_88] : memref<10016x64xf32, #tpu.memory_space<vmem_shared>> -> memref<114x64xf32, #tpu.memory_space<vmem_shared>>
      %dma_start3A_90 = arith.constant 0 : i32
      %dma_start3A_91 = tpu.memref_slice %arg17[%add3A_20, %dma_start3A_90] : memref<10016x64xf32, #tpu.memory_space<vmem_shared>> -> memref<114x64xf32, #tpu.memory_space<vmem_shared>>
      %dma_start3A_92 = arith.constant 0 : i32
      %dma_start3A_93 = arith.constant 0 : i32
      %dma_start3A_94 = tpu.memref_slice %arg15[%run_scoped3A, %dma_start3A_92, %dma_start3A_93] : memref<2x128x64xf32, #tpu.memory_space<vmem>> -> memref<1x128x64xf32, #tpu.memory_space<vmem>>
      %dma_start3A_95 = tpu.memref_squeeze %dma_start3A_94 : memref<1x128x64xf32, #tpu.memory_space<vmem>> -> memref<128x64xf32, #tpu.memory_space<vmem>>
      %dma_start3A_96 = arith.constant 0 : i32
      %dma_start3A_97 = arith.constant 0 : i32
      %dma_start3A_98 = tpu.memref_slice %dma_start3A_95[%dma_start3A_96, %dma_start3A_97] : memref<128x64xf32, #tpu.memory_space<vmem>> -> memref<114x64xf32, #tpu.memory_space<vmem>>
      tpu.enqueue_dma source(%dma_start3A_98 : memref<114x64xf32, #tpu.memory_space<vmem>>) target(%dma_start3A_91 : memref<114x64xf32, #tpu.memory_space<vmem_shared>>) target_semaphore(%run_scoped3A_80 : memref<!tpu.dma_semaphore, #tpu.memory_space<semaphore_mem>>)
      %dma_wait3A_99 = arith.constant 0 : i32
      %dma_wait3A_100 = arith.constant 0 : i32
      %dma_wait3A_101 = tpu.memref_slice %arg15[%run_scoped3A, %dma_wait3A_99, %dma_wait3A_100] : memref<2x128x64xf32, #tpu.memory_space<vmem>> -> memref<1x128x64xf32, #tpu.memory_space<vmem>>
      %dma_wait3A_102 = tpu.memref_squeeze %dma_wait3A_101 : memref<1x128x64xf32, #tpu.memory_space<vmem>> -> memref<128x64xf32, #tpu.memory_space<vmem>>
      %dma_wait3A_103 = arith.constant 0 : i32
      %dma_wait3A_104 = arith.constant 0 : i32
      %dma_wait3A_105 = tpu.memref_slice %dma_wait3A_102[%dma_wait3A_103, %dma_wait3A_104] : memref<128x64xf32, #tpu.memory_space<vmem>> -> memref<114x64xf32, #tpu.memory_space<vmem>>
      %dma_wait3A_106 = arith.constant 0 : i32
      %dma_wait3A_107 = tpu.memref_slice %arg17[%add3A_20, %dma_wait3A_106] : memref<10016x64xf32, #tpu.memory_space<vmem_shared>> -> memref<114x64xf32, #tpu.memory_space<vmem_shared>>
      %dma_wait3A_108 = arith.constant 0 : i32
      %dma_wait3A_109 = tpu.memref_slice %arg17[%add3A_20, %dma_wait3A_108] : memref<10016x64xf32, #tpu.memory_space<vmem_shared>> -> memref<114x64xf32, #tpu.memory_space<vmem_shared>>
      %dma_wait3A_110 = arith.constant 0 : i32
      %dma_wait3A_111 = arith.constant 0 : i32
      %dma_wait3A_112 = tpu.memref_slice %arg15[%run_scoped3A, %dma_wait3A_110, %dma_wait3A_111] : memref<2x128x64xf32, #tpu.memory_space<vmem>> -> memref<1x128x64xf32, #tpu.memory_space<vmem>>
      %dma_wait3A_113 = tpu.memref_squeeze %dma_wait3A_112 : memref<1x128x64xf32, #tpu.memory_space<vmem>> -> memref<128x64xf32, #tpu.memory_space<vmem>>
      %dma_wait3A_114 = arith.constant 0 : i32
      %dma_wait3A_115 = arith.constant 0 : i32
      %dma_wait3A_116 = tpu.memref_slice %dma_wait3A_113[%dma_wait3A_114, %dma_wait3A_115] : memref<128x64xf32, #tpu.memory_space<vmem>> -> memref<114x64xf32, #tpu.memory_space<vmem>>
      tpu.wait_dma2 semaphore(%run_scoped3A_80 : memref<!tpu.dma_semaphore, #tpu.memory_space<semaphore_mem>>) src(%dma_wait3A_116 : memref<114x64xf32, #tpu.memory_space<vmem>>) dst(%dma_wait3A_109 : memref<114x64xf32, #tpu.memory_space<vmem_shared>>)
      tpu.yield
    }) : () -> ()
    %mul3A_21 = arith.constant 79 : i32
    %mul3A_22 = arith.muli %arg1, %mul3A_21 : i32
    %run_scoped3A_23 = arith.constant 0 : i32
    "tpu.region"() ({
      %run_scoped3A_80 = tpu.sem_alloc : memref<!tpu.dma_semaphore, #tpu.memory_space<semaphore_mem>>
      %dma_start3A_81 = arith.constant 0 : i32
      %dma_start3A_82 = arith.constant 0 : i32
      %dma_start3A_83 = tpu.memref_slice %arg16[%run_scoped3A_23, %dma_start3A_81, %dma_start3A_82] : memref<2x128x16xf32, #tpu.memory_space<vmem>> -> memref<1x128x16xf32, #tpu.memory_space<vmem>>
      %dma_start3A_84 = tpu.memref_squeeze %dma_start3A_83 : memref<1x128x16xf32, #tpu.memory_space<vmem>> -> memref<128x16xf32, #tpu.memory_space<vmem>>
      %dma_start3A_85 = arith.constant 0 : i32
      %dma_start3A_86 = arith.constant 0 : i32
      %dma_start3A_87 = tpu.memref_slice %dma_start3A_84[%dma_start3A_85, %dma_start3A_86] : memref<128x16xf32, #tpu.memory_space<vmem>> -> memref<79x16xf32, #tpu.memory_space<vmem>>
      %dma_start3A_88 = arith.constant 0 : i32
      %dma_start3A_89 = tpu.memref_slice %arg18[%mul3A_22, %dma_start3A_88] : memref<1264x16xf32, #tpu.memory_space<vmem_shared>> -> memref<79x16xf32, #tpu.memory_space<vmem_shared>>
      %dma_start3A_90 = arith.constant 0 : i32
      %dma_start3A_91 = tpu.memref_slice %arg18[%mul3A_22, %dma_start3A_90] : memref<1264x16xf32, #tpu.memory_space<vmem_shared>> -> memref<79x16xf32, #tpu.memory_space<vmem_shared>>
      %dma_start3A_92 = arith.constant 0 : i32
      %dma_start3A_93 = arith.constant 0 : i32
      %dma_start3A_94 = tpu.memref_slice %arg16[%run_scoped3A_23, %dma_start3A_92, %dma_start3A_93] : memref<2x128x16xf32, #tpu.memory_space<vmem>> -> memref<1x128x16xf32, #tpu.memory_space<vmem>>
      %dma_start3A_95 = tpu.memref_squeeze %dma_start3A_94 : memref<1x128x16xf32, #tpu.memory_space<vmem>> -> memref<128x16xf32, #tpu.memory_space<vmem>>
      %dma_start3A_96 = arith.constant 0 : i32
      %dma_start3A_97 = arith.constant 0 : i32
      %dma_start3A_98 = tpu.memref_slice %dma_start3A_95[%dma_start3A_96, %dma_start3A_97] : memref<128x16xf32, #tpu.memory_space<vmem>> -> memref<79x16xf32, #tpu.memory_space<vmem>>
      tpu.enqueue_dma source(%dma_start3A_98 : memref<79x16xf32, #tpu.memory_space<vmem>>) target(%dma_start3A_91 : memref<79x16xf32, #tpu.memory_space<vmem_shared>>) target_semaphore(%run_scoped3A_80 : memref<!tpu.dma_semaphore, #tpu.memory_space<semaphore_mem>>)
      %dma_wait3A_99 = arith.constant 0 : i32
      %dma_wait3A_100 = arith.constant 0 : i32
      %dma_wait3A_101 = tpu.memref_slice %arg16[%run_scoped3A_23, %dma_wait3A_99, %dma_wait3A_100] : memref<2x128x16xf32, #tpu.memory_space<vmem>> -> memref<1x128x16xf32, #tpu.memory_space<vmem>>
      %dma_wait3A_102 = tpu.memref_squeeze %dma_wait3A_101 : memref<1x128x16xf32, #tpu.memory_space<vmem>> -> memref<128x16xf32, #tpu.memory_space<vmem>>
      %dma_wait3A_103 = arith.constant 0 : i32
      %dma_wait3A_104 = arith.constant 0 : i32
      %dma_wait3A_105 = tpu.memref_slice %dma_wait3A_102[%dma_wait3A_103, %dma_wait3A_104] : memref<128x16xf32, #tpu.memory_space<vmem>> -> memref<79x16xf32, #tpu.memory_space<vmem>>
      %dma_wait3A_106 = arith.constant 0 : i32
      %dma_wait3A_107 = tpu.memref_slice %arg18[%mul3A_22, %dma_wait3A_106] : memref<1264x16xf32, #tpu.memory_space<vmem_shared>> -> memref<79x16xf32, #tpu.memory_space<vmem_shared>>
      %dma_wait3A_108 = arith.constant 0 : i32
      %dma_wait3A_109 = tpu.memref_slice %arg18[%mul3A_22, %dma_wait3A_108] : memref<1264x16xf32, #tpu.memory_space<vmem_shared>> -> memref<79x16xf32, #tpu.memory_space<vmem_shared>>
      %dma_wait3A_110 = arith.constant 0 : i32
      %dma_wait3A_111 = arith.constant 0 : i32
      %dma_wait3A_112 = tpu.memref_slice %arg16[%run_scoped3A_23, %dma_wait3A_110, %dma_wait3A_111] : memref<2x128x16xf32, #tpu.memory_space<vmem>> -> memref<1x128x16xf32, #tpu.memory_space<vmem>>
      %dma_wait3A_113 = tpu.memref_squeeze %dma_wait3A_112 : memref<1x128x16xf32, #tpu.memory_space<vmem>> -> memref<128x16xf32, #tpu.memory_space<vmem>>
      %dma_wait3A_114 = arith.constant 0 : i32
      %dma_wait3A_115 = arith.constant 0 : i32
      %dma_wait3A_116 = tpu.memref_slice %dma_wait3A_113[%dma_wait3A_114, %dma_wait3A_115] : memref<128x16xf32, #tpu.memory_space<vmem>> -> memref<79x16xf32, #tpu.memory_space<vmem>>
      tpu.wait_dma2 semaphore(%run_scoped3A_80 : memref<!tpu.dma_semaphore, #tpu.memory_space<semaphore_mem>>) src(%dma_wait3A_116 : memref<79x16xf32, #tpu.memory_space<vmem>>) dst(%dma_wait3A_109 : memref<79x16xf32, #tpu.memory_space<vmem_shared>>)
      tpu.yield
    }) : () -> ()
    %barrier3A = arith.constant 0 : index
    tpu.barrier barrier_id(%barrier3A)
    %broadcast_in_dim3A_24 = arith.constant 0 : i32
    %broadcast_in_dim3A_25 = vector.broadcast %broadcast_in_dim3A_24 : i32 to vector<16xi32>
    %iota3A = tpu.iota {dimensions = array<i32: 0>} : vector<16xi32>
    %iota3A_26 = tpu.iota {dimensions = array<i32: 0>} : vector<16xi32>
    %mul3A_27 = arith.constant 2 : i32
    %mul3A_28 = vector.broadcast %mul3A_27 : i32 to vector<16xi32>
    %mul3A_29 = arith.muli %iota3A_26, %mul3A_28 : vector<16xi32>
    %add3A_30 = arith.constant 1 : i32
    %add3A_31 = vector.broadcast %add3A_30 : i32 to vector<16xi32>
    %add3A_32 = arith.addi %mul3A_29, %add3A_31 : vector<16xi32>
    %scan3A_33 = arith.constant 0 : i32
    %scan3A_34 = arith.constant 0 : i32
    %scan3A_35 = arith.constant 8 : i32
    %scan3A_36 = arith.addi %scan3A_34, %scan3A_35 : i32
    %scan3A_37 = arith.constant 1 : i32
    scf.for %scan3A_80 = %scan3A_34 to %scan3A_36 step %scan3A_37  : i32 {
      %mul3A_81 = arith.constant 16 : i32
      %mul3A_82 = arith.muli %scan3A_80, %mul3A_81 : i32
      %get3A = arith.constant 0 : i32
      %get3A_83 = arith.index_cast %get3A : i32 to index
      %get3A_84 = arith.index_cast %mul3A_82 : i32 to index
      %get3A_85 = tpu.vector_load %arg8[%get3A_83, %get3A_84] {strides = array<i32>} : memref<81x128xi32, #tpu.memory_space<vmem>>, vector<16xi32>,
      %shift_right_logical3A = arith.constant 14 : i32
      %shift_right_logical3A_86 = vector.broadcast %shift_right_logical3A : i32 to vector<16xi32>
      %shift_right_logical3A_87 = arith.shrui %get3A_85, %shift_right_logical3A_86 : vector<16xi32>
      %and3A = arith.constant 16383 : i32
      %and3A_88 = vector.broadcast %and3A : i32 to vector<16xi32>
      %and3A_89 = arith.andi %get3A_85, %and3A_88 : vector<16xi32>
      %swap3A = arith.constant 0 : i32
      %swap3A_90 = arith.index_cast %swap3A : i32 to index
      %swap3A_91 = arith.index_cast %mul3A_82 : i32 to index
      %swap3A_92 = tpu.vector_load %arg9[%swap3A_90, %swap3A_91] {strides = array<i32>} : memref<2x128xi32, #tpu.memory_space<vmem>>, vector<16xi32>,
      tpu.vector_store %arg9[%swap3A_90, %swap3A_91], %and3A_89 {strides = array<i32>} : memref<2x128xi32, #tpu.memory_space<vmem>>, vector<16xi32>,
      %swap3A_93 = arith.constant 0 : i32
      %swap3A_94 = arith.index_cast %swap3A_93 : i32 to index
      %swap3A_95 = arith.index_cast %mul3A_82 : i32 to index
      %swap3A_96 = tpu.vector_load %arg10[%swap3A_94, %swap3A_95] {strides = array<i32>} : memref<2x128xi32, #tpu.memory_space<vmem>>, vector<16xi32>,
      tpu.vector_store %arg10[%swap3A_94, %swap3A_95], %shift_right_logical3A_87 {strides = array<i32>} : memref<2x128xi32, #tpu.memory_space<vmem>>, vector<16xi32>,
      %shift_right_logical3A_97 = arith.constant 3 : i32
      %shift_right_logical3A_98 = vector.broadcast %shift_right_logical3A_97 : i32 to vector<16xi32>
      %shift_right_logical3A_99 = arith.shrui %shift_right_logical3A_87, %shift_right_logical3A_98 : vector<16xi32>
      %swap3A_100 = arith.constant 0 : i32
      %swap3A_101 = arith.index_cast %swap3A_100 : i32 to index
      %swap3A_102 = arith.index_cast %mul3A_82 : i32 to index
      %swap3A_103 = tpu.vector_load %arg11[%swap3A_101, %swap3A_102] {strides = array<i32>} : memref<2x128xi32, #tpu.memory_space<vmem>>, vector<16xi32>,
      tpu.vector_store %arg11[%swap3A_101, %swap3A_102], %shift_right_logical3A_99 {strides = array<i32>} : memref<2x128xi32, #tpu.memory_space<vmem>>, vector<16xi32>,
    }
    %scan3A_38 = arith.constant 8 : i32
    %dma_start3A = arith.constant 0 : i32
    %dma_start3A_39 = arith.constant 0 : i32
    %dma_start3A_40 = arith.constant 0 : i32
    %dma_start3A_41 = arith.constant 0 : i32
    %dma_start3A_42 = tpu.memref_slice %arg14[%dma_start3A_39, %dma_start3A_40, %dma_start3A_41] : memref<2x128x64xi16, #tpu.memory_space<vmem>> -> memref<1x128x64xi16, #tpu.memory_space<vmem>>
    %dma_start3A_43 = tpu.memref_squeeze %dma_start3A_42 : memref<1x128x64xi16, #tpu.memory_space<vmem>> -> memref<128x64xi16, #tpu.memory_space<vmem>>
    %dma_start3A_44 = arith.constant 0 : i32
    %dma_start3A_45 = tpu.memref_slice %arg9[%dma_start3A, %dma_start3A_44] : memref<2x128xi32, #tpu.memory_space<vmem>> -> memref<1x128xi32, #tpu.memory_space<vmem>>
    %dma_start3A_46 = tpu.memref_squeeze %dma_start3A_45 : memref<1x128xi32, #tpu.memory_space<vmem>> -> memref<128xi32, #tpu.memory_space<vmem>>
    %dma_start3A_47 = arith.constant 0 : i32
    %dma_start3A_48 = arith.constant 0 : i32
    %dma_start3A_49 = tpu.memref_slice %arg19[%dma_start3A_47, %dma_start3A_48] : memref<10016x64xi16, #tpu.memory_space<vmem_shared>> -> memref<10016x64xi16, #tpu.memory_space<vmem_shared>>
    tpu.enqueue_indirect_dma source(%dma_start3A_49 : memref<10016x64xi16, #tpu.memory_space<vmem_shared>>) target(%dma_start3A_43 : memref<128x64xi16, #tpu.memory_space<vmem>>) offsets(%dma_start3A_46 : memref<128xi32, #tpu.memory_space<vmem>>) semaphore(%arg20 : memref<!tpu.dma_semaphore, #tpu.memory_space<semaphore_mem>>)
    %scan3A_50 = arith.constant 0 : i32
    %scan3A_51 = arith.constant 0 : i32
    %scan3A_52 = arith.constant 81 : i32
    %scan3A_53 = arith.addi %scan3A_51, %scan3A_52 : i32
    %scan3A_54 = arith.constant 1 : i32
    scf.for %scan3A_80 = %scan3A_51 to %scan3A_53 step %scan3A_54  : i32 {
      %and3A = arith.constant 1 : i32
      %and3A_81 = arith.andi %scan3A_80, %and3A : i32
      %gt3A = arith.constant 0 : i32
      %gt3A_82 = arith.cmpi sgt, %scan3A_80, %gt3A : i32
      %convert_element_type3A = arith.extui %gt3A_82 : i1 to i32
      %cond3A = arith.constant 0 : i32
      %cond3A_83 = arith.cmpi ne, %convert_element_type3A, %cond3A : i32
      scf.if %cond3A_83 {
        %sub3A = arith.constant 1 : i32
        %sub3A_132 = arith.subi %sub3A, %and3A_81 : i32
        %dma_wait3A_133 = arith.constant 0 : i32
        %dma_wait3A_134 = arith.constant 0 : i32
        %dma_wait3A_135 = tpu.memref_slice %arg15[%sub3A_132, %dma_wait3A_133, %dma_wait3A_134] : memref<2x128x64xf32, #tpu.memory_space<vmem>> -> memref<1x128x64xf32, #tpu.memory_space<vmem>>
        %dma_wait3A_136 = tpu.memref_squeeze %dma_wait3A_135 : memref<1x128x64xf32, #tpu.memory_space<vmem>> -> memref<128x64xf32, #tpu.memory_space<vmem>>
        %dma_wait3A_137 = arith.constant 0 : i32
        %dma_wait3A_138 = tpu.memref_slice %arg10[%sub3A_132, %dma_wait3A_137] : memref<2x128xi32, #tpu.memory_space<vmem>> -> memref<1x128xi32, #tpu.memory_space<vmem>>
        %dma_wait3A_139 = tpu.memref_squeeze %dma_wait3A_138 : memref<1x128xi32, #tpu.memory_space<vmem>> -> memref<128xi32, #tpu.memory_space<vmem>>
        %dma_wait3A_140 = arith.constant 0 : i32
        %dma_wait3A_141 = arith.constant 0 : i32
        %dma_wait3A_142 = tpu.memref_slice %arg17[%dma_wait3A_140, %dma_wait3A_141] : memref<10016x64xf32, #tpu.memory_space<vmem_shared>> -> memref<10016x64xf32, #tpu.memory_space<vmem_shared>>
        tpu.wait_indirect_dma semaphore(%arg21 : memref<!tpu.dma_semaphore, #tpu.memory_space<semaphore_mem>>) src(%dma_wait3A_136 : memref<128x64xf32, #tpu.memory_space<vmem>>) dst(%dma_wait3A_142 : memref<10016x64xf32, #tpu.memory_space<vmem_shared>>)
        %dma_wait3A_143 = arith.constant 0 : i32
        %dma_wait3A_144 = arith.constant 0 : i32
        %dma_wait3A_145 = tpu.memref_slice %arg16[%sub3A_132, %dma_wait3A_143, %dma_wait3A_144] : memref<2x128x16xf32, #tpu.memory_space<vmem>> -> memref<1x128x16xf32, #tpu.memory_space<vmem>>
        %dma_wait3A_146 = tpu.memref_squeeze %dma_wait3A_145 : memref<1x128x16xf32, #tpu.memory_space<vmem>> -> memref<128x16xf32, #tpu.memory_space<vmem>>
        %dma_wait3A_147 = arith.constant 0 : i32
        %dma_wait3A_148 = tpu.memref_slice %arg11[%sub3A_132, %dma_wait3A_147] : memref<2x128xi32, #tpu.memory_space<vmem>> -> memref<1x128xi32, #tpu.memory_space<vmem>>
        %dma_wait3A_149 = tpu.memref_squeeze %dma_wait3A_148 : memref<1x128xi32, #tpu.memory_space<vmem>> -> memref<128xi32, #tpu.memory_space<vmem>>
        %dma_wait3A_150 = arith.constant 0 : i32
        %dma_wait3A_151 = arith.constant 0 : i32
        %dma_wait3A_152 = tpu.memref_slice %arg18[%dma_wait3A_150, %dma_wait3A_151] : memref<1264x16xf32, #tpu.memory_space<vmem_shared>> -> memref<1264x16xf32, #tpu.memory_space<vmem_shared>>
        tpu.wait_indirect_dma semaphore(%arg21 : memref<!tpu.dma_semaphore, #tpu.memory_space<semaphore_mem>>) src(%dma_wait3A_146 : memref<128x16xf32, #tpu.memory_space<vmem>>) dst(%dma_wait3A_152 : memref<1264x16xf32, #tpu.memory_space<vmem_shared>>)
      } else {
      }
      %add3A_84 = arith.constant 1 : i32
      %add3A_85 = arith.addi %scan3A_80, %add3A_84 : i32
      %lt3A = arith.constant 81 : i32
      %lt3A_86 = arith.cmpi slt, %add3A_85, %lt3A : i32
      %convert_element_type3A_87 = arith.extui %lt3A_86 : i1 to i32
      %cond3A_88 = arith.constant 0 : i32
      %cond3A_89 = arith.cmpi ne, %convert_element_type3A_87, %cond3A_88 : i32
      scf.if %cond3A_89 {
        %add3A_132 = arith.constant 1 : i32
        %add3A_133 = arith.addi %scan3A_80, %add3A_132 : i32
        %sub3A = arith.constant 1 : i32
        %sub3A_134 = arith.subi %sub3A, %and3A_81 : i32
        %scan3A_135 = arith.constant 0 : i32
        %scan3A_136 = arith.constant 0 : i32
        %scan3A_137 = arith.constant 8 : i32
        %scan3A_138 = arith.addi %scan3A_136, %scan3A_137 : i32
        %scan3A_139 = arith.constant 1 : i32
        scf.for %scan3A_153 = %scan3A_136 to %scan3A_138 step %scan3A_139  : i32 {
          %mul3A_154 = arith.constant 16 : i32
          %mul3A_155 = arith.muli %scan3A_153, %mul3A_154 : i32
          %get3A = arith.index_cast %add3A_133 : i32 to index
          %get3A_156 = arith.index_cast %mul3A_155 : i32 to index
          %get3A_157 = tpu.vector_load %arg8[%get3A, %get3A_156] {strides = array<i32>} : memref<81x128xi32, #tpu.memory_space<vmem>>, vector<16xi32>,
          %shift_right_logical3A = arith.constant 14 : i32
          %shift_right_logical3A_158 = vector.broadcast %shift_right_logical3A : i32 to vector<16xi32>
          %shift_right_logical3A_159 = arith.shrui %get3A_157, %shift_right_logical3A_158 : vector<16xi32>
          %and3A_160 = arith.constant 16383 : i32
          %and3A_161 = vector.broadcast %and3A_160 : i32 to vector<16xi32>
          %and3A_162 = arith.andi %get3A_157, %and3A_161 : vector<16xi32>
          %swap3A = arith.index_cast %sub3A_134 : i32 to index
          %swap3A_163 = arith.index_cast %mul3A_155 : i32 to index
          %swap3A_164 = tpu.vector_load %arg9[%swap3A, %swap3A_163] {strides = array<i32>} : memref<2x128xi32, #tpu.memory_space<vmem>>, vector<16xi32>,
          tpu.vector_store %arg9[%swap3A, %swap3A_163], %and3A_162 {strides = array<i32>} : memref<2x128xi32, #tpu.memory_space<vmem>>, vector<16xi32>,
          %swap3A_165 = arith.index_cast %sub3A_134 : i32 to index
          %swap3A_166 = arith.index_cast %mul3A_155 : i32 to index
          %swap3A_167 = tpu.vector_load %arg10[%swap3A_165, %swap3A_166] {strides = array<i32>} : memref<2x128xi32, #tpu.memory_space<vmem>>, vector<16xi32>,
          tpu.vector_store %arg10[%swap3A_165, %swap3A_166], %shift_right_logical3A_159 {strides = array<i32>} : memref<2x128xi32, #tpu.memory_space<vmem>>, vector<16xi32>,
          %shift_right_logical3A_168 = arith.constant 3 : i32
          %shift_right_logical3A_169 = vector.broadcast %shift_right_logical3A_168 : i32 to vector<16xi32>
          %shift_right_logical3A_170 = arith.shrui %shift_right_logical3A_159, %shift_right_logical3A_169 : vector<16xi32>
          %swap3A_171 = arith.index_cast %sub3A_134 : i32 to index
          %swap3A_172 = arith.index_cast %mul3A_155 : i32 to index
          %swap3A_173 = tpu.vector_load %arg11[%swap3A_171, %swap3A_172] {strides = array<i32>} : memref<2x128xi32, #tpu.memory_space<vmem>>, vector<16xi32>,
          tpu.vector_store %arg11[%swap3A_171, %swap3A_172], %shift_right_logical3A_170 {strides = array<i32>} : memref<2x128xi32, #tpu.memory_space<vmem>>, vector<16xi32>,
        }
        %scan3A_140 = arith.constant 8 : i32
        %sub3A_141 = arith.constant 1 : i32
        %sub3A_142 = arith.subi %sub3A_141, %and3A_81 : i32
        %dma_start3A_143 = arith.constant 0 : i32
        %dma_start3A_144 = arith.constant 0 : i32
        %dma_start3A_145 = tpu.memref_slice %arg14[%sub3A_142, %dma_start3A_143, %dma_start3A_144] : memref<2x128x64xi16, #tpu.memory_space<vmem>> -> memref<1x128x64xi16, #tpu.memory_space<vmem>>
        %dma_start3A_146 = tpu.memref_squeeze %dma_start3A_145 : memref<1x128x64xi16, #tpu.memory_space<vmem>> -> memref<128x64xi16, #tpu.memory_space<vmem>>
        %dma_start3A_147 = arith.constant 0 : i32
        %dma_start3A_148 = tpu.memref_slice %arg9[%sub3A_142, %dma_start3A_147] : memref<2x128xi32, #tpu.memory_space<vmem>> -> memref<1x128xi32, #tpu.memory_space<vmem>>
        %dma_start3A_149 = tpu.memref_squeeze %dma_start3A_148 : memref<1x128xi32, #tpu.memory_space<vmem>> -> memref<128xi32, #tpu.memory_space<vmem>>
        %dma_start3A_150 = arith.constant 0 : i32
        %dma_start3A_151 = arith.constant 0 : i32
        %dma_start3A_152 = tpu.memref_slice %arg19[%dma_start3A_150, %dma_start3A_151] : memref<10016x64xi16, #tpu.memory_space<vmem_shared>> -> memref<10016x64xi16, #tpu.memory_space<vmem_shared>>
        tpu.enqueue_indirect_dma source(%dma_start3A_152 : memref<10016x64xi16, #tpu.memory_space<vmem_shared>>) target(%dma_start3A_146 : memref<128x64xi16, #tpu.memory_space<vmem>>) offsets(%dma_start3A_149 : memref<128xi32, #tpu.memory_space<vmem>>) semaphore(%arg20 : memref<!tpu.dma_semaphore, #tpu.memory_space<semaphore_mem>>)
      } else {
      }
      %scan3A_90 = arith.constant 0 : i32
      %scan3A_91 = arith.constant 0 : i32
      %scan3A_92 = arith.constant 4 : i32
      %scan3A_93 = arith.addi %scan3A_91, %scan3A_92 : i32
      %scan3A_94 = arith.constant 1 : i32
      scf.for %scan3A_132 = %scan3A_91 to %scan3A_93 step %scan3A_94  : i32 {
        %mul3A_133 = arith.constant 2 : i32
        %mul3A_134 = arith.muli %mul3A_133, %scan3A_132 : i32
        %add3A_135 = arith.constant 0 : i32
        %add3A_136 = arith.addi %mul3A_134, %add3A_135 : i32
        %mul3A_137 = arith.constant 16 : i32
        %mul3A_138 = arith.muli %add3A_136, %mul3A_137 : i32
        %get3A = arith.index_cast %and3A_81 : i32 to index
        %get3A_139 = arith.index_cast %mul3A_138 : i32 to index
        %get3A_140 = tpu.vector_load %arg9[%get3A, %get3A_139] {strides = array<i32>} : memref<2x128xi32, #tpu.memory_space<vmem>>, vector<16xi32>,
        %mul3A_141 = arith.constant 16 : i32
        %mul3A_142 = arith.muli %add3A_136, %mul3A_141 : i32
        %get3A_143 = arith.index_cast %and3A_81 : i32 to index
        %get3A_144 = arith.index_cast %mul3A_142 : i32 to index
        %get3A_145 = tpu.vector_load %arg10[%get3A_143, %get3A_144] {strides = array<i32>} : memref<2x128xi32, #tpu.memory_space<vmem>>, vector<16xi32>,
        %gather3A_146 = tpu.vector_load_idx %arg13[%get3A_145] : memref<10016xf32, #tpu.memory_space<vmem>>[vector<16xi32>], vector<16xf32>,
        %gather3A_147 = tpu.vector_load_idx %arg12[%get3A_140] : memref<10016xf32, #tpu.memory_space<vmem>>[vector<16xi32>], vector<16xf32>,
        %add3A_148 = arith.addf %gather3A_147, %gather3A_146 : vector<16xf32>
        %mul3A_149 = arith.constant 2.000000e-01 : f32
        %mul3A_150 = vector.broadcast %mul3A_149 : f32 to vector<16xf32>
        %mul3A_151 = arith.mulf %mul3A_150, %add3A_148 : vector<16xf32>
        %max3A = arith.maximumf %add3A_148, %mul3A_151 : vector<16xf32>
        %add3A_152 = arith.addf %gather3A, %gather3A_146 : vector<16xf32>
        %mul3A_153 = arith.constant 2.000000e-01 : f32
        %mul3A_154 = vector.broadcast %mul3A_153 : f32 to vector<16xf32>
        %mul3A_155 = arith.mulf %mul3A_154, %add3A_152 : vector<16xf32>
        %max3A_156 = arith.maximumf %add3A_152, %mul3A_155 : vector<16xf32>
        %sub3A = arith.subf %max3A, %max3A_156 : vector<16xf32>
        %exp3A = math.exp %sub3A : vector<16xf32>
        %and3A_157 = arith.constant 7 : i32
        %and3A_158 = vector.broadcast %and3A_157 : i32 to vector<16xi32>
        %and3A_159 = arith.andi %get3A_145, %and3A_158 : vector<16xi32>
        %mul3A_160 = arith.constant 2 : i32
        %mul3A_161 = vector.broadcast %mul3A_160 : i32 to vector<16xi32>
        %mul3A_162 = arith.muli %and3A_159, %mul3A_161 : vector<16xi32>
        %broadcast_in_dim3A_163 = arith.constant 0.000000e+00 : f32
        %broadcast_in_dim3A_164 = vector.broadcast %broadcast_in_dim3A_163 : f32 to vector<16xf32>
        %mul3A_165 = arith.constant 16 : i32
        %mul3A_166 = arith.muli %add3A_136, %mul3A_165 : i32
        %add3A_167 = vector.broadcast %mul3A_166 : i32 to vector<16xi32>
        %add3A_168 = arith.addi %add3A_167, %iota3A : vector<16xi32>
        %add3A_169 = arith.constant 2 : i32
        %add3A_170 = vector.broadcast %add3A_169 : i32 to vector<16xi32>
        %add3A_171 = arith.addi %mul3A_162, %add3A_170 : vector<16xi32>
        %and3A_172 = arith.constant 14 : i32
        %and3A_173 = vector.broadcast %and3A_172 : i32 to vector<16xi32>
        %and3A_174 = arith.andi %add3A_171, %and3A_173 : vector<16xi32>
        %scatter3A = arith.constant 0 : i32
        %scatter3A_175 = arith.constant 0 : i32
        %scatter3A_176 = tpu.memref_slice %arg16[%and3A_81, %scatter3A, %scatter3A_175] : memref<2x128x16xf32, #tpu.memory_space<vmem>> -> memref<1x128x16xf32, #tpu.memory_space<vmem>>
        %scatter3A_177 = tpu.memref_squeeze %scatter3A_176 : memref<1x128x16xf32, #tpu.memory_space<vmem>> -> memref<128x16xf32, #tpu.memory_space<vmem>>
        tpu.vector_store_idx %scatter3A_177[%add3A_168, %and3A_174], %broadcast_in_dim3A_164 : memref<128x16xf32, #tpu.memory_space<vmem>>[vector<16xi32>, vector<16xi32>], vector<16xf32>,
        %add3A_178 = arith.constant 4 : i32
        %add3A_179 = vector.broadcast %add3A_178 : i32 to vector<16xi32>
        %add3A_180 = arith.addi %mul3A_162, %add3A_179 : vector<16xi32>
        %and3A_181 = arith.constant 14 : i32
        %and3A_182 = vector.broadcast %and3A_181 : i32 to vector<16xi32>
        %and3A_183 = arith.andi %add3A_180, %and3A_182 : vector<16xi32>
        %scatter3A_184 = arith.constant 0 : i32
        %scatter3A_185 = arith.constant 0 : i32
        %scatter3A_186 = tpu.memref_slice %arg16[%and3A_81, %scatter3A_184, %scatter3A_185] : memref<2x128x16xf32, #tpu.memory_space<vmem>> -> memref<1x128x16xf32, #tpu.memory_space<vmem>>
        %scatter3A_187 = tpu.memref_squeeze %scatter3A_186 : memref<1x128x16xf32, #tpu.memory_space<vmem>> -> memref<128x16xf32, #tpu.memory_space<vmem>>
        tpu.vector_store_idx %scatter3A_187[%add3A_168, %and3A_183], %broadcast_in_dim3A_164 : memref<128x16xf32, #tpu.memory_space<vmem>>[vector<16xi32>, vector<16xi32>], vector<16xf32>,
        %add3A_188 = arith.constant 6 : i32
        %add3A_189 = vector.broadcast %add3A_188 : i32 to vector<16xi32>
        %add3A_190 = arith.addi %mul3A_162, %add3A_189 : vector<16xi32>
        %and3A_191 = arith.constant 14 : i32
        %and3A_192 = vector.broadcast %and3A_191 : i32 to vector<16xi32>
        %and3A_193 = arith.andi %add3A_190, %and3A_192 : vector<16xi32>
        %scatter3A_194 = arith.constant 0 : i32
        %scatter3A_195 = arith.constant 0 : i32
        %scatter3A_196 = tpu.memref_slice %arg16[%and3A_81, %scatter3A_194, %scatter3A_195] : memref<2x128x16xf32, #tpu.memory_space<vmem>> -> memref<1x128x16xf32, #tpu.memory_space<vmem>>
        %scatter3A_197 = tpu.memref_squeeze %scatter3A_196 : memref<1x128x16xf32, #tpu.memory_space<vmem>> -> memref<128x16xf32, #tpu.memory_space<vmem>>
        tpu.vector_store_idx %scatter3A_197[%add3A_168, %and3A_193], %broadcast_in_dim3A_164 : memref<128x16xf32, #tpu.memory_space<vmem>>[vector<16xi32>, vector<16xi32>], vector<16xf32>,
        %add3A_198 = arith.constant 8 : i32
        %add3A_199 = vector.broadcast %add3A_198 : i32 to vector<16xi32>
        %add3A_200 = arith.addi %mul3A_162, %add3A_199 : vector<16xi32>
        %and3A_201 = arith.constant 14 : i32
        %and3A_202 = vector.broadcast %and3A_201 : i32 to vector<16xi32>
        %and3A_203 = arith.andi %add3A_200, %and3A_202 : vector<16xi32>
        %scatter3A_204 = arith.constant 0 : i32
        %scatter3A_205 = arith.constant 0 : i32
        %scatter3A_206 = tpu.memref_slice %arg16[%and3A_81, %scatter3A_204, %scatter3A_205] : memref<2x128x16xf32, #tpu.memory_space<vmem>> -> memref<1x128x16xf32, #tpu.memory_space<vmem>>
        %scatter3A_207 = tpu.memref_squeeze %scatter3A_206 : memref<1x128x16xf32, #tpu.memory_space<vmem>> -> memref<128x16xf32, #tpu.memory_space<vmem>>
        tpu.vector_store_idx %scatter3A_207[%add3A_168, %and3A_203], %broadcast_in_dim3A_164 : memref<128x16xf32, #tpu.memory_space<vmem>>[vector<16xi32>, vector<16xi32>], vector<16xf32>,
        %add3A_208 = arith.constant 10 : i32
        %add3A_209 = vector.broadcast %add3A_208 : i32 to vector<16xi32>
        %add3A_210 = arith.addi %mul3A_162, %add3A_209 : vector<16xi32>
        %and3A_211 = arith.constant 14 : i32
        %and3A_212 = vector.broadcast %and3A_211 : i32 to vector<16xi32>
        %and3A_213 = arith.andi %add3A_210, %and3A_212 : vector<16xi32>
        %scatter3A_214 = arith.constant 0 : i32
        %scatter3A_215 = arith.constant 0 : i32
        %scatter3A_216 = tpu.memref_slice %arg16[%and3A_81, %scatter3A_214, %scatter3A_215] : memref<2x128x16xf32, #tpu.memory_space<vmem>> -> memref<1x128x16xf32, #tpu.memory_space<vmem>>
        %scatter3A_217 = tpu.memref_squeeze %scatter3A_216 : memref<1x128x16xf32, #tpu.memory_space<vmem>> -> memref<128x16xf32, #tpu.memory_space<vmem>>
        tpu.vector_store_idx %scatter3A_217[%add3A_168, %and3A_213], %broadcast_in_dim3A_164 : memref<128x16xf32, #tpu.memory_space<vmem>>[vector<16xi32>, vector<16xi32>], vector<16xf32>,
        %add3A_218 = arith.constant 12 : i32
        %add3A_219 = vector.broadcast %add3A_218 : i32 to vector<16xi32>
        %add3A_220 = arith.addi %mul3A_162, %add3A_219 : vector<16xi32>
        %and3A_221 = arith.constant 14 : i32
        %and3A_222 = vector.broadcast %and3A_221 : i32 to vector<16xi32>
        %and3A_223 = arith.andi %add3A_220, %and3A_222 : vector<16xi32>
        %scatter3A_224 = arith.constant 0 : i32
        %scatter3A_225 = arith.constant 0 : i32
        %scatter3A_226 = tpu.memref_slice %arg16[%and3A_81, %scatter3A_224, %scatter3A_225] : memref<2x128x16xf32, #tpu.memory_space<vmem>> -> memref<1x128x16xf32, #tpu.memory_space<vmem>>
        %scatter3A_227 = tpu.memref_squeeze %scatter3A_226 : memref<1x128x16xf32, #tpu.memory_space<vmem>> -> memref<128x16xf32, #tpu.memory_space<vmem>>
        tpu.vector_store_idx %scatter3A_227[%add3A_168, %and3A_223], %broadcast_in_dim3A_164 : memref<128x16xf32, #tpu.memory_space<vmem>>[vector<16xi32>, vector<16xi32>], vector<16xf32>,
        %add3A_228 = arith.constant 14 : i32
        %add3A_229 = vector.broadcast %add3A_228 : i32 to vector<16xi32>
        %add3A_230 = arith.addi %mul3A_162, %add3A_229 : vector<16xi32>
        %and3A_231 = arith.constant 14 : i32
        %and3A_232 = vector.broadcast %and3A_231 : i32 to vector<16xi32>
        %and3A_233 = arith.andi %add3A_230, %and3A_232 : vector<16xi32>
        %scatter3A_234 = arith.constant 0 : i32
        %scatter3A_235 = arith.constant 0 : i32
        %scatter3A_236 = tpu.memref_slice %arg16[%and3A_81, %scatter3A_234, %scatter3A_235] : memref<2x128x16xf32, #tpu.memory_space<vmem>> -> memref<1x128x16xf32, #tpu.memory_space<vmem>>
        %scatter3A_237 = tpu.memref_squeeze %scatter3A_236 : memref<1x128x16xf32, #tpu.memory_space<vmem>> -> memref<128x16xf32, #tpu.memory_space<vmem>>
        tpu.vector_store_idx %scatter3A_237[%add3A_168, %and3A_233], %broadcast_in_dim3A_164 : memref<128x16xf32, #tpu.memory_space<vmem>>[vector<16xi32>, vector<16xi32>], vector<16xf32>,
        %scatter3A_238 = arith.constant 0 : i32
        %scatter3A_239 = arith.constant 0 : i32
        %scatter3A_240 = tpu.memref_slice %arg16[%and3A_81, %scatter3A_238, %scatter3A_239] : memref<2x128x16xf32, #tpu.memory_space<vmem>> -> memref<1x128x16xf32, #tpu.memory_space<vmem>>
        %scatter3A_241 = tpu.memref_squeeze %scatter3A_240 : memref<1x128x16xf32, #tpu.memory_space<vmem>> -> memref<128x16xf32, #tpu.memory_space<vmem>>
        tpu.vector_store_idx %scatter3A_241[%add3A_168, %mul3A_162], %exp3A : memref<128x16xf32, #tpu.memory_space<vmem>>[vector<16xi32>, vector<16xi32>], vector<16xf32>,
        %mul3A_242 = arith.constant 2 : i32
        %mul3A_243 = arith.muli %mul3A_242, %scan3A_132 : i32
        %add3A_244 = arith.constant 1 : i32
        %add3A_245 = arith.addi %mul3A_243, %add3A_244 : i32
        %mul3A_246 = arith.constant 16 : i32
        %mul3A_247 = arith.muli %add3A_245, %mul3A_246 : i32
        %get3A_248 = arith.index_cast %and3A_81 : i32 to index
        %get3A_249 = arith.index_cast %mul3A_247 : i32 to index
        %get3A_250 = tpu.vector_load %arg9[%get3A_248, %get3A_249] {strides = array<i32>} : memref<2x128xi32, #tpu.memory_space<vmem>>, vector<16xi32>,
        %mul3A_251 = arith.constant 16 : i32
        %mul3A_252 = arith.muli %add3A_245, %mul3A_251 : i32
        %get3A_253 = arith.index_cast %and3A_81 : i32 to index
        %get3A_254 = arith.index_cast %mul3A_252 : i32 to index
        %get3A_255 = tpu.vector_load %arg10[%get3A_253, %get3A_254] {strides = array<i32>} : memref<2x128xi32, #tpu.memory_space<vmem>>, vector<16xi32>,
        %gather3A_256 = tpu.vector_load_idx %arg13[%get3A_255] : memref<10016xf32, #tpu.memory_space<vmem>>[vector<16xi32>], vector<16xf32>,
        %gather3A_257 = tpu.vector_load_idx %arg12[%get3A_250] : memref<10016xf32, #tpu.memory_space<vmem>>[vector<16xi32>], vector<16xf32>,
        %add3A_258 = arith.addf %gather3A_257, %gather3A_256 : vector<16xf32>
        %mul3A_259 = arith.constant 2.000000e-01 : f32
        %mul3A_260 = vector.broadcast %mul3A_259 : f32 to vector<16xf32>
        %mul3A_261 = arith.mulf %mul3A_260, %add3A_258 : vector<16xf32>
        %max3A_262 = arith.maximumf %add3A_258, %mul3A_261 : vector<16xf32>
        %add3A_263 = arith.addf %gather3A, %gather3A_256 : vector<16xf32>
        %mul3A_264 = arith.constant 2.000000e-01 : f32
        %mul3A_265 = vector.broadcast %mul3A_264 : f32 to vector<16xf32>
        %mul3A_266 = arith.mulf %mul3A_265, %add3A_263 : vector<16xf32>
        %max3A_267 = arith.maximumf %add3A_263, %mul3A_266 : vector<16xf32>
        %sub3A_268 = arith.subf %max3A_262, %max3A_267 : vector<16xf32>
        %exp3A_269 = math.exp %sub3A_268 : vector<16xf32>
        %and3A_270 = arith.constant 7 : i32
        %and3A_271 = vector.broadcast %and3A_270 : i32 to vector<16xi32>
        %and3A_272 = arith.andi %get3A_255, %and3A_271 : vector<16xi32>
        %mul3A_273 = arith.constant 2 : i32
        %mul3A_274 = vector.broadcast %mul3A_273 : i32 to vector<16xi32>
        %mul3A_275 = arith.muli %and3A_272, %mul3A_274 : vector<16xi32>
        %broadcast_in_dim3A_276 = arith.constant 0.000000e+00 : f32
        %broadcast_in_dim3A_277 = vector.broadcast %broadcast_in_dim3A_276 : f32 to vector<16xf32>
        %mul3A_278 = arith.constant 16 : i32
        %mul3A_279 = arith.muli %add3A_245, %mul3A_278 : i32
        %add3A_280 = vector.broadcast %mul3A_279 : i32 to vector<16xi32>
        %add3A_281 = arith.addi %add3A_280, %iota3A : vector<16xi32>
        %add3A_282 = arith.constant 2 : i32
        %add3A_283 = vector.broadcast %add3A_282 : i32 to vector<16xi32>
        %add3A_284 = arith.addi %mul3A_275, %add3A_283 : vector<16xi32>
        %and3A_285 = arith.constant 14 : i32
        %and3A_286 = vector.broadcast %and3A_285 : i32 to vector<16xi32>
        %and3A_287 = arith.andi %add3A_284, %and3A_286 : vector<16xi32>
        %scatter3A_288 = arith.constant 0 : i32
        %scatter3A_289 = arith.constant 0 : i32
        %scatter3A_290 = tpu.memref_slice %arg16[%and3A_81, %scatter3A_288, %scatter3A_289] : memref<2x128x16xf32, #tpu.memory_space<vmem>> -> memref<1x128x16xf32, #tpu.memory_space<vmem>>
        %scatter3A_291 = tpu.memref_squeeze %scatter3A_290 : memref<1x128x16xf32, #tpu.memory_space<vmem>> -> memref<128x16xf32, #tpu.memory_space<vmem>>
        tpu.vector_store_idx %scatter3A_291[%add3A_281, %and3A_287], %broadcast_in_dim3A_277 : memref<128x16xf32, #tpu.memory_space<vmem>>[vector<16xi32>, vector<16xi32>], vector<16xf32>,
        %add3A_292 = arith.constant 4 : i32
        %add3A_293 = vector.broadcast %add3A_292 : i32 to vector<16xi32>
        %add3A_294 = arith.addi %mul3A_275, %add3A_293 : vector<16xi32>
        %and3A_295 = arith.constant 14 : i32
        %and3A_296 = vector.broadcast %and3A_295 : i32 to vector<16xi32>
        %and3A_297 = arith.andi %add3A_294, %and3A_296 : vector<16xi32>
        %scatter3A_298 = arith.constant 0 : i32
        %scatter3A_299 = arith.constant 0 : i32
        %scatter3A_300 = tpu.memref_slice %arg16[%and3A_81, %scatter3A_298, %scatter3A_299] : memref<2x128x16xf32, #tpu.memory_space<vmem>> -> memref<1x128x16xf32, #tpu.memory_space<vmem>>
        %scatter3A_301 = tpu.memref_squeeze %scatter3A_300 : memref<1x128x16xf32, #tpu.memory_space<vmem>> -> memref<128x16xf32, #tpu.memory_space<vmem>>
        tpu.vector_store_idx %scatter3A_301[%add3A_281, %and3A_297], %broadcast_in_dim3A_277 : memref<128x16xf32, #tpu.memory_space<vmem>>[vector<16xi32>, vector<16xi32>], vector<16xf32>,
        %add3A_302 = arith.constant 6 : i32
        %add3A_303 = vector.broadcast %add3A_302 : i32 to vector<16xi32>
        %add3A_304 = arith.addi %mul3A_275, %add3A_303 : vector<16xi32>
        %and3A_305 = arith.constant 14 : i32
        %and3A_306 = vector.broadcast %and3A_305 : i32 to vector<16xi32>
        %and3A_307 = arith.andi %add3A_304, %and3A_306 : vector<16xi32>
        %scatter3A_308 = arith.constant 0 : i32
        %scatter3A_309 = arith.constant 0 : i32
        %scatter3A_310 = tpu.memref_slice %arg16[%and3A_81, %scatter3A_308, %scatter3A_309] : memref<2x128x16xf32, #tpu.memory_space<vmem>> -> memref<1x128x16xf32, #tpu.memory_space<vmem>>
        %scatter3A_311 = tpu.memref_squeeze %scatter3A_310 : memref<1x128x16xf32, #tpu.memory_space<vmem>> -> memref<128x16xf32, #tpu.memory_space<vmem>>
        tpu.vector_store_idx %scatter3A_311[%add3A_281, %and3A_307], %broadcast_in_dim3A_277 : memref<128x16xf32, #tpu.memory_space<vmem>>[vector<16xi32>, vector<16xi32>], vector<16xf32>,
        %add3A_312 = arith.constant 8 : i32
        %add3A_313 = vector.broadcast %add3A_312 : i32 to vector<16xi32>
        %add3A_314 = arith.addi %mul3A_275, %add3A_313 : vector<16xi32>
        %and3A_315 = arith.constant 14 : i32
        %and3A_316 = vector.broadcast %and3A_315 : i32 to vector<16xi32>
        %and3A_317 = arith.andi %add3A_314, %and3A_316 : vector<16xi32>
        %scatter3A_318 = arith.constant 0 : i32
        %scatter3A_319 = arith.constant 0 : i32
        %scatter3A_320 = tpu.memref_slice %arg16[%and3A_81, %scatter3A_318, %scatter3A_319] : memref<2x128x16xf32, #tpu.memory_space<vmem>> -> memref<1x128x16xf32, #tpu.memory_space<vmem>>
        %scatter3A_321 = tpu.memref_squeeze %scatter3A_320 : memref<1x128x16xf32, #tpu.memory_space<vmem>> -> memref<128x16xf32, #tpu.memory_space<vmem>>
        tpu.vector_store_idx %scatter3A_321[%add3A_281, %and3A_317], %broadcast_in_dim3A_277 : memref<128x16xf32, #tpu.memory_space<vmem>>[vector<16xi32>, vector<16xi32>], vector<16xf32>,
        %add3A_322 = arith.constant 10 : i32
        %add3A_323 = vector.broadcast %add3A_322 : i32 to vector<16xi32>
        %add3A_324 = arith.addi %mul3A_275, %add3A_323 : vector<16xi32>
        %and3A_325 = arith.constant 14 : i32
        %and3A_326 = vector.broadcast %and3A_325 : i32 to vector<16xi32>
        %and3A_327 = arith.andi %add3A_324, %and3A_326 : vector<16xi32>
        %scatter3A_328 = arith.constant 0 : i32
        %scatter3A_329 = arith.constant 0 : i32
        %scatter3A_330 = tpu.memref_slice %arg16[%and3A_81, %scatter3A_328, %scatter3A_329] : memref<2x128x16xf32, #tpu.memory_space<vmem>> -> memref<1x128x16xf32, #tpu.memory_space<vmem>>
        %scatter3A_331 = tpu.memref_squeeze %scatter3A_330 : memref<1x128x16xf32, #tpu.memory_space<vmem>> -> memref<128x16xf32, #tpu.memory_space<vmem>>
        tpu.vector_store_idx %scatter3A_331[%add3A_281, %and3A_327], %broadcast_in_dim3A_277 : memref<128x16xf32, #tpu.memory_space<vmem>>[vector<16xi32>, vector<16xi32>], vector<16xf32>,
        %add3A_332 = arith.constant 12 : i32
        %add3A_333 = vector.broadcast %add3A_332 : i32 to vector<16xi32>
        %add3A_334 = arith.addi %mul3A_275, %add3A_333 : vector<16xi32>
        %and3A_335 = arith.constant 14 : i32
        %and3A_336 = vector.broadcast %and3A_335 : i32 to vector<16xi32>
        %and3A_337 = arith.andi %add3A_334, %and3A_336 : vector<16xi32>
        %scatter3A_338 = arith.constant 0 : i32
        %scatter3A_339 = arith.constant 0 : i32
        %scatter3A_340 = tpu.memref_slice %arg16[%and3A_81, %scatter3A_338, %scatter3A_339] : memref<2x128x16xf32, #tpu.memory_space<vmem>> -> memref<1x128x16xf32, #tpu.memory_space<vmem>>
        %scatter3A_341 = tpu.memref_squeeze %scatter3A_340 : memref<1x128x16xf32, #tpu.memory_space<vmem>> -> memref<128x16xf32, #tpu.memory_space<vmem>>
        tpu.vector_store_idx %scatter3A_341[%add3A_281, %and3A_337], %broadcast_in_dim3A_277 : memref<128x16xf32, #tpu.memory_space<vmem>>[vector<16xi32>, vector<16xi32>], vector<16xf32>,
        %add3A_342 = arith.constant 14 : i32
        %add3A_343 = vector.broadcast %add3A_342 : i32 to vector<16xi32>
        %add3A_344 = arith.addi %mul3A_275, %add3A_343 : vector<16xi32>
        %and3A_345 = arith.constant 14 : i32
        %and3A_346 = vector.broadcast %and3A_345 : i32 to vector<16xi32>
        %and3A_347 = arith.andi %add3A_344, %and3A_346 : vector<16xi32>
        %scatter3A_348 = arith.constant 0 : i32
        %scatter3A_349 = arith.constant 0 : i32
        %scatter3A_350 = tpu.memref_slice %arg16[%and3A_81, %scatter3A_348, %scatter3A_349] : memref<2x128x16xf32, #tpu.memory_space<vmem>> -> memref<1x128x16xf32, #tpu.memory_space<vmem>>
        %scatter3A_351 = tpu.memref_squeeze %scatter3A_350 : memref<1x128x16xf32, #tpu.memory_space<vmem>> -> memref<128x16xf32, #tpu.memory_space<vmem>>
        tpu.vector_store_idx %scatter3A_351[%add3A_281, %and3A_347], %broadcast_in_dim3A_277 : memref<128x16xf32, #tpu.memory_space<vmem>>[vector<16xi32>, vector<16xi32>], vector<16xf32>,
        %scatter3A_352 = arith.constant 0 : i32
        %scatter3A_353 = arith.constant 0 : i32
        %scatter3A_354 = tpu.memref_slice %arg16[%and3A_81, %scatter3A_352, %scatter3A_353] : memref<2x128x16xf32, #tpu.memory_space<vmem>> -> memref<1x128x16xf32, #tpu.memory_space<vmem>>
        %scatter3A_355 = tpu.memref_squeeze %scatter3A_354 : memref<1x128x16xf32, #tpu.memory_space<vmem>> -> memref<128x16xf32, #tpu.memory_space<vmem>>
        tpu.vector_store_idx %scatter3A_355[%add3A_281, %mul3A_275], %exp3A_269 : memref<128x16xf32, #tpu.memory_space<vmem>>[vector<16xi32>, vector<16xi32>], vector<16xf32>,
      }
      %scan3A_95 = arith.constant 4 : i32
      %dma_wait3A_96 = arith.constant 0 : i32
      %dma_wait3A_97 = arith.constant 0 : i32
      %dma_wait3A_98 = tpu.memref_slice %arg14[%and3A_81, %dma_wait3A_96, %dma_wait3A_97] : memref<2x128x64xi16, #tpu.memory_space<vmem>> -> memref<1x128x64xi16, #tpu.memory_space<vmem>>
      %dma_wait3A_99 = tpu.memref_squeeze %dma_wait3A_98 : memref<1x128x64xi16, #tpu.memory_space<vmem>> -> memref<128x64xi16, #tpu.memory_space<vmem>>
      %dma_wait3A_100 = arith.constant 0 : i32
      %dma_wait3A_101 = tpu.memref_slice %arg9[%and3A_81, %dma_wait3A_100] : memref<2x128xi32, #tpu.memory_space<vmem>> -> memref<1x128xi32, #tpu.memory_space<vmem>>
      %dma_wait3A_102 = tpu.memref_squeeze %dma_wait3A_101 : memref<1x128xi32, #tpu.memory_space<vmem>> -> memref<128xi32, #tpu.memory_space<vmem>>
      %dma_wait3A_103 = arith.constant 0 : i32
      %dma_wait3A_104 = arith.constant 0 : i32
      %dma_wait3A_105 = tpu.memref_slice %arg19[%dma_wait3A_103, %dma_wait3A_104] : memref<10016x64xi16, #tpu.memory_space<vmem_shared>> -> memref<10016x64xi16, #tpu.memory_space<vmem_shared>>
      tpu.wait_indirect_dma semaphore(%arg20 : memref<!tpu.dma_semaphore, #tpu.memory_space<semaphore_mem>>) src(%dma_wait3A_105 : memref<10016x64xi16, #tpu.memory_space<vmem_shared>>) dst(%dma_wait3A_99 : memref<128x64xi16, #tpu.memory_space<vmem>>)
      %scan3A_106 = arith.constant 0 : i32
      %scan3A_107 = arith.constant 0 : i32
      %scan3A_108 = arith.constant 32 : i32
      %scan3A_109 = arith.addi %scan3A_107, %scan3A_108 : i32
      %scan3A_110 = arith.constant 1 : i32
      scf.for %scan3A_132 = %scan3A_107 to %scan3A_109 step %scan3A_110  : i32 {
        %mul3A_133 = arith.constant 4 : i32
        %mul3A_134 = arith.muli %mul3A_133, %scan3A_132 : i32
        %add3A_135 = arith.constant 0 : i32
        %add3A_136 = arith.addi %mul3A_134, %add3A_135 : i32
        %broadcast_in_dim3A_137 = vector.broadcast %add3A_136 : i32 to vector<16xi32>
        %gather3A_138 = arith.constant 0 : i32
        %gather3A_139 = arith.constant 0 : i32
        %gather3A_140 = tpu.memref_slice %arg16[%and3A_81, %gather3A_138, %gather3A_139] : memref<2x128x16xf32, #tpu.memory_space<vmem>> -> memref<1x128x16xf32, #tpu.memory_space<vmem>>
        %gather3A_141 = tpu.memref_squeeze %gather3A_140 : memref<1x128x16xf32, #tpu.memory_space<vmem>> -> memref<128x16xf32, #tpu.memory_space<vmem>>
        %gather3A_142 = tpu.vector_load_idx %gather3A_141[%broadcast_in_dim3A_137, %broadcast_in_dim3A_25] : memref<128x16xf32, #tpu.memory_space<vmem>>[vector<16xi32>, vector<16xi32>], vector<16xf32>,
        %get3A = arith.index_cast %and3A_81 : i32 to index
        %get3A_143 = arith.index_cast %add3A_136 : i32 to index
        %get3A_144 = arith.constant 0 : index
        %get3A_145 = tpu.vector_load %arg14[%get3A, %get3A_143, %get3A_144] {strides = array<i32>} : memref<2x128x64xi16, #tpu.memory_space<vmem>>, vector<32xi16>,
        %unpack3A = tpu.unpack_subelements %get3A_145, 0 {pack_format = #tpu.pack_format<interleaved>} : vector<32xi16> -> vector<16xi32>
        %unpack3A_146 = tpu.unpack_subelements %get3A_145, 1 {pack_format = #tpu.pack_format<interleaved>} : vector<32xi16> -> vector<16xi32>
        %get3A_147 = arith.index_cast %and3A_81 : i32 to index
        %get3A_148 = arith.index_cast %add3A_136 : i32 to index
        %get3A_149 = arith.constant 32 : index
        %get3A_150 = tpu.vector_load %arg14[%get3A_147, %get3A_148, %get3A_149] {strides = array<i32>} : memref<2x128x64xi16, #tpu.memory_space<vmem>>, vector<32xi16>,
        %unpack3A_151 = tpu.unpack_subelements %get3A_150, 0 {pack_format = #tpu.pack_format<interleaved>} : vector<32xi16> -> vector<16xi32>
        %unpack3A_152 = tpu.unpack_subelements %get3A_150, 1 {pack_format = #tpu.pack_format<interleaved>} : vector<32xi16> -> vector<16xi32>
        %mul3A_153 = arith.constant 4 : i32
        %mul3A_154 = arith.muli %mul3A_153, %scan3A_132 : i32
        %add3A_155 = arith.constant 1 : i32
        %add3A_156 = arith.addi %mul3A_154, %add3A_155 : i32
        %broadcast_in_dim3A_157 = vector.broadcast %add3A_156 : i32 to vector<16xi32>
        %gather3A_158 = arith.constant 0 : i32
        %gather3A_159 = arith.constant 0 : i32
        %gather3A_160 = tpu.memref_slice %arg16[%and3A_81, %gather3A_158, %gather3A_159] : memref<2x128x16xf32, #tpu.memory_space<vmem>> -> memref<1x128x16xf32, #tpu.memory_space<vmem>>
        %gather3A_161 = tpu.memref_squeeze %gather3A_160 : memref<1x128x16xf32, #tpu.memory_space<vmem>> -> memref<128x16xf32, #tpu.memory_space<vmem>>
        %gather3A_162 = tpu.vector_load_idx %gather3A_161[%broadcast_in_dim3A_157, %broadcast_in_dim3A_25] : memref<128x16xf32, #tpu.memory_space<vmem>>[vector<16xi32>, vector<16xi32>], vector<16xf32>,
        %get3A_163 = arith.index_cast %and3A_81 : i32 to index
        %get3A_164 = arith.index_cast %add3A_156 : i32 to index
        %get3A_165 = arith.constant 0 : index
        %get3A_166 = tpu.vector_load %arg14[%get3A_163, %get3A_164, %get3A_165] {strides = array<i32>} : memref<2x128x64xi16, #tpu.memory_space<vmem>>, vector<32xi16>,
        %unpack3A_167 = tpu.unpack_subelements %get3A_166, 0 {pack_format = #tpu.pack_format<interleaved>} : vector<32xi16> -> vector<16xi32>
        %unpack3A_168 = tpu.unpack_subelements %get3A_166, 1 {pack_format = #tpu.pack_format<interleaved>} : vector<32xi16> -> vector<16xi32>
        %get3A_169 = arith.index_cast %and3A_81 : i32 to index
        %get3A_170 = arith.index_cast %add3A_156 : i32 to index
        %get3A_171 = arith.constant 32 : index
        %get3A_172 = tpu.vector_load %arg14[%get3A_169, %get3A_170, %get3A_171] {strides = array<i32>} : memref<2x128x64xi16, #tpu.memory_space<vmem>>, vector<32xi16>,
        %unpack3A_173 = tpu.unpack_subelements %get3A_172, 0 {pack_format = #tpu.pack_format<interleaved>} : vector<32xi16> -> vector<16xi32>
        %unpack3A_174 = tpu.unpack_subelements %get3A_172, 1 {pack_format = #tpu.pack_format<interleaved>} : vector<32xi16> -> vector<16xi32>
        %mul3A_175 = arith.constant 4 : i32
        %mul3A_176 = arith.muli %mul3A_175, %scan3A_132 : i32
        %add3A_177 = arith.constant 2 : i32
        %add3A_178 = arith.addi %mul3A_176, %add3A_177 : i32
        %broadcast_in_dim3A_179 = vector.broadcast %add3A_178 : i32 to vector<16xi32>
        %gather3A_180 = arith.constant 0 : i32
        %gather3A_181 = arith.constant 0 : i32
        %gather3A_182 = tpu.memref_slice %arg16[%and3A_81, %gather3A_180, %gather3A_181] : memref<2x128x16xf32, #tpu.memory_space<vmem>> -> memref<1x128x16xf32, #tpu.memory_space<vmem>>
        %gather3A_183 = tpu.memref_squeeze %gather3A_182 : memref<1x128x16xf32, #tpu.memory_space<vmem>> -> memref<128x16xf32, #tpu.memory_space<vmem>>
        %gather3A_184 = tpu.vector_load_idx %gather3A_183[%broadcast_in_dim3A_179, %broadcast_in_dim3A_25] : memref<128x16xf32, #tpu.memory_space<vmem>>[vector<16xi32>, vector<16xi32>], vector<16xf32>,
        %get3A_185 = arith.index_cast %and3A_81 : i32 to index
        %get3A_186 = arith.index_cast %add3A_178 : i32 to index
        %get3A_187 = arith.constant 0 : index
        %get3A_188 = tpu.vector_load %arg14[%get3A_185, %get3A_186, %get3A_187] {strides = array<i32>} : memref<2x128x64xi16, #tpu.memory_space<vmem>>, vector<32xi16>,
        %unpack3A_189 = tpu.unpack_subelements %get3A_188, 0 {pack_format = #tpu.pack_format<interleaved>} : vector<32xi16> -> vector<16xi32>
        %unpack3A_190 = tpu.unpack_subelements %get3A_188, 1 {pack_format = #tpu.pack_format<interleaved>} : vector<32xi16> -> vector<16xi32>
        %get3A_191 = arith.index_cast %and3A_81 : i32 to index
        %get3A_192 = arith.index_cast %add3A_178 : i32 to index
        %get3A_193 = arith.constant 32 : index
        %get3A_194 = tpu.vector_load %arg14[%get3A_191, %get3A_192, %get3A_193] {strides = array<i32>} : memref<2x128x64xi16, #tpu.memory_space<vmem>>, vector<32xi16>,
        %unpack3A_195 = tpu.unpack_subelements %get3A_194, 0 {pack_format = #tpu.pack_format<interleaved>} : vector<32xi16> -> vector<16xi32>
        %unpack3A_196 = tpu.unpack_subelements %get3A_194, 1 {pack_format = #tpu.pack_format<interleaved>} : vector<32xi16> -> vector<16xi32>
        %mul3A_197 = arith.constant 4 : i32
        %mul3A_198 = arith.muli %mul3A_197, %scan3A_132 : i32
        %add3A_199 = arith.constant 3 : i32
        %add3A_200 = arith.addi %mul3A_198, %add3A_199 : i32
        %broadcast_in_dim3A_201 = vector.broadcast %add3A_200 : i32 to vector<16xi32>
        %gather3A_202 = arith.constant 0 : i32
        %gather3A_203 = arith.constant 0 : i32
        %gather3A_204 = tpu.memref_slice %arg16[%and3A_81, %gather3A_202, %gather3A_203] : memref<2x128x16xf32, #tpu.memory_space<vmem>> -> memref<1x128x16xf32, #tpu.memory_space<vmem>>
        %gather3A_205 = tpu.memref_squeeze %gather3A_204 : memref<1x128x16xf32, #tpu.memory_space<vmem>> -> memref<128x16xf32, #tpu.memory_space<vmem>>
        %gather3A_206 = tpu.vector_load_idx %gather3A_205[%broadcast_in_dim3A_201, %broadcast_in_dim3A_25] : memref<128x16xf32, #tpu.memory_space<vmem>>[vector<16xi32>, vector<16xi32>], vector<16xf32>,
        %get3A_207 = arith.index_cast %and3A_81 : i32 to index
        %get3A_208 = arith.index_cast %add3A_200 : i32 to index
        %get3A_209 = arith.constant 0 : index
        %get3A_210 = tpu.vector_load %arg14[%get3A_207, %get3A_208, %get3A_209] {strides = array<i32>} : memref<2x128x64xi16, #tpu.memory_space<vmem>>, vector<32xi16>,
        %unpack3A_211 = tpu.unpack_subelements %get3A_210, 0 {pack_format = #tpu.pack_format<interleaved>} : vector<32xi16> -> vector<16xi32>
        %unpack3A_212 = tpu.unpack_subelements %get3A_210, 1 {pack_format = #tpu.pack_format<interleaved>} : vector<32xi16> -> vector<16xi32>
        %get3A_213 = arith.index_cast %and3A_81 : i32 to index
        %get3A_214 = arith.index_cast %add3A_200 : i32 to index
        %get3A_215 = arith.constant 32 : index
        %get3A_216 = tpu.vector_load %arg14[%get3A_213, %get3A_214, %get3A_215] {strides = array<i32>} : memref<2x128x64xi16, #tpu.memory_space<vmem>>, vector<32xi16>,
        %unpack3A_217 = tpu.unpack_subelements %get3A_216, 0 {pack_format = #tpu.pack_format<interleaved>} : vector<32xi16> -> vector<16xi32>
        %unpack3A_218 = tpu.unpack_subelements %get3A_216, 1 {pack_format = #tpu.pack_format<interleaved>} : vector<32xi16> -> vector<16xi32>
        %mul3A_219 = arith.constant 4 : i32
        %mul3A_220 = arith.muli %mul3A_219, %scan3A_132 : i32
        %add3A_221 = arith.constant 0 : i32
        %add3A_222 = arith.addi %mul3A_220, %add3A_221 : i32
        %add3A_223 = arith.constant 0 : i32
        %add3A_224 = vector.broadcast %add3A_223 : i32 to vector<16xi32>
        %add3A_225 = arith.addi %add3A_224, %mul3A_29 : vector<16xi32>
        %and3A_226 = arith.constant 32767 : i32
        %and3A_227 = vector.broadcast %and3A_226 : i32 to vector<16xi32>
        %and3A_228 = arith.andi %unpack3A, %and3A_227 : vector<16xi32>
        %shift_left3A = arith.constant 13 : i32
        %shift_left3A_229 = vector.broadcast %shift_left3A : i32 to vector<16xi32>
        %shift_left3A_230 = arith.shli %and3A_228, %shift_left3A_229 : vector<16xi32>
        %add3A_231 = arith.constant 939524096 : i32
        %add3A_232 = vector.broadcast %add3A_231 : i32 to vector<16xi32>
        %add3A_233 = arith.addi %shift_left3A_230, %add3A_232 : vector<16xi32>
        %and3A_234 = arith.constant 32768 : i32
        %and3A_235 = vector.broadcast %and3A_234 : i32 to vector<16xi32>
        %and3A_236 = arith.andi %unpack3A, %and3A_235 : vector<16xi32>
        %shift_left3A_237 = arith.constant 16 : i32
        %shift_left3A_238 = vector.broadcast %shift_left3A_237 : i32 to vector<16xi32>
        %shift_left3A_239 = arith.shli %and3A_236, %shift_left3A_238 : vector<16xi32>
        %or3A = arith.ori %add3A_233, %shift_left3A_239 : vector<16xi32>
        %bitcast3A = vector.bitcast %or3A : vector<16xi32> to vector<16xf32>
        %mul3A_240 = arith.mulf %bitcast3A, %gather3A_142 : vector<16xf32>
        %scatter3A = arith.constant 0 : i32
        %scatter3A_241 = arith.constant 0 : i32
        %scatter3A_242 = tpu.memref_slice %arg15[%and3A_81, %scatter3A, %scatter3A_241] : memref<2x128x64xf32, #tpu.memory_space<vmem>> -> memref<1x128x64xf32, #tpu.memory_space<vmem>>
        %scatter3A_243 = tpu.memref_squeeze %scatter3A_242 : memref<1x128x64xf32, #tpu.memory_space<vmem>> -> memref<128x64xf32, #tpu.memory_space<vmem>>
        %scatter3A_244 = arith.constant 0 : i32
        %scatter3A_245 = tpu.memref_slice %scatter3A_243[%add3A_222, %scatter3A_244] : memref<128x64xf32, #tpu.memory_space<vmem>> -> memref<1x64xf32, #tpu.memory_space<vmem>>
        %scatter3A_246 = tpu.memref_squeeze %scatter3A_245 : memref<1x64xf32, #tpu.memory_space<vmem>> -> memref<64xf32, #tpu.memory_space<vmem>>
        tpu.vector_store_idx %scatter3A_246[%add3A_225], %mul3A_240 : memref<64xf32, #tpu.memory_space<vmem>>[vector<16xi32>], vector<16xf32>,
        %add3A_247 = arith.constant 0 : i32
        %add3A_248 = vector.broadcast %add3A_247 : i32 to vector<16xi32>
        %add3A_249 = arith.addi %add3A_248, %add3A_32 : vector<16xi32>
        %and3A_250 = arith.constant 32767 : i32
        %and3A_251 = vector.broadcast %and3A_250 : i32 to vector<16xi32>
        %and3A_252 = arith.andi %unpack3A_146, %and3A_251 : vector<16xi32>
        %shift_left3A_253 = arith.constant 13 : i32
        %shift_left3A_254 = vector.broadcast %shift_left3A_253 : i32 to vector<16xi32>
        %shift_left3A_255 = arith.shli %and3A_252, %shift_left3A_254 : vector<16xi32>
        %add3A_256 = arith.constant 939524096 : i32
        %add3A_257 = vector.broadcast %add3A_256 : i32 to vector<16xi32>
        %add3A_258 = arith.addi %shift_left3A_255, %add3A_257 : vector<16xi32>
        %and3A_259 = arith.constant 32768 : i32
        %and3A_260 = vector.broadcast %and3A_259 : i32 to vector<16xi32>
        %and3A_261 = arith.andi %unpack3A_146, %and3A_260 : vector<16xi32>
        %shift_left3A_262 = arith.constant 16 : i32
        %shift_left3A_263 = vector.broadcast %shift_left3A_262 : i32 to vector<16xi32>
        %shift_left3A_264 = arith.shli %and3A_261, %shift_left3A_263 : vector<16xi32>
        %or3A_265 = arith.ori %add3A_258, %shift_left3A_264 : vector<16xi32>
        %bitcast3A_266 = vector.bitcast %or3A_265 : vector<16xi32> to vector<16xf32>
        %mul3A_267 = arith.mulf %bitcast3A_266, %gather3A_142 : vector<16xf32>
        %scatter3A_268 = arith.constant 0 : i32
        %scatter3A_269 = arith.constant 0 : i32
        %scatter3A_270 = tpu.memref_slice %arg15[%and3A_81, %scatter3A_268, %scatter3A_269] : memref<2x128x64xf32, #tpu.memory_space<vmem>> -> memref<1x128x64xf32, #tpu.memory_space<vmem>>
        %scatter3A_271 = tpu.memref_squeeze %scatter3A_270 : memref<1x128x64xf32, #tpu.memory_space<vmem>> -> memref<128x64xf32, #tpu.memory_space<vmem>>
        %scatter3A_272 = arith.constant 0 : i32
        %scatter3A_273 = tpu.memref_slice %scatter3A_271[%add3A_222, %scatter3A_272] : memref<128x64xf32, #tpu.memory_space<vmem>> -> memref<1x64xf32, #tpu.memory_space<vmem>>
        %scatter3A_274 = tpu.memref_squeeze %scatter3A_273 : memref<1x64xf32, #tpu.memory_space<vmem>> -> memref<64xf32, #tpu.memory_space<vmem>>
        tpu.vector_store_idx %scatter3A_274[%add3A_249], %mul3A_267 : memref<64xf32, #tpu.memory_space<vmem>>[vector<16xi32>], vector<16xf32>,
        %add3A_275 = arith.constant 32 : i32
        %add3A_276 = vector.broadcast %add3A_275 : i32 to vector<16xi32>
        %add3A_277 = arith.addi %add3A_276, %mul3A_29 : vector<16xi32>
        %and3A_278 = arith.constant 32767 : i32
        %and3A_279 = vector.broadcast %and3A_278 : i32 to vector<16xi32>
        %and3A_280 = arith.andi %unpack3A_151, %and3A_279 : vector<16xi32>
        %shift_left3A_281 = arith.constant 13 : i32
        %shift_left3A_282 = vector.broadcast %shift_left3A_281 : i32 to vector<16xi32>
        %shift_left3A_283 = arith.shli %and3A_280, %shift_left3A_282 : vector<16xi32>
        %add3A_284 = arith.constant 939524096 : i32
        %add3A_285 = vector.broadcast %add3A_284 : i32 to vector<16xi32>
        %add3A_286 = arith.addi %shift_left3A_283, %add3A_285 : vector<16xi32>
        %and3A_287 = arith.constant 32768 : i32
        %and3A_288 = vector.broadcast %and3A_287 : i32 to vector<16xi32>
        %and3A_289 = arith.andi %unpack3A_151, %and3A_288 : vector<16xi32>
        %shift_left3A_290 = arith.constant 16 : i32
        %shift_left3A_291 = vector.broadcast %shift_left3A_290 : i32 to vector<16xi32>
        %shift_left3A_292 = arith.shli %and3A_289, %shift_left3A_291 : vector<16xi32>
        %or3A_293 = arith.ori %add3A_286, %shift_left3A_292 : vector<16xi32>
        %bitcast3A_294 = vector.bitcast %or3A_293 : vector<16xi32> to vector<16xf32>
        %mul3A_295 = arith.mulf %bitcast3A_294, %gather3A_142 : vector<16xf32>
        %scatter3A_296 = arith.constant 0 : i32
        %scatter3A_297 = arith.constant 0 : i32
        %scatter3A_298 = tpu.memref_slice %arg15[%and3A_81, %scatter3A_296, %scatter3A_297] : memref<2x128x64xf32, #tpu.memory_space<vmem>> -> memref<1x128x64xf32, #tpu.memory_space<vmem>>
        %scatter3A_299 = tpu.memref_squeeze %scatter3A_298 : memref<1x128x64xf32, #tpu.memory_space<vmem>> -> memref<128x64xf32, #tpu.memory_space<vmem>>
        %scatter3A_300 = arith.constant 0 : i32
        %scatter3A_301 = tpu.memref_slice %scatter3A_299[%add3A_222, %scatter3A_300] : memref<128x64xf32, #tpu.memory_space<vmem>> -> memref<1x64xf32, #tpu.memory_space<vmem>>
        %scatter3A_302 = tpu.memref_squeeze %scatter3A_301 : memref<1x64xf32, #tpu.memory_space<vmem>> -> memref<64xf32, #tpu.memory_space<vmem>>
        tpu.vector_store_idx %scatter3A_302[%add3A_277], %mul3A_295 : memref<64xf32, #tpu.memory_space<vmem>>[vector<16xi32>], vector<16xf32>,
        %add3A_303 = arith.constant 32 : i32
        %add3A_304 = vector.broadcast %add3A_303 : i32 to vector<16xi32>
        %add3A_305 = arith.addi %add3A_304, %add3A_32 : vector<16xi32>
        %and3A_306 = arith.constant 32767 : i32
        %and3A_307 = vector.broadcast %and3A_306 : i32 to vector<16xi32>
        %and3A_308 = arith.andi %unpack3A_152, %and3A_307 : vector<16xi32>
        %shift_left3A_309 = arith.constant 13 : i32
        %shift_left3A_310 = vector.broadcast %shift_left3A_309 : i32 to vector<16xi32>
        %shift_left3A_311 = arith.shli %and3A_308, %shift_left3A_310 : vector<16xi32>
        %add3A_312 = arith.constant 939524096 : i32
        %add3A_313 = vector.broadcast %add3A_312 : i32 to vector<16xi32>
        %add3A_314 = arith.addi %shift_left3A_311, %add3A_313 : vector<16xi32>
        %and3A_315 = arith.constant 32768 : i32
        %and3A_316 = vector.broadcast %and3A_315 : i32 to vector<16xi32>
        %and3A_317 = arith.andi %unpack3A_152, %and3A_316 : vector<16xi32>
        %shift_left3A_318 = arith.constant 16 : i32
        %shift_left3A_319 = vector.broadcast %shift_left3A_318 : i32 to vector<16xi32>
        %shift_left3A_320 = arith.shli %and3A_317, %shift_left3A_319 : vector<16xi32>
        %or3A_321 = arith.ori %add3A_314, %shift_left3A_320 : vector<16xi32>
        %bitcast3A_322 = vector.bitcast %or3A_321 : vector<16xi32> to vector<16xf32>
        %mul3A_323 = arith.mulf %bitcast3A_322, %gather3A_142 : vector<16xf32>
        %scatter3A_324 = arith.constant 0 : i32
        %scatter3A_325 = arith.constant 0 : i32
        %scatter3A_326 = tpu.memref_slice %arg15[%and3A_81, %scatter3A_324, %scatter3A_325] : memref<2x128x64xf32, #tpu.memory_space<vmem>> -> memref<1x128x64xf32, #tpu.memory_space<vmem>>
        %scatter3A_327 = tpu.memref_squeeze %scatter3A_326 : memref<1x128x64xf32, #tpu.memory_space<vmem>> -> memref<128x64xf32, #tpu.memory_space<vmem>>
        %scatter3A_328 = arith.constant 0 : i32
        %scatter3A_329 = tpu.memref_slice %scatter3A_327[%add3A_222, %scatter3A_328] : memref<128x64xf32, #tpu.memory_space<vmem>> -> memref<1x64xf32, #tpu.memory_space<vmem>>
        %scatter3A_330 = tpu.memref_squeeze %scatter3A_329 : memref<1x64xf32, #tpu.memory_space<vmem>> -> memref<64xf32, #tpu.memory_space<vmem>>
        tpu.vector_store_idx %scatter3A_330[%add3A_305], %mul3A_323 : memref<64xf32, #tpu.memory_space<vmem>>[vector<16xi32>], vector<16xf32>,
        %mul3A_331 = arith.constant 4 : i32
        %mul3A_332 = arith.muli %mul3A_331, %scan3A_132 : i32
        %add3A_333 = arith.constant 1 : i32
        %add3A_334 = arith.addi %mul3A_332, %add3A_333 : i32
        %add3A_335 = arith.constant 0 : i32
        %add3A_336 = vector.broadcast %add3A_335 : i32 to vector<16xi32>
        %add3A_337 = arith.addi %add3A_336, %mul3A_29 : vector<16xi32>
        %and3A_338 = arith.constant 32767 : i32
        %and3A_339 = vector.broadcast %and3A_338 : i32 to vector<16xi32>
        %and3A_340 = arith.andi %unpack3A_167, %and3A_339 : vector<16xi32>
        %shift_left3A_341 = arith.constant 13 : i32
        %shift_left3A_342 = vector.broadcast %shift_left3A_341 : i32 to vector<16xi32>
        %shift_left3A_343 = arith.shli %and3A_340, %shift_left3A_342 : vector<16xi32>
        %add3A_344 = arith.constant 939524096 : i32
        %add3A_345 = vector.broadcast %add3A_344 : i32 to vector<16xi32>
        %add3A_346 = arith.addi %shift_left3A_343, %add3A_345 : vector<16xi32>
        %and3A_347 = arith.constant 32768 : i32
        %and3A_348 = vector.broadcast %and3A_347 : i32 to vector<16xi32>
        %and3A_349 = arith.andi %unpack3A_167, %and3A_348 : vector<16xi32>
        %shift_left3A_350 = arith.constant 16 : i32
        %shift_left3A_351 = vector.broadcast %shift_left3A_350 : i32 to vector<16xi32>
        %shift_left3A_352 = arith.shli %and3A_349, %shift_left3A_351 : vector<16xi32>
        %or3A_353 = arith.ori %add3A_346, %shift_left3A_352 : vector<16xi32>
        %bitcast3A_354 = vector.bitcast %or3A_353 : vector<16xi32> to vector<16xf32>
        %mul3A_355 = arith.mulf %bitcast3A_354, %gather3A_162 : vector<16xf32>
        %scatter3A_356 = arith.constant 0 : i32
        %scatter3A_357 = arith.constant 0 : i32
        %scatter3A_358 = tpu.memref_slice %arg15[%and3A_81, %scatter3A_356, %scatter3A_357] : memref<2x128x64xf32, #tpu.memory_space<vmem>> -> memref<1x128x64xf32, #tpu.memory_space<vmem>>
        %scatter3A_359 = tpu.memref_squeeze %scatter3A_358 : memref<1x128x64xf32, #tpu.memory_space<vmem>> -> memref<128x64xf32, #tpu.memory_space<vmem>>
        %scatter3A_360 = arith.constant 0 : i32
        %scatter3A_361 = tpu.memref_slice %scatter3A_359[%add3A_334, %scatter3A_360] : memref<128x64xf32, #tpu.memory_space<vmem>> -> memref<1x64xf32, #tpu.memory_space<vmem>>
        %scatter3A_362 = tpu.memref_squeeze %scatter3A_361 : memref<1x64xf32, #tpu.memory_space<vmem>> -> memref<64xf32, #tpu.memory_space<vmem>>
        tpu.vector_store_idx %scatter3A_362[%add3A_337], %mul3A_355 : memref<64xf32, #tpu.memory_space<vmem>>[vector<16xi32>], vector<16xf32>,
        %add3A_363 = arith.constant 0 : i32
        %add3A_364 = vector.broadcast %add3A_363 : i32 to vector<16xi32>
        %add3A_365 = arith.addi %add3A_364, %add3A_32 : vector<16xi32>
        %and3A_366 = arith.constant 32767 : i32
        %and3A_367 = vector.broadcast %and3A_366 : i32 to vector<16xi32>
        %and3A_368 = arith.andi %unpack3A_168, %and3A_367 : vector<16xi32>
        %shift_left3A_369 = arith.constant 13 : i32
        %shift_left3A_370 = vector.broadcast %shift_left3A_369 : i32 to vector<16xi32>
        %shift_left3A_371 = arith.shli %and3A_368, %shift_left3A_370 : vector<16xi32>
        %add3A_372 = arith.constant 939524096 : i32
        %add3A_373 = vector.broadcast %add3A_372 : i32 to vector<16xi32>
        %add3A_374 = arith.addi %shift_left3A_371, %add3A_373 : vector<16xi32>
        %and3A_375 = arith.constant 32768 : i32
        %and3A_376 = vector.broadcast %and3A_375 : i32 to vector<16xi32>
        %and3A_377 = arith.andi %unpack3A_168, %and3A_376 : vector<16xi32>
        %shift_left3A_378 = arith.constant 16 : i32
        %shift_left3A_379 = vector.broadcast %shift_left3A_378 : i32 to vector<16xi32>
        %shift_left3A_380 = arith.shli %and3A_377, %shift_left3A_379 : vector<16xi32>
        %or3A_381 = arith.ori %add3A_374, %shift_left3A_380 : vector<16xi32>
        %bitcast3A_382 = vector.bitcast %or3A_381 : vector<16xi32> to vector<16xf32>
        %mul3A_383 = arith.mulf %bitcast3A_382, %gather3A_162 : vector<16xf32>
        %scatter3A_384 = arith.constant 0 : i32
        %scatter3A_385 = arith.constant 0 : i32
        %scatter3A_386 = tpu.memref_slice %arg15[%and3A_81, %scatter3A_384, %scatter3A_385] : memref<2x128x64xf32, #tpu.memory_space<vmem>> -> memref<1x128x64xf32, #tpu.memory_space<vmem>>
        %scatter3A_387 = tpu.memref_squeeze %scatter3A_386 : memref<1x128x64xf32, #tpu.memory_space<vmem>> -> memref<128x64xf32, #tpu.memory_space<vmem>>
        %scatter3A_388 = arith.constant 0 : i32
        %scatter3A_389 = tpu.memref_slice %scatter3A_387[%add3A_334, %scatter3A_388] : memref<128x64xf32, #tpu.memory_space<vmem>> -> memref<1x64xf32, #tpu.memory_space<vmem>>
        %scatter3A_390 = tpu.memref_squeeze %scatter3A_389 : memref<1x64xf32, #tpu.memory_space<vmem>> -> memref<64xf32, #tpu.memory_space<vmem>>
        tpu.vector_store_idx %scatter3A_390[%add3A_365], %mul3A_383 : memref<64xf32, #tpu.memory_space<vmem>>[vector<16xi32>], vector<16xf32>,
        %add3A_391 = arith.constant 32 : i32
        %add3A_392 = vector.broadcast %add3A_391 : i32 to vector<16xi32>
        %add3A_393 = arith.addi %add3A_392, %mul3A_29 : vector<16xi32>
        %and3A_394 = arith.constant 32767 : i32
        %and3A_395 = vector.broadcast %and3A_394 : i32 to vector<16xi32>
        %and3A_396 = arith.andi %unpack3A_173, %and3A_395 : vector<16xi32>
        %shift_left3A_397 = arith.constant 13 : i32
        %shift_left3A_398 = vector.broadcast %shift_left3A_397 : i32 to vector<16xi32>
        %shift_left3A_399 = arith.shli %and3A_396, %shift_left3A_398 : vector<16xi32>
        %add3A_400 = arith.constant 939524096 : i32
        %add3A_401 = vector.broadcast %add3A_400 : i32 to vector<16xi32>
        %add3A_402 = arith.addi %shift_left3A_399, %add3A_401 : vector<16xi32>
        %and3A_403 = arith.constant 32768 : i32
        %and3A_404 = vector.broadcast %and3A_403 : i32 to vector<16xi32>
        %and3A_405 = arith.andi %unpack3A_173, %and3A_404 : vector<16xi32>
        %shift_left3A_406 = arith.constant 16 : i32
        %shift_left3A_407 = vector.broadcast %shift_left3A_406 : i32 to vector<16xi32>
        %shift_left3A_408 = arith.shli %and3A_405, %shift_left3A_407 : vector<16xi32>
        %or3A_409 = arith.ori %add3A_402, %shift_left3A_408 : vector<16xi32>
        %bitcast3A_410 = vector.bitcast %or3A_409 : vector<16xi32> to vector<16xf32>
        %mul3A_411 = arith.mulf %bitcast3A_410, %gather3A_162 : vector<16xf32>
        %scatter3A_412 = arith.constant 0 : i32
        %scatter3A_413 = arith.constant 0 : i32
        %scatter3A_414 = tpu.memref_slice %arg15[%and3A_81, %scatter3A_412, %scatter3A_413] : memref<2x128x64xf32, #tpu.memory_space<vmem>> -> memref<1x128x64xf32, #tpu.memory_space<vmem>>
        %scatter3A_415 = tpu.memref_squeeze %scatter3A_414 : memref<1x128x64xf32, #tpu.memory_space<vmem>> -> memref<128x64xf32, #tpu.memory_space<vmem>>
        %scatter3A_416 = arith.constant 0 : i32
        %scatter3A_417 = tpu.memref_slice %scatter3A_415[%add3A_334, %scatter3A_416] : memref<128x64xf32, #tpu.memory_space<vmem>> -> memref<1x64xf32, #tpu.memory_space<vmem>>
        %scatter3A_418 = tpu.memref_squeeze %scatter3A_417 : memref<1x64xf32, #tpu.memory_space<vmem>> -> memref<64xf32, #tpu.memory_space<vmem>>
        tpu.vector_store_idx %scatter3A_418[%add3A_393], %mul3A_411 : memref<64xf32, #tpu.memory_space<vmem>>[vector<16xi32>], vector<16xf32>,
        %add3A_419 = arith.constant 32 : i32
        %add3A_420 = vector.broadcast %add3A_419 : i32 to vector<16xi32>
        %add3A_421 = arith.addi %add3A_420, %add3A_32 : vector<16xi32>
        %and3A_422 = arith.constant 32767 : i32
        %and3A_423 = vector.broadcast %and3A_422 : i32 to vector<16xi32>
        %and3A_424 = arith.andi %unpack3A_174, %and3A_423 : vector<16xi32>
        %shift_left3A_425 = arith.constant 13 : i32
        %shift_left3A_426 = vector.broadcast %shift_left3A_425 : i32 to vector<16xi32>
        %shift_left3A_427 = arith.shli %and3A_424, %shift_left3A_426 : vector<16xi32>
        %add3A_428 = arith.constant 939524096 : i32
        %add3A_429 = vector.broadcast %add3A_428 : i32 to vector<16xi32>
        %add3A_430 = arith.addi %shift_left3A_427, %add3A_429 : vector<16xi32>
        %and3A_431 = arith.constant 32768 : i32
        %and3A_432 = vector.broadcast %and3A_431 : i32 to vector<16xi32>
        %and3A_433 = arith.andi %unpack3A_174, %and3A_432 : vector<16xi32>
        %shift_left3A_434 = arith.constant 16 : i32
        %shift_left3A_435 = vector.broadcast %shift_left3A_434 : i32 to vector<16xi32>
        %shift_left3A_436 = arith.shli %and3A_433, %shift_left3A_435 : vector<16xi32>
        %or3A_437 = arith.ori %add3A_430, %shift_left3A_436 : vector<16xi32>
        %bitcast3A_438 = vector.bitcast %or3A_437 : vector<16xi32> to vector<16xf32>
        %mul3A_439 = arith.mulf %bitcast3A_438, %gather3A_162 : vector<16xf32>
        %scatter3A_440 = arith.constant 0 : i32
        %scatter3A_441 = arith.constant 0 : i32
        %scatter3A_442 = tpu.memref_slice %arg15[%and3A_81, %scatter3A_440, %scatter3A_441] : memref<2x128x64xf32, #tpu.memory_space<vmem>> -> memref<1x128x64xf32, #tpu.memory_space<vmem>>
        %scatter3A_443 = tpu.memref_squeeze %scatter3A_442 : memref<1x128x64xf32, #tpu.memory_space<vmem>> -> memref<128x64xf32, #tpu.memory_space<vmem>>
        %scatter3A_444 = arith.constant 0 : i32
        %scatter3A_445 = tpu.memref_slice %scatter3A_443[%add3A_334, %scatter3A_444] : memref<128x64xf32, #tpu.memory_space<vmem>> -> memref<1x64xf32, #tpu.memory_space<vmem>>
        %scatter3A_446 = tpu.memref_squeeze %scatter3A_445 : memref<1x64xf32, #tpu.memory_space<vmem>> -> memref<64xf32, #tpu.memory_space<vmem>>
        tpu.vector_store_idx %scatter3A_446[%add3A_421], %mul3A_439 : memref<64xf32, #tpu.memory_space<vmem>>[vector<16xi32>], vector<16xf32>,
        %mul3A_447 = arith.constant 4 : i32
        %mul3A_448 = arith.muli %mul3A_447, %scan3A_132 : i32
        %add3A_449 = arith.constant 2 : i32
        %add3A_450 = arith.addi %mul3A_448, %add3A_449 : i32
        %add3A_451 = arith.constant 0 : i32
        %add3A_452 = vector.broadcast %add3A_451 : i32 to vector<16xi32>
        %add3A_453 = arith.addi %add3A_452, %mul3A_29 : vector<16xi32>
        %and3A_454 = arith.constant 32767 : i32
        %and3A_455 = vector.broadcast %and3A_454 : i32 to vector<16xi32>
        %and3A_456 = arith.andi %unpack3A_189, %and3A_455 : vector<16xi32>
        %shift_left3A_457 = arith.constant 13 : i32
        %shift_left3A_458 = vector.broadcast %shift_left3A_457 : i32 to vector<16xi32>
        %shift_left3A_459 = arith.shli %and3A_456, %shift_left3A_458 : vector<16xi32>
        %add3A_460 = arith.constant 939524096 : i32
        %add3A_461 = vector.broadcast %add3A_460 : i32 to vector<16xi32>
        %add3A_462 = arith.addi %shift_left3A_459, %add3A_461 : vector<16xi32>
        %and3A_463 = arith.constant 32768 : i32
        %and3A_464 = vector.broadcast %and3A_463 : i32 to vector<16xi32>
        %and3A_465 = arith.andi %unpack3A_189, %and3A_464 : vector<16xi32>
        %shift_left3A_466 = arith.constant 16 : i32
        %shift_left3A_467 = vector.broadcast %shift_left3A_466 : i32 to vector<16xi32>
        %shift_left3A_468 = arith.shli %and3A_465, %shift_left3A_467 : vector<16xi32>
        %or3A_469 = arith.ori %add3A_462, %shift_left3A_468 : vector<16xi32>
        %bitcast3A_470 = vector.bitcast %or3A_469 : vector<16xi32> to vector<16xf32>
        %mul3A_471 = arith.mulf %bitcast3A_470, %gather3A_184 : vector<16xf32>
        %scatter3A_472 = arith.constant 0 : i32
        %scatter3A_473 = arith.constant 0 : i32
        %scatter3A_474 = tpu.memref_slice %arg15[%and3A_81, %scatter3A_472, %scatter3A_473] : memref<2x128x64xf32, #tpu.memory_space<vmem>> -> memref<1x128x64xf32, #tpu.memory_space<vmem>>
        %scatter3A_475 = tpu.memref_squeeze %scatter3A_474 : memref<1x128x64xf32, #tpu.memory_space<vmem>> -> memref<128x64xf32, #tpu.memory_space<vmem>>
        %scatter3A_476 = arith.constant 0 : i32
        %scatter3A_477 = tpu.memref_slice %scatter3A_475[%add3A_450, %scatter3A_476] : memref<128x64xf32, #tpu.memory_space<vmem>> -> memref<1x64xf32, #tpu.memory_space<vmem>>
        %scatter3A_478 = tpu.memref_squeeze %scatter3A_477 : memref<1x64xf32, #tpu.memory_space<vmem>> -> memref<64xf32, #tpu.memory_space<vmem>>
        tpu.vector_store_idx %scatter3A_478[%add3A_453], %mul3A_471 : memref<64xf32, #tpu.memory_space<vmem>>[vector<16xi32>], vector<16xf32>,
        %add3A_479 = arith.constant 0 : i32
        %add3A_480 = vector.broadcast %add3A_479 : i32 to vector<16xi32>
        %add3A_481 = arith.addi %add3A_480, %add3A_32 : vector<16xi32>
        %and3A_482 = arith.constant 32767 : i32
        %and3A_483 = vector.broadcast %and3A_482 : i32 to vector<16xi32>
        %and3A_484 = arith.andi %unpack3A_190, %and3A_483 : vector<16xi32>
        %shift_left3A_485 = arith.constant 13 : i32
        %shift_left3A_486 = vector.broadcast %shift_left3A_485 : i32 to vector<16xi32>
        %shift_left3A_487 = arith.shli %and3A_484, %shift_left3A_486 : vector<16xi32>
        %add3A_488 = arith.constant 939524096 : i32
        %add3A_489 = vector.broadcast %add3A_488 : i32 to vector<16xi32>
        %add3A_490 = arith.addi %shift_left3A_487, %add3A_489 : vector<16xi32>
        %and3A_491 = arith.constant 32768 : i32
        %and3A_492 = vector.broadcast %and3A_491 : i32 to vector<16xi32>
        %and3A_493 = arith.andi %unpack3A_190, %and3A_492 : vector<16xi32>
        %shift_left3A_494 = arith.constant 16 : i32
        %shift_left3A_495 = vector.broadcast %shift_left3A_494 : i32 to vector<16xi32>
        %shift_left3A_496 = arith.shli %and3A_493, %shift_left3A_495 : vector<16xi32>
        %or3A_497 = arith.ori %add3A_490, %shift_left3A_496 : vector<16xi32>
        %bitcast3A_498 = vector.bitcast %or3A_497 : vector<16xi32> to vector<16xf32>
        %mul3A_499 = arith.mulf %bitcast3A_498, %gather3A_184 : vector<16xf32>
        %scatter3A_500 = arith.constant 0 : i32
        %scatter3A_501 = arith.constant 0 : i32
        %scatter3A_502 = tpu.memref_slice %arg15[%and3A_81, %scatter3A_500, %scatter3A_501] : memref<2x128x64xf32, #tpu.memory_space<vmem>> -> memref<1x128x64xf32, #tpu.memory_space<vmem>>
        %scatter3A_503 = tpu.memref_squeeze %scatter3A_502 : memref<1x128x64xf32, #tpu.memory_space<vmem>> -> memref<128x64xf32, #tpu.memory_space<vmem>>
        %scatter3A_504 = arith.constant 0 : i32
        %scatter3A_505 = tpu.memref_slice %scatter3A_503[%add3A_450, %scatter3A_504] : memref<128x64xf32, #tpu.memory_space<vmem>> -> memref<1x64xf32, #tpu.memory_space<vmem>>
        %scatter3A_506 = tpu.memref_squeeze %scatter3A_505 : memref<1x64xf32, #tpu.memory_space<vmem>> -> memref<64xf32, #tpu.memory_space<vmem>>
        tpu.vector_store_idx %scatter3A_506[%add3A_481], %mul3A_499 : memref<64xf32, #tpu.memory_space<vmem>>[vector<16xi32>], vector<16xf32>,
        %add3A_507 = arith.constant 32 : i32
        %add3A_508 = vector.broadcast %add3A_507 : i32 to vector<16xi32>
        %add3A_509 = arith.addi %add3A_508, %mul3A_29 : vector<16xi32>
        %and3A_510 = arith.constant 32767 : i32
        %and3A_511 = vector.broadcast %and3A_510 : i32 to vector<16xi32>
        %and3A_512 = arith.andi %unpack3A_195, %and3A_511 : vector<16xi32>
        %shift_left3A_513 = arith.constant 13 : i32
        %shift_left3A_514 = vector.broadcast %shift_left3A_513 : i32 to vector<16xi32>
        %shift_left3A_515 = arith.shli %and3A_512, %shift_left3A_514 : vector<16xi32>
        %add3A_516 = arith.constant 939524096 : i32
        %add3A_517 = vector.broadcast %add3A_516 : i32 to vector<16xi32>
        %add3A_518 = arith.addi %shift_left3A_515, %add3A_517 : vector<16xi32>
        %and3A_519 = arith.constant 32768 : i32
        %and3A_520 = vector.broadcast %and3A_519 : i32 to vector<16xi32>
        %and3A_521 = arith.andi %unpack3A_195, %and3A_520 : vector<16xi32>
        %shift_left3A_522 = arith.constant 16 : i32
        %shift_left3A_523 = vector.broadcast %shift_left3A_522 : i32 to vector<16xi32>
        %shift_left3A_524 = arith.shli %and3A_521, %shift_left3A_523 : vector<16xi32>
        %or3A_525 = arith.ori %add3A_518, %shift_left3A_524 : vector<16xi32>
        %bitcast3A_526 = vector.bitcast %or3A_525 : vector<16xi32> to vector<16xf32>
        %mul3A_527 = arith.mulf %bitcast3A_526, %gather3A_184 : vector<16xf32>
        %scatter3A_528 = arith.constant 0 : i32
        %scatter3A_529 = arith.constant 0 : i32
        %scatter3A_530 = tpu.memref_slice %arg15[%and3A_81, %scatter3A_528, %scatter3A_529] : memref<2x128x64xf32, #tpu.memory_space<vmem>> -> memref<1x128x64xf32, #tpu.memory_space<vmem>>
        %scatter3A_531 = tpu.memref_squeeze %scatter3A_530 : memref<1x128x64xf32, #tpu.memory_space<vmem>> -> memref<128x64xf32, #tpu.memory_space<vmem>>
        %scatter3A_532 = arith.constant 0 : i32
        %scatter3A_533 = tpu.memref_slice %scatter3A_531[%add3A_450, %scatter3A_532] : memref<128x64xf32, #tpu.memory_space<vmem>> -> memref<1x64xf32, #tpu.memory_space<vmem>>
        %scatter3A_534 = tpu.memref_squeeze %scatter3A_533 : memref<1x64xf32, #tpu.memory_space<vmem>> -> memref<64xf32, #tpu.memory_space<vmem>>
        tpu.vector_store_idx %scatter3A_534[%add3A_509], %mul3A_527 : memref<64xf32, #tpu.memory_space<vmem>>[vector<16xi32>], vector<16xf32>,
        %add3A_535 = arith.constant 32 : i32
        %add3A_536 = vector.broadcast %add3A_535 : i32 to vector<16xi32>
        %add3A_537 = arith.addi %add3A_536, %add3A_32 : vector<16xi32>
        %and3A_538 = arith.constant 32767 : i32
        %and3A_539 = vector.broadcast %and3A_538 : i32 to vector<16xi32>
        %and3A_540 = arith.andi %unpack3A_196, %and3A_539 : vector<16xi32>
        %shift_left3A_541 = arith.constant 13 : i32
        %shift_left3A_542 = vector.broadcast %shift_left3A_541 : i32 to vector<16xi32>
        %shift_left3A_543 = arith.shli %and3A_540, %shift_left3A_542 : vector<16xi32>
        %add3A_544 = arith.constant 939524096 : i32
        %add3A_545 = vector.broadcast %add3A_544 : i32 to vector<16xi32>
        %add3A_546 = arith.addi %shift_left3A_543, %add3A_545 : vector<16xi32>
        %and3A_547 = arith.constant 32768 : i32
        %and3A_548 = vector.broadcast %and3A_547 : i32 to vector<16xi32>
        %and3A_549 = arith.andi %unpack3A_196, %and3A_548 : vector<16xi32>
        %shift_left3A_550 = arith.constant 16 : i32
        %shift_left3A_551 = vector.broadcast %shift_left3A_550 : i32 to vector<16xi32>
        %shift_left3A_552 = arith.shli %and3A_549, %shift_left3A_551 : vector<16xi32>
        %or3A_553 = arith.ori %add3A_546, %shift_left3A_552 : vector<16xi32>
        %bitcast3A_554 = vector.bitcast %or3A_553 : vector<16xi32> to vector<16xf32>
        %mul3A_555 = arith.mulf %bitcast3A_554, %gather3A_184 : vector<16xf32>
        %scatter3A_556 = arith.constant 0 : i32
        %scatter3A_557 = arith.constant 0 : i32
        %scatter3A_558 = tpu.memref_slice %arg15[%and3A_81, %scatter3A_556, %scatter3A_557] : memref<2x128x64xf32, #tpu.memory_space<vmem>> -> memref<1x128x64xf32, #tpu.memory_space<vmem>>
        %scatter3A_559 = tpu.memref_squeeze %scatter3A_558 : memref<1x128x64xf32, #tpu.memory_space<vmem>> -> memref<128x64xf32, #tpu.memory_space<vmem>>
        %scatter3A_560 = arith.constant 0 : i32
        %scatter3A_561 = tpu.memref_slice %scatter3A_559[%add3A_450, %scatter3A_560] : memref<128x64xf32, #tpu.memory_space<vmem>> -> memref<1x64xf32, #tpu.memory_space<vmem>>
        %scatter3A_562 = tpu.memref_squeeze %scatter3A_561 : memref<1x64xf32, #tpu.memory_space<vmem>> -> memref<64xf32, #tpu.memory_space<vmem>>
        tpu.vector_store_idx %scatter3A_562[%add3A_537], %mul3A_555 : memref<64xf32, #tpu.memory_space<vmem>>[vector<16xi32>], vector<16xf32>,
        %mul3A_563 = arith.constant 4 : i32
        %mul3A_564 = arith.muli %mul3A_563, %scan3A_132 : i32
        %add3A_565 = arith.constant 3 : i32
        %add3A_566 = arith.addi %mul3A_564, %add3A_565 : i32
        %add3A_567 = arith.constant 0 : i32
        %add3A_568 = vector.broadcast %add3A_567 : i32 to vector<16xi32>
        %add3A_569 = arith.addi %add3A_568, %mul3A_29 : vector<16xi32>
        %and3A_570 = arith.constant 32767 : i32
        %and3A_571 = vector.broadcast %and3A_570 : i32 to vector<16xi32>
        %and3A_572 = arith.andi %unpack3A_211, %and3A_571 : vector<16xi32>
        %shift_left3A_573 = arith.constant 13 : i32
        %shift_left3A_574 = vector.broadcast %shift_left3A_573 : i32 to vector<16xi32>
        %shift_left3A_575 = arith.shli %and3A_572, %shift_left3A_574 : vector<16xi32>
        %add3A_576 = arith.constant 939524096 : i32
        %add3A_577 = vector.broadcast %add3A_576 : i32 to vector<16xi32>
        %add3A_578 = arith.addi %shift_left3A_575, %add3A_577 : vector<16xi32>
        %and3A_579 = arith.constant 32768 : i32
        %and3A_580 = vector.broadcast %and3A_579 : i32 to vector<16xi32>
        %and3A_581 = arith.andi %unpack3A_211, %and3A_580 : vector<16xi32>
        %shift_left3A_582 = arith.constant 16 : i32
        %shift_left3A_583 = vector.broadcast %shift_left3A_582 : i32 to vector<16xi32>
        %shift_left3A_584 = arith.shli %and3A_581, %shift_left3A_583 : vector<16xi32>
        %or3A_585 = arith.ori %add3A_578, %shift_left3A_584 : vector<16xi32>
        %bitcast3A_586 = vector.bitcast %or3A_585 : vector<16xi32> to vector<16xf32>
        %mul3A_587 = arith.mulf %bitcast3A_586, %gather3A_206 : vector<16xf32>
        %scatter3A_588 = arith.constant 0 : i32
        %scatter3A_589 = arith.constant 0 : i32
        %scatter3A_590 = tpu.memref_slice %arg15[%and3A_81, %scatter3A_588, %scatter3A_589] : memref<2x128x64xf32, #tpu.memory_space<vmem>> -> memref<1x128x64xf32, #tpu.memory_space<vmem>>
        %scatter3A_591 = tpu.memref_squeeze %scatter3A_590 : memref<1x128x64xf32, #tpu.memory_space<vmem>> -> memref<128x64xf32, #tpu.memory_space<vmem>>
        %scatter3A_592 = arith.constant 0 : i32
        %scatter3A_593 = tpu.memref_slice %scatter3A_591[%add3A_566, %scatter3A_592] : memref<128x64xf32, #tpu.memory_space<vmem>> -> memref<1x64xf32, #tpu.memory_space<vmem>>
        %scatter3A_594 = tpu.memref_squeeze %scatter3A_593 : memref<1x64xf32, #tpu.memory_space<vmem>> -> memref<64xf32, #tpu.memory_space<vmem>>
        tpu.vector_store_idx %scatter3A_594[%add3A_569], %mul3A_587 : memref<64xf32, #tpu.memory_space<vmem>>[vector<16xi32>], vector<16xf32>,
        %add3A_595 = arith.constant 0 : i32
        %add3A_596 = vector.broadcast %add3A_595 : i32 to vector<16xi32>
        %add3A_597 = arith.addi %add3A_596, %add3A_32 : vector<16xi32>
        %and3A_598 = arith.constant 32767 : i32
        %and3A_599 = vector.broadcast %and3A_598 : i32 to vector<16xi32>
        %and3A_600 = arith.andi %unpack3A_212, %and3A_599 : vector<16xi32>
        %shift_left3A_601 = arith.constant 13 : i32
        %shift_left3A_602 = vector.broadcast %shift_left3A_601 : i32 to vector<16xi32>
        %shift_left3A_603 = arith.shli %and3A_600, %shift_left3A_602 : vector<16xi32>
        %add3A_604 = arith.constant 939524096 : i32
        %add3A_605 = vector.broadcast %add3A_604 : i32 to vector<16xi32>
        %add3A_606 = arith.addi %shift_left3A_603, %add3A_605 : vector<16xi32>
        %and3A_607 = arith.constant 32768 : i32
        %and3A_608 = vector.broadcast %and3A_607 : i32 to vector<16xi32>
        %and3A_609 = arith.andi %unpack3A_212, %and3A_608 : vector<16xi32>
        %shift_left3A_610 = arith.constant 16 : i32
        %shift_left3A_611 = vector.broadcast %shift_left3A_610 : i32 to vector<16xi32>
        %shift_left3A_612 = arith.shli %and3A_609, %shift_left3A_611 : vector<16xi32>
        %or3A_613 = arith.ori %add3A_606, %shift_left3A_612 : vector<16xi32>
        %bitcast3A_614 = vector.bitcast %or3A_613 : vector<16xi32> to vector<16xf32>
        %mul3A_615 = arith.mulf %bitcast3A_614, %gather3A_206 : vector<16xf32>
        %scatter3A_616 = arith.constant 0 : i32
        %scatter3A_617 = arith.constant 0 : i32
        %scatter3A_618 = tpu.memref_slice %arg15[%and3A_81, %scatter3A_616, %scatter3A_617] : memref<2x128x64xf32, #tpu.memory_space<vmem>> -> memref<1x128x64xf32, #tpu.memory_space<vmem>>
        %scatter3A_619 = tpu.memref_squeeze %scatter3A_618 : memref<1x128x64xf32, #tpu.memory_space<vmem>> -> memref<128x64xf32, #tpu.memory_space<vmem>>
        %scatter3A_620 = arith.constant 0 : i32
        %scatter3A_621 = tpu.memref_slice %scatter3A_619[%add3A_566, %scatter3A_620] : memref<128x64xf32, #tpu.memory_space<vmem>> -> memref<1x64xf32, #tpu.memory_space<vmem>>
        %scatter3A_622 = tpu.memref_squeeze %scatter3A_621 : memref<1x64xf32, #tpu.memory_space<vmem>> -> memref<64xf32, #tpu.memory_space<vmem>>
        tpu.vector_store_idx %scatter3A_622[%add3A_597], %mul3A_615 : memref<64xf32, #tpu.memory_space<vmem>>[vector<16xi32>], vector<16xf32>,
        %add3A_623 = arith.constant 32 : i32
        %add3A_624 = vector.broadcast %add3A_623 : i32 to vector<16xi32>
        %add3A_625 = arith.addi %add3A_624, %mul3A_29 : vector<16xi32>
        %and3A_626 = arith.constant 32767 : i32
        %and3A_627 = vector.broadcast %and3A_626 : i32 to vector<16xi32>
        %and3A_628 = arith.andi %unpack3A_217, %and3A_627 : vector<16xi32>
        %shift_left3A_629 = arith.constant 13 : i32
        %shift_left3A_630 = vector.broadcast %shift_left3A_629 : i32 to vector<16xi32>
        %shift_left3A_631 = arith.shli %and3A_628, %shift_left3A_630 : vector<16xi32>
        %add3A_632 = arith.constant 939524096 : i32
        %add3A_633 = vector.broadcast %add3A_632 : i32 to vector<16xi32>
        %add3A_634 = arith.addi %shift_left3A_631, %add3A_633 : vector<16xi32>
        %and3A_635 = arith.constant 32768 : i32
        %and3A_636 = vector.broadcast %and3A_635 : i32 to vector<16xi32>
        %and3A_637 = arith.andi %unpack3A_217, %and3A_636 : vector<16xi32>
        %shift_left3A_638 = arith.constant 16 : i32
        %shift_left3A_639 = vector.broadcast %shift_left3A_638 : i32 to vector<16xi32>
        %shift_left3A_640 = arith.shli %and3A_637, %shift_left3A_639 : vector<16xi32>
        %or3A_641 = arith.ori %add3A_634, %shift_left3A_640 : vector<16xi32>
        %bitcast3A_642 = vector.bitcast %or3A_641 : vector<16xi32> to vector<16xf32>
        %mul3A_643 = arith.mulf %bitcast3A_642, %gather3A_206 : vector<16xf32>
        %scatter3A_644 = arith.constant 0 : i32
        %scatter3A_645 = arith.constant 0 : i32
        %scatter3A_646 = tpu.memref_slice %arg15[%and3A_81, %scatter3A_644, %scatter3A_645] : memref<2x128x64xf32, #tpu.memory_space<vmem>> -> memref<1x128x64xf32, #tpu.memory_space<vmem>>
        %scatter3A_647 = tpu.memref_squeeze %scatter3A_646 : memref<1x128x64xf32, #tpu.memory_space<vmem>> -> memref<128x64xf32, #tpu.memory_space<vmem>>
        %scatter3A_648 = arith.constant 0 : i32
        %scatter3A_649 = tpu.memref_slice %scatter3A_647[%add3A_566, %scatter3A_648] : memref<128x64xf32, #tpu.memory_space<vmem>> -> memref<1x64xf32, #tpu.memory_space<vmem>>
        %scatter3A_650 = tpu.memref_squeeze %scatter3A_649 : memref<1x64xf32, #tpu.memory_space<vmem>> -> memref<64xf32, #tpu.memory_space<vmem>>
        tpu.vector_store_idx %scatter3A_650[%add3A_625], %mul3A_643 : memref<64xf32, #tpu.memory_space<vmem>>[vector<16xi32>], vector<16xf32>,
        %add3A_651 = arith.constant 32 : i32
        %add3A_652 = vector.broadcast %add3A_651 : i32 to vector<16xi32>
        %add3A_653 = arith.addi %add3A_652, %add3A_32 : vector<16xi32>
        %and3A_654 = arith.constant 32767 : i32
        %and3A_655 = vector.broadcast %and3A_654 : i32 to vector<16xi32>
        %and3A_656 = arith.andi %unpack3A_218, %and3A_655 : vector<16xi32>
        %shift_left3A_657 = arith.constant 13 : i32
        %shift_left3A_658 = vector.broadcast %shift_left3A_657 : i32 to vector<16xi32>
        %shift_left3A_659 = arith.shli %and3A_656, %shift_left3A_658 : vector<16xi32>
        %add3A_660 = arith.constant 939524096 : i32
        %add3A_661 = vector.broadcast %add3A_660 : i32 to vector<16xi32>
        %add3A_662 = arith.addi %shift_left3A_659, %add3A_661 : vector<16xi32>
        %and3A_663 = arith.constant 32768 : i32
        %and3A_664 = vector.broadcast %and3A_663 : i32 to vector<16xi32>
        %and3A_665 = arith.andi %unpack3A_218, %and3A_664 : vector<16xi32>
        %shift_left3A_666 = arith.constant 16 : i32
        %shift_left3A_667 = vector.broadcast %shift_left3A_666 : i32 to vector<16xi32>
        %shift_left3A_668 = arith.shli %and3A_665, %shift_left3A_667 : vector<16xi32>
        %or3A_669 = arith.ori %add3A_662, %shift_left3A_668 : vector<16xi32>
        %bitcast3A_670 = vector.bitcast %or3A_669 : vector<16xi32> to vector<16xf32>
        %mul3A_671 = arith.mulf %bitcast3A_670, %gather3A_206 : vector<16xf32>
        %scatter3A_672 = arith.constant 0 : i32
        %scatter3A_673 = arith.constant 0 : i32
        %scatter3A_674 = tpu.memref_slice %arg15[%and3A_81, %scatter3A_672, %scatter3A_673] : memref<2x128x64xf32, #tpu.memory_space<vmem>> -> memref<1x128x64xf32, #tpu.memory_space<vmem>>
        %scatter3A_675 = tpu.memref_squeeze %scatter3A_674 : memref<1x128x64xf32, #tpu.memory_space<vmem>> -> memref<128x64xf32, #tpu.memory_space<vmem>>
        %scatter3A_676 = arith.constant 0 : i32
        %scatter3A_677 = tpu.memref_slice %scatter3A_675[%add3A_566, %scatter3A_676] : memref<128x64xf32, #tpu.memory_space<vmem>> -> memref<1x64xf32, #tpu.memory_space<vmem>>
        %scatter3A_678 = tpu.memref_squeeze %scatter3A_677 : memref<1x64xf32, #tpu.memory_space<vmem>> -> memref<64xf32, #tpu.memory_space<vmem>>
        tpu.vector_store_idx %scatter3A_678[%add3A_653], %mul3A_671 : memref<64xf32, #tpu.memory_space<vmem>>[vector<16xi32>], vector<16xf32>,
      }
      %scan3A_111 = arith.constant 32 : i32
      %dma_start3A_112 = arith.constant 0 : i32
      %dma_start3A_113 = arith.constant 0 : i32
      %dma_start3A_114 = tpu.memref_slice %arg15[%and3A_81, %dma_start3A_112, %dma_start3A_113] : memref<2x128x64xf32, #tpu.memory_space<vmem>> -> memref<1x128x64xf32, #tpu.memory_space<vmem>>
      %dma_start3A_115 = tpu.memref_squeeze %dma_start3A_114 : memref<1x128x64xf32, #tpu.memory_space<vmem>> -> memref<128x64xf32, #tpu.memory_space<vmem>>
      %dma_start3A_116 = arith.constant 0 : i32
      %dma_start3A_117 = tpu.memref_slice %arg10[%and3A_81, %dma_start3A_116] : memref<2x128xi32, #tpu.memory_space<vmem>> -> memref<1x128xi32, #tpu.memory_space<vmem>>
      %dma_start3A_118 = tpu.memref_squeeze %dma_start3A_117 : memref<1x128xi32, #tpu.memory_space<vmem>> -> memref<128xi32, #tpu.memory_space<vmem>>
      %dma_start3A_119 = arith.constant 0 : i32
      %dma_start3A_120 = arith.constant 0 : i32
      %dma_start3A_121 = tpu.memref_slice %arg17[%dma_start3A_119, %dma_start3A_120] : memref<10016x64xf32, #tpu.memory_space<vmem_shared>> -> memref<10016x64xf32, #tpu.memory_space<vmem_shared>>
      tpu.enqueue_indirect_dma source(%dma_start3A_115 : memref<128x64xf32, #tpu.memory_space<vmem>>) target(%dma_start3A_121 : memref<10016x64xf32, #tpu.memory_space<vmem_shared>>) offsets(%dma_start3A_118 : memref<128xi32, #tpu.memory_space<vmem>>) semaphore(%arg21 : memref<!tpu.dma_semaphore, #tpu.memory_space<semaphore_mem>>) {add = true}
      %dma_start3A_122 = arith.constant 0 : i32
      %dma_start3A_123 = arith.constant 0 : i32
      %dma_start3A_124 = tpu.memref_slice %arg16[%and3A_81, %dma_start3A_122, %dma_start3A_123] : memref<2x128x16xf32, #tpu.memory_space<vmem>> -> memref<1x128x16xf32, #tpu.memory_space<vmem>>
      %dma_start3A_125 = tpu.memref_squeeze %dma_start3A_124 : memref<1x128x16xf32, #tpu.memory_space<vmem>> -> memref<128x16xf32, #tpu.memory_space<vmem>>
      %dma_start3A_126 = arith.constant 0 : i32
      %dma_start3A_127 = tpu.memref_slice %arg11[%and3A_81, %dma_start3A_126] : memref<2x128xi32, #tpu.memory_space<vmem>> -> memref<1x128xi32, #tpu.memory_space<vmem>>
      %dma_start3A_128 = tpu.memref_squeeze %dma_start3A_127 : memref<1x128xi32, #tpu.memory_space<vmem>> -> memref<128xi32, #tpu.memory_space<vmem>>
      %dma_start3A_129 = arith.constant 0 : i32
      %dma_start3A_130 = arith.constant 0 : i32
      %dma_start3A_131 = tpu.memref_slice %arg18[%dma_start3A_129, %dma_start3A_130] : memref<1264x16xf32, #tpu.memory_space<vmem_shared>> -> memref<1264x16xf32, #tpu.memory_space<vmem_shared>>
      tpu.enqueue_indirect_dma source(%dma_start3A_125 : memref<128x16xf32, #tpu.memory_space<vmem>>) target(%dma_start3A_131 : memref<1264x16xf32, #tpu.memory_space<vmem_shared>>) offsets(%dma_start3A_128 : memref<128xi32, #tpu.memory_space<vmem>>) semaphore(%arg21 : memref<!tpu.dma_semaphore, #tpu.memory_space<semaphore_mem>>) {add = true}
    }
    %scan3A_55 = arith.constant 81 : i32
    %dma_wait3A = arith.constant 0 : i32
    %dma_wait3A_56 = arith.constant 0 : i32
    %dma_wait3A_57 = arith.constant 0 : i32
    %dma_wait3A_58 = arith.constant 0 : i32
    %dma_wait3A_59 = tpu.memref_slice %arg15[%dma_wait3A, %dma_wait3A_57, %dma_wait3A_58] : memref<2x128x64xf32, #tpu.memory_space<vmem>> -> memref<1x128x64xf32, #tpu.memory_space<vmem>>
    %dma_wait3A_60 = tpu.memref_squeeze %dma_wait3A_59 : memref<1x128x64xf32, #tpu.memory_space<vmem>> -> memref<128x64xf32, #tpu.memory_space<vmem>>
    %dma_wait3A_61 = arith.constant 0 : i32
    %dma_wait3A_62 = tpu.memref_slice %arg10[%dma_wait3A_56, %dma_wait3A_61] : memref<2x128xi32, #tpu.memory_space<vmem>> -> memref<1x128xi32, #tpu.memory_space<vmem>>
    %dma_wait3A_63 = tpu.memref_squeeze %dma_wait3A_62 : memref<1x128xi32, #tpu.memory_space<vmem>> -> memref<128xi32, #tpu.memory_space<vmem>>
    %dma_wait3A_64 = arith.constant 0 : i32
    %dma_wait3A_65 = arith.constant 0 : i32
    %dma_wait3A_66 = tpu.memref_slice %arg17[%dma_wait3A_64, %dma_wait3A_65] : memref<10016x64xf32, #tpu.memory_space<vmem_shared>> -> memref<10016x64xf32, #tpu.memory_space<vmem_shared>>
    tpu.wait_indirect_dma semaphore(%arg21 : memref<!tpu.dma_semaphore, #tpu.memory_space<semaphore_mem>>) src(%dma_wait3A_60 : memref<128x64xf32, #tpu.memory_space<vmem>>) dst(%dma_wait3A_66 : memref<10016x64xf32, #tpu.memory_space<vmem_shared>>)
    %dma_wait3A_67 = arith.constant 0 : i32
    %dma_wait3A_68 = arith.constant 0 : i32
    %dma_wait3A_69 = arith.constant 0 : i32
    %dma_wait3A_70 = arith.constant 0 : i32
    %dma_wait3A_71 = tpu.memref_slice %arg16[%dma_wait3A_67, %dma_wait3A_69, %dma_wait3A_70] : memref<2x128x16xf32, #tpu.memory_space<vmem>> -> memref<1x128x16xf32, #tpu.memory_space<vmem>>
    %dma_wait3A_72 = tpu.memref_squeeze %dma_wait3A_71 : memref<1x128x16xf32, #tpu.memory_space<vmem>> -> memref<128x16xf32, #tpu.memory_space<vmem>>
    %dma_wait3A_73 = arith.constant 0 : i32
    %dma_wait3A_74 = tpu.memref_slice %arg11[%dma_wait3A_68, %dma_wait3A_73] : memref<2x128xi32, #tpu.memory_space<vmem>> -> memref<1x128xi32, #tpu.memory_space<vmem>>
    %dma_wait3A_75 = tpu.memref_squeeze %dma_wait3A_74 : memref<1x128xi32, #tpu.memory_space<vmem>> -> memref<128xi32, #tpu.memory_space<vmem>>
    %dma_wait3A_76 = arith.constant 0 : i32
    %dma_wait3A_77 = arith.constant 0 : i32
    %dma_wait3A_78 = tpu.memref_slice %arg18[%dma_wait3A_76, %dma_wait3A_77] : memref<1264x16xf32, #tpu.memory_space<vmem_shared>> -> memref<1264x16xf32, #tpu.memory_space<vmem_shared>>
    tpu.wait_indirect_dma semaphore(%arg21 : memref<!tpu.dma_semaphore, #tpu.memory_space<semaphore_mem>>) src(%dma_wait3A_72 : memref<128x16xf32, #tpu.memory_space<vmem>>) dst(%dma_wait3A_78 : memref<1264x16xf32, #tpu.memory_space<vmem_shared>>)
    %barrier3A_79 = arith.constant 0 : index
    tpu.barrier barrier_id(%barrier3A_79)
    "tpu.region"() ({
      %run_scoped3A_80 = tpu.sem_alloc : memref<!tpu.dma_semaphore, #tpu.memory_space<semaphore_mem>>
      %dma_start3A_81 = arith.constant 0 : i32
      %dma_start3A_82 = arith.constant 0 : i32
      %dma_start3A_83 = tpu.memref_slice %arg6[%arg0, %dma_start3A_81, %dma_start3A_82] : memref<2x10016x64xf32, #tpu.memory_space<hbm>> -> memref<1x10016x64xf32, #tpu.memory_space<hbm>>
      %dma_start3A_84 = tpu.memref_squeeze %dma_start3A_83 : memref<1x10016x64xf32, #tpu.memory_space<hbm>> -> memref<10016x64xf32, #tpu.memory_space<hbm>>
      %dma_start3A_85 = arith.constant 0 : i32
      %dma_start3A_86 = tpu.memref_slice %dma_start3A_84[%mul3A_0, %dma_start3A_85] : memref<10016x64xf32, #tpu.memory_space<hbm>> -> memref<626x64xf32, #tpu.memory_space<hbm>>
      %dma_start3A_87 = arith.constant 0 : i32
      %dma_start3A_88 = tpu.memref_slice %arg17[%mul3A_0, %dma_start3A_87] : memref<10016x64xf32, #tpu.memory_space<vmem_shared>> -> memref<626x64xf32, #tpu.memory_space<vmem_shared>>
      tpu.enqueue_dma source(%dma_start3A_88 : memref<626x64xf32, #tpu.memory_space<vmem_shared>>) target(%dma_start3A_86 : memref<626x64xf32, #tpu.memory_space<hbm>>) target_semaphore(%run_scoped3A_80 : memref<!tpu.dma_semaphore, #tpu.memory_space<semaphore_mem>>)
      %dma_wait3A_89 = arith.constant 0 : i32
      %dma_wait3A_90 = arith.constant 0 : i32
      %dma_wait3A_91 = tpu.memref_slice %arg6[%arg0, %dma_wait3A_89, %dma_wait3A_90] : memref<2x10016x64xf32, #tpu.memory_space<hbm>> -> memref<1x10016x64xf32, #tpu.memory_space<hbm>>
      %dma_wait3A_92 = tpu.memref_squeeze %dma_wait3A_91 : memref<1x10016x64xf32, #tpu.memory_space<hbm>> -> memref<10016x64xf32, #tpu.memory_space<hbm>>
      %dma_wait3A_93 = arith.constant 0 : i32
      %dma_wait3A_94 = tpu.memref_slice %dma_wait3A_92[%mul3A_0, %dma_wait3A_93] : memref<10016x64xf32, #tpu.memory_space<hbm>> -> memref<626x64xf32, #tpu.memory_space<hbm>>
      %dma_wait3A_95 = arith.constant 0 : i32
      %dma_wait3A_96 = tpu.memref_slice %arg17[%mul3A_0, %dma_wait3A_95] : memref<10016x64xf32, #tpu.memory_space<vmem_shared>> -> memref<626x64xf32, #tpu.memory_space<vmem_shared>>
      tpu.wait_dma2 semaphore(%run_scoped3A_80 : memref<!tpu.dma_semaphore, #tpu.memory_space<semaphore_mem>>) src(%dma_wait3A_96 : memref<626x64xf32, #tpu.memory_space<vmem_shared>>) dst(%dma_wait3A_94 : memref<626x64xf32, #tpu.memory_space<hbm>>)
      tpu.yield
    }) : () -> ()
    "tpu.region"() ({
      %run_scoped3A_80 = tpu.sem_alloc : memref<!tpu.dma_semaphore, #tpu.memory_space<semaphore_mem>>
      %dma_start3A_81 = arith.constant 0 : i32
      %dma_start3A_82 = arith.constant 0 : i32
      %dma_start3A_83 = tpu.memref_slice %arg7[%arg0, %dma_start3A_81, %dma_start3A_82] : memref<2x1264x16xf32, #tpu.memory_space<hbm>> -> memref<1x1264x16xf32, #tpu.memory_space<hbm>>
      %dma_start3A_84 = tpu.memref_squeeze %dma_start3A_83 : memref<1x1264x16xf32, #tpu.memory_space<hbm>> -> memref<1264x16xf32, #tpu.memory_space<hbm>>
      %dma_start3A_85 = arith.constant 0 : i32
      %dma_start3A_86 = tpu.memref_slice %dma_start3A_84[%mul3A_22, %dma_start3A_85] : memref<1264x16xf32, #tpu.memory_space<hbm>> -> memref<79x16xf32, #tpu.memory_space<hbm>>
      %dma_start3A_87 = arith.constant 0 : i32
      %dma_start3A_88 = tpu.memref_slice %arg18[%mul3A_22, %dma_start3A_87] : memref<1264x16xf32, #tpu.memory_space<vmem_shared>> -> memref<79x16xf32, #tpu.memory_space<vmem_shared>>
      tpu.enqueue_dma source(%dma_start3A_88 : memref<79x16xf32, #tpu.memory_space<vmem_shared>>) target(%dma_start3A_86 : memref<79x16xf32, #tpu.memory_space<hbm>>) target_semaphore(%run_scoped3A_80 : memref<!tpu.dma_semaphore, #tpu.memory_space<semaphore_mem>>)
      %dma_wait3A_89 = arith.constant 0 : i32
      %dma_wait3A_90 = arith.constant 0 : i32
      %dma_wait3A_91 = tpu.memref_slice %arg7[%arg0, %dma_wait3A_89, %dma_wait3A_90] : memref<2x1264x16xf32, #tpu.memory_space<hbm>> -> memref<1x1264x16xf32, #tpu.memory_space<hbm>>
      %dma_wait3A_92 = tpu.memref_squeeze %dma_wait3A_91 : memref<1x1264x16xf32, #tpu.memory_space<hbm>> -> memref<1264x16xf32, #tpu.memory_space<hbm>>
      %dma_wait3A_93 = arith.constant 0 : i32
      %dma_wait3A_94 = tpu.memref_slice %dma_wait3A_92[%mul3A_22, %dma_wait3A_93] : memref<1264x16xf32, #tpu.memory_space<hbm>> -> memref<79x16xf32, #tpu.memory_space<hbm>>
      %dma_wait3A_95 = arith.constant 0 : i32
      %dma_wait3A_96 = tpu.memref_slice %arg18[%mul3A_22, %dma_wait3A_95] : memref<1264x16xf32, #tpu.memory_space<vmem_shared>> -> memref<79x16xf32, #tpu.memory_space<vmem_shared>>
      tpu.wait_dma2 semaphore(%run_scoped3A_80 : memref<!tpu.dma_semaphore, #tpu.memory_space<semaphore_mem>>) src(%dma_wait3A_96 : memref<79x16xf32, #tpu.memory_space<vmem_shared>>) dst(%dma_wait3A_94 : memref<79x16xf32, #tpu.memory_space<hbm>>)
      tpu.yield
    }) : () -> ()
    return
  }
}

module attributes {stable_mosaic.version = 14 : i64} {
  func.func @_tc1_body(%arg0: i32, %arg1: memref<1024x128xf32, #tpu.memory_space<vmem>>, %arg2: memref<128x128xf32, #tpu.memory_space<vmem>>, %arg3: memref<128xf32, #tpu.memory_space<vmem>>, %arg4: memref<128x128xf32, #tpu.memory_space<vmem>>, %arg5: memref<128xf32, #tpu.memory_space<vmem>>, %arg6: memref<128x64xf32, #tpu.memory_space<vmem>>, %arg7: memref<1x64xf32, #tpu.memory_space<vmem>>, %arg8: memref<1x64xf32, #tpu.memory_space<vmem>>, %arg9: memref<1024x64xf32, #tpu.memory_space<vmem>>, %arg10: memref<1024xf32, #tpu.memory_space<vmem>>, %arg11: memref<1024xf32, #tpu.memory_space<vmem>>) attributes {dimension_semantics = [#tpu.dimension_semantics<arbitrary>], iteration_bounds = array<i64: 10>, scalar_prefetch = 0 : i64, scratch_operands = 0 : i64, tpu.core_type = #tpu.core_type<tc>, window_params = [{transform_indices = @transform_0, window_bounds = array<i64: 1024, 128>}, {pipeline_mode = #tpu.pipeline_mode<synchronous>, transform_indices = @transform_1, window_bounds = array<i64: 128, 128>}, {pipeline_mode = #tpu.pipeline_mode<synchronous>, transform_indices = @transform_2, window_bounds = array<i64: 128>}, {pipeline_mode = #tpu.pipeline_mode<synchronous>, transform_indices = @transform_3, window_bounds = array<i64: 128, 128>}, {pipeline_mode = #tpu.pipeline_mode<synchronous>, transform_indices = @transform_4, window_bounds = array<i64: 128>}, {pipeline_mode = #tpu.pipeline_mode<synchronous>, transform_indices = @transform_5, window_bounds = array<i64: 128, 64>}, {pipeline_mode = #tpu.pipeline_mode<synchronous>, transform_indices = @transform_6, window_bounds = array<i64: 1, 64>}, {pipeline_mode = #tpu.pipeline_mode<synchronous>, transform_indices = @transform_7, window_bounds = array<i64: 1, 64>}, {transform_indices = @transform_8, window_bounds = array<i64: 1024, 64>}, {transform_indices = @transform_9, window_bounds = array<i64: 1024>}, {transform_indices = @transform_10, window_bounds = array<i64: 1024>}]} {
    %get3A = arith.constant 0 : index
    %get3A_0 = arith.constant 0 : index
    %get3A_1 = vector.load %arg1[%get3A, %get3A_0] : memref<1024x128xf32, #tpu.memory_space<vmem>>, vector<1024x128xf32>
    %get3A_2 = arith.constant 0 : index
    %get3A_3 = arith.constant 0 : index
    %get3A_4 = vector.load %arg2[%get3A_2, %get3A_3] : memref<128x128xf32, #tpu.memory_space<vmem>>, vector<128x128xf32>
    %dot_general3A = arith.constant dense<0.000000e+00> : vector<1024x128xf32>
    %dot_general3A_5 = tpu.matmul %get3A_1, %get3A_4, %dot_general3A {dimension_numbers = #tpu.dot_dimension_numbers<[1], [0], [0], [1], [0, 0, 1, 1], [], []>, transpose_lhs_hint = false} : vector<1024x128xf32>, vector<128x128xf32>, vector<1024x128xf32> -> vector<1024x128xf32>
    %get3A_6 = arith.constant 0 : index
    %get3A_7 = vector.load %arg3[%get3A_6] : memref<128xf32, #tpu.memory_space<vmem>>, vector<128xf32>
    %broadcast_in_dim3A = vector.shape_cast %get3A_7 : vector<128xf32> to vector<1x128xf32>
    %add3A = vector.broadcast %broadcast_in_dim3A : vector<1x128xf32> to vector<1024x128xf32>
    %add3A_8 = arith.addf %dot_general3A_5, %add3A : vector<1024x128xf32>
    %mul3A = arith.constant 5.000000e-01 : f32
    %mul3A_9 = vector.broadcast %mul3A : f32 to vector<1024x128xf32>
    %mul3A_10 = arith.mulf %mul3A_9, %add3A_8 : vector<1024x128xf32>
    %mul3A_11 = arith.constant 0.707106769 : f32
    %mul3A_12 = vector.broadcast %mul3A_11 : f32 to vector<1024x128xf32>
    %mul3A_13 = arith.mulf %add3A_8, %mul3A_12 : vector<1024x128xf32>
    %erf3A = math.erf %mul3A_13 : vector<1024x128xf32>
    %add3A_14 = arith.constant 1.000000e+00 : f32
    %add3A_15 = vector.broadcast %add3A_14 : f32 to vector<1024x128xf32>
    %add3A_16 = arith.addf %add3A_15, %erf3A : vector<1024x128xf32>
    %mul3A_17 = arith.mulf %mul3A_10, %add3A_16 : vector<1024x128xf32>
    %get3A_18 = arith.constant 0 : index
    %get3A_19 = arith.constant 0 : index
    %get3A_20 = vector.load %arg4[%get3A_18, %get3A_19] : memref<128x128xf32, #tpu.memory_space<vmem>>, vector<128x128xf32>
    %dot_general3A_21 = arith.constant dense<0.000000e+00> : vector<1024x128xf32>
    %dot_general3A_22 = tpu.matmul %mul3A_17, %get3A_20, %dot_general3A_21 {dimension_numbers = #tpu.dot_dimension_numbers<[1], [0], [0], [1], [0, 0, 1, 1], [], []>, transpose_lhs_hint = false} : vector<1024x128xf32>, vector<128x128xf32>, vector<1024x128xf32> -> vector<1024x128xf32>
    %get3A_23 = arith.constant 0 : index
    %get3A_24 = vector.load %arg5[%get3A_23] : memref<128xf32, #tpu.memory_space<vmem>>, vector<128xf32>
    %broadcast_in_dim3A_25 = vector.shape_cast %get3A_24 : vector<128xf32> to vector<1x128xf32>
    %add3A_26 = vector.broadcast %broadcast_in_dim3A_25 : vector<1x128xf32> to vector<1024x128xf32>
    %add3A_27 = arith.addf %dot_general3A_22, %add3A_26 : vector<1024x128xf32>
    %mul3A_28 = arith.constant 5.000000e-01 : f32
    %mul3A_29 = vector.broadcast %mul3A_28 : f32 to vector<1024x128xf32>
    %mul3A_30 = arith.mulf %mul3A_29, %add3A_27 : vector<1024x128xf32>
    %mul3A_31 = arith.constant 0.707106769 : f32
    %mul3A_32 = vector.broadcast %mul3A_31 : f32 to vector<1024x128xf32>
    %mul3A_33 = arith.mulf %add3A_27, %mul3A_32 : vector<1024x128xf32>
    %erf3A_34 = math.erf %mul3A_33 : vector<1024x128xf32>
    %add3A_35 = arith.constant 1.000000e+00 : f32
    %add3A_36 = vector.broadcast %add3A_35 : f32 to vector<1024x128xf32>
    %add3A_37 = arith.addf %add3A_36, %erf3A_34 : vector<1024x128xf32>
    %mul3A_38 = arith.mulf %mul3A_30, %add3A_37 : vector<1024x128xf32>
    %get3A_39 = arith.constant 0 : index
    %get3A_40 = arith.constant 0 : index
    %get3A_41 = vector.load %arg6[%get3A_39, %get3A_40] : memref<128x64xf32, #tpu.memory_space<vmem>>, vector<128x64xf32>
    %dot_general3A_42 = arith.constant dense<0.000000e+00> : vector<1024x64xf32>
    %dot_general3A_43 = tpu.matmul %mul3A_38, %get3A_41, %dot_general3A_42 {dimension_numbers = #tpu.dot_dimension_numbers<[1], [0], [0], [1], [0, 0, 1, 1], [], []>, transpose_lhs_hint = false} : vector<1024x128xf32>, vector<128x64xf32>, vector<1024x64xf32> -> vector<1024x64xf32>
    %swap3A = arith.constant 0 : index
    %swap3A_44 = arith.constant 0 : index
    %swap3A_45 = vector.load %arg9[%swap3A, %swap3A_44] : memref<1024x64xf32, #tpu.memory_space<vmem>>, vector<1024x64xf32>
    tpu.vector_store %arg9[%swap3A, %swap3A_44], %dot_general3A_43 {strides = array<i32>} : memref<1024x64xf32, #tpu.memory_space<vmem>>, vector<1024x64xf32>,
    %get3A_46 = arith.constant 0 : index
    %get3A_47 = arith.constant 0 : index
    %get3A_48 = vector.load %arg7[%get3A_46, %get3A_47] : memref<1x64xf32, #tpu.memory_space<vmem>>, vector<1x64xf32>
    %mul3A_49 = vector.broadcast %get3A_48 : vector<1x64xf32> to vector<1024x64xf32>
    %mul3A_50 = arith.mulf %dot_general3A_43, %mul3A_49 : vector<1024x64xf32>
    %reduce_sum3A = arith.constant dense<0.000000e+00> : vector<1024xf32>
    %reduce_sum3A_51 = vector.multi_reduction <add>, %mul3A_50, %reduce_sum3A [1] : vector<1024x64xf32> to vector<1024xf32>
    %swap3A_52 = arith.constant 0 : index
    %swap3A_53 = vector.load %arg10[%swap3A_52] : memref<1024xf32, #tpu.memory_space<vmem>>, vector<1024xf32>
    tpu.vector_store %arg10[%swap3A_52], %reduce_sum3A_51 {strides = array<i32>} : memref<1024xf32, #tpu.memory_space<vmem>>, vector<1024xf32>,
    %get3A_54 = arith.constant 0 : index
    %get3A_55 = arith.constant 0 : index
    %get3A_56 = vector.load %arg8[%get3A_54, %get3A_55] : memref<1x64xf32, #tpu.memory_space<vmem>>, vector<1x64xf32>
    %mul3A_57 = vector.broadcast %get3A_56 : vector<1x64xf32> to vector<1024x64xf32>
    %mul3A_58 = arith.mulf %dot_general3A_43, %mul3A_57 : vector<1024x64xf32>
    %reduce_sum3A_59 = arith.constant dense<0.000000e+00> : vector<1024xf32>
    %reduce_sum3A_60 = vector.multi_reduction <add>, %mul3A_58, %reduce_sum3A_59 [1] : vector<1024x64xf32> to vector<1024xf32>
    %swap3A_61 = arith.constant 0 : index
    %swap3A_62 = vector.load %arg11[%swap3A_61] : memref<1024xf32, #tpu.memory_space<vmem>>, vector<1024xf32>
    tpu.vector_store %arg11[%swap3A_61], %reduce_sum3A_60 {strides = array<i32>} : memref<1024xf32, #tpu.memory_space<vmem>>, vector<1024xf32>,
    return
  }
  func.func @transform_0(%arg0: i32) -> (i32, i32) {
    %c0_i32 = arith.constant 0 : i32
    %c0_i32_0 = arith.constant 0 : i32
    return %arg0, %c0_i32 : i32, i32
  }
  func.func @transform_1(%arg0: i32) -> (i32, i32) {
    %c0_i32 = arith.constant 0 : i32
    %c0_i32_0 = arith.constant 0 : i32
    %c0_i32_1 = arith.constant 0 : i32
    return %c0_i32, %c0_i32_0 : i32, i32
  }
  func.func @transform_2(%arg0: i32) -> i32 {
    %c0_i32 = arith.constant 0 : i32
    %c0_i32_0 = arith.constant 0 : i32
    return %c0_i32 : i32
  }
  func.func @transform_3(%arg0: i32) -> (i32, i32) {
    %c0_i32 = arith.constant 0 : i32
    %c0_i32_0 = arith.constant 0 : i32
    %c0_i32_1 = arith.constant 0 : i32
    return %c0_i32, %c0_i32_0 : i32, i32
  }
  func.func @transform_4(%arg0: i32) -> i32 {
    %c0_i32 = arith.constant 0 : i32
    %c0_i32_0 = arith.constant 0 : i32
    return %c0_i32 : i32
  }
  func.func @transform_5(%arg0: i32) -> (i32, i32) {
    %c0_i32 = arith.constant 0 : i32
    %c0_i32_0 = arith.constant 0 : i32
    %c0_i32_1 = arith.constant 0 : i32
    return %c0_i32, %c0_i32_0 : i32, i32
  }
  func.func @transform_6(%arg0: i32) -> (i32, i32) {
    %c0_i32 = arith.constant 0 : i32
    %c0_i32_0 = arith.constant 0 : i32
    %c0_i32_1 = arith.constant 0 : i32
    return %c0_i32, %c0_i32_0 : i32, i32
  }
  func.func @transform_7(%arg0: i32) -> (i32, i32) {
    %c0_i32 = arith.constant 0 : i32
    %c0_i32_0 = arith.constant 0 : i32
    %c0_i32_1 = arith.constant 0 : i32
    return %c0_i32, %c0_i32_0 : i32, i32
  }
  func.func @transform_8(%arg0: i32) -> (i32, i32) {
    %c0_i32 = arith.constant 0 : i32
    %c0_i32_0 = arith.constant 0 : i32
    return %arg0, %c0_i32 : i32, i32
  }
  func.func @transform_9(%arg0: i32) -> i32 {
    %c0_i32 = arith.constant 0 : i32
    return %arg0 : i32
  }
  func.func @transform_10(%arg0: i32) -> i32 {
    %c0_i32 = arith.constant 0 : i32
    return %arg0 : i32
  }
}

module attributes {stable_mosaic.version = 14 : i64} {
  func.func @_tc2_body(%arg0: i32, %arg1: memref<2x1024x64xf32, #tpu.memory_space<vmem>>, %arg2: memref<1024x1xf32, #tpu.memory_space<vmem>>, %arg3: memref<1x64xf32, #tpu.memory_space<vmem>>, %arg4: memref<64x64xf32, #tpu.memory_space<vmem>>, %arg5: memref<1x64xf32, #tpu.memory_space<vmem>>, %arg6: memref<1x64xf32, #tpu.memory_space<vmem>>, %arg7: memref<1024x64xf32, #tpu.memory_space<vmem>>, %arg8: memref<1024xf32, #tpu.memory_space<vmem>>, %arg9: memref<1024xf32, #tpu.memory_space<vmem>>) attributes {dimension_semantics = [#tpu.dimension_semantics<arbitrary>], iteration_bounds = array<i64: 10>, scalar_prefetch = 0 : i64, scratch_operands = 0 : i64, tpu.core_type = #tpu.core_type<tc>, window_params = [{transform_indices = @transform_0, window_bounds = array<i64: 2, 1024, 64>}, {transform_indices = @transform_1, window_bounds = array<i64: 1024, 1>}, {pipeline_mode = #tpu.pipeline_mode<synchronous>, transform_indices = @transform_2, window_bounds = array<i64: 1, 64>}, {pipeline_mode = #tpu.pipeline_mode<synchronous>, transform_indices = @transform_3, window_bounds = array<i64: 64, 64>}, {pipeline_mode = #tpu.pipeline_mode<synchronous>, transform_indices = @transform_4, window_bounds = array<i64: 1, 64>}, {pipeline_mode = #tpu.pipeline_mode<synchronous>, transform_indices = @transform_5, window_bounds = array<i64: 1, 64>}, {transform_indices = @transform_6, window_bounds = array<i64: 1024, 64>}, {transform_indices = @transform_7, window_bounds = array<i64: 1024>}, {transform_indices = @transform_8, window_bounds = array<i64: 1024>}]} {
    %get3A = arith.constant 0 : index
    %get3A_0 = arith.constant 0 : index
    %get3A_1 = arith.constant 0 : index
    %get3A_2 = vector.load %arg1[%get3A, %get3A_0, %get3A_1] : memref<2x1024x64xf32, #tpu.memory_space<vmem>>, vector<1x1024x64xf32>
    %get3A_3 = vector.shape_cast %get3A_2 : vector<1x1024x64xf32> to vector<1024x64xf32>
    %get3A_4 = arith.constant 1 : index
    %get3A_5 = arith.constant 0 : index
    %get3A_6 = arith.constant 0 : index
    %get3A_7 = vector.load %arg1[%get3A_4, %get3A_5, %get3A_6] : memref<2x1024x64xf32, #tpu.memory_space<vmem>>, vector<1x1024x64xf32>
    %get3A_8 = vector.shape_cast %get3A_7 : vector<1x1024x64xf32> to vector<1024x64xf32>
    %add3A = arith.addf %get3A_3, %get3A_8 : vector<1024x64xf32>
    %get3A_9 = arith.constant 0 : index
    %get3A_10 = arith.constant 0 : index
    %get3A_11 = vector.load %arg2[%get3A_9, %get3A_10] : memref<1024x1xf32, #tpu.memory_space<vmem>>, vector<1024x1xf32>
    %add3A_12 = arith.constant 1.000000e-16 : f32
    %add3A_13 = vector.broadcast %add3A_12 : f32 to vector<1024x1xf32>
    %add3A_14 = arith.addf %get3A_11, %add3A_13 : vector<1024x1xf32>
    %div3A = vector.broadcast %add3A_14 : vector<1024x1xf32> to vector<1024x64xf32>
    %div3A_15 = arith.divf %add3A, %div3A : vector<1024x64xf32>
    %get3A_16 = arith.constant 0 : index
    %get3A_17 = arith.constant 0 : index
    %get3A_18 = vector.load %arg3[%get3A_16, %get3A_17] : memref<1x64xf32, #tpu.memory_space<vmem>>, vector<1x64xf32>
    %add3A_19 = vector.broadcast %get3A_18 : vector<1x64xf32> to vector<1024x64xf32>
    %add3A_20 = arith.addf %div3A_15, %add3A_19 : vector<1024x64xf32>
    %mul3A = arith.constant 5.000000e-01 : f32
    %mul3A_21 = vector.broadcast %mul3A : f32 to vector<1024x64xf32>
    %mul3A_22 = arith.mulf %mul3A_21, %add3A_20 : vector<1024x64xf32>
    %mul3A_23 = arith.constant 0.707106769 : f32
    %mul3A_24 = vector.broadcast %mul3A_23 : f32 to vector<1024x64xf32>
    %mul3A_25 = arith.mulf %add3A_20, %mul3A_24 : vector<1024x64xf32>
    %erf3A = math.erf %mul3A_25 : vector<1024x64xf32>
    %add3A_26 = arith.constant 1.000000e+00 : f32
    %add3A_27 = vector.broadcast %add3A_26 : f32 to vector<1024x64xf32>
    %add3A_28 = arith.addf %add3A_27, %erf3A : vector<1024x64xf32>
    %mul3A_29 = arith.mulf %mul3A_22, %add3A_28 : vector<1024x64xf32>
    %get3A_30 = arith.constant 0 : index
    %get3A_31 = arith.constant 0 : index
    %get3A_32 = vector.load %arg4[%get3A_30, %get3A_31] : memref<64x64xf32, #tpu.memory_space<vmem>>, vector<64x64xf32>
    %dot_general3A = arith.constant dense<0.000000e+00> : vector<1024x64xf32>
    %dot_general3A_33 = tpu.matmul %mul3A_29, %get3A_32, %dot_general3A {dimension_numbers = #tpu.dot_dimension_numbers<[1], [0], [0], [1], [0, 0, 1, 1], [], []>, transpose_lhs_hint = false} : vector<1024x64xf32>, vector<64x64xf32>, vector<1024x64xf32> -> vector<1024x64xf32>
    %swap3A = arith.constant 0 : index
    %swap3A_34 = arith.constant 0 : index
    %swap3A_35 = vector.load %arg7[%swap3A, %swap3A_34] : memref<1024x64xf32, #tpu.memory_space<vmem>>, vector<1024x64xf32>
    tpu.vector_store %arg7[%swap3A, %swap3A_34], %dot_general3A_33 {strides = array<i32>} : memref<1024x64xf32, #tpu.memory_space<vmem>>, vector<1024x64xf32>,
    %get3A_36 = arith.constant 0 : index
    %get3A_37 = arith.constant 0 : index
    %get3A_38 = vector.load %arg5[%get3A_36, %get3A_37] : memref<1x64xf32, #tpu.memory_space<vmem>>, vector<1x64xf32>
    %mul3A_39 = vector.broadcast %get3A_38 : vector<1x64xf32> to vector<1024x64xf32>
    %mul3A_40 = arith.mulf %dot_general3A_33, %mul3A_39 : vector<1024x64xf32>
    %reduce_sum3A = arith.constant dense<0.000000e+00> : vector<1024xf32>
    %reduce_sum3A_41 = vector.multi_reduction <add>, %mul3A_40, %reduce_sum3A [1] : vector<1024x64xf32> to vector<1024xf32>
    %swap3A_42 = arith.constant 0 : index
    %swap3A_43 = vector.load %arg8[%swap3A_42] : memref<1024xf32, #tpu.memory_space<vmem>>, vector<1024xf32>
    tpu.vector_store %arg8[%swap3A_42], %reduce_sum3A_41 {strides = array<i32>} : memref<1024xf32, #tpu.memory_space<vmem>>, vector<1024xf32>,
    %get3A_44 = arith.constant 0 : index
    %get3A_45 = arith.constant 0 : index
    %get3A_46 = vector.load %arg6[%get3A_44, %get3A_45] : memref<1x64xf32, #tpu.memory_space<vmem>>, vector<1x64xf32>
    %mul3A_47 = vector.broadcast %get3A_46 : vector<1x64xf32> to vector<1024x64xf32>
    %mul3A_48 = arith.mulf %dot_general3A_33, %mul3A_47 : vector<1024x64xf32>
    %reduce_sum3A_49 = arith.constant dense<0.000000e+00> : vector<1024xf32>
    %reduce_sum3A_50 = vector.multi_reduction <add>, %mul3A_48, %reduce_sum3A_49 [1] : vector<1024x64xf32> to vector<1024xf32>
    %swap3A_51 = arith.constant 0 : index
    %swap3A_52 = vector.load %arg9[%swap3A_51] : memref<1024xf32, #tpu.memory_space<vmem>>, vector<1024xf32>
    tpu.vector_store %arg9[%swap3A_51], %reduce_sum3A_50 {strides = array<i32>} : memref<1024xf32, #tpu.memory_space<vmem>>, vector<1024xf32>,
    return
  }
  func.func @transform_0(%arg0: i32) -> (i32, i32, i32) {
    %c0_i32 = arith.constant 0 : i32
    %c0_i32_0 = arith.constant 0 : i32
    %c0_i32_1 = arith.constant 0 : i32
    return %c0_i32, %arg0, %c0_i32_0 : i32, i32, i32
  }
  func.func @transform_1(%arg0: i32) -> (i32, i32) {
    %c0_i32 = arith.constant 0 : i32
    %c0_i32_0 = arith.constant 0 : i32
    return %arg0, %c0_i32 : i32, i32
  }
  func.func @transform_2(%arg0: i32) -> (i32, i32) {
    %c0_i32 = arith.constant 0 : i32
    %c0_i32_0 = arith.constant 0 : i32
    %c0_i32_1 = arith.constant 0 : i32
    return %c0_i32, %c0_i32_0 : i32, i32
  }
  func.func @transform_3(%arg0: i32) -> (i32, i32) {
    %c0_i32 = arith.constant 0 : i32
    %c0_i32_0 = arith.constant 0 : i32
    %c0_i32_1 = arith.constant 0 : i32
    return %c0_i32, %c0_i32_0 : i32, i32
  }
  func.func @transform_4(%arg0: i32) -> (i32, i32) {
    %c0_i32 = arith.constant 0 : i32
    %c0_i32_0 = arith.constant 0 : i32
    %c0_i32_1 = arith.constant 0 : i32
    return %c0_i32, %c0_i32_0 : i32, i32
  }
  func.func @transform_5(%arg0: i32) -> (i32, i32) {
    %c0_i32 = arith.constant 0 : i32
    %c0_i32_0 = arith.constant 0 : i32
    %c0_i32_1 = arith.constant 0 : i32
    return %c0_i32, %c0_i32_0 : i32, i32
  }
  func.func @transform_6(%arg0: i32) -> (i32, i32) {
    %c0_i32 = arith.constant 0 : i32
    %c0_i32_0 = arith.constant 0 : i32
    return %arg0, %c0_i32 : i32, i32
  }
  func.func @transform_7(%arg0: i32) -> i32 {
    %c0_i32 = arith.constant 0 : i32
    return %arg0 : i32
  }
  func.func @transform_8(%arg0: i32) -> i32 {
    %c0_i32 = arith.constant 0 : i32
    return %arg0 : i32
  }
}

module attributes {stable_mosaic.version = 14 : i64} {
  func.func @_tc3_body(%arg0: i32, %arg1: memref<2x1024x64xf32, #tpu.memory_space<vmem>>, %arg2: memref<1024x1xf32, #tpu.memory_space<vmem>>, %arg3: memref<1x64xf32, #tpu.memory_space<vmem>>, %arg4: memref<64x64xf32, #tpu.memory_space<vmem>>, %arg5: memref<1x64xf32, #tpu.memory_space<vmem>>, %arg6: memref<64x64xf32, #tpu.memory_space<vmem>>, %arg7: memref<1x64xf32, #tpu.memory_space<vmem>>, %arg8: memref<64x128xf32, #tpu.memory_space<vmem>>, %arg9: memref<1x128xf32, #tpu.memory_space<vmem>>, %arg10: memref<1024x128xf32, #tpu.memory_space<vmem>>, %arg11: memref<1x1xf32, #tpu.memory_space<vmem>>) attributes {dimension_semantics = [#tpu.dimension_semantics<arbitrary>], iteration_bounds = array<i64: 10>, scalar_prefetch = 0 : i64, scratch_operands = 0 : i64, tpu.core_type = #tpu.core_type<tc>, window_params = [{transform_indices = @transform_0, window_bounds = array<i64: 2, 1024, 64>}, {transform_indices = @transform_1, window_bounds = array<i64: 1024, 1>}, {pipeline_mode = #tpu.pipeline_mode<synchronous>, transform_indices = @transform_2, window_bounds = array<i64: 1, 64>}, {pipeline_mode = #tpu.pipeline_mode<synchronous>, transform_indices = @transform_3, window_bounds = array<i64: 64, 64>}, {pipeline_mode = #tpu.pipeline_mode<synchronous>, transform_indices = @transform_4, window_bounds = array<i64: 1, 64>}, {pipeline_mode = #tpu.pipeline_mode<synchronous>, transform_indices = @transform_5, window_bounds = array<i64: 64, 64>}, {pipeline_mode = #tpu.pipeline_mode<synchronous>, transform_indices = @transform_6, window_bounds = array<i64: 1, 64>}, {pipeline_mode = #tpu.pipeline_mode<synchronous>, transform_indices = @transform_7, window_bounds = array<i64: 64, 128>}, {pipeline_mode = #tpu.pipeline_mode<synchronous>, transform_indices = @transform_8, window_bounds = array<i64: 1, 128>}, {transform_indices = @transform_9, window_bounds = array<i64: 1024, 128>}, {pipeline_mode = #tpu.pipeline_mode<synchronous>, transform_indices = @transform_10, window_bounds = array<i64: 1, 1>}]} {
    %get3A = arith.constant 0 : index
    %get3A_0 = arith.constant 0 : index
    %get3A_1 = arith.constant 0 : index
    %get3A_2 = vector.load %arg1[%get3A, %get3A_0, %get3A_1] : memref<2x1024x64xf32, #tpu.memory_space<vmem>>, vector<1x1024x64xf32>
    %get3A_3 = vector.shape_cast %get3A_2 : vector<1x1024x64xf32> to vector<1024x64xf32>
    %get3A_4 = arith.constant 1 : index
    %get3A_5 = arith.constant 0 : index
    %get3A_6 = arith.constant 0 : index
    %get3A_7 = vector.load %arg1[%get3A_4, %get3A_5, %get3A_6] : memref<2x1024x64xf32, #tpu.memory_space<vmem>>, vector<1x1024x64xf32>
    %get3A_8 = vector.shape_cast %get3A_7 : vector<1x1024x64xf32> to vector<1024x64xf32>
    %add3A = arith.addf %get3A_3, %get3A_8 : vector<1024x64xf32>
    %get3A_9 = arith.constant 0 : index
    %get3A_10 = arith.constant 0 : index
    %get3A_11 = vector.load %arg2[%get3A_9, %get3A_10] : memref<1024x1xf32, #tpu.memory_space<vmem>>, vector<1024x1xf32>
    %add3A_12 = arith.constant 1.000000e-16 : f32
    %add3A_13 = vector.broadcast %add3A_12 : f32 to vector<1024x1xf32>
    %add3A_14 = arith.addf %get3A_11, %add3A_13 : vector<1024x1xf32>
    %div3A = vector.broadcast %add3A_14 : vector<1024x1xf32> to vector<1024x64xf32>
    %div3A_15 = arith.divf %add3A, %div3A : vector<1024x64xf32>
    %get3A_16 = arith.constant 0 : index
    %get3A_17 = arith.constant 0 : index
    %get3A_18 = vector.load %arg3[%get3A_16, %get3A_17] : memref<1x64xf32, #tpu.memory_space<vmem>>, vector<1x64xf32>
    %add3A_19 = vector.broadcast %get3A_18 : vector<1x64xf32> to vector<1024x64xf32>
    %add3A_20 = arith.addf %div3A_15, %add3A_19 : vector<1024x64xf32>
    %mul3A = arith.constant 5.000000e-01 : f32
    %mul3A_21 = vector.broadcast %mul3A : f32 to vector<1024x64xf32>
    %mul3A_22 = arith.mulf %mul3A_21, %add3A_20 : vector<1024x64xf32>
    %mul3A_23 = arith.constant 0.707106769 : f32
    %mul3A_24 = vector.broadcast %mul3A_23 : f32 to vector<1024x64xf32>
    %mul3A_25 = arith.mulf %add3A_20, %mul3A_24 : vector<1024x64xf32>
    %erf3A = math.erf %mul3A_25 : vector<1024x64xf32>
    %add3A_26 = arith.constant 1.000000e+00 : f32
    %add3A_27 = vector.broadcast %add3A_26 : f32 to vector<1024x64xf32>
    %add3A_28 = arith.addf %add3A_27, %erf3A : vector<1024x64xf32>
    %mul3A_29 = arith.mulf %mul3A_22, %add3A_28 : vector<1024x64xf32>
    %get3A_30 = arith.constant 0 : index
    %get3A_31 = arith.constant 0 : index
    %get3A_32 = vector.load %arg4[%get3A_30, %get3A_31] : memref<64x64xf32, #tpu.memory_space<vmem>>, vector<64x64xf32>
    %dot_general3A = arith.constant dense<0.000000e+00> : vector<1024x64xf32>
    %dot_general3A_33 = tpu.matmul %mul3A_29, %get3A_32, %dot_general3A {dimension_numbers = #tpu.dot_dimension_numbers<[1], [0], [0], [1], [0, 0, 1, 1], [], []>, transpose_lhs_hint = false} : vector<1024x64xf32>, vector<64x64xf32>, vector<1024x64xf32> -> vector<1024x64xf32>
    %get3A_34 = arith.constant 0 : index
    %get3A_35 = arith.constant 0 : index
    %get3A_36 = vector.load %arg5[%get3A_34, %get3A_35] : memref<1x64xf32, #tpu.memory_space<vmem>>, vector<1x64xf32>
    %add3A_37 = vector.broadcast %get3A_36 : vector<1x64xf32> to vector<1024x64xf32>
    %add3A_38 = arith.addf %dot_general3A_33, %add3A_37 : vector<1024x64xf32>
    %get3A_39 = arith.constant 0 : index
    %get3A_40 = arith.constant 0 : index
    %get3A_41 = vector.load %arg6[%get3A_39, %get3A_40] : memref<64x64xf32, #tpu.memory_space<vmem>>, vector<64x64xf32>
    %dot_general3A_42 = arith.constant dense<0.000000e+00> : vector<1024x64xf32>
    %dot_general3A_43 = tpu.matmul %add3A_38, %get3A_41, %dot_general3A_42 {dimension_numbers = #tpu.dot_dimension_numbers<[1], [0], [0], [1], [0, 0, 1, 1], [], []>, transpose_lhs_hint = false} : vector<1024x64xf32>, vector<64x64xf32>, vector<1024x64xf32> -> vector<1024x64xf32>
    %get3A_44 = arith.constant 0 : index
    %get3A_45 = arith.constant 0 : index
    %get3A_46 = vector.load %arg7[%get3A_44, %get3A_45] : memref<1x64xf32, #tpu.memory_space<vmem>>, vector<1x64xf32>
    %add3A_47 = vector.broadcast %get3A_46 : vector<1x64xf32> to vector<1024x64xf32>
    %add3A_48 = arith.addf %dot_general3A_43, %add3A_47 : vector<1024x64xf32>
    %get3A_49 = arith.constant 0 : index
    %get3A_50 = arith.constant 0 : index
    %get3A_51 = vector.load %arg8[%get3A_49, %get3A_50] : memref<64x128xf32, #tpu.memory_space<vmem>>, vector<64x128xf32>
    %dot_general3A_52 = arith.constant dense<0.000000e+00> : vector<1024x128xf32>
    %dot_general3A_53 = tpu.matmul %add3A_48, %get3A_51, %dot_general3A_52 {dimension_numbers = #tpu.dot_dimension_numbers<[1], [0], [0], [1], [0, 0, 1, 1], [], []>, transpose_lhs_hint = false} : vector<1024x64xf32>, vector<64x128xf32>, vector<1024x128xf32> -> vector<1024x128xf32>
    %get3A_54 = arith.constant 0 : index
    %get3A_55 = arith.constant 0 : index
    %get3A_56 = vector.load %arg9[%get3A_54, %get3A_55] : memref<1x128xf32, #tpu.memory_space<vmem>>, vector<1x128xf32>
    %add3A_57 = vector.broadcast %get3A_56 : vector<1x128xf32> to vector<1024x128xf32>
    %add3A_58 = arith.addf %dot_general3A_53, %add3A_57 : vector<1024x128xf32>
    %get3A_59 = arith.constant 0 : index
    %get3A_60 = arith.constant 0 : index
    %get3A_61 = vector.load %arg10[%get3A_59, %get3A_60] : memref<1024x128xf32, #tpu.memory_space<vmem>>, vector<1024x128xf32>
    %sub3A = arith.subf %add3A_58, %get3A_61 : vector<1024x128xf32>
    %mul3A_62 = arith.constant 1024 : i32
    %mul3A_63 = arith.muli %arg0, %mul3A_62 : i32
    %iota3A = tpu.iota {dimensions = array<i32: 0>} : vector<1024x128xi32>
    %add3A_64 = vector.broadcast %mul3A_63 : i32 to vector<1024x128xi32>
    %add3A_65 = arith.addi %add3A_64, %iota3A : vector<1024x128xi32>
    %lt3A = arith.constant 10000 : i32
    %lt3A_66 = vector.broadcast %lt3A : i32 to vector<1024x128xi32>
    %lt3A_67 = arith.cmpi slt, %add3A_65, %lt3A_66 : vector<1024x128xi32>
    %jit3A = arith.constant 0.000000e+00 : f32
    %broadcast_in_dim3A = vector.broadcast %jit3A : f32 to vector<1024x128xf32>
    %select_n3A = arith.select %lt3A_67, %sub3A, %broadcast_in_dim3A : vector<1024x128xi1>, vector<1024x128xf32>
    %mul3A_68 = arith.mulf %select_n3A, %select_n3A : vector<1024x128xf32>
    %reduce_sum3A = vector.shape_cast %mul3A_68 : vector<1024x128xf32> to vector<1x1024x128xf32>
    %reduce_sum3A_69 = arith.constant dense<0.000000e+00> : vector<1xf32>
    %reduce_sum3A_70 = vector.multi_reduction <add>, %reduce_sum3A, %reduce_sum3A_69 [1, 2] : vector<1x1024x128xf32> to vector<1xf32>
    %reduce_sum3A_71 = vector.shape_cast %reduce_sum3A_70 : vector<1xf32> to vector<1x1x1xf32>
    %reduce_sum3A_72 = vector.extract %reduce_sum3A_71[0, 0, 0] : f32 from vector<1x1x1xf32>
    %reshape3A = vector.broadcast %reduce_sum3A_72 : f32 to vector<1x1xf32>
    %eq3A = arith.constant 0 : i32
    %eq3A_73 = arith.cmpi eq, %arg0, %eq3A : i32
    %convert_element_type3A = arith.extui %eq3A_73 : i1 to i32
    %cond3A = arith.constant 0 : i32
    %cond3A_74 = arith.cmpi ne, %convert_element_type3A, %cond3A : i32
    scf.if %cond3A_74 {
      %broadcast_in_dim3A_81 = arith.constant 0.000000e+00 : f32
      %broadcast_in_dim3A_82 = vector.broadcast %broadcast_in_dim3A_81 : f32 to vector<1x1xf32>
      %swap3A_83 = arith.constant 0 : index
      %swap3A_84 = arith.constant 0 : index
      %swap3A_85 = vector.load %arg11[%swap3A_83, %swap3A_84] : memref<1x1xf32, #tpu.memory_space<vmem>>, vector<1x1xf32>
      tpu.vector_store %arg11[%swap3A_83, %swap3A_84], %broadcast_in_dim3A_82 {strides = array<i32>} : memref<1x1xf32, #tpu.memory_space<vmem>>, vector<1x1xf32>,
    } else {
    }
    %get3A_75 = arith.constant 0 : index
    %get3A_76 = arith.constant 0 : index
    %get3A_77 = vector.load %arg11[%get3A_75, %get3A_76] : memref<1x1xf32, #tpu.memory_space<vmem>>, vector<1x1xf32>
    %add3A_78 = arith.addf %get3A_77, %reshape3A : vector<1x1xf32>
    %swap3A = arith.constant 0 : index
    %swap3A_79 = arith.constant 0 : index
    %swap3A_80 = vector.load %arg11[%swap3A, %swap3A_79] : memref<1x1xf32, #tpu.memory_space<vmem>>, vector<1x1xf32>
    tpu.vector_store %arg11[%swap3A, %swap3A_79], %add3A_78 {strides = array<i32>} : memref<1x1xf32, #tpu.memory_space<vmem>>, vector<1x1xf32>,
    return
  }
  func.func @transform_0(%arg0: i32) -> (i32, i32, i32) {
    %c0_i32 = arith.constant 0 : i32
    %c0_i32_0 = arith.constant 0 : i32
    %c0_i32_1 = arith.constant 0 : i32
    return %c0_i32, %arg0, %c0_i32_0 : i32, i32, i32
  }
  func.func @transform_1(%arg0: i32) -> (i32, i32) {
    %c0_i32 = arith.constant 0 : i32
    %c0_i32_0 = arith.constant 0 : i32
    return %arg0, %c0_i32 : i32, i32
  }
  func.func @transform_2(%arg0: i32) -> (i32, i32) {
    %c0_i32 = arith.constant 0 : i32
    %c0_i32_0 = arith.constant 0 : i32
    %c0_i32_1 = arith.constant 0 : i32
    return %c0_i32, %c0_i32_0 : i32, i32
  }
  func.func @transform_3(%arg0: i32) -> (i32, i32) {
    %c0_i32 = arith.constant 0 : i32
    %c0_i32_0 = arith.constant 0 : i32
    %c0_i32_1 = arith.constant 0 : i32
    return %c0_i32, %c0_i32_0 : i32, i32
  }
  func.func @transform_4(%arg0: i32) -> (i32, i32) {
    %c0_i32 = arith.constant 0 : i32
    %c0_i32_0 = arith.constant 0 : i32
    %c0_i32_1 = arith.constant 0 : i32
    return %c0_i32, %c0_i32_0 : i32, i32
  }
  func.func @transform_5(%arg0: i32) -> (i32, i32) {
    %c0_i32 = arith.constant 0 : i32
    %c0_i32_0 = arith.constant 0 : i32
    %c0_i32_1 = arith.constant 0 : i32
    return %c0_i32, %c0_i32_0 : i32, i32
  }
  func.func @transform_6(%arg0: i32) -> (i32, i32) {
    %c0_i32 = arith.constant 0 : i32
    %c0_i32_0 = arith.constant 0 : i32
    %c0_i32_1 = arith.constant 0 : i32
    return %c0_i32, %c0_i32_0 : i32, i32
  }
  func.func @transform_7(%arg0: i32) -> (i32, i32) {
    %c0_i32 = arith.constant 0 : i32
    %c0_i32_0 = arith.constant 0 : i32
    %c0_i32_1 = arith.constant 0 : i32
    return %c0_i32, %c0_i32_0 : i32, i32
  }
  func.func @transform_8(%arg0: i32) -> (i32, i32) {
    %c0_i32 = arith.constant 0 : i32
    %c0_i32_0 = arith.constant 0 : i32
    %c0_i32_1 = arith.constant 0 : i32
    return %c0_i32, %c0_i32_0 : i32, i32
  }
  func.func @transform_9(%arg0: i32) -> (i32, i32) {
    %c0_i32 = arith.constant 0 : i32
    %c0_i32_0 = arith.constant 0 : i32
    return %arg0, %c0_i32 : i32, i32
  }
  func.func @transform_10(%arg0: i32) -> (i32, i32) {
    %c0_i32 = arith.constant 0 : i32
    %c0_i32_0 = arith.constant 0 : i32
    %c0_i32_1 = arith.constant 0 : i32
    return %c0_i32, %c0_i32_0 : i32, i32
  }
}

</mosaic_0001>

<sc_bundles>
// kernel: kernel.10.cloned.1.call-start
scs
__scs_entry_jumppad:
0x0: {  	(pc) =	sbr.rel $0x88, $3  }
0x1: {  	(tag) =	ssettag $0x0;
	lr =	simm.s32 $0x1  }
0x2: {  	[smem:$0x3F8D] =	sst lr;
	_ =	strace $0xD0000000  }
0x3: {  	_ = 	snop  }
0x4: {  	_ = 	snop  }
0x5: {  	_ = 	snop  }
0x6: {  	_ = 	snop  }
0x7: {  	_ = 	snop  }
__scs_overlays_trampoline_lowered:
0x8: {  	[smem:$0x3F9C] =	sst s0  }
0x9: {  	[smem:$0x3F9D] =	sst s1  }
0xa: {  	[smem:$0x3F9E] =	sst s2  }
0xb: {  	[smem:$0x3F9F] =	sst s3  }
0xc: {  	[smem:$0x3FA0] =	sst s4  }
0xd: {  	[smem:$0x3FA1] =	sst s5  }
0xe: {  	[smem:$0x3FA2] =	sst s6  }
0xf: {  	[smem:$0x3FA3] =	sst s7  }
0x10: {  	[smem:$0x3FA4] =	sst s8  }
0x11: {  	[smem:$0x3FA5] =	sst s9;
	s0 =	simm.s32 @!p0 $0x0  }
0x12: {  	s1 =	sld [smem:$0x3F8B];
	s0 =	simm.s32 @p0 $0x1  }
0x13: {  	[smem:$0x3FA6] =	sst s0;
	s0 =	simm.s32 @!p1 $0x0  }
0x14: {  	s2 =	sld [smem:$0x3F8A];
	s0 =	simm.s32 @p1 $0x1  }
0x15: {  	[smem:$0x3FA7] =	sst s0;
	s0 =	simm.s32 @!p2 $0x0  }
0x16: {  	s3 =	sld [smem:$0x3FDB];
	s0 =	simm.s32 @p2 $0x1  }
0x17: {  	s4 =	simm.s32 $0x1BF5;
	[smem:$0x3FA9] =	sst s0  }
0x18: {  	s0 =	sld [smem:$0x3F8C];
	_ =	swait.ge [sflag:s4], $0x0  }
0x19: {  	s7 =	sld [smem:$0x3F8D]  }
0x1a: {  	s8 =	sadd.s32 $0xFFFFE003, lr  }
0x1b: {  	s9 =	sadd.s32 $0xFFFFFEF7, lr;
	s5 =	simm.s32 $0xFFFFFFFF;
	p2 =	slt.u32 s8, $0xFFFFF086  }
0x1c: {  	p1 =	slt.u32 s9, $0xF7A;
	s5 =	simm.s32 @!p2 $0x0  }
0x1d: {  	s5 =	simm.s32 @p1 $0x1;
	p0 =	seq.s32 s7, s2  }
0x1e: {  	s7 =	smul.u32 @!p0 $0xF7A, s2;
	p2 =	seq.s32 @!p0 s5, $0x0  }
0x1f: {  	s9 =	smul.u32 $0xF7A, s1;
	s8 =	simm.s32 @!p0 $0x1BF5;
	p2 =	por !p2, p0  }
0x20: {  	[sflag:s8] =	ssyncset.s32 @!p0 $0xFFFFF086;
	s6 =	sadd.s32 @!p0 s3, s7;
	s7 =	simm.s32 @!p0 $0x108  }
0x21: {  	s3 =	sadd.s32 s3, s9;
	s6 =	sadd.s32 @!p0 $0x88, s6;
	s7 =	simm.s32 @p2 $0x1082  }
0x22: {  	[simem:s7], [sflag:s8] =	dma.local @!p0 [hbm:s6], $0xF7A  }
0x23: {  	s9 =	sor.u32 $0xD0000000, s2;
	s6 =	simm.s32 $0x108;
	_ =	swait.ge @!p0 [sflag:s8], $0x0  }
0x24: {  	s3 =	sadd.s32 $0x88, s3;
	s6 =	simm.s32 @!p1 $0x1082;
	[sflag:s4] =	ssyncset.s32 $0xFFFFF086  }
0x25: {  	[simem:s6], [sflag:s4] =	dma.local [hbm:s3], $0xF7A  }
0x26: {  	[smem:$0x3F8D] =	sst s1;
	(tag) =	ssettag s2;
	_ =	strace s9  }
0x27: {  	s1 =	sld [smem:$0x3F9D]  }
0x28: {  	s2 =	sld [smem:$0x3F9E]  }
0x29: {  	s4 =	sld [smem:$0x3FA0]  }
0x2a: {  	p0 =	seq.s32 s5, $0x0;
	s5 =	sld [smem:$0x3FA1]  }
0x2b: {  	s6 =	sld [smem:$0x3FA2]  }
0x2c: {  	s7 =	sld [smem:$0x3FA3]  }
0x2d: {  	s3 =	simm.s32 $0x108;
	s8 =	sld [smem:$0x3FA4]  }
0x2e: {  	s3 =	simm.s32 @!p0 $0x1082;
	s9 =	sld [smem:$0x3FA5]  }
0x2f: {  	lr =	sadd.s32 s0, s3;
	s0 =	sld [smem:$0x3F9C]  }
0x30: {  	s3 =	sld [smem:$0x3F9F]  }
0x31: {  	[smem:$0x3FA8] =	sst s10  }
0x32: {  	s10 =	sld [smem:$0x3FA6];
	_ =	sdelay $0x3  }
0x33: {  	p0 =	seq.s32 s10, $0x1;
	s10 =	sld [smem:$0x3FA8];
	_ =	sdelay $0x3  }
0x34: {  	[smem:$0x3FA8] =	sst s10  }
0x35: {  	s10 =	sld [smem:$0x3FA7];
	_ =	sdelay $0x3  }
0x36: {  	p1 =	seq.s32 s10, $0x1;
	s10 =	sld [smem:$0x3FA8];
	_ =	sdelay $0x3  }
0x37: {  	[smem:$0x3FA8] =	sst s10  }
0x38: {  	s10 =	sld [smem:$0x3FA9]  }
0x39: {  	_ = 	snop;
	(pc) =	sbr.ind lr, $3  }
0x3a: {  	_ = 	snop  }
0x3b: {  	_ = 	snop  }
0x3c: {  	p2 =	seq.s32 s10, $0x1;
	s10 =	sld [smem:$0x3FA8]  }
0x3d: {  	_ =	shalt  }
0x3e: {  	_ =	shalt  }
0x3f: {  	_ =	shalt  }
0x40: {  	_ =	shalt  }
0x41: {  	_ =	shalt  }
0x42: {  	_ =	shalt  }
0x43: {  	_ =	shalt  }
0x44: {  	_ =	shalt  }
0x45: {  	_ =	shalt  }
0x46: {  	_ =	shalt  }
0x47: {  	_ =	shalt  }
0x48: {  	_ =	shalt  }
0x49: {  	_ =	shalt  }
0x4a: {  	_ =	shalt  }
0x4b: {  	_ =	shalt  }
0x4c: {  	_ =	shalt  }
0x4d: {  	_ =	shalt  }
0x4e: {  	_ =	shalt  }
0x4f: {  	_ =	shalt  }
0x50: {  	_ =	shalt  }
0x51: {  	_ =	shalt  }
0x52: {  	_ =	shalt  }
0x53: {  	_ =	shalt  }
0x54: {  	_ =	shalt  }
0x55: {  	_ =	shalt  }
0x56: {  	_ =	shalt  }
0x57: {  	_ =	shalt  }
0x58: {  	_ =	shalt  }
0x59: {  	_ =	shalt  }
0x5a: {  	_ =	shalt  }
0x5b: {  	_ =	shalt  }
0x5c: {  	_ =	shalt  }
0x5d: {  	_ =	shalt  }
0x5e: {  	_ =	shalt  }
0x5f: {  	_ =	shalt  }
0x60: {  	_ =	shalt  }
0x61: {  	_ =	shalt  }
0x62: {  	_ =	shalt  }
0x63: {  	_ =	shalt  }
0x64: {  	_ =	shalt  }
0x65: {  	_ =	shalt  }
0x66: {  	_ =	shalt  }
0x67: {  	_ =	shalt  }
0x68: {  	_ =	shalt  }
0x69: {  	_ =	shalt  }
0x6a: {  	_ =	shalt  }
0x6b: {  	_ =	shalt  }
0x6c: {  	_ =	shalt  }
0x6d: {  	_ =	shalt  }
0x6e: {  	_ =	shalt  }
0x6f: {  	_ =	shalt  }
0x70: {  	_ =	shalt  }
0x71: {  	_ =	shalt  }
0x72: {  	_ =	shalt  }
0x73: {  	_ =	shalt  }
0x74: {  	_ =	shalt  }
0x75: {  	_ =	shalt  }
0x76: {  	_ =	shalt  }
0x77: {  	_ =	shalt  }
0x78: {  	_ =	shalt  }
0x79: {  	_ =	shalt  }
0x7a: {  	_ =	shalt  }
0x7b: {  	_ =	shalt  }
0x7c: {  	_ =	shalt  }
0x7d: {  	_ =	shalt  }
0x7e: {  	_ =	shalt  }
0x7f: {  	_ =	shalt  }
0x80: {  	_ =	shalt  }
0x81: {  	_ =	shalt  }
0x82: {  	_ =	shalt  }
0x83: {  	_ =	shalt  }
0x84: {  	_ =	shalt  }
0x85: {  	_ =	shalt  }
0x86: {  	_ =	shalt  }
0x87: {  	_ =	shalt  }
.Lfunc_end0:
.L_simem_size_0:
called_computation.1_lowered:
.L_overlay_start_0:
0x88: {  	s2 =	sld [smem:$0x3FD9]  }
0x89: {  	s3 =	sld [smem:$0x3FFE];
	_ =	sdelay $0x1  }
0x8a: {  	s1 =	srdreg.scid  }
0x8b: {  	s0 =	sand.u32 $0x1, s1  }
0x8c: {  	s16 =	sshll.u32 s0, $0xA;
	s2 =	sadd.s32 s3, s2  }
0x8d: {  	s2 =	sadd.s32 s2, s16  }
0x8e: {  	[smem:$0x3FB4] =	sst s2  }
0x8f: {  	_ = 	snop  }
0x90: {  	(tm) =	ssettm $0x1  }
0x91: {  	s17 =	sld [smem:$0x3FFB];
	_ =	sdelay $0x3  }
0x92: {  	_ =	strace s17  }
0x93: {  	s2 =	sld [smem:$0x3FFC];
	_ =	sdelay $0x3  }
0x94: {  	_ =	strace s2  }
0x95: {  	s2 =	sld [smem:$0x3FFD];
	_ =	sdelay $0x3  }
0x96: {  	_ =	strace s2  }
0x97: {  	_ =	strace $0x8FFFFFFF  }
0x98: {  	s18 =	sld [smem:$0x3FDB];
	_ =	sdelay $0x1  }
0x99: {  	s19 =	simm.s32 $_scs_section_size  }
0x9a: {  	s4 =	simm.s32 $_size__tile_overlayer_lowered;
	s5 =	simm.s32 $_tile_overlayer_lowered  }
0x9b: {  	s22 =	simm.s32 $0x1BFF;
	s21 =	sshll.u32 s5, $0x1;
	s2 =	sadd.s32 s19, s18  }
0x9c: {  	s6 =	simm.s32 $0x0;
	s20 =	sshll.u32 s4, $0x1;
	s4 =	sadd.s32 s21, s2  }
0x9d: {  	[timem:s6], [sflag:s22] =	dma.local [hbm:s4], s20  }
0x9e: {  	_ =	swait.ge [sflag:s22], s20  }
0x9f: {  	s3 =	ssub.s32 $0x0, s20;
	[sflag:s22] =	ssyncset.done $0x0  }
0xa0: {  	[sflag:s22] =	ssyncadd.s32 s3;
	_ =	sdelay $0x1  }
0xa1: {  	s23 =	simm.s32 $0x1B8B  }
0xa2: {  	_ =	swait.ge [sflag:s23], $0x1  }
0xa3: {  	[sflag:s23] =	ssyncset.done $0x0  }
0xa4: {  	s25 =	simm.s32 $0x1B8E;
	s24 =	sld [smem:$0x3FFE];
	[sflag:s23] =	ssyncadd.s32 $0xFFFFFFFF  }
0xa5: {  	s26 =	simm.s32 $execute0_lowered;
	[smem:$0x3FD2] =	sst s25  }
0xa6: {  	s4 =	sshll.u32 s26, $0x1;
	_ =	strace $0x80000049;
	[dreg:$0x1] =	wrdreg $0xFFFFFFFF  }
0xa7: {  	s28 =	simm.s32 $_size_execute0_lowered;
	s2 =	sadd.s32 s2, s4;
	[dreg:$0x0] =	wrdreg $0x0  }
0xa8: {  	s4 =	sshll.u32 s28, $0x1;
	[dreg:$0x2] =	wrdreg s2  }
0xa9: {  	[dreg:$0x3] =	wrdreg s4  }
0xaa: {  	[dreg:$0x4] =	wrdreg $0xC0  }
0xab: {  	_ =	task [dreg:s6], $0x5FFFF  }
0xac: {  	[dreg:$0x1] =	wrdreg $0xFFFFFFFF  }
0xad: {  	[dreg:$0x0] =	wrdreg $0x60  }
0xae: {  	[dreg:$0x2] =	wrdreg s24  }
0xaf: {  	[dreg:$0x3] =	wrdreg $0x18B300  }
0xb0: {  	[dreg:$0x4] =	wrdreg $0xE9C00  }
0xb1: {  	[dreg:$0x5] =	wrdreg $0x186400  }
0xb2: {  	[dreg:$0x6] =	wrdreg $0x9  }
0xb3: {  	_ =	task.clear_ibuf [dreg:s6], $0x7FFFF;
	_ =	strace $0x90000049  }
0xb4: {  	s29 =	simm.s32 $0x9;
	_ =	strace $0x8000004B  }
0xb5: {  	_ =	swait.ge [sflag:s29], $0x1  }
0xb6: {  	[sflag:s29] =	ssyncadd.s32 $0xFFFFFFFF  }
0xb7: {  	_ =	strace $0x9000004B  }
0xb8: {  	_ =	sfence  }
0xb9: {  	s30 =	sld [smem:$0x0];
	_ =	sdelay $0x2  }
0xba: {  	s31 =	sshll.u32 s1, $0xD;
	s1 =	sshrl.u32 s1, $0x2  }
0xbb: {  	s3 =	sand.u32 $0x4000, s31;
	s1 =	sadd.s32 s1, s30  }
0xbc: {  	s0 =	sor.u32 s3, s0;
	s1 =	sshll.u32 s1, $0x11  }
0xbd: {  	s0 =	sor.u32 s1, s0  }
0xbe: {  	s0 =	sadd.s32 $0x8F2B, s0  }
0xbf: {  	[sflag:s0] =	ssyncadd.remote.s32 $0x1  }
0xc0: {  	_ =	sfence.sel $0xFFFF  }
0xc1: {  	[dreg:$0x0] =	wrdreg $0xFFFFFFFF;
	(pc) =	sbr.abs _section_cstart, $3  }
0xc2: {  	[dreg:$0x1] =	wrdreg $0xFFFFFFFF  }
0xc3: {  	_ =	task.clear_ibuf [dreg:s6], $0x2FFFF;
	_ =	strace $0x9FFFFFFF  }
0xc4: {  	(tm) =	ssettm $0x7FFFFFFF  }
0xc5: {  	_ =	shalt  }
tec
execute0_lowered:
.L_overlay_start_1:
0x0: {  	(tag) =	ssettag $0x1  }
0x1: {  	s0 =	rddreg [dreg:$0x0]  }
0x2: {  	s1 =	rddreg [dreg:$0x1]  }
0x3: {  	s2 =	srdreg.scid;
	s3 =	rddreg [dreg:$0x2]  }
0x4: {  	s13 =	stileid.u32;
	s4 =	rddreg [dreg:$0x3]  }
0x5: {  	s30 =	simm.s32 $0x1;
	s31 =	simm.s32 $0x2;
	s7 =	smul.u32 $0x9C80, s13  }
0x6: {  	s2 =	sand.u32 $0x1, s2;
	s8 =	sadd.s32 $0x17200, s0;
	s12 =	smul.u32 $0x27200, s13  }
0x7: {  	s16 =	sadd.s32 $0x2C00, s0;
	s5 =	sshll.u32 s2, $0x4;
	s17 =	smul.u32 $0x13900, s2  }
0x8: {  	s10 =	smul.u32 $0x9E0, s2;
	s2 =	ssub.s32 $0x2, s2;
	s6 =	sor.u32 s13, s5  }
0x9: {  	s5 =	simm.s32 $0x0;
	s9 =	sshrl.u32 s7, $0x4;
	s18 =	sshrl.u32 s2, $0x1  }
0xa: {  	s19 =	sshrl.u32 s7, $0x1;
	s20 =	sshrl.u32 s12, $0x2;
	s13 =	smul.u32 $0x4F0, s13  }
0xb: {  	s24 =	sshrl.u32 s7, $0x3;
	s7 =	sadd.s32 s7, s3;
	s6 =	smul.u32 $0x510, s6  }
0xc: {  	[smem:$0x7FF] =	sst s5;
	s11 =	sadd.s32 s9, s0;
	s2 =	ssub.s32 s2, s18  }
0xd: {  	s21 =	sadd.s32 s19, s1;
	s9 =	sadd.s32 s20, s3;
	s18 =	simm.s32 $0x3  }
0xe: {  	s19 =	simm.s32 $0x52A0;
	_ =	strace $0x8000004A;
	[dreg:$0x5] =	wrdreg s8  }
0xf: {  	[dreg:$0x6] =	wrdreg s16;
	s8 =	sadd.s32 s17, s0;
	s22 =	sadd.s32 $0x3200, s11  }
0x10: {  	s23 =	sadd.s32 $0x8000, s9;
	s12 =	sadd.s32 s13, s4;
	[dreg:$0x8] =	wrdreg s22  }
0x11: {  	s25 =	sshrl.u32 s13, $0x3;
	s2 =	smax.u32 s2, $0x1;
	[dreg:$0x9] =	wrdreg s23  }
0x12: {  	s26 =	sadd.s32 $0x2000, s9;
	s28 =	sadd.s32 $0x4000, s9;
	[dreg:$0xa] =	wrdreg s2  }
0x13: {  	s29 =	sadd.s32 $0x6000, s9;
	s17 =	simm.s32 $0x2B80;
	[dreg:$0xb] =	wrdreg s26  }
0x14: {  	s20 =	sshrl.u32 s21, $0x3;
	s6 =	sadd.s32 s6, s0;
	[dreg:$0xc] =	wrdreg s28  }
0x15: {  	v3 =	vlaneseq.u32;
	s0 =	sadd.s32 s10, s0;
	s8 =	sadd.s32 $0x18C00, s8;
	[dreg:$0xd] =	wrdreg s29  }
0x16: {  	v0 =	vmul.u32 $0x2, v3;
	s22 =	simm.s32 $0x99C0;
	s26 =	simm.s32 $0x80;
	s2 =	simm.s32 $0x0  }
0x17: {  	v1 =	vimm.s32 $0x271F;
	v2 =	vimm.f32 $0.0e+00;
	v3 =	vmul.u32 $0x10, v3;
	s6 =	sadd.s32 $0xD000, s6;
	s0 =	sadd.s32 $0x17800, s0;
	s21 =	sadd.s32 s24, s8  }
0x18: {  	v4 =	vor.u32 $0x1, v0;
	v5 =	vor.u32 $0x20, v0;
	v6 =	vor.u32 $0x21, v0;
	[dreg:$0x7] =	wrdreg s6;
	s23 =	sadd.s32 s25, s0;
	s25 =	sshrl.u32 s7, $0x3  }
.LBB2_1:
0x19: {  	s0 =	rddreg [dreg:$0x5]  }
0x1a: {  	[tilespmem:s17], [sflag:$0x3] =	stream.linear.gather [hbm4b:s0+s5], $0x2720, $0x38;
	[tilespmem:$0x1D970] =	vst v63  }
0x1b: {  	_ =	swait.ge [sflag:s18], $0x2720  }
0x1c: {  	[sflag:s18] =	ssyncset.done $0x0  }
0x1d: {  	s16 =	rddreg [dreg:$0x6];
	[sflag:s18] =	ssyncadd.s32 $0xFFFFD8E0  }
0x1e: {  	[tilespmem:s19], [sflag:$0x3] =	stream.linear.gather [hbm4b:s16+s5], $0x2720, $0x38;
	[tilespmem:$0x1D970] =	vst v63  }
0x1f: {  	_ =	swait.ge [sflag:s18], $0x2720  }
0x20: {  	[sflag:s18] =	ssyncset.done $0x0  }
0x21: {  	s24 =	rddreg [dreg:$0x7];
	[sflag:s18] =	ssyncadd.s32 $0xFFFFD8E0  }
0x22: {  	[tilespmem:s5], [sflag:$0x3] =	stream.linear.gather [hbm4b:s24+s5], $0x2880, $0x38;
	[tilespmem:$0x1D970] =	vst v63  }
0x23: {  	s28 =	stileid.u32;
	_ =	swait.ge [sflag:s18], $0x2880  }
0x24: {  	s0 =	sshll.u32 s28, $0x6;
	[sflag:s18] =	ssyncset.done $0x0  }
0x25: {  	s24 =	sor.u32 $0x1C03, s0;
	s29 =	rddreg [dreg:$0x8];
	[sflag:s18] =	ssyncadd.s32 $0xFFFFD780  }
0x26: {  	v7 =	vld.idx.msk [tilespmem:v1+s17+$0x0], $0xffff;
	[spmem:s20], [sflag:s24] =	dma.local [hbm:s29], $0x9C8  }
0x27: {  	_ =	swait.ge [sflag:s18], $0x9C8  }
0x28: {  	[sflag:s18] =	ssyncset.done $0x0  }
0x29: {  	s0 =	simm.s32 $0xB9C0;
	[sflag:s18] =	ssyncadd.s32 $0xFFFFF638  }
0x2a: {  	[tilespmem:s0+$0xFFFFE000] =	vst v2  }
0x2b: {  	[tilespmem:s0+$0xFFFFE020] =	vst v2  }
0x2c: {  	[tilespmem:s0+$0xFFFFE030] =	vst v2  }
0x2d: {  	s8 =	simm.s32 $0x0;
	[tilespmem:s0+$0xFFFFE010] =	vst v2  }
0x2e: {  	[tilespmem:s8+$0xD9C0] =	vst v2  }
0x2f: {  	s6 =	simm.s32 $0x40;
	s7 =	simm.s32 $0xB9C0;
	[tilespmem:s0+$0x20] =	vst v2  }
.LBB2_2:
0x30: {  	p0 =	sne.s32 s6, $0x1FC0  }
0x31: {  	[tilespmem:s0+$0x10] =	vst v2;
	s7 =	sadd.s32 $0x40, s7;
	s10 =	smov.u32 s6;
	s6 =	sadd.s32 $0x40, s6  }
0x32: {  	[tilespmem:s0+$0x30] =	vst v2  }
0x33: {  	[tilespmem:s0+$0x0] =	vst v2;
	s0 =	smov.u32 s7  }
0x34: {  	[tilespmem:s8+$0xE1C0] =	vst v2  }
0x35: {  	[tilespmem:s7+$0xFFFFE000] =	vst v2  }
.Ltmp0:
0x36: {  	[tilespmem:s7+$0xFFFFE020] =	vst v2;
	(pc) =	sbr.rel @p0 .LBB2_2-.Ltmp0, $4  }
0x37: {  	[tilespmem:s7+$0xFFFFE030] =	vst v2  }
0x38: {  	s8 =	sshra.s32 s10, $0x2;
	[tilespmem:s7+$0xFFFFE010] =	vst v2  }
0x39: {  	[tilespmem:s8+$0xD9C0] =	vst v2  }
0x3a: {  	[tilespmem:s7+$0x20] =	vst v2  }
0x3b: {  	[tilespmem:s0+$0x10] =	vst v2  }
0x3c: {  	[tilespmem:s0+$0x30] =	vst v2  }
0x3d: {  	[tilespmem:s0+$0x0] =	vst v2  }
0x3e: {  	[tilespmem:s8+$0xE1C0] =	vst v2  }
0x3f: {  	[spmem:s9] =	stream.linear.scatter [tilespmem:s22], [sflag:$0x3], $0x2000, $0x38;
	[tilespmem:$0x1D970] =	vst v63  }
0x40: {  	_ =	swait.ge [sflag:s18], $0x2000  }
0x41: {  	[sflag:s18] =	ssyncset.done $0x0  }
0x42: {  	s13 =	rddreg [dreg:$0xb];
	[sflag:s18] =	ssyncadd.s32 $0xFFFFE000  }
0x43: {  	[spmem:s13] =	stream.linear.scatter [tilespmem:s22], [sflag:$0x3], $0x2000, $0x38;
	[tilespmem:$0x1D970] =	vst v63  }
0x44: {  	_ =	swait.ge [sflag:s18], $0x2000  }
0x45: {  	[sflag:s18] =	ssyncset.done $0x0  }
0x46: {  	s14 =	rddreg [dreg:$0xc];
	[sflag:s18] =	ssyncadd.s32 $0xFFFFE000  }
0x47: {  	[spmem:s14] =	stream.linear.scatter [tilespmem:s22], [sflag:$0x3], $0x2000, $0x38;
	[tilespmem:$0x1D970] =	vst v63  }
0x48: {  	_ =	swait.ge [sflag:s18], $0x2000  }
0x49: {  	[sflag:s18] =	ssyncset.done $0x0  }
0x4a: {  	s15 =	rddreg [dreg:$0xd];
	[sflag:s18] =	ssyncadd.s32 $0xFFFFE000  }
0x4b: {  	[spmem:s15] =	stream.linear.scatter [tilespmem:s22], [sflag:$0x3], $0x2000, $0x38;
	[tilespmem:$0x1D970] =	vst v63  }
0x4c: {  	_ =	swait.ge [sflag:s18], $0x2000  }
0x4d: {  	[sflag:s18] =	ssyncset.done $0x0  }
0x4e: {  	s16 =	rddreg [dreg:$0x9];
	[sflag:s18] =	ssyncadd.s32 $0xFFFFE000  }
0x4f: {  	[spmem:s16] =	stream.linear.scatter [tilespmem:s22], [sflag:$0x3], $0x1C80, $0x38;
	[tilespmem:$0x1D970] =	vst v63  }
0x50: {  	_ =	swait.ge [sflag:s18], $0x1C80  }
0x51: {  	[sflag:s18] =	ssyncset.done $0x0  }
0x52: {  	s28 =	simm.s32 $0xD9C0;
	[sflag:s18] =	ssyncadd.s32 $0xFFFFE380  }
0x53: {  	[spmem:s12] =	stream.linear.scatter [tilespmem:s28], [sflag:$0x3], $0x4F0, $0x38;
	[tilespmem:$0x1D970] =	vst v63  }
0x54: {  	_ =	swait.ge [sflag:s18], $0x4F0  }
0x55: {  	[sflag:s18] =	ssyncset.done $0x0  }
0x56: {  	[sflag:s18] =	ssyncadd.s32 $0xFFFFFB10  }
0x57: {  	[bflag:$0x0] =	sbarrier.arrive $0xFFFF  }
0x58: {  	v8 =	vld [tilespmem:$0x0];
	_ =	sdelay $0x2  }
0x59: {  	v9 =	vld [tilespmem:$0x10]  }
0x5a: {  	v49 =	vld [tilespmem:$0x20]  }
0x5b: {  	v10 =	vand.u32 $0x3FFF, v8  }
0x5c: {  	v11 =	vshrl.u32 v8, $0xE;
	[tilespmem:$0x2880] =	vst v10  }
0x5d: {  	v53 =	vld [tilespmem:$0x40];
	v8 =	vshrl.u32 v8, $0x11;
	[tilespmem:$0x2980] =	vst v11  }
0x5e: {  	v56 =	vld [tilespmem:$0x50];
	v50 =	vshrl.u32 v9, $0xE;
	[tilespmem:$0x2A80] =	vst v8  }
0x5f: {  	v51 =	vand.u32 $0x3FFF, v49;
	[tilespmem:$0x2990] =	vst v50  }
0x60: {  	v60 =	vld [tilespmem:$0x70];
	v52 =	vshrl.u32 v49, $0xE;
	[tilespmem:$0x28A0] =	vst v51  }
0x61: {  	v8 =	vand.u32 $0x3FFF, v9;
	[tilespmem:$0x29A0] =	vst v52  }
0x62: {  	v57 =	vshrl.u32 v53, $0xE;
	[tilespmem:$0x2890] =	vst v8;
	v8 =	vld [tilespmem:$0x30]  }
0x63: {  	v58 =	vand.u32 $0x3FFF, v56;
	[tilespmem:$0x29C0] =	vst v57  }
0x64: {  	v59 =	vshrl.u32 v56, $0xE;
	[tilespmem:$0x28D0] =	vst v58  }
0x65: {  	v63 =	vshrl.u32 v60, $0xE;
	[tilespmem:$0x29D0] =	vst v59  }
0x66: {  	v9 =	vshrl.u32 v9, $0x11;
	[tilespmem:$0x29F0] =	vst v63  }
0x67: {  	[tilespmem:$0x2A90] =	vst v9;
	v54 =	vand.u32 $0x3FFF, v8;
	v55 =	vshrl.u32 v8, $0xE;
	v8 =	vshrl.u32 v8, $0x11  }
0x68: {  	[tilespmem:$0x2AB0] =	vst v8;
	v8 =	vand.u32 $0x3FFF, v53  }
0x69: {  	v10 =	vshrl.u32 v49, $0x11;
	[tilespmem:$0x28C0] =	vst v8;
	v8 =	vld [tilespmem:$0x60]  }
0x6a: {  	[tilespmem:$0x2AA0] =	vst v10;
	v9 =	vshrl.u32 v53, $0x11  }
0x6b: {  	v10 =	vshrl.u32 v56, $0x11;
	[tilespmem:$0x2AC0] =	vst v9  }
0x6c: {  	[tilespmem:$0x2AD0] =	vst v10  }
0x6d: {  	[tilespmem:$0x28B0] =	vst v54  }
0x6e: {  	[tilespmem:$0x29B0] =	vst v55;
	v61 =	vand.u32 $0x3FFF, v8  }
0x6f: {  	v62 =	vshrl.u32 v8, $0xE;
	[tilespmem:$0x28E0] =	vst v61  }
0x70: {  	v8 =	vshrl.u32 v8, $0x11;
	[tilespmem:$0x29E0] =	vst v62  }
0x71: {  	[tilespmem:$0x2AE0] =	vst v8;
	v8 =	vand.u32 $0x3FFF, v60  }
0x72: {  	[tilespmem:$0x28F0] =	vst v8;
	v8 =	vshrl.u32 v60, $0x11  }
0x73: {  	s29 =	simm.s32 $0x2880;
	s6 =	simm.s32 $0x79C0;
	s0 =	simm.s32 $0x0;
	[tilespmem:$0x2AF0] =	vst v8  }
0x74: {  	[tilespmem:s6], [sflag:$0x1] =	stream.indirect.gather [spmem:s1], $0x20, s29, s26, $0xb8;
	[tilespmem:$0x1D970] =	vst v63  }
.LBB2_4:
0x75: {  	p0 =	seq.s32 s0, $0x0  }
0x76: {  	s6 =	simm.s32 @!p0 $0x2;
	p1 =	seq.s32 @!p0 s0, $0x50  }
0x77: {  	_ =	swait.ge @!p0 [sflag:s6], $0x2000;
	p1 =	por p0, !p1  }
.Ltmp1:
0x78: {  	[sflag:s6] =	ssyncset.done @!p0 $0x0;
	(pc) =	sbr.rel @!p1 .LBB2_6-.Ltmp1, $4  }
0x79: {  	[sflag:s6] =	ssyncadd.s32 @!p0 $0xFFFFE000  }
0x7a: {  	_ =	swait.ge @!p0 [sflag:s6], $0x800  }
0x7b: {  	[sflag:s6] =	ssyncset.done @!p0 $0x0  }
0x7c: {  	s7 =	sand.u32 $0x1, s0;
	s28 =	simm.s32 @!p0 $0x51;
	[sflag:s6] =	ssyncadd.s32 @!p0 $0xFFFFF800  }
0x7d: {  	s28 =	sadd.s32 @!p0 $0x1, s0  }
0x7e: {  	s28 =	simm.s32 @p0 $0x1  }
0x7f: {  	s15 =	sshll.u32 s28, $0x7  }
0x80: {  	s0 =	sand.u32 $0x3FFFFF80, s15  }
0x81: {  	v8 =	vld [tilespmem:s0+$0x0];
	_ =	sdelay $0x3  }
0x82: {  	s6 =	sxor.u32 $0x1, s7  }
0x83: {  	s8 =	sshll.u32 s6, $0x7;
	v9 =	vand.u32 $0x3FFF, v8  }
0x84: {  	v10 =	vshrl.u32 v8, $0xE;
	[tilespmem:s8+$0x2880] =	vst v9  }
0x85: {  	v8 =	vshrl.u32 v8, $0x11;
	[tilespmem:s8+$0x2980] =	vst v10  }
0x86: {  	[tilespmem:s8+$0x2A80] =	vst v8  }
0x87: {  	v8 =	vld [tilespmem:s0+$0x10];
	_ =	sdelay $0x4  }
0x88: {  	v50 =	vand.u32 $0x3FFF, v8  }
0x89: {  	v51 =	vshrl.u32 v8, $0xE;
	[tilespmem:s8+$0x2890] =	vst v50  }
0x8a: {  	v8 =	vshrl.u32 v8, $0x11;
	[tilespmem:s8+$0x2990] =	vst v51  }
0x8b: {  	[tilespmem:s8+$0x2A90] =	vst v8  }
0x8c: {  	v8 =	vld [tilespmem:s0+$0x20];
	_ =	sdelay $0x4  }
0x8d: {  	v52 =	vand.u32 $0x3FFF, v8  }
0x8e: {  	v53 =	vshrl.u32 v8, $0xE;
	[tilespmem:s8+$0x28A0] =	vst v52  }
0x8f: {  	v8 =	vshrl.u32 v8, $0x11;
	[tilespmem:s8+$0x29A0] =	vst v53  }
0x90: {  	[tilespmem:s8+$0x2AA0] =	vst v8  }
0x91: {  	v8 =	vld [tilespmem:s0+$0x30];
	_ =	sdelay $0x4  }
0x92: {  	v54 =	vand.u32 $0x3FFF, v8  }
0x93: {  	v55 =	vshrl.u32 v8, $0xE;
	[tilespmem:s8+$0x28B0] =	vst v54  }
0x94: {  	v8 =	vshrl.u32 v8, $0x11;
	[tilespmem:s8+$0x29B0] =	vst v55  }
0x95: {  	[tilespmem:s8+$0x2AB0] =	vst v8  }
0x96: {  	v8 =	vld [tilespmem:s0+$0x40];
	_ =	sdelay $0x4  }
0x97: {  	v56 =	vand.u32 $0x3FFF, v8  }
0x98: {  	v57 =	vshrl.u32 v8, $0xE;
	[tilespmem:s8+$0x28C0] =	vst v56  }
0x99: {  	v8 =	vshrl.u32 v8, $0x11;
	[tilespmem:s8+$0x29C0] =	vst v57  }
0x9a: {  	[tilespmem:s8+$0x2AC0] =	vst v8  }
0x9b: {  	v8 =	vld [tilespmem:s0+$0x50];
	_ =	sdelay $0x4  }
0x9c: {  	v58 =	vand.u32 $0x3FFF, v8  }
0x9d: {  	v59 =	vshrl.u32 v8, $0xE;
	[tilespmem:s8+$0x28D0] =	vst v58  }
0x9e: {  	v8 =	vshrl.u32 v8, $0x11;
	[tilespmem:s8+$0x29D0] =	vst v59  }
0x9f: {  	[tilespmem:s8+$0x2AD0] =	vst v8  }
0xa0: {  	v8 =	vld [tilespmem:s0+$0x60];
	_ =	sdelay $0x4  }
0xa1: {  	v60 =	vand.u32 $0x3FFF, v8  }
0xa2: {  	v61 =	vshrl.u32 v8, $0xE;
	[tilespmem:s8+$0x28E0] =	vst v60  }
0xa3: {  	v8 =	vshrl.u32 v8, $0x11;
	[tilespmem:s8+$0x29E0] =	vst v61  }
0xa4: {  	[tilespmem:s8+$0x2AE0] =	vst v8  }
0xa5: {  	v8 =	vld [tilespmem:s0+$0x70];
	_ =	sdelay $0x4  }
0xa6: {  	v62 =	vand.u32 $0x3FFF, v8  }
0xa7: {  	v63 =	vshrl.u32 v8, $0xE;
	[tilespmem:s8+$0x28F0] =	vst v62  }
0xa8: {  	s16 =	sshll.u32 s6, $0xC;
	v8 =	vshrl.u32 v8, $0x11;
	[tilespmem:s8+$0x29F0] =	vst v63  }
0xa9: {  	s29 =	sadd.s32 $0x2880, s8;
	s0 =	sadd.s32 $0x79C0, s16;
	[tilespmem:s8+$0x2AF0] =	vst v8  }
0xaa: {  	[tilespmem:s0], [sflag:$0x1] =	stream.indirect.gather [spmem:s1], $0x20, s29, s26, $0xb8;
	[tilespmem:$0x1D970] =	vst v63  }
.LBB2_6:
0xab: {  	s6 =	sshll.u32 s7, $0xD  }
0xac: {  	s29 =	sshll.u32 s7, $0x7;
	s11 =	simm.s32 $0x0;
	s0 =	sshrl.u32 s6, $0x2  }
0xad: {  	s8 =	sadd.s32 $0x2890, s29;
	s10 =	sadd.s32 $0x2990, s29;
	s0 =	sadd.s32 $0xD9C0, s0  }
.LBB2_7:
0xae: {  	v8 =	vld [tilespmem:s10+$0xFFFFFFF0]  }
0xaf: {  	v9 =	vld [tilespmem:s8+$0xFFFFFFF0];
	_ =	sdelay $0x6  }
0xb0: {  	v10 =	vld.idx.msk [tilespmem:v8+s19+$0x0], $0xffff  }
0xb1: {  	v9 =	vld.idx.msk [tilespmem:v9+s17+$0x0], $0xffff;
	_ =	sdelay $0x4  }
0xb2: {  	v9 =	vadd.f32 v9, v10;
	v10 =	vadd.f32 v10, v7;
	_ =	sdelay $0x1  }
0xb3: {  	v11 =	vmul.f32 $2.000000030e-01, v9;
	v12 =	vmul.f32 $2.000000030e-01, v10;
	_ =	sdelay $0x1  }
0xb4: {  	v9 =	vmax.f32 v9, v11;
	v10 =	vmax.f32 v10, v12  }
0xb5: {  	v9 =	vsub.f32 v9, v10;
	_ =	sdelay $0x1  }
0xb6: {  	v44 =	vmov s11;
	v8 =	vshll.u32 v8, $0x1;
	v9 =	vmul.f32 $1.442695020e+00, v9  }
0xb7: {  	v45 =	vshll.u32 v44, $0x4;
	v46 =	vadd.s32 $0x2, v8;
	v47 =	vadd.s32 $0x4, v8  }
0xb8: {  	v10 =	vand.u32 $0xE, v46;
	(erf) = vpow2.f32 v9;
	v9 =	vor.u32 v3, v45  }
0xb9: {  	v48 =	vadd.s32 $0x6, v8;
	v11 =	vand.u32 $0xE, v47;
	v10 =	vor.u32 v9, v10  }
0xba: {  	v13 =	vand.u32 $0xE, v8;
	v12 =	vand.u32 $0xE, v48;
	v11 =	vor.u32 v9, v11  }
0xbb: {  	v14 =	vadd.s32 $0xA, v8;
	v12 =	vor.u32 v9, v12;
	v13 =	vor.u32 v9, v13  }
0xbc: {  	v16 =	vadd.s32 $0xC, v8;
	v14 =	vand.u32 $0xE, v14;
	v15 =	vxor.u32 $0x8, v13  }
0xbd: {  	v8 =	vadd.s32 $0xE, v8;
	v16 =	vand.u32 $0xE, v16;
	v14 =	vor.u32 v9, v14  }
0xbe: {  	v8 =	vand.u32 $0xE, v8;
	v49 =	vor.u32 v9, v16;
	[tilespmem:v10+s0+$0x0] =	vst.idx.msk $0xffff, v2  }
0xbf: {  	v8 =	vor.u32 v9, v8;
	[tilespmem:v11+s0+$0x0] =	vst.idx.msk $0xffff, v2  }
0xc0: {  	[tilespmem:v12+s0+$0x0] =	vst.idx.msk $0xffff, v2  }
0xc1: {  	[tilespmem:v15+s0+$0x0] =	vst.idx.msk $0xffff, v2  }
0xc2: {  	[tilespmem:v14+s0+$0x0] =	vst.idx.msk $0xffff, v2  }
0xc3: {  	[tilespmem:v49+s0+$0x0] =	vst.idx.msk $0xffff, v2  }
0xc4: {  	v50 =	vpop (erf);
	[tilespmem:v8+s0+$0x0] =	vst.idx.msk $0xffff, v2  }
0xc5: {  	[tilespmem:v13+s0+$0x0] =	vst.idx.msk $0xffff, v50  }
0xc6: {  	v8 =	vld [tilespmem:s10+$0x0]  }
0xc7: {  	v9 =	vld [tilespmem:s8+$0x0];
	_ =	sdelay $0x6  }
0xc8: {  	v10 =	vld.idx.msk [tilespmem:v8+s19+$0x0], $0xffff  }
0xc9: {  	v9 =	vld.idx.msk [tilespmem:v9+s17+$0x0], $0xffff;
	_ =	sdelay $0x4  }
0xca: {  	v9 =	vadd.f32 v9, v10;
	v10 =	vadd.f32 v10, v7;
	_ =	sdelay $0x1  }
0xcb: {  	v51 =	vmul.f32 $2.000000030e-01, v9;
	v52 =	vmul.f32 $2.000000030e-01, v10;
	_ =	sdelay $0x1  }
0xcc: {  	v9 =	vmax.f32 v9, v51;
	v10 =	vmax.f32 v10, v52  }
0xcd: {  	v9 =	vsub.f32 v9, v10  }
0xce: {  	s13 =	sadd.s32 $0x10, s11  }
0xcf: {  	v53 =	vmov s13;
	v8 =	vshll.u32 v8, $0x1;
	v9 =	vmul.f32 $1.442695020e+00, v9  }
0xd0: {  	v54 =	vshll.u32 v53, $0x4;
	v55 =	vadd.s32 $0x2, v8;
	v56 =	vadd.s32 $0x4, v8  }
0xd1: {  	v10 =	vand.u32 $0xE, v55;
	(erf) = vpow2.f32 v9;
	v9 =	vor.u32 v3, v54  }
0xd2: {  	v57 =	vadd.s32 $0x6, v8;
	v11 =	vand.u32 $0xE, v56;
	v10 =	vor.u32 v9, v10  }
0xd3: {  	v58 =	vand.u32 $0xE, v8;
	v12 =	vand.u32 $0xE, v57;
	v11 =	vor.u32 v9, v11  }
0xd4: {  	v59 =	vadd.s32 $0xA, v8;
	v12 =	vor.u32 v9, v12;
	v13 =	vor.u32 v9, v58  }
0xd5: {  	v61 =	vadd.s32 $0xC, v8;
	v14 =	vand.u32 $0xE, v59;
	v60 =	vxor.u32 $0x8, v13  }
0xd6: {  	v8 =	vadd.s32 $0xE, v8;
	v16 =	vand.u32 $0xE, v61;
	v14 =	vor.u32 v9, v14  }
0xd7: {  	v8 =	vand.u32 $0xE, v8;
	v62 =	vor.u32 v9, v16;
	[tilespmem:v10+s0+$0x0] =	vst.idx.msk $0xffff, v2  }
0xd8: {  	v8 =	vor.u32 v9, v8;
	[tilespmem:v11+s0+$0x0] =	vst.idx.msk $0xffff, v2  }
0xd9: {  	p0 =	sne.s32 s11, $0x60;
	[tilespmem:v12+s0+$0x0] =	vst.idx.msk $0xffff, v2  }
.Ltmp2:
0xda: {  	[tilespmem:v60+s0+$0x0] =	vst.idx.msk $0xffff, v2;
	(pc) =	sbr.rel @p0 .LBB2_7-.Ltmp2, $4  }
0xdb: {  	[tilespmem:v14+s0+$0x0] =	vst.idx.msk $0xffff, v2  }
0xdc: {  	[tilespmem:v62+s0+$0x0] =	vst.idx.msk $0xffff, v2  }
0xdd: {  	v63 =	vpop (erf);
	[tilespmem:v8+s0+$0x0] =	vst.idx.msk $0xffff, v2  }
0xde: {  	s11 =	sadd.s32 $0x20, s11;
	s8 =	sadd.s32 $0x20, s8;
	s10 =	sadd.s32 $0x20, s10;
	[tilespmem:v13+s0+$0x0] =	vst.idx.msk $0xffff, v63  }
0xdf: {  	_ =	swait.ge [sflag:s30], $0x1000  }
0xe0: {  	s7 =	sshll.u32 s7, $0xC;
	[sflag:s30] =	ssyncset.done $0x0  }
0xe1: {  	s7 =	sadd.s32 $0x7A00, s7;
	[sflag:s30] =	ssyncadd.s32 $0xFFFFF000  }
0xe2: {  	v8 =	vld [tilespmem:s7+$0xFFFFFFC0]  }
0xe3: {  	v10 =	vld [tilespmem:s7+$0xFFFFFFD0]  }
0xe4: {  	v11 =	vld [tilespmem:s7+$0xFFFFFFE0]  }
0xe5: {  	s8 =	simm.s32 $0x0;
	v17 =	vld [tilespmem:s7+$0x30]  }
0xe6: {  	v9 =	vmov s8;
	v27 =	vld [tilespmem:s7+$0xFFFFFFF0]  }
0xe7: {  	s16 =	simm.s32 $0x30;
	s10 =	simm.s32 $0x10  }
0xe8: {  	s11 =	simm.s32 $0x20;
	v18 =	vmov s16;
	v14 =	vmov s10  }
0xe9: {  	v19 =	vmov s11;
	v12 =	vunpack.i.u.s16.s32 v8;
	v13 =	vunpack.i.l.s16.s32 v8  }
0xea: {  	v31 =	vld [tilespmem:s7+$0x10];
	v16 =	vunpack.i.u.s16.s32 v10;
	v20 =	vunpack.i.u.s16.s32 v11;
	v10 =	vunpack.i.l.s16.s32 v10  }
0xeb: {  	v24 =	vld.idx.msk [tilespmem:v9+s0+$0x0], $0xffff;
	v28 =	vunpack.i.l.s16.s32 v17;
	v30 =	vunpack.i.l.s16.s32 v11;
	v33 =	vunpack.i.l.s16.s32 v27  }
0xec: {  	v8 =	vld [tilespmem:s7+$0x20];
	v9 =	vshll.u32 v13, $0xD;
	v13 =	vshll.u32 v13, $0x10;
	v15 =	vshll.u32 v12, $0xD  }
0xed: {  	v12 =	vshll.u32 v12, $0x10;
	v22 =	vshll.u32 v20, $0x10;
	v23 =	vshll.u32 v16, $0xD  }
0xee: {  	v34 =	vshll.u32 v20, $0xD;
	v9 =	vand.u32 $0xFFFE000, v9;
	v13 =	vand.u32 $0x80000000, v13  }
0xef: {  	v20 =	vunpack.i.u.s16.s32 v31;
	v15 =	vand.u32 $0xFFFE000, v15;
	v9 =	vor.u32 v13, v9  }
0xf0: {  	v23 =	vand.u32 $0xFFFE000, v23;
	v22 =	vand.u32 $0x80000000, v22;
	v9 =	vadd.s32 $0x38000000, v9  }
0xf1: {  	v21 =	vunpack.i.u.s16.s32 v8;
	v25 =	vmul.f32 v9, v24;
	v9 =	vshll.u32 v16, $0x10  }
0xf2: {  	v13 =	vld [tilespmem:s7+$0x0];
	v16 =	vshll.u32 v10, $0xD;
	v10 =	vshll.u32 v10, $0x10;
	v26 =	vshll.u32 v21, $0x10  }
0xf3: {  	v21 =	vshll.u32 v21, $0xD;
	v29 =	vand.u32 $0xFFFE000, v16;
	v10 =	vand.u32 $0x80000000, v10  }
0xf4: {  	v16 =	vunpack.i.u.s16.s32 v17;
	v9 =	vand.u32 $0x80000000, v9;
	v10 =	vor.u32 v10, v29  }
0xf5: {  	v11 =	vand.u32 $0xFFFE000, v21;
	v29 =	vand.u32 $0x80000000, v12;
	v21 =	vshll.u32 v28, $0xD  }
0xf6: {  	v12 =	vand.u32 $0x80000000, v26;
	v9 =	vor.u32 v9, v23;
	v10 =	vadd.s32 $0x38000000, v10  }
0xf7: {  	v23 =	vshll.u32 v33, $0xD;
	v17 =	vunpack.i.l.s16.s32 v13;
	v32 =	vmul.f32 v10, v24  }
0xf8: {  	v10 =	vor.u32 v29, v15;
	v15 =	vshll.u32 v28, $0x10;
	v28 =	vshll.u32 v30, $0xD  }
0xf9: {  	v29 =	vshll.u32 v16, $0xD;
	v30 =	vshll.u32 v30, $0x10;
	v26 =	vadd.s32 $0x38000000, v10;
	v10 =	vld.idx.msk [tilespmem:v19+s0+$0x0], $0xffff  }
0xfa: {  	s10 =	sadd.s32 $0x99C0, s6;
	v19 =	vunpack.i.u.s16.s32 v27;
	v27 =	vadd.s32 $0x38000000, v9;
	v9 =	vld.idx.msk [tilespmem:v18+s0+$0x0], $0xffff;
	v18 =	vmul.f32 v26, v24  }
0xfb: {  	v14 =	vld.idx.msk [tilespmem:v14+s0+$0x0], $0xffff;
	v15 =	vand.u32 $0x80000000, v15;
	[tilespmem:v0+s10+$0x0] =	vst.idx.msk $0xffff, v25;
	v25 =	vand.u32 $0xFFFE000, v28;
	v35 =	vshll.u32 v19, $0x10  }
0xfc: {  	v36 =	vmul.f32 v27, v24;
	v24 =	vshll.u32 v17, $0x10;
	v27 =	vshll.u32 v33, $0x10;
	[tilespmem:v4+s10+$0x0] =	vst.idx.msk $0xffff, v18  }
0xfd: {  	v26 =	vshll.u32 v19, $0xD;
	v19 =	vunpack.i.l.s16.s32 v31;
	v31 =	vand.u32 $0xFFFE000, v34;
	[tilespmem:v5+s10+$0x0] =	vst.idx.msk $0xffff, v32  }
0xfe: {  	s11 =	simm.s32 $0x7;
	s8 =	smov.u32 s10;
	v28 =	vand.u32 $0x80000000, v35;
	v18 =	vand.u32 $0x80000000, v24;
	v24 =	vshll.u32 v20, $0x10;
	[tilespmem:v6+s10+$0x0] =	vst.idx.msk $0xffff, v36  }
.LBB2_9:
0xff: {  	p0 =	sne.s32 s11, $0x7F;
	v30 =	vand.u32 $0x80000000, v30;
	v32 =	vshll.u32 v19, $0x10;
	v29 =	vand.u32 $0xFFFE000, v29;
	s10 =	sadd.s32 $0x100, s10;
	s7 =	sadd.s32 $0x80, s7  }
0x100: {  	v22 =	vor.u32 v22, v31;
	v27 =	vand.u32 $0x80000000, v27;
	v21 =	vand.u32 $0xFFFE000, v21;
	s13 =	smov.u32 s11;
	s11 =	sadd.s32 $0x4, s11  }
0x101: {  	v23 =	vand.u32 $0xFFFE000, v23;
	v26 =	vand.u32 $0xFFFE000, v26;
	v25 =	vor.u32 v30, v25  }
0x102: {  	v16 =	vshll.u32 v16, $0x10;
	v23 =	vor.u32 v27, v23;
	v26 =	vor.u32 v28, v26  }
0x103: {  	v16 =	vand.u32 $0x80000000, v16;
	v25 =	vadd.s32 $0x38000000, v25;
	v23 =	vadd.s32 $0x38000000, v23  }
0x104: {  	v22 =	vadd.s32 $0x38000000, v22;
	v25 =	vmul.f32 v25, v14;
	v23 =	vmul.f32 v23, v14  }
0x105: {  	v17 =	vshll.u32 v17, $0xD;
	v24 =	vand.u32 $0x80000000, v24;
	v22 =	vmul.f32 v22, v14  }
0x106: {  	v13 =	vunpack.i.u.s16.s32 v13;
	v20 =	vshll.u32 v20, $0xD;
	[tilespmem:v0+s8+$0x40] =	vst.idx.msk $0xffff, v25;
	v25 =	vadd.s32 $0x38000000, v26  }
0x107: {  	v20 =	vand.u32 $0xFFFE000, v20;
	v16 =	vor.u32 v16, v29;
	[tilespmem:v4+s8+$0x40] =	vst.idx.msk $0xffff, v22;
	v14 =	vmul.f32 v25, v14  }
0x108: {  	v20 =	vor.u32 v24, v20;
	v16 =	vadd.s32 $0x38000000, v16;
	v22 =	vshll.u32 v13, $0xD;
	[tilespmem:v5+s8+$0x40] =	vst.idx.msk $0xffff, v23  }
0x109: {  	v16 =	vmul.f32 v16, v9;
	v13 =	vshll.u32 v13, $0x10;
	[tilespmem:v6+s8+$0x40] =	vst.idx.msk $0xffff, v14;
	v14 =	vadd.s32 $0x38000000, v20  }
0x10a: {  	v15 =	vor.u32 v15, v21;
	v20 =	vand.u32 $0xFFFE000, v22;
	v14 =	vmul.f32 v14, v10  }
0x10b: {  	v17 =	vand.u32 $0xFFFE000, v17;
	v21 =	vand.u32 $0x80000000, v32;
	v13 =	vand.u32 $0x80000000, v13  }
0x10c: {  	v8 =	vunpack.i.l.s16.s32 v8;
	v11 =	vor.u32 v12, v11;
	v13 =	vor.u32 v13, v20  }
0x10d: {  	v12 =	vor.u32 v18, v17;
	v17 =	vshll.u32 v19, $0xD;
	v13 =	vadd.s32 $0x38000000, v13  }
0x10e: {  	v12 =	vadd.s32 $0x38000000, v12;
	v17 =	vand.u32 $0xFFFE000, v17;
	v13 =	vmul.f32 v13, v10  }
0x10f: {  	v18 =	vshll.u32 v8, $0x10;
	v12 =	vmul.f32 v12, v10;
	v17 =	vor.u32 v21, v17  }
0x110: {  	v11 =	vadd.s32 $0x38000000, v11;
	v18 =	vand.u32 $0x80000000, v18;
	v17 =	vadd.s32 $0x38000000, v17  }
0x111: {  	v8 =	vshll.u32 v8, $0xD;
	v11 =	vmul.f32 v11, v9;
	v10 =	vmul.f32 v17, v10;
	[tilespmem:v0+s8+$0x80] =	vst.idx.msk $0xffff, v12  }
0x112: {  	v8 =	vand.u32 $0xFFFE000, v8;
	v12 =	vadd.s32 $0x38000000, v15;
	[tilespmem:v4+s8+$0x80] =	vst.idx.msk $0xffff, v13  }
0x113: {  	v8 =	vor.u32 v18, v8;
	[tilespmem:v5+s8+$0x80] =	vst.idx.msk $0xffff, v10;
	v10 =	vmul.f32 v12, v9  }
0x114: {  	v8 =	vadd.s32 $0x38000000, v8;
	[tilespmem:v6+s8+$0x80] =	vst.idx.msk $0xffff, v14  }
0x115: {  	v8 =	vmul.f32 v8, v9;
	_ =	sdelay $0x1  }
0x116: {  	[tilespmem:v0+s8+$0xC0] =	vst.idx.msk $0xffff, v8  }
0x117: {  	s13 =	sshll.u32 s13, $0x4;
	[tilespmem:v4+s8+$0xC0] =	vst.idx.msk $0xffff, v11  }
0x118: {  	s14 =	sadd.s32 $0xFFFFFFD0, s13;
	s15 =	sadd.s32 $0xFFFFFFE0, s13;
	s16 =	sadd.s32 $0xFFFFFFF0, s13;
	v9 =	vmov s13;
	[tilespmem:v5+s8+$0xC0] =	vst.idx.msk $0xffff, v10  }
0x119: {  	v8 =	vmov s14;
	v10 =	vmov s15;
	[tilespmem:v6+s8+$0xC0] =	vst.idx.msk $0xffff, v16;
	s8 =	smov.u32 s10  }
0x11a: {  	v11 =	vld [tilespmem:s7+$0xFFFFFFC0];
	_ =	sdelay $0x1  }
0x11b: {  	v12 =	vld [tilespmem:s7+$0xFFFFFFD0]  }
0x11c: {  	v15 =	vld [tilespmem:s7+$0xFFFFFFE0]  }
0x11d: {  	v18 =	vld.idx.msk [tilespmem:v8+s0+$0x0], $0xffff  }
0x11e: {  	v16 =	vmov s16;
	v13 =	vunpack.i.u.s16.s32 v11;
	v11 =	vunpack.i.l.s16.s32 v11;
	v8 =	vld [tilespmem:s7+$0x20]  }
0x11f: {  	v19 =	vld [tilespmem:s7+$0xFFFFFFF0];
	v14 =	vshll.u32 v11, $0xD;
	v11 =	vshll.u32 v11, $0x10;
	v17 =	vshll.u32 v13, $0xD  }
0x120: {  	v20 =	vunpack.i.u.s16.s32 v12;
	v21 =	vld [tilespmem:s7+$0x30];
	v22 =	vand.u32 $0xFFFE000, v14;
	v11 =	vand.u32 $0x80000000, v11  }
0x121: {  	v24 =	vand.u32 $0xFFFE000, v17;
	v17 =	vshll.u32 v13, $0x10;
	v14 =	vld.idx.msk [tilespmem:v10+s0+$0x0], $0xffff;
	v23 =	vunpack.i.u.s16.s32 v15  }
0x122: {  	v12 =	vunpack.i.l.s16.s32 v12;
	v10 =	vor.u32 v11, v22;
	v13 =	vld [tilespmem:s7+$0x0];
	v22 =	vshll.u32 v23, $0x10  }
0x123: {  	v26 =	vshll.u32 v20, $0xD;
	v25 =	vadd.s32 $0x38000000, v10;
	v28 =	vld [tilespmem:s7+$0x10];
	v11 =	vunpack.i.u.s16.s32 v8  }
0x124: {  	v20 =	vshll.u32 v20, $0x10;
	v10 =	vld.idx.msk [tilespmem:v16+s0+$0x0], $0xffff;
	v16 =	vmul.f32 v25, v18;
	v25 =	vshll.u32 v11, $0x10  }
0x125: {  	v27 =	vshll.u32 v12, $0xD;
	v12 =	vshll.u32 v12, $0x10;
	v11 =	vshll.u32 v11, $0xD;
	v9 =	vld.idx.msk [tilespmem:v9+s0+$0x0], $0xffff  }
0x126: {  	v27 =	vand.u32 $0xFFFE000, v27;
	v12 =	vand.u32 $0x80000000, v12;
	v29 =	vunpack.i.l.s16.s32 v21;
	[tilespmem:v0+s10+$0x0] =	vst.idx.msk $0xffff, v16  }
0x127: {  	v26 =	vand.u32 $0xFFFE000, v26;
	v12 =	vor.u32 v12, v27;
	v16 =	vunpack.i.u.s16.s32 v21  }
0x128: {  	v30 =	vunpack.i.l.s16.s32 v15;
	v12 =	vadd.s32 $0x38000000, v12;
	v11 =	vand.u32 $0xFFFE000, v11  }
0x129: {  	v15 =	vand.u32 $0x80000000, v17;
	v20 =	vand.u32 $0x80000000, v20;
	v21 =	vshll.u32 v29, $0xD  }
0x12a: {  	v22 =	vand.u32 $0x80000000, v22;
	v31 =	vmul.f32 v12, v18;
	v17 =	vunpack.i.l.s16.s32 v13  }
0x12b: {  	v32 =	vshll.u32 v23, $0xD;
	v27 =	vunpack.i.l.s16.s32 v19;
	v12 =	vand.u32 $0x80000000, v25  }
0x12c: {  	v15 =	vor.u32 v15, v24;
	v20 =	vor.u32 v20, v26;
	v24 =	vshll.u32 v29, $0x10  }
0x12d: {  	v25 =	vadd.s32 $0x38000000, v15;
	v23 =	vshll.u32 v27, $0xD;
	v15 =	vand.u32 $0x80000000, v24  }
0x12e: {  	v26 =	vshll.u32 v30, $0xD;
	v19 =	vunpack.i.u.s16.s32 v19;
	v24 =	vadd.s32 $0x38000000, v20  }
.Ltmp3:
0x12f: {  	v33 =	vshll.u32 v19, $0x10;
	v29 =	vmul.f32 v25, v18;
	v20 =	vunpack.i.u.s16.s32 v28;
	(pc) =	sbr.rel @p0 .LBB2_9-.Ltmp3, $4  }
0x130: {  	v25 =	vand.u32 $0xFFFE000, v26;
	v34 =	vmul.f32 v24, v18;
	v18 =	vshll.u32 v17, $0x10  }
0x131: {  	v27 =	vshll.u32 v27, $0x10;
	v26 =	vshll.u32 v19, $0xD;
	[tilespmem:v4+s10+$0x0] =	vst.idx.msk $0xffff, v29;
	v29 =	vshll.u32 v16, $0xD  }
0x132: {  	v30 =	vshll.u32 v30, $0x10;
	v18 =	vand.u32 $0x80000000, v18;
	v24 =	vshll.u32 v20, $0x10;
	[tilespmem:v5+s10+$0x0] =	vst.idx.msk $0xffff, v31  }
0x133: {  	v19 =	vunpack.i.l.s16.s32 v28;
	v28 =	vand.u32 $0x80000000, v33;
	v31 =	vand.u32 $0xFFFE000, v32;
	[tilespmem:v6+s10+$0x0] =	vst.idx.msk $0xffff, v34  }
0x134: {  	v30 =	vand.u32 $0x80000000, v30;
	v32 =	vshll.u32 v19, $0x10;
	v29 =	vand.u32 $0xFFFE000, v29  }
0x135: {  	v22 =	vor.u32 v22, v31;
	v27 =	vand.u32 $0x80000000, v27;
	v21 =	vand.u32 $0xFFFE000, v21  }
0x136: {  	v23 =	vand.u32 $0xFFFE000, v23;
	v26 =	vand.u32 $0xFFFE000, v26;
	v16 =	vshll.u32 v16, $0x10  }
0x137: {  	v17 =	vshll.u32 v17, $0xD;
	v24 =	vand.u32 $0x80000000, v24;
	v13 =	vunpack.i.u.s16.s32 v13  }
0x138: {  	v20 =	vshll.u32 v20, $0xD;
	v8 =	vunpack.i.l.s16.s32 v8;
	v55 =	vshll.u32 v19, $0xD  }
0x139: {  	v11 =	vor.u32 v12, v11;
	v25 =	vor.u32 v30, v25;
	v23 =	vor.u32 v27, v23  }
0x13a: {  	v26 =	vor.u32 v28, v26;
	v22 =	vadd.s32 $0x38000000, v22;
	v20 =	vand.u32 $0xFFFE000, v20  }
0x13b: {  	v52 =	vshll.u32 v13, $0xD;
	v13 =	vshll.u32 v13, $0x10;
	v17 =	vand.u32 $0xFFFE000, v17  }
0x13c: {  	v54 =	vand.u32 $0x80000000, v32;
	v56 =	vshll.u32 v8, $0x10;
	v8 =	vshll.u32 v8, $0xD  }
0x13d: {  	v25 =	vadd.s32 $0x38000000, v25;
	v23 =	vadd.s32 $0x38000000, v23;
	v22 =	vmul.f32 v22, v14  }
0x13e: {  	v26 =	vadd.s32 $0x38000000, v26;
	v20 =	vor.u32 v24, v20;
	v25 =	vmul.f32 v25, v14  }
0x13f: {  	v53 =	vand.u32 $0xFFFE000, v52;
	v13 =	vand.u32 $0x80000000, v13;
	v17 =	vor.u32 v18, v17  }
0x140: {  	v18 =	vand.u32 $0xFFFE000, v55;
	v58 =	vand.u32 $0x80000000, v56;
	v23 =	vmul.f32 v23, v14;
	[tilespmem:v0+s8+$0x40] =	vst.idx.msk $0xffff, v25  }
0x141: {  	v51 =	vmul.f32 v26, v14;
	v13 =	vor.u32 v13, v53;
	v17 =	vadd.s32 $0x38000000, v17;
	[tilespmem:v4+s8+$0x40] =	vst.idx.msk $0xffff, v22  }
0x142: {  	v18 =	vor.u32 v54, v18;
	v13 =	vadd.s32 $0x38000000, v13;
	v17 =	vmul.f32 v17, v10;
	[tilespmem:v5+s8+$0x40] =	vst.idx.msk $0xffff, v23  }
0x143: {  	v8 =	vand.u32 $0xFFFE000, v8;
	v57 =	vadd.s32 $0x38000000, v18;
	v13 =	vmul.f32 v13, v10;
	[tilespmem:v6+s8+$0x40] =	vst.idx.msk $0xffff, v51  }
0x144: {  	v59 =	vadd.s32 $0x38000000, v20;
	v8 =	vor.u32 v58, v8;
	v14 =	vmul.f32 v57, v10;
	[tilespmem:v0+s8+$0x80] =	vst.idx.msk $0xffff, v17  }
0x145: {  	v16 =	vand.u32 $0x80000000, v16;
	v60 =	vmul.f32 v59, v10;
	v8 =	vadd.s32 $0x38000000, v8;
	[tilespmem:v4+s8+$0x80] =	vst.idx.msk $0xffff, v13  }
0x146: {  	v61 =	vor.u32 v15, v21;
	v11 =	vadd.s32 $0x38000000, v11;
	v8 =	vmul.f32 v8, v9;
	[tilespmem:v5+s8+$0x80] =	vst.idx.msk $0xffff, v14  }
0x147: {  	v62 =	vor.u32 v16, v29;
	v11 =	vmul.f32 v11, v9;
	v12 =	vadd.s32 $0x38000000, v61;
	[tilespmem:v6+s8+$0x80] =	vst.idx.msk $0xffff, v60  }
0x148: {  	v63 =	vadd.s32 $0x38000000, v62;
	v12 =	vmul.f32 v12, v9;
	[tilespmem:v0+s8+$0xC0] =	vst.idx.msk $0xffff, v8  }
0x149: {  	v8 =	vmul.f32 v63, v9;
	[tilespmem:v4+s8+$0xC0] =	vst.idx.msk $0xffff, v11  }
0x14a: {  	p0 =	slt.u32 s28, $0x51;
	[tilespmem:v5+s8+$0xC0] =	vst.idx.msk $0xffff, v12  }
.Ltmp4:
0x14b: {  	s6 =	sor.u32 $0x99C0, s6;
	s7 =	sadd.s32 $0x2980, s29;
	[tilespmem:v6+s8+$0xC0] =	vst.idx.msk $0xffff, v8;
	(pc) =	sbr.rel @p0 .LBB2_4-.Ltmp4, $4  }
0x14c: {  	[spmem:s3] =	stream.indirect.scatter.add.f32 [tilespmem:s6], [sflag:$0x2], $0x40, s7, s26, $0xb8;
	[tilespmem:$0x1D970] =	vst v63  }
0x14d: {  	s29 =	sadd.s32 $0x2A80, s29  }
0x14e: {  	[spmem:s4] =	stream.indirect.scatter.add.f32 [tilespmem:s0], [sflag:$0x2], $0x10, s29, s26, $0xb8;
	[tilespmem:$0x1D970] =	vst v63  }
0x14f: {  	s0 =	smov.u32 s28  }
0x150: {  	_ =	swait.ge [sflag:s31], $0x2000  }
0x151: {  	[sflag:s31] =	ssyncset.done $0x0  }
0x152: {  	[sflag:s31] =	ssyncadd.s32 $0xFFFFE000  }
0x153: {  	_ =	swait.ge [sflag:s31], $0x800  }
0x154: {  	[sflag:s31] =	ssyncset.done $0x0  }
0x155: {  	[sflag:s31] =	ssyncadd.s32 $0xFFFFF800  }
0x156: {  	[bflag:$0x0] =	sbarrier.arrive $0xFFFF  }
0x157: {  	[hbm:s21], [sflag:s24] =	dma.local [spmem:s25], $0x1390  }
0x158: {  	_ =	swait.ge [sflag:s18], $0x1390  }
0x159: {  	[sflag:s18] =	ssyncset.done $0x0  }
0x15a: {  	s0 =	sshrl.u32 s12, $0x3;
	[sflag:s18] =	ssyncadd.s32 $0xFFFFEC70  }
0x15b: {  	[hbm:s23], [sflag:s24] =	dma.local [spmem:s0], $0x9E  }
0x15c: {  	_ =	swait.ge [sflag:s18], $0x9E  }
0x15d: {  	s2 =	sadd.s32 $0x1, s2;
	s29 =	rddreg [dreg:$0xa]  }
0x15e: {  	p0 =	sne.s32 s2, s29  }
.Ltmp5:
0x15f: {  	_ = 	snop;
	(pc) =	sbr.rel @p0 .LBB2_1-.Ltmp5, $3  }
0x160: {  	_ =	sdelay $0x1  }
0x161: {  	[sflag:s18] =	ssyncset.done $0x0  }
0x162: {  	[sflag:s18] =	ssyncadd.s32 $0xFFFFFF62  }
0x163: {  	_ =	sfence.sel $0x180000  }
0x164: {  	[bflag:$0x0] =	sbarrier.arrive $0xFFFF  }
0x165: {  	_ =	strace $0x9000004A  }
0x166: {  	s0 =	stileid.u32;
	[bflag:$0x2] =	sbarrier.arrive $0xFFFF  }
0x167: {  	p0 =	sne.s32 s0, $0x0;
	s0 =	rddreg [dreg:$0x4]  }
0x168: {  	s0 =	sadd.s32 @!p0 $0x100000, s0  }
0x169: {  	[sflag:s0] =	ssyncadd.tile.s32 @!p0 $0x1;
	_ =	shalt  }
.Lfunc_end2:
_tile_overlayer_lowered:
.L_overlay_start_2:
0x16a: {  	(tag) =	ssettag $0x2  }
0x16b: {  	s0 =	rddreg [dreg:$0x0];
	s2 =	stileid.u32  }
0x16c: {  	s1 =	rddreg [dreg:$0x1];
	p0 =	sne.s32 s2, $0x0  }
0x16d: {  	s3 =	rddreg [dreg:$0x2];
	[bflag:$0x3] =	sbarrier.arrive $0xFFFF;
	s2 =	simm.s32 @!p0 $0x1C03  }
0x16e: {  	[timem:s3], [sflag:s2] =	dma.local @!p0 [hbm:s0], s1  }
0x16f: {  	s0 =	simm.s32 @!p0 $0x3  }
0x170: {  	_ =	swait.ge @!p0 [sflag:s0], s1  }
0x171: {  	s1 =	ssub.s32 @!p0 $0x0, s1;
	[sflag:s0] =	ssyncset.done @!p0 $0x0  }
0x172: {  	[sflag:s0] =	ssyncadd.s32 @!p0 s1  }
0x173: {  	[bflag:$0x3] =	sbarrier.arrive $0xFFFF  }
0x174: {  	_ =	shalt  }

// kernel: kernel.7.cloned.1.call-start
scs
__scs_entry_jumppad:
0x0: {  	(pc) =	sbr.rel $0x88, $3  }
0x1: {  	(tag) =	ssettag $0x0;
	lr =	simm.s32 $0x1  }
0x2: {  	[smem:$0x3F8D] =	sst lr;
	_ =	strace $0xD0000000  }
0x3: {  	_ = 	snop  }
0x4: {  	_ = 	snop  }
0x5: {  	_ = 	snop  }
0x6: {  	_ = 	snop  }
0x7: {  	_ = 	snop  }
__scs_overlays_trampoline_lowered:
0x8: {  	[smem:$0x3F9C] =	sst s0  }
0x9: {  	[smem:$0x3F9D] =	sst s1  }
0xa: {  	[smem:$0x3F9E] =	sst s2  }
0xb: {  	[smem:$0x3F9F] =	sst s3  }
0xc: {  	[smem:$0x3FA0] =	sst s4  }
0xd: {  	[smem:$0x3FA1] =	sst s5  }
0xe: {  	[smem:$0x3FA2] =	sst s6  }
0xf: {  	[smem:$0x3FA3] =	sst s7  }
0x10: {  	[smem:$0x3FA4] =	sst s8  }
0x11: {  	[smem:$0x3FA5] =	sst s9;
	s0 =	simm.s32 @!p0 $0x0  }
0x12: {  	s1 =	sld [smem:$0x3F8B];
	s0 =	simm.s32 @p0 $0x1  }
0x13: {  	[smem:$0x3FA6] =	sst s0;
	s0 =	simm.s32 @!p1 $0x0  }
0x14: {  	s2 =	sld [smem:$0x3F8A];
	s0 =	simm.s32 @p1 $0x1  }
0x15: {  	[smem:$0x3FA7] =	sst s0;
	s0 =	simm.s32 @!p2 $0x0  }
0x16: {  	s3 =	sld [smem:$0x3FDB];
	s0 =	simm.s32 @p2 $0x1  }
0x17: {  	s4 =	simm.s32 $0x1BF5;
	[smem:$0x3FA9] =	sst s0  }
0x18: {  	s0 =	sld [smem:$0x3F8C];
	_ =	swait.ge [sflag:s4], $0x0  }
0x19: {  	s7 =	sld [smem:$0x3F8D]  }
0x1a: {  	s8 =	sadd.s32 $0xFFFFE003, lr  }
0x1b: {  	s9 =	sadd.s32 $0xFFFFFEF7, lr;
	s5 =	simm.s32 $0xFFFFFFFF;
	p2 =	slt.u32 s8, $0xFFFFF086  }
0x1c: {  	p1 =	slt.u32 s9, $0xF7A;
	s5 =	simm.s32 @!p2 $0x0  }
0x1d: {  	s5 =	simm.s32 @p1 $0x1;
	p0 =	seq.s32 s7, s2  }
0x1e: {  	s7 =	smul.u32 @!p0 $0xF7A, s2;
	p2 =	seq.s32 @!p0 s5, $0x0  }
0x1f: {  	s9 =	smul.u32 $0xF7A, s1;
	s8 =	simm.s32 @!p0 $0x1BF5;
	p2 =	por !p2, p0  }
0x20: {  	[sflag:s8] =	ssyncset.s32 @!p0 $0xFFFFF086;
	s6 =	sadd.s32 @!p0 s3, s7;
	s7 =	simm.s32 @!p0 $0x108  }
0x21: {  	s3 =	sadd.s32 s3, s9;
	s6 =	sadd.s32 @!p0 $0x88, s6;
	s7 =	simm.s32 @p2 $0x1082  }
0x22: {  	[simem:s7], [sflag:s8] =	dma.local @!p0 [hbm:s6], $0xF7A  }
0x23: {  	s9 =	sor.u32 $0xD0000000, s2;
	s6 =	simm.s32 $0x108;
	_ =	swait.ge @!p0 [sflag:s8], $0x0  }
0x24: {  	s3 =	sadd.s32 $0x88, s3;
	s6 =	simm.s32 @!p1 $0x1082;
	[sflag:s4] =	ssyncset.s32 $0xFFFFF086  }
0x25: {  	[simem:s6], [sflag:s4] =	dma.local [hbm:s3], $0xF7A  }
0x26: {  	[smem:$0x3F8D] =	sst s1;
	(tag) =	ssettag s2;
	_ =	strace s9  }
0x27: {  	s1 =	sld [smem:$0x3F9D]  }
0x28: {  	s2 =	sld [smem:$0x3F9E]  }
0x29: {  	s4 =	sld [smem:$0x3FA0]  }
0x2a: {  	p0 =	seq.s32 s5, $0x0;
	s5 =	sld [smem:$0x3FA1]  }
0x2b: {  	s6 =	sld [smem:$0x3FA2]  }
0x2c: {  	s7 =	sld [smem:$0x3FA3]  }
0x2d: {  	s3 =	simm.s32 $0x108;
	s8 =	sld [smem:$0x3FA4]  }
0x2e: {  	s3 =	simm.s32 @!p0 $0x1082;
	s9 =	sld [smem:$0x3FA5]  }
0x2f: {  	lr =	sadd.s32 s0, s3;
	s0 =	sld [smem:$0x3F9C]  }
0x30: {  	s3 =	sld [smem:$0x3F9F]  }
0x31: {  	[smem:$0x3FA8] =	sst s10  }
0x32: {  	s10 =	sld [smem:$0x3FA6];
	_ =	sdelay $0x3  }
0x33: {  	p0 =	seq.s32 s10, $0x1;
	s10 =	sld [smem:$0x3FA8];
	_ =	sdelay $0x3  }
0x34: {  	[smem:$0x3FA8] =	sst s10  }
0x35: {  	s10 =	sld [smem:$0x3FA7];
	_ =	sdelay $0x3  }
0x36: {  	p1 =	seq.s32 s10, $0x1;
	s10 =	sld [smem:$0x3FA8];
	_ =	sdelay $0x3  }
0x37: {  	[smem:$0x3FA8] =	sst s10  }
0x38: {  	s10 =	sld [smem:$0x3FA9]  }
0x39: {  	_ = 	snop;
	(pc) =	sbr.ind lr, $3  }
0x3a: {  	_ = 	snop  }
0x3b: {  	_ = 	snop  }
0x3c: {  	p2 =	seq.s32 s10, $0x1;
	s10 =	sld [smem:$0x3FA8]  }
0x3d: {  	_ =	shalt  }
0x3e: {  	_ =	shalt  }
0x3f: {  	_ =	shalt  }
0x40: {  	_ =	shalt  }
0x41: {  	_ =	shalt  }
0x42: {  	_ =	shalt  }
0x43: {  	_ =	shalt  }
0x44: {  	_ =	shalt  }
0x45: {  	_ =	shalt  }
0x46: {  	_ =	shalt  }
0x47: {  	_ =	shalt  }
0x48: {  	_ =	shalt  }
0x49: {  	_ =	shalt  }
0x4a: {  	_ =	shalt  }
0x4b: {  	_ =	shalt  }
0x4c: {  	_ =	shalt  }
0x4d: {  	_ =	shalt  }
0x4e: {  	_ =	shalt  }
0x4f: {  	_ =	shalt  }
0x50: {  	_ =	shalt  }
0x51: {  	_ =	shalt  }
0x52: {  	_ =	shalt  }
0x53: {  	_ =	shalt  }
0x54: {  	_ =	shalt  }
0x55: {  	_ =	shalt  }
0x56: {  	_ =	shalt  }
0x57: {  	_ =	shalt  }
0x58: {  	_ =	shalt  }
0x59: {  	_ =	shalt  }
0x5a: {  	_ =	shalt  }
0x5b: {  	_ =	shalt  }
0x5c: {  	_ =	shalt  }
0x5d: {  	_ =	shalt  }
0x5e: {  	_ =	shalt  }
0x5f: {  	_ =	shalt  }
0x60: {  	_ =	shalt  }
0x61: {  	_ =	shalt  }
0x62: {  	_ =	shalt  }
0x63: {  	_ =	shalt  }
0x64: {  	_ =	shalt  }
0x65: {  	_ =	shalt  }
0x66: {  	_ =	shalt  }
0x67: {  	_ =	shalt  }
0x68: {  	_ =	shalt  }
0x69: {  	_ =	shalt  }
0x6a: {  	_ =	shalt  }
0x6b: {  	_ =	shalt  }
0x6c: {  	_ =	shalt  }
0x6d: {  	_ =	shalt  }
0x6e: {  	_ =	shalt  }
0x6f: {  	_ =	shalt  }
0x70: {  	_ =	shalt  }
0x71: {  	_ =	shalt  }
0x72: {  	_ =	shalt  }
0x73: {  	_ =	shalt  }
0x74: {  	_ =	shalt  }
0x75: {  	_ =	shalt  }
0x76: {  	_ =	shalt  }
0x77: {  	_ =	shalt  }
0x78: {  	_ =	shalt  }
0x79: {  	_ =	shalt  }
0x7a: {  	_ =	shalt  }
0x7b: {  	_ =	shalt  }
0x7c: {  	_ =	shalt  }
0x7d: {  	_ =	shalt  }
0x7e: {  	_ =	shalt  }
0x7f: {  	_ =	shalt  }
0x80: {  	_ =	shalt  }
0x81: {  	_ =	shalt  }
0x82: {  	_ =	shalt  }
0x83: {  	_ =	shalt  }
0x84: {  	_ =	shalt  }
0x85: {  	_ =	shalt  }
0x86: {  	_ =	shalt  }
0x87: {  	_ =	shalt  }
.Lfunc_end0:
.L_simem_size_0:
called_computation_lowered:
.L_overlay_start_0:
0x88: {  	s2 =	sld [smem:$0x3FD9]  }
0x89: {  	s3 =	sld [smem:$0x3FFE];
	_ =	sdelay $0x1  }
0x8a: {  	s1 =	srdreg.scid  }
0x8b: {  	s0 =	sand.u32 $0x1, s1  }
0x8c: {  	s16 =	sshll.u32 s0, $0xA;
	s2 =	sadd.s32 s3, s2  }
0x8d: {  	s2 =	sadd.s32 s2, s16  }
0x8e: {  	[smem:$0x3FB4] =	sst s2  }
0x8f: {  	_ = 	snop  }
0x90: {  	(tm) =	ssettm $0x1  }
0x91: {  	s17 =	sld [smem:$0x3FFB];
	_ =	sdelay $0x3  }
0x92: {  	_ =	strace s17  }
0x93: {  	s2 =	sld [smem:$0x3FFC];
	_ =	sdelay $0x3  }
0x94: {  	_ =	strace s2  }
0x95: {  	s2 =	sld [smem:$0x3FFD];
	_ =	sdelay $0x3  }
0x96: {  	_ =	strace s2  }
0x97: {  	_ =	strace $0x8FFFFFFF  }
0x98: {  	s18 =	sld [smem:$0x3FDB];
	_ =	sdelay $0x1  }
0x99: {  	s19 =	simm.s32 $_scs_section_size  }
0x9a: {  	s4 =	simm.s32 $_size__tile_overlayer_lowered;
	s5 =	simm.s32 $_tile_overlayer_lowered  }
0x9b: {  	s22 =	simm.s32 $0x1BFF;
	s21 =	sshll.u32 s5, $0x1;
	s2 =	sadd.s32 s19, s18  }
0x9c: {  	s6 =	simm.s32 $0x0;
	s20 =	sshll.u32 s4, $0x1;
	s4 =	sadd.s32 s21, s2  }
0x9d: {  	[timem:s6], [sflag:s22] =	dma.local [hbm:s4], s20  }
0x9e: {  	_ =	swait.ge [sflag:s22], s20  }
0x9f: {  	s3 =	ssub.s32 $0x0, s20;
	[sflag:s22] =	ssyncset.done $0x0  }
0xa0: {  	[sflag:s22] =	ssyncadd.s32 s3;
	_ =	sdelay $0x1  }
0xa1: {  	s23 =	simm.s32 $0x1B8B  }
0xa2: {  	_ =	swait.ge [sflag:s23], $0x1  }
0xa3: {  	[sflag:s23] =	ssyncset.done $0x0  }
0xa4: {  	s25 =	simm.s32 $0x1B8E;
	s24 =	sld [smem:$0x3FFE];
	[sflag:s23] =	ssyncadd.s32 $0xFFFFFFFF  }
0xa5: {  	s26 =	simm.s32 $execute0_lowered;
	[smem:$0x3FD2] =	sst s25  }
0xa6: {  	s4 =	sshll.u32 s26, $0x1;
	_ =	strace $0x80000046;
	[dreg:$0x1] =	wrdreg $0xFFFFFFFF  }
0xa7: {  	s28 =	simm.s32 $_size_execute0_lowered;
	s2 =	sadd.s32 s2, s4;
	[dreg:$0x0] =	wrdreg $0x0  }
0xa8: {  	s4 =	sshll.u32 s28, $0x1;
	[dreg:$0x2] =	wrdreg s2  }
0xa9: {  	[dreg:$0x3] =	wrdreg s4  }
0xaa: {  	[dreg:$0x4] =	wrdreg $0xC0  }
0xab: {  	_ =	task [dreg:s6], $0x5FFFF  }
0xac: {  	[dreg:$0x1] =	wrdreg $0xFFFFFFFF  }
0xad: {  	[dreg:$0x0] =	wrdreg $0x60  }
0xae: {  	[dreg:$0x2] =	wrdreg s24  }
0xaf: {  	[dreg:$0x3] =	wrdreg $0x18B300  }
0xb0: {  	[dreg:$0x4] =	wrdreg $0xE9C00  }
0xb1: {  	[dreg:$0x5] =	wrdreg $0x186400  }
0xb2: {  	[dreg:$0x6] =	wrdreg $0x9  }
0xb3: {  	_ =	task.clear_ibuf [dreg:s6], $0x7FFFF;
	_ =	strace $0x90000046  }
0xb4: {  	s29 =	simm.s32 $0x9;
	_ =	strace $0x80000048  }
0xb5: {  	_ =	swait.ge [sflag:s29], $0x1  }
0xb6: {  	[sflag:s29] =	ssyncadd.s32 $0xFFFFFFFF  }
0xb7: {  	_ =	strace $0x90000048  }
0xb8: {  	_ =	sfence  }
0xb9: {  	s30 =	sld [smem:$0x0];
	_ =	sdelay $0x2  }
0xba: {  	s31 =	sshll.u32 s1, $0xD;
	s1 =	sshrl.u32 s1, $0x2  }
0xbb: {  	s3 =	sand.u32 $0x4000, s31;
	s1 =	sadd.s32 s1, s30  }
0xbc: {  	s0 =	sor.u32 s3, s0;
	s1 =	sshll.u32 s1, $0x11  }
0xbd: {  	s0 =	sor.u32 s1, s0  }
0xbe: {  	s0 =	sadd.s32 $0x8F2B, s0  }
0xbf: {  	[sflag:s0] =	ssyncadd.remote.s32 $0x1  }
0xc0: {  	_ =	sfence.sel $0xFFFF  }
0xc1: {  	[dreg:$0x0] =	wrdreg $0xFFFFFFFF;
	(pc) =	sbr.abs _section_cstart, $3  }
0xc2: {  	[dreg:$0x1] =	wrdreg $0xFFFFFFFF  }
0xc3: {  	_ =	task.clear_ibuf [dreg:s6], $0x2FFFF;
	_ =	strace $0x9FFFFFFF  }
0xc4: {  	(tm) =	ssettm $0x7FFFFFFF  }
0xc5: {  	_ =	shalt  }
tec
execute0_lowered:
.L_overlay_start_1:
0x0: {  	(tag) =	ssettag $0x1  }
0x1: {  	s0 =	rddreg [dreg:$0x0]  }
0x2: {  	s1 =	rddreg [dreg:$0x1]  }
0x3: {  	s2 =	srdreg.scid;
	s3 =	rddreg [dreg:$0x2]  }
0x4: {  	s13 =	stileid.u32;
	s4 =	rddreg [dreg:$0x3]  }
0x5: {  	s30 =	simm.s32 $0x1;
	s31 =	simm.s32 $0x2;
	s7 =	smul.u32 $0x9C80, s13  }
0x6: {  	s2 =	sand.u32 $0x1, s2;
	s8 =	sadd.s32 $0x17200, s0;
	s12 =	smul.u32 $0x27200, s13  }
0x7: {  	s16 =	sadd.s32 $0x2C00, s0;
	s5 =	sshll.u32 s2, $0x4;
	s17 =	smul.u32 $0x13900, s2  }
0x8: {  	s10 =	smul.u32 $0x9E0, s2;
	s2 =	ssub.s32 $0x2, s2;
	s6 =	sor.u32 s13, s5  }
0x9: {  	s5 =	simm.s32 $0x0;
	s9 =	sshrl.u32 s7, $0x4;
	s18 =	sshrl.u32 s2, $0x1  }
0xa: {  	s19 =	sshrl.u32 s7, $0x1;
	s20 =	sshrl.u32 s12, $0x2;
	s13 =	smul.u32 $0x4F0, s13  }
0xb: {  	s24 =	sshrl.u32 s7, $0x3;
	s7 =	sadd.s32 s7, s3;
	s6 =	smul.u32 $0x510, s6  }
0xc: {  	[smem:$0x7FF] =	sst s5;
	s11 =	sadd.s32 s9, s0;
	s2 =	ssub.s32 s2, s18  }
0xd: {  	s21 =	sadd.s32 s19, s1;
	s9 =	sadd.s32 s20, s3;
	s18 =	simm.s32 $0x3  }
0xe: {  	s19 =	simm.s32 $0x52A0;
	_ =	strace $0x80000047;
	[dreg:$0x5] =	wrdreg s8  }
0xf: {  	[dreg:$0x6] =	wrdreg s16;
	s8 =	sadd.s32 s17, s0;
	s22 =	sadd.s32 $0x3200, s11  }
0x10: {  	s23 =	sadd.s32 $0x8000, s9;
	s12 =	sadd.s32 s13, s4;
	[dreg:$0x8] =	wrdreg s22  }
0x11: {  	s25 =	sshrl.u32 s13, $0x3;
	s2 =	smax.u32 s2, $0x1;
	[dreg:$0x9] =	wrdreg s23  }
0x12: {  	s26 =	sadd.s32 $0x2000, s9;
	s28 =	sadd.s32 $0x4000, s9;
	[dreg:$0xa] =	wrdreg s2  }
0x13: {  	s29 =	sadd.s32 $0x6000, s9;
	s17 =	simm.s32 $0x2B80;
	[dreg:$0xb] =	wrdreg s26  }
0x14: {  	s20 =	sshrl.u32 s21, $0x3;
	s6 =	sadd.s32 s6, s0;
	[dreg:$0xc] =	wrdreg s28  }
0x15: {  	v3 =	vlaneseq.u32;
	s0 =	sadd.s32 s10, s0;
	s8 =	sadd.s32 $0x18C00, s8;
	[dreg:$0xd] =	wrdreg s29  }
0x16: {  	v0 =	vmul.u32 $0x2, v3;
	s22 =	simm.s32 $0x99C0;
	s26 =	simm.s32 $0x80;
	s2 =	simm.s32 $0x0  }
0x17: {  	v1 =	vimm.s32 $0x271F;
	v2 =	vimm.f32 $0.0e+00;
	v3 =	vmul.u32 $0x10, v3;
	s6 =	sadd.s32 $0xD000, s6;
	s0 =	sadd.s32 $0x17800, s0;
	s21 =	sadd.s32 s24, s8  }
0x18: {  	v4 =	vor.u32 $0x1, v0;
	v5 =	vor.u32 $0x20, v0;
	v6 =	vor.u32 $0x21, v0;
	[dreg:$0x7] =	wrdreg s6;
	s23 =	sadd.s32 s25, s0;
	s25 =	sshrl.u32 s7, $0x3  }
.LBB2_1:
0x19: {  	s0 =	rddreg [dreg:$0x5]  }
0x1a: {  	[tilespmem:s17], [sflag:$0x3] =	stream.linear.gather [hbm4b:s0+s5], $0x2720, $0x38;
	[tilespmem:$0x1D970] =	vst v63  }
0x1b: {  	_ =	swait.ge [sflag:s18], $0x2720  }
0x1c: {  	[sflag:s18] =	ssyncset.done $0x0  }
0x1d: {  	s16 =	rddreg [dreg:$0x6];
	[sflag:s18] =	ssyncadd.s32 $0xFFFFD8E0  }
0x1e: {  	[tilespmem:s19], [sflag:$0x3] =	stream.linear.gather [hbm4b:s16+s5], $0x2720, $0x38;
	[tilespmem:$0x1D970] =	vst v63  }
0x1f: {  	_ =	swait.ge [sflag:s18], $0x2720  }
0x20: {  	[sflag:s18] =	ssyncset.done $0x0  }
0x21: {  	s24 =	rddreg [dreg:$0x7];
	[sflag:s18] =	ssyncadd.s32 $0xFFFFD8E0  }
0x22: {  	[tilespmem:s5], [sflag:$0x3] =	stream.linear.gather [hbm4b:s24+s5], $0x2880, $0x38;
	[tilespmem:$0x1D970] =	vst v63  }
0x23: {  	s28 =	stileid.u32;
	_ =	swait.ge [sflag:s18], $0x2880  }
0x24: {  	s0 =	sshll.u32 s28, $0x6;
	[sflag:s18] =	ssyncset.done $0x0  }
0x25: {  	s24 =	sor.u32 $0x1C03, s0;
	s29 =	rddreg [dreg:$0x8];
	[sflag:s18] =	ssyncadd.s32 $0xFFFFD780  }
0x26: {  	v7 =	vld.idx.msk [tilespmem:v1+s17+$0x0], $0xffff;
	[spmem:s20], [sflag:s24] =	dma.local [hbm:s29], $0x9C8  }
0x27: {  	_ =	swait.ge [sflag:s18], $0x9C8  }
0x28: {  	[sflag:s18] =	ssyncset.done $0x0  }
0x29: {  	s0 =	simm.s32 $0xB9C0;
	[sflag:s18] =	ssyncadd.s32 $0xFFFFF638  }
0x2a: {  	[tilespmem:s0+$0xFFFFE000] =	vst v2  }
0x2b: {  	[tilespmem:s0+$0xFFFFE020] =	vst v2  }
0x2c: {  	[tilespmem:s0+$0xFFFFE030] =	vst v2  }
0x2d: {  	s8 =	simm.s32 $0x0;
	[tilespmem:s0+$0xFFFFE010] =	vst v2  }
0x2e: {  	[tilespmem:s8+$0xD9C0] =	vst v2  }
0x2f: {  	s6 =	simm.s32 $0x40;
	s7 =	simm.s32 $0xB9C0;
	[tilespmem:s0+$0x20] =	vst v2  }
.LBB2_2:
0x30: {  	p0 =	sne.s32 s6, $0x1FC0  }
0x31: {  	[tilespmem:s0+$0x10] =	vst v2;
	s7 =	sadd.s32 $0x40, s7;
	s10 =	smov.u32 s6;
	s6 =	sadd.s32 $0x40, s6  }
0x32: {  	[tilespmem:s0+$0x30] =	vst v2  }
0x33: {  	[tilespmem:s0+$0x0] =	vst v2;
	s0 =	smov.u32 s7  }
0x34: {  	[tilespmem:s8+$0xE1C0] =	vst v2  }
0x35: {  	[tilespmem:s7+$0xFFFFE000] =	vst v2  }
.Ltmp0:
0x36: {  	[tilespmem:s7+$0xFFFFE020] =	vst v2;
	(pc) =	sbr.rel @p0 .LBB2_2-.Ltmp0, $4  }
0x37: {  	[tilespmem:s7+$0xFFFFE030] =	vst v2  }
0x38: {  	s8 =	sshra.s32 s10, $0x2;
	[tilespmem:s7+$0xFFFFE010] =	vst v2  }
0x39: {  	[tilespmem:s8+$0xD9C0] =	vst v2  }
0x3a: {  	[tilespmem:s7+$0x20] =	vst v2  }
0x3b: {  	[tilespmem:s0+$0x10] =	vst v2  }
0x3c: {  	[tilespmem:s0+$0x30] =	vst v2  }
0x3d: {  	[tilespmem:s0+$0x0] =	vst v2  }
0x3e: {  	[tilespmem:s8+$0xE1C0] =	vst v2  }
0x3f: {  	[spmem:s9] =	stream.linear.scatter [tilespmem:s22], [sflag:$0x3], $0x2000, $0x38;
	[tilespmem:$0x1D970] =	vst v63  }
0x40: {  	_ =	swait.ge [sflag:s18], $0x2000  }
0x41: {  	[sflag:s18] =	ssyncset.done $0x0  }
0x42: {  	s13 =	rddreg [dreg:$0xb];
	[sflag:s18] =	ssyncadd.s32 $0xFFFFE000  }
0x43: {  	[spmem:s13] =	stream.linear.scatter [tilespmem:s22], [sflag:$0x3], $0x2000, $0x38;
	[tilespmem:$0x1D970] =	vst v63  }
0x44: {  	_ =	swait.ge [sflag:s18], $0x2000  }
0x45: {  	[sflag:s18] =	ssyncset.done $0x0  }
0x46: {  	s14 =	rddreg [dreg:$0xc];
	[sflag:s18] =	ssyncadd.s32 $0xFFFFE000  }
0x47: {  	[spmem:s14] =	stream.linear.scatter [tilespmem:s22], [sflag:$0x3], $0x2000, $0x38;
	[tilespmem:$0x1D970] =	vst v63  }
0x48: {  	_ =	swait.ge [sflag:s18], $0x2000  }
0x49: {  	[sflag:s18] =	ssyncset.done $0x0  }
0x4a: {  	s15 =	rddreg [dreg:$0xd];
	[sflag:s18] =	ssyncadd.s32 $0xFFFFE000  }
0x4b: {  	[spmem:s15] =	stream.linear.scatter [tilespmem:s22], [sflag:$0x3], $0x2000, $0x38;
	[tilespmem:$0x1D970] =	vst v63  }
0x4c: {  	_ =	swait.ge [sflag:s18], $0x2000  }
0x4d: {  	[sflag:s18] =	ssyncset.done $0x0  }
0x4e: {  	s16 =	rddreg [dreg:$0x9];
	[sflag:s18] =	ssyncadd.s32 $0xFFFFE000  }
0x4f: {  	[spmem:s16] =	stream.linear.scatter [tilespmem:s22], [sflag:$0x3], $0x1C80, $0x38;
	[tilespmem:$0x1D970] =	vst v63  }
0x50: {  	_ =	swait.ge [sflag:s18], $0x1C80  }
0x51: {  	[sflag:s18] =	ssyncset.done $0x0  }
0x52: {  	s28 =	simm.s32 $0xD9C0;
	[sflag:s18] =	ssyncadd.s32 $0xFFFFE380  }
0x53: {  	[spmem:s12] =	stream.linear.scatter [tilespmem:s28], [sflag:$0x3], $0x4F0, $0x38;
	[tilespmem:$0x1D970] =	vst v63  }
0x54: {  	_ =	swait.ge [sflag:s18], $0x4F0  }
0x55: {  	[sflag:s18] =	ssyncset.done $0x0  }
0x56: {  	[sflag:s18] =	ssyncadd.s32 $0xFFFFFB10  }
0x57: {  	[bflag:$0x0] =	sbarrier.arrive $0xFFFF  }
0x58: {  	v8 =	vld [tilespmem:$0x0];
	_ =	sdelay $0x2  }
0x59: {  	v9 =	vld [tilespmem:$0x10]  }
0x5a: {  	v49 =	vld [tilespmem:$0x20]  }
0x5b: {  	v10 =	vand.u32 $0x3FFF, v8  }
0x5c: {  	v11 =	vshrl.u32 v8, $0xE;
	[tilespmem:$0x2880] =	vst v10  }
0x5d: {  	v53 =	vld [tilespmem:$0x40];
	v8 =	vshrl.u32 v8, $0x11;
	[tilespmem:$0x2980] =	vst v11  }
0x5e: {  	v56 =	vld [tilespmem:$0x50];
	v50 =	vshrl.u32 v9, $0xE;
	[tilespmem:$0x2A80] =	vst v8  }
0x5f: {  	v51 =	vand.u32 $0x3FFF, v49;
	[tilespmem:$0x2990] =	vst v50  }
0x60: {  	v60 =	vld [tilespmem:$0x70];
	v52 =	vshrl.u32 v49, $0xE;
	[tilespmem:$0x28A0] =	vst v51  }
0x61: {  	v8 =	vand.u32 $0x3FFF, v9;
	[tilespmem:$0x29A0] =	vst v52  }
0x62: {  	v57 =	vshrl.u32 v53, $0xE;
	[tilespmem:$0x2890] =	vst v8;
	v8 =	vld [tilespmem:$0x30]  }
0x63: {  	v58 =	vand.u32 $0x3FFF, v56;
	[tilespmem:$0x29C0] =	vst v57  }
0x64: {  	v59 =	vshrl.u32 v56, $0xE;
	[tilespmem:$0x28D0] =	vst v58  }
0x65: {  	v63 =	vshrl.u32 v60, $0xE;
	[tilespmem:$0x29D0] =	vst v59  }
0x66: {  	v9 =	vshrl.u32 v9, $0x11;
	[tilespmem:$0x29F0] =	vst v63  }
0x67: {  	[tilespmem:$0x2A90] =	vst v9;
	v54 =	vand.u32 $0x3FFF, v8;
	v55 =	vshrl.u32 v8, $0xE;
	v8 =	vshrl.u32 v8, $0x11  }
0x68: {  	[tilespmem:$0x2AB0] =	vst v8;
	v8 =	vand.u32 $0x3FFF, v53  }
0x69: {  	v10 =	vshrl.u32 v49, $0x11;
	[tilespmem:$0x28C0] =	vst v8;
	v8 =	vld [tilespmem:$0x60]  }
0x6a: {  	[tilespmem:$0x2AA0] =	vst v10;
	v9 =	vshrl.u32 v53, $0x11  }
0x6b: {  	v10 =	vshrl.u32 v56, $0x11;
	[tilespmem:$0x2AC0] =	vst v9  }
0x6c: {  	[tilespmem:$0x2AD0] =	vst v10  }
0x6d: {  	[tilespmem:$0x28B0] =	vst v54  }
0x6e: {  	[tilespmem:$0x29B0] =	vst v55;
	v61 =	vand.u32 $0x3FFF, v8  }
0x6f: {  	v62 =	vshrl.u32 v8, $0xE;
	[tilespmem:$0x28E0] =	vst v61  }
0x70: {  	v8 =	vshrl.u32 v8, $0x11;
	[tilespmem:$0x29E0] =	vst v62  }
0x71: {  	[tilespmem:$0x2AE0] =	vst v8;
	v8 =	vand.u32 $0x3FFF, v60  }
0x72: {  	[tilespmem:$0x28F0] =	vst v8;
	v8 =	vshrl.u32 v60, $0x11  }
0x73: {  	s29 =	simm.s32 $0x2880;
	s6 =	simm.s32 $0x79C0;
	s0 =	simm.s32 $0x0;
	[tilespmem:$0x2AF0] =	vst v8  }
0x74: {  	[tilespmem:s6], [sflag:$0x1] =	stream.indirect.gather [spmem:s1], $0x20, s29, s26, $0xb8;
	[tilespmem:$0x1D970] =	vst v63  }
.LBB2_4:
0x75: {  	p0 =	seq.s32 s0, $0x0  }
0x76: {  	s6 =	simm.s32 @!p0 $0x2;
	p1 =	seq.s32 @!p0 s0, $0x50  }
0x77: {  	_ =	swait.ge @!p0 [sflag:s6], $0x2000;
	p1 =	por p0, !p1  }
.Ltmp1:
0x78: {  	[sflag:s6] =	ssyncset.done @!p0 $0x0;
	(pc) =	sbr.rel @!p1 .LBB2_6-.Ltmp1, $4  }
0x79: {  	[sflag:s6] =	ssyncadd.s32 @!p0 $0xFFFFE000  }
0x7a: {  	_ =	swait.ge @!p0 [sflag:s6], $0x800  }
0x7b: {  	[sflag:s6] =	ssyncset.done @!p0 $0x0  }
0x7c: {  	s7 =	sand.u32 $0x1, s0;
	s28 =	simm.s32 @!p0 $0x51;
	[sflag:s6] =	ssyncadd.s32 @!p0 $0xFFFFF800  }
0x7d: {  	s28 =	sadd.s32 @!p0 $0x1, s0  }
0x7e: {  	s28 =	simm.s32 @p0 $0x1  }
0x7f: {  	s15 =	sshll.u32 s28, $0x7  }
0x80: {  	s0 =	sand.u32 $0x3FFFFF80, s15  }
0x81: {  	v8 =	vld [tilespmem:s0+$0x0];
	_ =	sdelay $0x3  }
0x82: {  	s6 =	sxor.u32 $0x1, s7  }
0x83: {  	s8 =	sshll.u32 s6, $0x7;
	v9 =	vand.u32 $0x3FFF, v8  }
0x84: {  	v10 =	vshrl.u32 v8, $0xE;
	[tilespmem:s8+$0x2880] =	vst v9  }
0x85: {  	v8 =	vshrl.u32 v8, $0x11;
	[tilespmem:s8+$0x2980] =	vst v10  }
0x86: {  	[tilespmem:s8+$0x2A80] =	vst v8  }
0x87: {  	v8 =	vld [tilespmem:s0+$0x10];
	_ =	sdelay $0x4  }
0x88: {  	v50 =	vand.u32 $0x3FFF, v8  }
0x89: {  	v51 =	vshrl.u32 v8, $0xE;
	[tilespmem:s8+$0x2890] =	vst v50  }
0x8a: {  	v8 =	vshrl.u32 v8, $0x11;
	[tilespmem:s8+$0x2990] =	vst v51  }
0x8b: {  	[tilespmem:s8+$0x2A90] =	vst v8  }
0x8c: {  	v8 =	vld [tilespmem:s0+$0x20];
	_ =	sdelay $0x4  }
0x8d: {  	v52 =	vand.u32 $0x3FFF, v8  }
0x8e: {  	v53 =	vshrl.u32 v8, $0xE;
	[tilespmem:s8+$0x28A0] =	vst v52  }
0x8f: {  	v8 =	vshrl.u32 v8, $0x11;
	[tilespmem:s8+$0x29A0] =	vst v53  }
0x90: {  	[tilespmem:s8+$0x2AA0] =	vst v8  }
0x91: {  	v8 =	vld [tilespmem:s0+$0x30];
	_ =	sdelay $0x4  }
0x92: {  	v54 =	vand.u32 $0x3FFF, v8  }
0x93: {  	v55 =	vshrl.u32 v8, $0xE;
	[tilespmem:s8+$0x28B0] =	vst v54  }
0x94: {  	v8 =	vshrl.u32 v8, $0x11;
	[tilespmem:s8+$0x29B0] =	vst v55  }
0x95: {  	[tilespmem:s8+$0x2AB0] =	vst v8  }
0x96: {  	v8 =	vld [tilespmem:s0+$0x40];
	_ =	sdelay $0x4  }
0x97: {  	v56 =	vand.u32 $0x3FFF, v8  }
0x98: {  	v57 =	vshrl.u32 v8, $0xE;
	[tilespmem:s8+$0x28C0] =	vst v56  }
0x99: {  	v8 =	vshrl.u32 v8, $0x11;
	[tilespmem:s8+$0x29C0] =	vst v57  }
0x9a: {  	[tilespmem:s8+$0x2AC0] =	vst v8  }
0x9b: {  	v8 =	vld [tilespmem:s0+$0x50];
	_ =	sdelay $0x4  }
0x9c: {  	v58 =	vand.u32 $0x3FFF, v8  }
0x9d: {  	v59 =	vshrl.u32 v8, $0xE;
	[tilespmem:s8+$0x28D0] =	vst v58  }
0x9e: {  	v8 =	vshrl.u32 v8, $0x11;
	[tilespmem:s8+$0x29D0] =	vst v59  }
0x9f: {  	[tilespmem:s8+$0x2AD0] =	vst v8  }
0xa0: {  	v8 =	vld [tilespmem:s0+$0x60];
	_ =	sdelay $0x4  }
0xa1: {  	v60 =	vand.u32 $0x3FFF, v8  }
0xa2: {  	v61 =	vshrl.u32 v8, $0xE;
	[tilespmem:s8+$0x28E0] =	vst v60  }
0xa3: {  	v8 =	vshrl.u32 v8, $0x11;
	[tilespmem:s8+$0x29E0] =	vst v61  }
0xa4: {  	[tilespmem:s8+$0x2AE0] =	vst v8  }
0xa5: {  	v8 =	vld [tilespmem:s0+$0x70];
	_ =	sdelay $0x4  }
0xa6: {  	v62 =	vand.u32 $0x3FFF, v8  }
0xa7: {  	v63 =	vshrl.u32 v8, $0xE;
	[tilespmem:s8+$0x28F0] =	vst v62  }
0xa8: {  	s16 =	sshll.u32 s6, $0xC;
	v8 =	vshrl.u32 v8, $0x11;
	[tilespmem:s8+$0x29F0] =	vst v63  }
0xa9: {  	s29 =	sadd.s32 $0x2880, s8;
	s0 =	sadd.s32 $0x79C0, s16;
	[tilespmem:s8+$0x2AF0] =	vst v8  }
0xaa: {  	[tilespmem:s0], [sflag:$0x1] =	stream.indirect.gather [spmem:s1], $0x20, s29, s26, $0xb8;
	[tilespmem:$0x1D970] =	vst v63  }
.LBB2_6:
0xab: {  	s6 =	sshll.u32 s7, $0xD  }
0xac: {  	s29 =	sshll.u32 s7, $0x7;
	s11 =	simm.s32 $0x0;
	s0 =	sshrl.u32 s6, $0x2  }
0xad: {  	s8 =	sadd.s32 $0x2890, s29;
	s10 =	sadd.s32 $0x2990, s29;
	s0 =	sadd.s32 $0xD9C0, s0  }
.LBB2_7:
0xae: {  	v8 =	vld [tilespmem:s10+$0xFFFFFFF0]  }
0xaf: {  	v9 =	vld [tilespmem:s8+$0xFFFFFFF0];
	_ =	sdelay $0x6  }
0xb0: {  	v10 =	vld.idx.msk [tilespmem:v8+s19+$0x0], $0xffff  }
0xb1: {  	v9 =	vld.idx.msk [tilespmem:v9+s17+$0x0], $0xffff;
	_ =	sdelay $0x4  }
0xb2: {  	v9 =	vadd.f32 v9, v10;
	v10 =	vadd.f32 v10, v7;
	_ =	sdelay $0x1  }
0xb3: {  	v11 =	vmul.f32 $2.000000030e-01, v9;
	v12 =	vmul.f32 $2.000000030e-01, v10;
	_ =	sdelay $0x1  }
0xb4: {  	v9 =	vmax.f32 v9, v11;
	v10 =	vmax.f32 v10, v12  }
0xb5: {  	v9 =	vsub.f32 v9, v10;
	_ =	sdelay $0x1  }
0xb6: {  	v44 =	vmov s11;
	v8 =	vshll.u32 v8, $0x1;
	v9 =	vmul.f32 $1.442695020e+00, v9  }
0xb7: {  	v45 =	vshll.u32 v44, $0x4;
	v46 =	vadd.s32 $0x2, v8;
	v47 =	vadd.s32 $0x4, v8  }
0xb8: {  	v10 =	vand.u32 $0xE, v46;
	(erf) = vpow2.f32 v9;
	v9 =	vor.u32 v3, v45  }
0xb9: {  	v48 =	vadd.s32 $0x6, v8;
	v11 =	vand.u32 $0xE, v47;
	v10 =	vor.u32 v9, v10  }
0xba: {  	v13 =	vand.u32 $0xE, v8;
	v12 =	vand.u32 $0xE, v48;
	v11 =	vor.u32 v9, v11  }
0xbb: {  	v14 =	vadd.s32 $0xA, v8;
	v12 =	vor.u32 v9, v12;
	v13 =	vor.u32 v9, v13  }
0xbc: {  	v16 =	vadd.s32 $0xC, v8;
	v14 =	vand.u32 $0xE, v14;
	v15 =	vxor.u32 $0x8, v13  }
0xbd: {  	v8 =	vadd.s32 $0xE, v8;
	v16 =	vand.u32 $0xE, v16;
	v14 =	vor.u32 v9, v14  }
0xbe: {  	v8 =	vand.u32 $0xE, v8;
	v49 =	vor.u32 v9, v16;
	[tilespmem:v10+s0+$0x0] =	vst.idx.msk $0xffff, v2  }
0xbf: {  	v8 =	vor.u32 v9, v8;
	[tilespmem:v11+s0+$0x0] =	vst.idx.msk $0xffff, v2  }
0xc0: {  	[tilespmem:v12+s0+$0x0] =	vst.idx.msk $0xffff, v2  }
0xc1: {  	[tilespmem:v15+s0+$0x0] =	vst.idx.msk $0xffff, v2  }
0xc2: {  	[tilespmem:v14+s0+$0x0] =	vst.idx.msk $0xffff, v2  }
0xc3: {  	[tilespmem:v49+s0+$0x0] =	vst.idx.msk $0xffff, v2  }
0xc4: {  	v50 =	vpop (erf);
	[tilespmem:v8+s0+$0x0] =	vst.idx.msk $0xffff, v2  }
0xc5: {  	[tilespmem:v13+s0+$0x0] =	vst.idx.msk $0xffff, v50  }
0xc6: {  	v8 =	vld [tilespmem:s10+$0x0]  }
0xc7: {  	v9 =	vld [tilespmem:s8+$0x0];
	_ =	sdelay $0x6  }
0xc8: {  	v10 =	vld.idx.msk [tilespmem:v8+s19+$0x0], $0xffff  }
0xc9: {  	v9 =	vld.idx.msk [tilespmem:v9+s17+$0x0], $0xffff;
	_ =	sdelay $0x4  }
0xca: {  	v9 =	vadd.f32 v9, v10;
	v10 =	vadd.f32 v10, v7;
	_ =	sdelay $0x1  }
0xcb: {  	v51 =	vmul.f32 $2.000000030e-01, v9;
	v52 =	vmul.f32 $2.000000030e-01, v10;
	_ =	sdelay $0x1  }
0xcc: {  	v9 =	vmax.f32 v9, v51;
	v10 =	vmax.f32 v10, v52  }
0xcd: {  	v9 =	vsub.f32 v9, v10  }
0xce: {  	s13 =	sadd.s32 $0x10, s11  }
0xcf: {  	v53 =	vmov s13;
	v8 =	vshll.u32 v8, $0x1;
	v9 =	vmul.f32 $1.442695020e+00, v9  }
0xd0: {  	v54 =	vshll.u32 v53, $0x4;
	v55 =	vadd.s32 $0x2, v8;
	v56 =	vadd.s32 $0x4, v8  }
0xd1: {  	v10 =	vand.u32 $0xE, v55;
	(erf) = vpow2.f32 v9;
	v9 =	vor.u32 v3, v54  }
0xd2: {  	v57 =	vadd.s32 $0x6, v8;
	v11 =	vand.u32 $0xE, v56;
	v10 =	vor.u32 v9, v10  }
0xd3: {  	v58 =	vand.u32 $0xE, v8;
	v12 =	vand.u32 $0xE, v57;
	v11 =	vor.u32 v9, v11  }
0xd4: {  	v59 =	vadd.s32 $0xA, v8;
	v12 =	vor.u32 v9, v12;
	v13 =	vor.u32 v9, v58  }
0xd5: {  	v61 =	vadd.s32 $0xC, v8;
	v14 =	vand.u32 $0xE, v59;
	v60 =	vxor.u32 $0x8, v13  }
0xd6: {  	v8 =	vadd.s32 $0xE, v8;
	v16 =	vand.u32 $0xE, v61;
	v14 =	vor.u32 v9, v14  }
0xd7: {  	v8 =	vand.u32 $0xE, v8;
	v62 =	vor.u32 v9, v16;
	[tilespmem:v10+s0+$0x0] =	vst.idx.msk $0xffff, v2  }
0xd8: {  	v8 =	vor.u32 v9, v8;
	[tilespmem:v11+s0+$0x0] =	vst.idx.msk $0xffff, v2  }
0xd9: {  	p0 =	sne.s32 s11, $0x60;
	[tilespmem:v12+s0+$0x0] =	vst.idx.msk $0xffff, v2  }
.Ltmp2:
0xda: {  	[tilespmem:v60+s0+$0x0] =	vst.idx.msk $0xffff, v2;
	(pc) =	sbr.rel @p0 .LBB2_7-.Ltmp2, $4  }
0xdb: {  	[tilespmem:v14+s0+$0x0] =	vst.idx.msk $0xffff, v2  }
0xdc: {  	[tilespmem:v62+s0+$0x0] =	vst.idx.msk $0xffff, v2  }
0xdd: {  	v63 =	vpop (erf);
	[tilespmem:v8+s0+$0x0] =	vst.idx.msk $0xffff, v2  }
0xde: {  	s11 =	sadd.s32 $0x20, s11;
	s8 =	sadd.s32 $0x20, s8;
	s10 =	sadd.s32 $0x20, s10;
	[tilespmem:v13+s0+$0x0] =	vst.idx.msk $0xffff, v63  }
0xdf: {  	_ =	swait.ge [sflag:s30], $0x1000  }
0xe0: {  	s7 =	sshll.u32 s7, $0xC;
	[sflag:s30] =	ssyncset.done $0x0  }
0xe1: {  	s7 =	sadd.s32 $0x7A00, s7;
	[sflag:s30] =	ssyncadd.s32 $0xFFFFF000  }
0xe2: {  	v8 =	vld [tilespmem:s7+$0xFFFFFFC0]  }
0xe3: {  	v10 =	vld [tilespmem:s7+$0xFFFFFFD0]  }
0xe4: {  	v11 =	vld [tilespmem:s7+$0xFFFFFFE0]  }
0xe5: {  	s8 =	simm.s32 $0x0;
	v17 =	vld [tilespmem:s7+$0x30]  }
0xe6: {  	v9 =	vmov s8;
	v27 =	vld [tilespmem:s7+$0xFFFFFFF0]  }
0xe7: {  	s16 =	simm.s32 $0x30;
	s10 =	simm.s32 $0x10  }
0xe8: {  	s11 =	simm.s32 $0x20;
	v18 =	vmov s16;
	v14 =	vmov s10  }
0xe9: {  	v19 =	vmov s11;
	v12 =	vunpack.i.u.s16.s32 v8;
	v13 =	vunpack.i.l.s16.s32 v8  }
0xea: {  	v31 =	vld [tilespmem:s7+$0x10];
	v16 =	vunpack.i.u.s16.s32 v10;
	v20 =	vunpack.i.u.s16.s32 v11;
	v10 =	vunpack.i.l.s16.s32 v10  }
0xeb: {  	v24 =	vld.idx.msk [tilespmem:v9+s0+$0x0], $0xffff;
	v28 =	vunpack.i.l.s16.s32 v17;
	v30 =	vunpack.i.l.s16.s32 v11;
	v33 =	vunpack.i.l.s16.s32 v27  }
0xec: {  	v8 =	vld [tilespmem:s7+$0x20];
	v9 =	vshll.u32 v13, $0xD;
	v13 =	vshll.u32 v13, $0x10;
	v15 =	vshll.u32 v12, $0xD  }
0xed: {  	v12 =	vshll.u32 v12, $0x10;
	v22 =	vshll.u32 v20, $0x10;
	v23 =	vshll.u32 v16, $0xD  }
0xee: {  	v34 =	vshll.u32 v20, $0xD;
	v9 =	vand.u32 $0xFFFE000, v9;
	v13 =	vand.u32 $0x80000000, v13  }
0xef: {  	v20 =	vunpack.i.u.s16.s32 v31;
	v15 =	vand.u32 $0xFFFE000, v15;
	v9 =	vor.u32 v13, v9  }
0xf0: {  	v23 =	vand.u32 $0xFFFE000, v23;
	v22 =	vand.u32 $0x80000000, v22;
	v9 =	vadd.s32 $0x38000000, v9  }
0xf1: {  	v21 =	vunpack.i.u.s16.s32 v8;
	v25 =	vmul.f32 v9, v24;
	v9 =	vshll.u32 v16, $0x10  }
0xf2: {  	v13 =	vld [tilespmem:s7+$0x0];
	v16 =	vshll.u32 v10, $0xD;
	v10 =	vshll.u32 v10, $0x10;
	v26 =	vshll.u32 v21, $0x10  }
0xf3: {  	v21 =	vshll.u32 v21, $0xD;
	v29 =	vand.u32 $0xFFFE000, v16;
	v10 =	vand.u32 $0x80000000, v10  }
0xf4: {  	v16 =	vunpack.i.u.s16.s32 v17;
	v9 =	vand.u32 $0x80000000, v9;
	v10 =	vor.u32 v10, v29  }
0xf5: {  	v11 =	vand.u32 $0xFFFE000, v21;
	v29 =	vand.u32 $0x80000000, v12;
	v21 =	vshll.u32 v28, $0xD  }
0xf6: {  	v12 =	vand.u32 $0x80000000, v26;
	v9 =	vor.u32 v9, v23;
	v10 =	vadd.s32 $0x38000000, v10  }
0xf7: {  	v23 =	vshll.u32 v33, $0xD;
	v17 =	vunpack.i.l.s16.s32 v13;
	v32 =	vmul.f32 v10, v24  }
0xf8: {  	v10 =	vor.u32 v29, v15;
	v15 =	vshll.u32 v28, $0x10;
	v28 =	vshll.u32 v30, $0xD  }
0xf9: {  	v29 =	vshll.u32 v16, $0xD;
	v30 =	vshll.u32 v30, $0x10;
	v26 =	vadd.s32 $0x38000000, v10;
	v10 =	vld.idx.msk [tilespmem:v19+s0+$0x0], $0xffff  }
0xfa: {  	s10 =	sadd.s32 $0x99C0, s6;
	v19 =	vunpack.i.u.s16.s32 v27;
	v27 =	vadd.s32 $0x38000000, v9;
	v9 =	vld.idx.msk [tilespmem:v18+s0+$0x0], $0xffff;
	v18 =	vmul.f32 v26, v24  }
0xfb: {  	v14 =	vld.idx.msk [tilespmem:v14+s0+$0x0], $0xffff;
	v15 =	vand.u32 $0x80000000, v15;
	[tilespmem:v0+s10+$0x0] =	vst.idx.msk $0xffff, v25;
	v25 =	vand.u32 $0xFFFE000, v28;
	v35 =	vshll.u32 v19, $0x10  }
0xfc: {  	v36 =	vmul.f32 v27, v24;
	v24 =	vshll.u32 v17, $0x10;
	v27 =	vshll.u32 v33, $0x10;
	[tilespmem:v4+s10+$0x0] =	vst.idx.msk $0xffff, v18  }
0xfd: {  	v26 =	vshll.u32 v19, $0xD;
	v19 =	vunpack.i.l.s16.s32 v31;
	v31 =	vand.u32 $0xFFFE000, v34;
	[tilespmem:v5+s10+$0x0] =	vst.idx.msk $0xffff, v32  }
0xfe: {  	s11 =	simm.s32 $0x7;
	s8 =	smov.u32 s10;
	v28 =	vand.u32 $0x80000000, v35;
	v18 =	vand.u32 $0x80000000, v24;
	v24 =	vshll.u32 v20, $0x10;
	[tilespmem:v6+s10+$0x0] =	vst.idx.msk $0xffff, v36  }
.LBB2_9:
0xff: {  	p0 =	sne.s32 s11, $0x7F;
	v30 =	vand.u32 $0x80000000, v30;
	v32 =	vshll.u32 v19, $0x10;
	v29 =	vand.u32 $0xFFFE000, v29;
	s10 =	sadd.s32 $0x100, s10;
	s7 =	sadd.s32 $0x80, s7  }
0x100: {  	v22 =	vor.u32 v22, v31;
	v27 =	vand.u32 $0x80000000, v27;
	v21 =	vand.u32 $0xFFFE000, v21;
	s13 =	smov.u32 s11;
	s11 =	sadd.s32 $0x4, s11  }
0x101: {  	v23 =	vand.u32 $0xFFFE000, v23;
	v26 =	vand.u32 $0xFFFE000, v26;
	v25 =	vor.u32 v30, v25  }
0x102: {  	v16 =	vshll.u32 v16, $0x10;
	v23 =	vor.u32 v27, v23;
	v26 =	vor.u32 v28, v26  }
0x103: {  	v16 =	vand.u32 $0x80000000, v16;
	v25 =	vadd.s32 $0x38000000, v25;
	v23 =	vadd.s32 $0x38000000, v23  }
0x104: {  	v22 =	vadd.s32 $0x38000000, v22;
	v25 =	vmul.f32 v25, v14;
	v23 =	vmul.f32 v23, v14  }
0x105: {  	v17 =	vshll.u32 v17, $0xD;
	v24 =	vand.u32 $0x80000000, v24;
	v22 =	vmul.f32 v22, v14  }
0x106: {  	v13 =	vunpack.i.u.s16.s32 v13;
	v20 =	vshll.u32 v20, $0xD;
	[tilespmem:v0+s8+$0x40] =	vst.idx.msk $0xffff, v25;
	v25 =	vadd.s32 $0x38000000, v26  }
0x107: {  	v20 =	vand.u32 $0xFFFE000, v20;
	v16 =	vor.u32 v16, v29;
	[tilespmem:v4+s8+$0x40] =	vst.idx.msk $0xffff, v22;
	v14 =	vmul.f32 v25, v14  }
0x108: {  	v20 =	vor.u32 v24, v20;
	v16 =	vadd.s32 $0x38000000, v16;
	v22 =	vshll.u32 v13, $0xD;
	[tilespmem:v5+s8+$0x40] =	vst.idx.msk $0xffff, v23  }
0x109: {  	v16 =	vmul.f32 v16, v9;
	v13 =	vshll.u32 v13, $0x10;
	[tilespmem:v6+s8+$0x40] =	vst.idx.msk $0xffff, v14;
	v14 =	vadd.s32 $0x38000000, v20  }
0x10a: {  	v15 =	vor.u32 v15, v21;
	v20 =	vand.u32 $0xFFFE000, v22;
	v14 =	vmul.f32 v14, v10  }
0x10b: {  	v17 =	vand.u32 $0xFFFE000, v17;
	v21 =	vand.u32 $0x80000000, v32;
	v13 =	vand.u32 $0x80000000, v13  }
0x10c: {  	v8 =	vunpack.i.l.s16.s32 v8;
	v11 =	vor.u32 v12, v11;
	v13 =	vor.u32 v13, v20  }
0x10d: {  	v12 =	vor.u32 v18, v17;
	v17 =	vshll.u32 v19, $0xD;
	v13 =	vadd.s32 $0x38000000, v13  }
0x10e: {  	v12 =	vadd.s32 $0x38000000, v12;
	v17 =	vand.u32 $0xFFFE000, v17;
	v13 =	vmul.f32 v13, v10  }
0x10f: {  	v18 =	vshll.u32 v8, $0x10;
	v12 =	vmul.f32 v12, v10;
	v17 =	vor.u32 v21, v17  }
0x110: {  	v11 =	vadd.s32 $0x38000000, v11;
	v18 =	vand.u32 $0x80000000, v18;
	v17 =	vadd.s32 $0x38000000, v17  }
0x111: {  	v8 =	vshll.u32 v8, $0xD;
	v11 =	vmul.f32 v11, v9;
	v10 =	vmul.f32 v17, v10;
	[tilespmem:v0+s8+$0x80] =	vst.idx.msk $0xffff, v12  }
0x112: {  	v8 =	vand.u32 $0xFFFE000, v8;
	v12 =	vadd.s32 $0x38000000, v15;
	[tilespmem:v4+s8+$0x80] =	vst.idx.msk $0xffff, v13  }
0x113: {  	v8 =	vor.u32 v18, v8;
	[tilespmem:v5+s8+$0x80] =	vst.idx.msk $0xffff, v10;
	v10 =	vmul.f32 v12, v9  }
0x114: {  	v8 =	vadd.s32 $0x38000000, v8;
	[tilespmem:v6+s8+$0x80] =	vst.idx.msk $0xffff, v14  }
0x115: {  	v8 =	vmul.f32 v8, v9;
	_ =	sdelay $0x1  }
0x116: {  	[tilespmem:v0+s8+$0xC0] =	vst.idx.msk $0xffff, v8  }
0x117: {  	s13 =	sshll.u32 s13, $0x4;
	[tilespmem:v4+s8+$0xC0] =	vst.idx.msk $0xffff, v11  }
0x118: {  	s14 =	sadd.s32 $0xFFFFFFD0, s13;
	s15 =	sadd.s32 $0xFFFFFFE0, s13;
	s16 =	sadd.s32 $0xFFFFFFF0, s13;
	v9 =	vmov s13;
	[tilespmem:v5+s8+$0xC0] =	vst.idx.msk $0xffff, v10  }
0x119: {  	v8 =	vmov s14;
	v10 =	vmov s15;
	[tilespmem:v6+s8+$0xC0] =	vst.idx.msk $0xffff, v16;
	s8 =	smov.u32 s10  }
0x11a: {  	v11 =	vld [tilespmem:s7+$0xFFFFFFC0];
	_ =	sdelay $0x1  }
0x11b: {  	v12 =	vld [tilespmem:s7+$0xFFFFFFD0]  }
0x11c: {  	v15 =	vld [tilespmem:s7+$0xFFFFFFE0]  }
0x11d: {  	v18 =	vld.idx.msk [tilespmem:v8+s0+$0x0], $0xffff  }
0x11e: {  	v16 =	vmov s16;
	v13 =	vunpack.i.u.s16.s32 v11;
	v11 =	vunpack.i.l.s16.s32 v11;
	v8 =	vld [tilespmem:s7+$0x20]  }
0x11f: {  	v19 =	vld [tilespmem:s7+$0xFFFFFFF0];
	v14 =	vshll.u32 v11, $0xD;
	v11 =	vshll.u32 v11, $0x10;
	v17 =	vshll.u32 v13, $0xD  }
0x120: {  	v20 =	vunpack.i.u.s16.s32 v12;
	v21 =	vld [tilespmem:s7+$0x30];
	v22 =	vand.u32 $0xFFFE000, v14;
	v11 =	vand.u32 $0x80000000, v11  }
0x121: {  	v24 =	vand.u32 $0xFFFE000, v17;
	v17 =	vshll.u32 v13, $0x10;
	v14 =	vld.idx.msk [tilespmem:v10+s0+$0x0], $0xffff;
	v23 =	vunpack.i.u.s16.s32 v15  }
0x122: {  	v12 =	vunpack.i.l.s16.s32 v12;
	v10 =	vor.u32 v11, v22;
	v13 =	vld [tilespmem:s7+$0x0];
	v22 =	vshll.u32 v23, $0x10  }
0x123: {  	v26 =	vshll.u32 v20, $0xD;
	v25 =	vadd.s32 $0x38000000, v10;
	v28 =	vld [tilespmem:s7+$0x10];
	v11 =	vunpack.i.u.s16.s32 v8  }
0x124: {  	v20 =	vshll.u32 v20, $0x10;
	v10 =	vld.idx.msk [tilespmem:v16+s0+$0x0], $0xffff;
	v16 =	vmul.f32 v25, v18;
	v25 =	vshll.u32 v11, $0x10  }
0x125: {  	v27 =	vshll.u32 v12, $0xD;
	v12 =	vshll.u32 v12, $0x10;
	v11 =	vshll.u32 v11, $0xD;
	v9 =	vld.idx.msk [tilespmem:v9+s0+$0x0], $0xffff  }
0x126: {  	v27 =	vand.u32 $0xFFFE000, v27;
	v12 =	vand.u32 $0x80000000, v12;
	v29 =	vunpack.i.l.s16.s32 v21;
	[tilespmem:v0+s10+$0x0] =	vst.idx.msk $0xffff, v16  }
0x127: {  	v26 =	vand.u32 $0xFFFE000, v26;
	v12 =	vor.u32 v12, v27;
	v16 =	vunpack.i.u.s16.s32 v21  }
0x128: {  	v30 =	vunpack.i.l.s16.s32 v15;
	v12 =	vadd.s32 $0x38000000, v12;
	v11 =	vand.u32 $0xFFFE000, v11  }
0x129: {  	v15 =	vand.u32 $0x80000000, v17;
	v20 =	vand.u32 $0x80000000, v20;
	v21 =	vshll.u32 v29, $0xD  }
0x12a: {  	v22 =	vand.u32 $0x80000000, v22;
	v31 =	vmul.f32 v12, v18;
	v17 =	vunpack.i.l.s16.s32 v13  }
0x12b: {  	v32 =	vshll.u32 v23, $0xD;
	v27 =	vunpack.i.l.s16.s32 v19;
	v12 =	vand.u32 $0x80000000, v25  }
0x12c: {  	v15 =	vor.u32 v15, v24;
	v20 =	vor.u32 v20, v26;
	v24 =	vshll.u32 v29, $0x10  }
0x12d: {  	v25 =	vadd.s32 $0x38000000, v15;
	v23 =	vshll.u32 v27, $0xD;
	v15 =	vand.u32 $0x80000000, v24  }
0x12e: {  	v26 =	vshll.u32 v30, $0xD;
	v19 =	vunpack.i.u.s16.s32 v19;
	v24 =	vadd.s32 $0x38000000, v20  }
.Ltmp3:
0x12f: {  	v33 =	vshll.u32 v19, $0x10;
	v29 =	vmul.f32 v25, v18;
	v20 =	vunpack.i.u.s16.s32 v28;
	(pc) =	sbr.rel @p0 .LBB2_9-.Ltmp3, $4  }
0x130: {  	v25 =	vand.u32 $0xFFFE000, v26;
	v34 =	vmul.f32 v24, v18;
	v18 =	vshll.u32 v17, $0x10  }
0x131: {  	v27 =	vshll.u32 v27, $0x10;
	v26 =	vshll.u32 v19, $0xD;
	[tilespmem:v4+s10+$0x0] =	vst.idx.msk $0xffff, v29;
	v29 =	vshll.u32 v16, $0xD  }
0x132: {  	v30 =	vshll.u32 v30, $0x10;
	v18 =	vand.u32 $0x80000000, v18;
	v24 =	vshll.u32 v20, $0x10;
	[tilespmem:v5+s10+$0x0] =	vst.idx.msk $0xffff, v31  }
0x133: {  	v19 =	vunpack.i.l.s16.s32 v28;
	v28 =	vand.u32 $0x80000000, v33;
	v31 =	vand.u32 $0xFFFE000, v32;
	[tilespmem:v6+s10+$0x0] =	vst.idx.msk $0xffff, v34  }
0x134: {  	v30 =	vand.u32 $0x80000000, v30;
	v32 =	vshll.u32 v19, $0x10;
	v29 =	vand.u32 $0xFFFE000, v29  }
0x135: {  	v22 =	vor.u32 v22, v31;
	v27 =	vand.u32 $0x80000000, v27;
	v21 =	vand.u32 $0xFFFE000, v21  }
0x136: {  	v23 =	vand.u32 $0xFFFE000, v23;
	v26 =	vand.u32 $0xFFFE000, v26;
	v16 =	vshll.u32 v16, $0x10  }
0x137: {  	v17 =	vshll.u32 v17, $0xD;
	v24 =	vand.u32 $0x80000000, v24;
	v13 =	vunpack.i.u.s16.s32 v13  }
0x138: {  	v20 =	vshll.u32 v20, $0xD;
	v8 =	vunpack.i.l.s16.s32 v8;
	v55 =	vshll.u32 v19, $0xD  }
0x139: {  	v11 =	vor.u32 v12, v11;
	v25 =	vor.u32 v30, v25;
	v23 =	vor.u32 v27, v23  }
0x13a: {  	v26 =	vor.u32 v28, v26;
	v22 =	vadd.s32 $0x38000000, v22;
	v20 =	vand.u32 $0xFFFE000, v20  }
0x13b: {  	v52 =	vshll.u32 v13, $0xD;
	v13 =	vshll.u32 v13, $0x10;
	v17 =	vand.u32 $0xFFFE000, v17  }
0x13c: {  	v54 =	vand.u32 $0x80000000, v32;
	v56 =	vshll.u32 v8, $0x10;
	v8 =	vshll.u32 v8, $0xD  }
0x13d: {  	v25 =	vadd.s32 $0x38000000, v25;
	v23 =	vadd.s32 $0x38000000, v23;
	v22 =	vmul.f32 v22, v14  }
0x13e: {  	v26 =	vadd.s32 $0x38000000, v26;
	v20 =	vor.u32 v24, v20;
	v25 =	vmul.f32 v25, v14  }
0x13f: {  	v53 =	vand.u32 $0xFFFE000, v52;
	v13 =	vand.u32 $0x80000000, v13;
	v17 =	vor.u32 v18, v17  }
0x140: {  	v18 =	vand.u32 $0xFFFE000, v55;
	v58 =	vand.u32 $0x80000000, v56;
	v23 =	vmul.f32 v23, v14;
	[tilespmem:v0+s8+$0x40] =	vst.idx.msk $0xffff, v25  }
0x141: {  	v51 =	vmul.f32 v26, v14;
	v13 =	vor.u32 v13, v53;
	v17 =	vadd.s32 $0x38000000, v17;
	[tilespmem:v4+s8+$0x40] =	vst.idx.msk $0xffff, v22  }
0x142: {  	v18 =	vor.u32 v54, v18;
	v13 =	vadd.s32 $0x38000000, v13;
	v17 =	vmul.f32 v17, v10;
	[tilespmem:v5+s8+$0x40] =	vst.idx.msk $0xffff, v23  }
0x143: {  	v8 =	vand.u32 $0xFFFE000, v8;
	v57 =	vadd.s32 $0x38000000, v18;
	v13 =	vmul.f32 v13, v10;
	[tilespmem:v6+s8+$0x40] =	vst.idx.msk $0xffff, v51  }
0x144: {  	v59 =	vadd.s32 $0x38000000, v20;
	v8 =	vor.u32 v58, v8;
	v14 =	vmul.f32 v57, v10;
	[tilespmem:v0+s8+$0x80] =	vst.idx.msk $0xffff, v17  }
0x145: {  	v16 =	vand.u32 $0x80000000, v16;
	v60 =	vmul.f32 v59, v10;
	v8 =	vadd.s32 $0x38000000, v8;
	[tilespmem:v4+s8+$0x80] =	vst.idx.msk $0xffff, v13  }
0x146: {  	v61 =	vor.u32 v15, v21;
	v11 =	vadd.s32 $0x38000000, v11;
	v8 =	vmul.f32 v8, v9;
	[tilespmem:v5+s8+$0x80] =	vst.idx.msk $0xffff, v14  }
0x147: {  	v62 =	vor.u32 v16, v29;
	v11 =	vmul.f32 v11, v9;
	v12 =	vadd.s32 $0x38000000, v61;
	[tilespmem:v6+s8+$0x80] =	vst.idx.msk $0xffff, v60  }
0x148: {  	v63 =	vadd.s32 $0x38000000, v62;
	v12 =	vmul.f32 v12, v9;
	[tilespmem:v0+s8+$0xC0] =	vst.idx.msk $0xffff, v8  }
0x149: {  	v8 =	vmul.f32 v63, v9;
	[tilespmem:v4+s8+$0xC0] =	vst.idx.msk $0xffff, v11  }
0x14a: {  	p0 =	slt.u32 s28, $0x51;
	[tilespmem:v5+s8+$0xC0] =	vst.idx.msk $0xffff, v12  }
.Ltmp4:
0x14b: {  	s6 =	sor.u32 $0x99C0, s6;
	s7 =	sadd.s32 $0x2980, s29;
	[tilespmem:v6+s8+$0xC0] =	vst.idx.msk $0xffff, v8;
	(pc) =	sbr.rel @p0 .LBB2_4-.Ltmp4, $4  }
0x14c: {  	[spmem:s3] =	stream.indirect.scatter.add.f32 [tilespmem:s6], [sflag:$0x2], $0x40, s7, s26, $0xb8;
	[tilespmem:$0x1D970] =	vst v63  }
0x14d: {  	s29 =	sadd.s32 $0x2A80, s29  }
0x14e: {  	[spmem:s4] =	stream.indirect.scatter.add.f32 [tilespmem:s0], [sflag:$0x2], $0x10, s29, s26, $0xb8;
	[tilespmem:$0x1D970] =	vst v63  }
0x14f: {  	s0 =	smov.u32 s28  }
0x150: {  	_ =	swait.ge [sflag:s31], $0x2000  }
0x151: {  	[sflag:s31] =	ssyncset.done $0x0  }
0x152: {  	[sflag:s31] =	ssyncadd.s32 $0xFFFFE000  }
0x153: {  	_ =	swait.ge [sflag:s31], $0x800  }
0x154: {  	[sflag:s31] =	ssyncset.done $0x0  }
0x155: {  	[sflag:s31] =	ssyncadd.s32 $0xFFFFF800  }
0x156: {  	[bflag:$0x0] =	sbarrier.arrive $0xFFFF  }
0x157: {  	[hbm:s21], [sflag:s24] =	dma.local [spmem:s25], $0x1390  }
0x158: {  	_ =	swait.ge [sflag:s18], $0x1390  }
0x159: {  	[sflag:s18] =	ssyncset.done $0x0  }
0x15a: {  	s0 =	sshrl.u32 s12, $0x3;
	[sflag:s18] =	ssyncadd.s32 $0xFFFFEC70  }
0x15b: {  	[hbm:s23], [sflag:s24] =	dma.local [spmem:s0], $0x9E  }
0x15c: {  	_ =	swait.ge [sflag:s18], $0x9E  }
0x15d: {  	s2 =	sadd.s32 $0x1, s2;
	s29 =	rddreg [dreg:$0xa]  }
0x15e: {  	p0 =	sne.s32 s2, s29  }
.Ltmp5:
0x15f: {  	_ = 	snop;
	(pc) =	sbr.rel @p0 .LBB2_1-.Ltmp5, $3  }
0x160: {  	_ =	sdelay $0x1  }
0x161: {  	[sflag:s18] =	ssyncset.done $0x0  }
0x162: {  	[sflag:s18] =	ssyncadd.s32 $0xFFFFFF62  }
0x163: {  	_ =	sfence.sel $0x180000  }
0x164: {  	[bflag:$0x0] =	sbarrier.arrive $0xFFFF  }
0x165: {  	_ =	strace $0x90000047  }
0x166: {  	s0 =	stileid.u32;
	[bflag:$0x2] =	sbarrier.arrive $0xFFFF  }
0x167: {  	p0 =	sne.s32 s0, $0x0;
	s0 =	rddreg [dreg:$0x4]  }
0x168: {  	s0 =	sadd.s32 @!p0 $0x100000, s0  }
0x169: {  	[sflag:s0] =	ssyncadd.tile.s32 @!p0 $0x1;
	_ =	shalt  }
.Lfunc_end2:
_tile_overlayer_lowered:
.L_overlay_start_2:
0x16a: {  	(tag) =	ssettag $0x2  }
0x16b: {  	s0 =	rddreg [dreg:$0x0];
	s2 =	stileid.u32  }
0x16c: {  	s1 =	rddreg [dreg:$0x1];
	p0 =	sne.s32 s2, $0x0  }
0x16d: {  	s3 =	rddreg [dreg:$0x2];
	[bflag:$0x3] =	sbarrier.arrive $0xFFFF;
	s2 =	simm.s32 @!p0 $0x1C03  }
0x16e: {  	[timem:s3], [sflag:s2] =	dma.local @!p0 [hbm:s0], s1  }
0x16f: {  	s0 =	simm.s32 @!p0 $0x3  }
0x170: {  	_ =	swait.ge @!p0 [sflag:s0], s1  }
0x171: {  	s1 =	ssub.s32 @!p0 $0x0, s1;
	[sflag:s0] =	ssyncset.done @!p0 $0x0  }
0x172: {  	[sflag:s0] =	ssyncadd.s32 @!p0 s1  }
0x173: {  	[bflag:$0x3] =	sbarrier.arrive $0xFFFF  }
0x174: {  	_ =	shalt  }

</sc_bundles>
